<compile_context>
chip_gen: v7x
topology: tpu7x:2x2x1
jax: 0.10.2.dev20260603
libtpu: 0.0.44.dev20260713+nightly
codegen_flags: <defaults>
</compile_context>

<pallas_src>
import jax
import jax.numpy as jnp
from jax import lax
from jax.experimental import pallas as pl
from jax.experimental.pallas import tpu as pltpu
from jax.experimental.pallas import tpu_sc as plsc

NUM_CORES = 2
NUM_SUBCORES = 16
LANES = 16
NUM_WORKERS = NUM_CORES * NUM_SUBCORES

BSZ = 4
SEQ_LEN = 4096
EMBED_DIM = 1024
TOTAL_ROWS = BSZ * SEQ_LEN
POS_PER_WORKER = SEQ_LEN // NUM_WORKERS
VREGS_PER_SLICE = POS_PER_WORKER // LANES


def _lane_shuffle(x, idx):
    return lax.gather(
        x, idx[:, None],
        lax.GatherDimensionNumbers(
            offset_dims=(), collapsed_slice_dims=(0,), start_index_map=(0,)),
        (1,), mode=lax.GatherScatterMode.PROMISE_IN_BOUNDS)


NUM_BUFS = 2
BUF_ROWS = 48
CHUNKS = ((0, 48), (48, 48), (96, 32))


def _sc_body(inp_hbm, w_hbm, out_hbm, inp_v, idx_v, fix_idx, fixbuf,
             rows0, rows1, gsem, ssem0, ssem1, fsem):
    wid = lax.axis_index("s") * NUM_CORES + lax.axis_index("c")
    pos0 = wid * POS_PER_WORKER

    bufs = (rows0, rows1)
    ssems = (ssem0, ssem1)
    lane = lax.iota(jnp.int32, LANES)

    for v in range(POS_PER_WORKER // LANES):
        idx_v[pl.ds(v * LANES, LANES)] = lane + (pos0 + v * LANES + 1)

    tok_copies = [
        pltpu.async_copy(
            inp_hbm.at[b, pl.ds(pos0, POS_PER_WORKER)],
            inp_v.at[pl.ds(b * POS_PER_WORKER, POS_PER_WORKER)], fsem)
        for b in range(BSZ)
    ]

    def drain_scatters(c):
        n = CHUNKS[c][1]
        for _ in range(BSZ):
            pltpu.make_async_copy(
                out_hbm.at[pl.ds(0, n)],
                bufs[c % NUM_BUFS].at[pl.ds(0, n)],
                ssems[c % NUM_BUFS]).wait()

    def stage_in(c):
        start, n = CHUNKS[c]
        return pltpu.async_copy(
            w_hbm.at[idx_v.at[pl.ds(start, n)]],
            bufs[c % NUM_BUFS].at[pl.ds(0, n)], gsem)

    ghs = [stage_in(c) for c in range(NUM_BUFS)]
    for c in range(len(CHUNKS)):
        start, n = CHUNKS[c]
        buf = bufs[c % NUM_BUFS]
        ssem = ssems[c % NUM_BUFS]
        ghs[c].wait()
        for b in range(BSZ):
            pltpu.async_copy(
                buf.at[pl.ds(0, n)],
                out_hbm.at[pl.ds(b * SEQ_LEN + pos0 + start, n)],
                ssem)
        if c + NUM_BUFS < len(CHUNKS):
            drain_scatters(c)
            ghs.append(stage_in(c + NUM_BUFS))
    for c in range(max(0, len(CHUNKS) - NUM_BUFS), len(CHUNKS)):
        drain_scatters(c)
    for h in tok_copies:
        h.wait()

    acc = jnp.zeros((LANES,), jnp.int32)
    for g in range(BSZ * VREGS_PER_SLICE):
        tok = inp_v[pl.ds(g * LANES, LANES)]
        acc = acc | jnp.where(tok == 0, jnp.left_shift(jnp.int32(1), g), 0)
    for sh in (1, 2, 4, 8):
        acc = acc | _lane_shuffle(acc, lane ^ sh)
    groups_mask = acc[0]

    @pl.when(groups_mask != 0)
    def _fix_worker():
        for b in range(BSZ):
            for v in range(VREGS_PER_SLICE):
                g = b * VREGS_PER_SLICE + v

                @pl.when((groups_mask & jnp.left_shift(jnp.int32(1), g)) != 0)
                def _fix(b=b, v=v):
                    tok = inp_v[pl.ds(b * POS_PER_WORKER + v * LANES, LANES)]
                    fix_idx[...] = jnp.where(
                        tok == 0, 0, lane + (pos0 + v * LANES + 1))
                    pltpu.async_copy(w_hbm.at[fix_idx], fixbuf, fsem).wait()
                    pltpu.sync_copy(
                        fixbuf,
                        out_hbm.at[pl.ds(
                            b * SEQ_LEN + pos0 + v * LANES, LANES)])


@jax.jit
def _sc_embed(inp, weights):
    mesh = plsc.VectorSubcoreMesh(core_axis_name="c", subcore_axis_name="s")
    k = pl.kernel(
        _sc_body,
        out_type=jax.ShapeDtypeStruct((TOTAL_ROWS, EMBED_DIM), jnp.float32),
        mesh=mesh,
        scratch_types=[
            pltpu.VMEM((BSZ * POS_PER_WORKER,), jnp.int32),
            pltpu.VMEM((POS_PER_WORKER,), jnp.int32),
            pltpu.VMEM((LANES,), jnp.int32),
            pltpu.VMEM((LANES, EMBED_DIM), jnp.float32),
            pltpu.VMEM((BUF_ROWS, EMBED_DIM), jnp.float32),
            pltpu.VMEM((BUF_ROWS, EMBED_DIM), jnp.float32),
            pltpu.SemaphoreType.DMA,
            pltpu.SemaphoreType.DMA,
            pltpu.SemaphoreType.DMA,
            pltpu.SemaphoreType.DMA,
        ],
    )
    return k(inp, weights)


def kernel(input, weights):
    out = _sc_embed(input, weights)
    return out.reshape(BSZ, SEQ_LEN, EMBED_DIM)

# --- scband reference (transcript-rebuilt; emitter-appended) ---
"""Pipeline reference for scband-sinusoidal-positional-embedding-88450556493970 (READ-ONLY COPY).

The authoritative reference and input builder live on the scoring server;
editing this copy changes nothing except your own understanding.
"""

import math
import jax, jax.numpy as jnp
import numpy as np

EMBED_DIM = 1024
PADDING_IDX = 0
INIT_SIZE = 8192
BSZ = 4
SEQ_LEN = 4096
VOCAB = 32000


def _get_embedding(num_embeddings, embedding_dim, padding_idx):
    half_dim = embedding_dim // 2
    scale = math.log(10000.0) / (half_dim - 1)
    freqs = jnp.exp(jnp.arange(half_dim, dtype=jnp.float32) * -scale)
    pos = jnp.arange(num_embeddings, dtype=jnp.float32)[:, None] * freqs[None, :]
    emb = jnp.concatenate([jnp.sin(pos), jnp.cos(pos)], axis=1).reshape(num_embeddings, -1)
    if embedding_dim % 2 == 1:
        emb = jnp.concatenate([emb, jnp.zeros((num_embeddings, 1), dtype=jnp.float32)], axis=1)
    if padding_idx is not None:
        emb = emb.at[padding_idx, :].set(0.0)
    return emb


def setup_inputs(seed: int = 0) -> dict:
    key = jax.random.key(seed)
    inp = jax.random.randint(key, (BSZ, SEQ_LEN), 0, VOCAB, dtype=jnp.int32)
    weights = _get_embedding(INIT_SIZE, EMBED_DIM, PADDING_IDX)
    return {"input": inp, "weights": weights}


def reference(input, weights):
    padding_idx = PADDING_IDX
    bsz, seq_len = input.shape
    # make_positions (left_pad is falsy): positions start at padding_idx + 1
    positions_row = jnp.arange(padding_idx + 1, padding_idx + 1 + seq_len, dtype=input.dtype)
    positions = jnp.broadcast_to(positions_row[None, :], input.shape)
    mask = input != padding_idx
    # masked_scatter_(mask, positions[mask]) == where(mask, positions, input)
    pos_final = jnp.where(mask, positions, input).astype(jnp.int32)
    out = jnp.take(weights, pos_final.reshape(-1), axis=0).reshape(bsz, seq_len, -1)
    return out

if __name__ == "__main__":
    import jax
    _d = setup_inputs()
    print(jax.jit(kernel)(*tuple(_d.values())))

</pallas_src>

<mosaic_0001>
#map = affine_map<(d0, d1) -> (0, 0)>
module attributes {stable_mosaic.version = 14 : i64} {
  func.func @_sc_body(%arg0: i32, %arg1: i32, %arg2: memref<4x4096xi32, #tpu.memory_space<hbm>>, %arg3: memref<8192x1024xf32, #tpu.memory_space<hbm>>, %arg4: memref<16384x1024xf32, #tpu.memory_space<hbm>>, %arg5: memref<512xi32, #tpu.memory_space<vmem>>, %arg6: memref<128xi32, #tpu.memory_space<vmem>>, %arg7: memref<16xi32, #tpu.memory_space<vmem>>, %arg8: memref<16x1024xf32, #tpu.memory_space<vmem>>, %arg9: memref<48x1024xf32, #tpu.memory_space<vmem>>, %arg10: memref<48x1024xf32, #tpu.memory_space<vmem>>, %arg11: memref<!tpu.dma_semaphore, #tpu.memory_space<semaphore_mem>>, %arg12: memref<!tpu.dma_semaphore, #tpu.memory_space<semaphore_mem>>, %arg13: memref<!tpu.dma_semaphore, #tpu.memory_space<semaphore_mem>>, %arg14: memref<!tpu.dma_semaphore, #tpu.memory_space<semaphore_mem>>) attributes {dimension_semantics = [#tpu.dimension_semantics<core_parallel>, #tpu.dimension_semantics<subcore_parallel>], iteration_bounds = array<i64: 2, 16>, scalar_prefetch = 0 : i64, scratch_operands = 10 : i64, tpu.core_type = #tpu.core_type<sc_vector_subcore>, window_params = [{transform_indices = #map}, {transform_indices = #map}, {transform_indices = #map}]} {
    %mul3A = arith.constant 2 : i32
    %mul3A_0 = arith.muli %arg1, %mul3A : i32
    %add3A = arith.addi %mul3A_0, %arg0 : i32
    %mul3A_1 = arith.constant 128 : i32
    %mul3A_2 = arith.muli %add3A, %mul3A_1 : i32
    %iota3A = tpu.iota {dimensions = array<i32: 0>} : vector<16xi32>
    %add3A_3 = arith.constant 0 : i32
    %add3A_4 = arith.addi %mul3A_2, %add3A_3 : i32
    %add3A_5 = arith.constant 1 : i32
    %add3A_6 = arith.addi %add3A_4, %add3A_5 : i32
    %add3A_7 = vector.broadcast %add3A_6 : i32 to vector<16xi32>
    %add3A_8 = arith.addi %iota3A, %add3A_7 : vector<16xi32>
    %swap3A = arith.constant 0 : index
    %swap3A_9 = tpu.vector_load %arg6[%swap3A] {strides = array<i32>} : memref<128xi32, #tpu.memory_space<vmem>>, vector<16xi32>,
    %swap3A_10 = vector.shape_cast %swap3A_9 : vector<16xi32> to vector<16xi32>
    %swap3A_11 = vector.shape_cast %add3A_8 : vector<16xi32> to vector<16xi32>
    tpu.vector_store %arg6[%swap3A], %swap3A_11 {strides = array<i32>} : memref<128xi32, #tpu.memory_space<vmem>>, vector<16xi32>,
    %add3A_12 = arith.constant 16 : i32
    %add3A_13 = arith.addi %mul3A_2, %add3A_12 : i32
    %add3A_14 = arith.constant 1 : i32
    %add3A_15 = arith.addi %add3A_13, %add3A_14 : i32
    %add3A_16 = vector.broadcast %add3A_15 : i32 to vector<16xi32>
    %add3A_17 = arith.addi %iota3A, %add3A_16 : vector<16xi32>
    %swap3A_18 = arith.constant 16 : index
    %swap3A_19 = tpu.vector_load %arg6[%swap3A_18] {strides = array<i32>} : memref<128xi32, #tpu.memory_space<vmem>>, vector<16xi32>,
    %swap3A_20 = vector.shape_cast %swap3A_19 : vector<16xi32> to vector<16xi32>
    %swap3A_21 = vector.shape_cast %add3A_17 : vector<16xi32> to vector<16xi32>
    tpu.vector_store %arg6[%swap3A_18], %swap3A_21 {strides = array<i32>} : memref<128xi32, #tpu.memory_space<vmem>>, vector<16xi32>,
    %add3A_22 = arith.constant 32 : i32
    %add3A_23 = arith.addi %mul3A_2, %add3A_22 : i32
    %add3A_24 = arith.constant 1 : i32
    %add3A_25 = arith.addi %add3A_23, %add3A_24 : i32
    %add3A_26 = vector.broadcast %add3A_25 : i32 to vector<16xi32>
    %add3A_27 = arith.addi %iota3A, %add3A_26 : vector<16xi32>
    %swap3A_28 = arith.constant 32 : index
    %swap3A_29 = tpu.vector_load %arg6[%swap3A_28] {strides = array<i32>} : memref<128xi32, #tpu.memory_space<vmem>>, vector<16xi32>,
    %swap3A_30 = vector.shape_cast %swap3A_29 : vector<16xi32> to vector<16xi32>
    %swap3A_31 = vector.shape_cast %add3A_27 : vector<16xi32> to vector<16xi32>
    tpu.vector_store %arg6[%swap3A_28], %swap3A_31 {strides = array<i32>} : memref<128xi32, #tpu.memory_space<vmem>>, vector<16xi32>,
    %add3A_32 = arith.constant 48 : i32
    %add3A_33 = arith.addi %mul3A_2, %add3A_32 : i32
    %add3A_34 = arith.constant 1 : i32
    %add3A_35 = arith.addi %add3A_33, %add3A_34 : i32
    %add3A_36 = vector.broadcast %add3A_35 : i32 to vector<16xi32>
    %add3A_37 = arith.addi %iota3A, %add3A_36 : vector<16xi32>
    %swap3A_38 = arith.constant 48 : index
    %swap3A_39 = tpu.vector_load %arg6[%swap3A_38] {strides = array<i32>} : memref<128xi32, #tpu.memory_space<vmem>>, vector<16xi32>,
    %swap3A_40 = vector.shape_cast %swap3A_39 : vector<16xi32> to vector<16xi32>
    %swap3A_41 = vector.shape_cast %add3A_37 : vector<16xi32> to vector<16xi32>
    tpu.vector_store %arg6[%swap3A_38], %swap3A_41 {strides = array<i32>} : memref<128xi32, #tpu.memory_space<vmem>>, vector<16xi32>,
    %add3A_42 = arith.constant 64 : i32
    %add3A_43 = arith.addi %mul3A_2, %add3A_42 : i32
    %add3A_44 = arith.constant 1 : i32
    %add3A_45 = arith.addi %add3A_43, %add3A_44 : i32
    %add3A_46 = vector.broadcast %add3A_45 : i32 to vector<16xi32>
    %add3A_47 = arith.addi %iota3A, %add3A_46 : vector<16xi32>
    %swap3A_48 = arith.constant 64 : index
    %swap3A_49 = tpu.vector_load %arg6[%swap3A_48] {strides = array<i32>} : memref<128xi32, #tpu.memory_space<vmem>>, vector<16xi32>,
    %swap3A_50 = vector.shape_cast %swap3A_49 : vector<16xi32> to vector<16xi32>
    %swap3A_51 = vector.shape_cast %add3A_47 : vector<16xi32> to vector<16xi32>
    tpu.vector_store %arg6[%swap3A_48], %swap3A_51 {strides = array<i32>} : memref<128xi32, #tpu.memory_space<vmem>>, vector<16xi32>,
    %add3A_52 = arith.constant 80 : i32
    %add3A_53 = arith.addi %mul3A_2, %add3A_52 : i32
    %add3A_54 = arith.constant 1 : i32
    %add3A_55 = arith.addi %add3A_53, %add3A_54 : i32
    %add3A_56 = vector.broadcast %add3A_55 : i32 to vector<16xi32>
    %add3A_57 = arith.addi %iota3A, %add3A_56 : vector<16xi32>
    %swap3A_58 = arith.constant 80 : index
    %swap3A_59 = tpu.vector_load %arg6[%swap3A_58] {strides = array<i32>} : memref<128xi32, #tpu.memory_space<vmem>>, vector<16xi32>,
    %swap3A_60 = vector.shape_cast %swap3A_59 : vector<16xi32> to vector<16xi32>
    %swap3A_61 = vector.shape_cast %add3A_57 : vector<16xi32> to vector<16xi32>
    tpu.vector_store %arg6[%swap3A_58], %swap3A_61 {strides = array<i32>} : memref<128xi32, #tpu.memory_space<vmem>>, vector<16xi32>,
    %add3A_62 = arith.constant 96 : i32
    %add3A_63 = arith.addi %mul3A_2, %add3A_62 : i32
    %add3A_64 = arith.constant 1 : i32
    %add3A_65 = arith.addi %add3A_63, %add3A_64 : i32
    %add3A_66 = vector.broadcast %add3A_65 : i32 to vector<16xi32>
    %add3A_67 = arith.addi %iota3A, %add3A_66 : vector<16xi32>
    %swap3A_68 = arith.constant 96 : index
    %swap3A_69 = tpu.vector_load %arg6[%swap3A_68] {strides = array<i32>} : memref<128xi32, #tpu.memory_space<vmem>>, vector<16xi32>,
    %swap3A_70 = vector.shape_cast %swap3A_69 : vector<16xi32> to vector<16xi32>
    %swap3A_71 = vector.shape_cast %add3A_67 : vector<16xi32> to vector<16xi32>
    tpu.vector_store %arg6[%swap3A_68], %swap3A_71 {strides = array<i32>} : memref<128xi32, #tpu.memory_space<vmem>>, vector<16xi32>,
    %add3A_72 = arith.constant 112 : i32
    %add3A_73 = arith.addi %mul3A_2, %add3A_72 : i32
    %add3A_74 = arith.constant 1 : i32
    %add3A_75 = arith.addi %add3A_73, %add3A_74 : i32
    %add3A_76 = vector.broadcast %add3A_75 : i32 to vector<16xi32>
    %add3A_77 = arith.addi %iota3A, %add3A_76 : vector<16xi32>
    %swap3A_78 = arith.constant 112 : index
    %swap3A_79 = tpu.vector_load %arg6[%swap3A_78] {strides = array<i32>} : memref<128xi32, #tpu.memory_space<vmem>>, vector<16xi32>,
    %swap3A_80 = vector.shape_cast %swap3A_79 : vector<16xi32> to vector<16xi32>
    %swap3A_81 = vector.shape_cast %add3A_77 : vector<16xi32> to vector<16xi32>
    tpu.vector_store %arg6[%swap3A_78], %swap3A_81 {strides = array<i32>} : memref<128xi32, #tpu.memory_space<vmem>>, vector<16xi32>,
    %dma_start3A = arith.constant 0 : i32
    %dma_start3A_82 = arith.constant 0 : i32
    %dma_start3A_83 = tpu.memref_slice %arg5[%dma_start3A_82] : memref<512xi32, #tpu.memory_space<vmem>> -> memref<128xi32, #tpu.memory_space<vmem>>
    %dma_start3A_84 = tpu.memref_slice %arg2[%dma_start3A, %mul3A_2] : memref<4x4096xi32, #tpu.memory_space<hbm>> -> memref<1x128xi32, #tpu.memory_space<hbm>>
    %dma_start3A_85 = tpu.memref_squeeze %dma_start3A_84 : memref<1x128xi32, #tpu.memory_space<hbm>> -> memref<128xi32, #tpu.memory_space<hbm>>
    %dma_start3A_86 = arith.constant 0 : i32
    %dma_start3A_87 = tpu.memref_slice %arg5[%dma_start3A_86] : memref<512xi32, #tpu.memory_space<vmem>> -> memref<128xi32, #tpu.memory_space<vmem>>
    %dma_start3A_88 = tpu.memref_slice %arg2[%dma_start3A, %mul3A_2] : memref<4x4096xi32, #tpu.memory_space<hbm>> -> memref<1x128xi32, #tpu.memory_space<hbm>>
    %dma_start3A_89 = tpu.memref_squeeze %dma_start3A_88 : memref<1x128xi32, #tpu.memory_space<hbm>> -> memref<128xi32, #tpu.memory_space<hbm>>
    tpu.enqueue_dma source(%dma_start3A_89 : memref<128xi32, #tpu.memory_space<hbm>>) target(%dma_start3A_87 : memref<128xi32, #tpu.memory_space<vmem>>) target_semaphore(%arg14 : memref<!tpu.dma_semaphore, #tpu.memory_space<semaphore_mem>>)
    %dma_start3A_90 = arith.constant 1 : i32
    %dma_start3A_91 = arith.constant 128 : i32
    %dma_start3A_92 = tpu.memref_slice %arg5[%dma_start3A_91] : memref<512xi32, #tpu.memory_space<vmem>> -> memref<128xi32, #tpu.memory_space<vmem>>
    %dma_start3A_93 = tpu.memref_slice %arg2[%dma_start3A_90, %mul3A_2] : memref<4x4096xi32, #tpu.memory_space<hbm>> -> memref<1x128xi32, #tpu.memory_space<hbm>>
    %dma_start3A_94 = tpu.memref_squeeze %dma_start3A_93 : memref<1x128xi32, #tpu.memory_space<hbm>> -> memref<128xi32, #tpu.memory_space<hbm>>
    %dma_start3A_95 = arith.constant 128 : i32
    %dma_start3A_96 = tpu.memref_slice %arg5[%dma_start3A_95] : memref<512xi32, #tpu.memory_space<vmem>> -> memref<128xi32, #tpu.memory_space<vmem>>
    %dma_start3A_97 = tpu.memref_slice %arg2[%dma_start3A_90, %mul3A_2] : memref<4x4096xi32, #tpu.memory_space<hbm>> -> memref<1x128xi32, #tpu.memory_space<hbm>>
    %dma_start3A_98 = tpu.memref_squeeze %dma_start3A_97 : memref<1x128xi32, #tpu.memory_space<hbm>> -> memref<128xi32, #tpu.memory_space<hbm>>
    tpu.enqueue_dma source(%dma_start3A_98 : memref<128xi32, #tpu.memory_space<hbm>>) target(%dma_start3A_96 : memref<128xi32, #tpu.memory_space<vmem>>) target_semaphore(%arg14 : memref<!tpu.dma_semaphore, #tpu.memory_space<semaphore_mem>>)
    %dma_start3A_99 = arith.constant 2 : i32
    %dma_start3A_100 = arith.constant 256 : i32
    %dma_start3A_101 = tpu.memref_slice %arg5[%dma_start3A_100] : memref<512xi32, #tpu.memory_space<vmem>> -> memref<128xi32, #tpu.memory_space<vmem>>
    %dma_start3A_102 = tpu.memref_slice %arg2[%dma_start3A_99, %mul3A_2] : memref<4x4096xi32, #tpu.memory_space<hbm>> -> memref<1x128xi32, #tpu.memory_space<hbm>>
    %dma_start3A_103 = tpu.memref_squeeze %dma_start3A_102 : memref<1x128xi32, #tpu.memory_space<hbm>> -> memref<128xi32, #tpu.memory_space<hbm>>
    %dma_start3A_104 = arith.constant 256 : i32
    %dma_start3A_105 = tpu.memref_slice %arg5[%dma_start3A_104] : memref<512xi32, #tpu.memory_space<vmem>> -> memref<128xi32, #tpu.memory_space<vmem>>
    %dma_start3A_106 = tpu.memref_slice %arg2[%dma_start3A_99, %mul3A_2] : memref<4x4096xi32, #tpu.memory_space<hbm>> -> memref<1x128xi32, #tpu.memory_space<hbm>>
    %dma_start3A_107 = tpu.memref_squeeze %dma_start3A_106 : memref<1x128xi32, #tpu.memory_space<hbm>> -> memref<128xi32, #tpu.memory_space<hbm>>
    tpu.enqueue_dma source(%dma_start3A_107 : memref<128xi32, #tpu.memory_space<hbm>>) target(%dma_start3A_105 : memref<128xi32, #tpu.memory_space<vmem>>) target_semaphore(%arg14 : memref<!tpu.dma_semaphore, #tpu.memory_space<semaphore_mem>>)
    %dma_start3A_108 = arith.constant 3 : i32
    %dma_start3A_109 = arith.constant 384 : i32
    %dma_start3A_110 = tpu.memref_slice %arg5[%dma_start3A_109] : memref<512xi32, #tpu.memory_space<vmem>> -> memref<128xi32, #tpu.memory_space<vmem>>
    %dma_start3A_111 = tpu.memref_slice %arg2[%dma_start3A_108, %mul3A_2] : memref<4x4096xi32, #tpu.memory_space<hbm>> -> memref<1x128xi32, #tpu.memory_space<hbm>>
    %dma_start3A_112 = tpu.memref_squeeze %dma_start3A_111 : memref<1x128xi32, #tpu.memory_space<hbm>> -> memref<128xi32, #tpu.memory_space<hbm>>
    %dma_start3A_113 = arith.constant 384 : i32
    %dma_start3A_114 = tpu.memref_slice %arg5[%dma_start3A_113] : memref<512xi32, #tpu.memory_space<vmem>> -> memref<128xi32, #tpu.memory_space<vmem>>
    %dma_start3A_115 = tpu.memref_slice %arg2[%dma_start3A_108, %mul3A_2] : memref<4x4096xi32, #tpu.memory_space<hbm>> -> memref<1x128xi32, #tpu.memory_space<hbm>>
    %dma_start3A_116 = tpu.memref_squeeze %dma_start3A_115 : memref<1x128xi32, #tpu.memory_space<hbm>> -> memref<128xi32, #tpu.memory_space<hbm>>
    tpu.enqueue_dma source(%dma_start3A_116 : memref<128xi32, #tpu.memory_space<hbm>>) target(%dma_start3A_114 : memref<128xi32, #tpu.memory_space<vmem>>) target_semaphore(%arg14 : memref<!tpu.dma_semaphore, #tpu.memory_space<semaphore_mem>>)
    %dma_start3A_117 = arith.constant 0 : i32
    %dma_start3A_118 = arith.constant 0 : i32
    %dma_start3A_119 = tpu.memref_slice %arg9[%dma_start3A_117, %dma_start3A_118] : memref<48x1024xf32, #tpu.memory_space<vmem>> -> memref<48x1024xf32, #tpu.memory_space<vmem>>
    %dma_start3A_120 = arith.constant 0 : i32
    %dma_start3A_121 = tpu.memref_slice %arg6[%dma_start3A_120] : memref<128xi32, #tpu.memory_space<vmem>> -> memref<48xi32, #tpu.memory_space<vmem>>
    %dma_start3A_122 = arith.constant 0 : i32
    %dma_start3A_123 = arith.constant 0 : i32
    %dma_start3A_124 = tpu.memref_slice %arg3[%dma_start3A_122, %dma_start3A_123] : memref<8192x1024xf32, #tpu.memory_space<hbm>> -> memref<8192x1024xf32, #tpu.memory_space<hbm>>
    tpu.enqueue_indirect_dma source(%dma_start3A_124 : memref<8192x1024xf32, #tpu.memory_space<hbm>>) target(%dma_start3A_119 : memref<48x1024xf32, #tpu.memory_space<vmem>>) offsets(%dma_start3A_121 : memref<48xi32, #tpu.memory_space<vmem>>) semaphore(%arg11 : memref<!tpu.dma_semaphore, #tpu.memory_space<semaphore_mem>>)
    %dma_start3A_125 = arith.constant 0 : i32
    %dma_start3A_126 = arith.constant 0 : i32
    %dma_start3A_127 = tpu.memref_slice %arg10[%dma_start3A_125, %dma_start3A_126] : memref<48x1024xf32, #tpu.memory_space<vmem>> -> memref<48x1024xf32, #tpu.memory_space<vmem>>
    %dma_start3A_128 = arith.constant 48 : i32
    %dma_start3A_129 = tpu.memref_slice %arg6[%dma_start3A_128] : memref<128xi32, #tpu.memory_space<vmem>> -> memref<48xi32, #tpu.memory_space<vmem>>
    %dma_start3A_130 = arith.constant 0 : i32
    %dma_start3A_131 = arith.constant 0 : i32
    %dma_start3A_132 = tpu.memref_slice %arg3[%dma_start3A_130, %dma_start3A_131] : memref<8192x1024xf32, #tpu.memory_space<hbm>> -> memref<8192x1024xf32, #tpu.memory_space<hbm>>
    tpu.enqueue_indirect_dma source(%dma_start3A_132 : memref<8192x1024xf32, #tpu.memory_space<hbm>>) target(%dma_start3A_127 : memref<48x1024xf32, #tpu.memory_space<vmem>>) offsets(%dma_start3A_129 : memref<48xi32, #tpu.memory_space<vmem>>) semaphore(%arg11 : memref<!tpu.dma_semaphore, #tpu.memory_space<semaphore_mem>>)
    %dma_wait3A = arith.constant 0 : i32
    %dma_wait3A_133 = arith.constant 0 : i32
    %dma_wait3A_134 = tpu.memref_slice %arg9[%dma_wait3A, %dma_wait3A_133] : memref<48x1024xf32, #tpu.memory_space<vmem>> -> memref<48x1024xf32, #tpu.memory_space<vmem>>
    %dma_wait3A_135 = arith.constant 0 : i32
    %dma_wait3A_136 = tpu.memref_slice %arg6[%dma_wait3A_135] : memref<128xi32, #tpu.memory_space<vmem>> -> memref<48xi32, #tpu.memory_space<vmem>>
    %dma_wait3A_137 = arith.constant 0 : i32
    %dma_wait3A_138 = arith.constant 0 : i32
    %dma_wait3A_139 = tpu.memref_slice %arg3[%dma_wait3A_137, %dma_wait3A_138] : memref<8192x1024xf32, #tpu.memory_space<hbm>> -> memref<8192x1024xf32, #tpu.memory_space<hbm>>
    tpu.wait_indirect_dma semaphore(%arg11 : memref<!tpu.dma_semaphore, #tpu.memory_space<semaphore_mem>>) src(%dma_wait3A_139 : memref<8192x1024xf32, #tpu.memory_space<hbm>>) dst(%dma_wait3A_134 : memref<48x1024xf32, #tpu.memory_space<vmem>>)
    %add3A_140 = arith.constant 0 : i32
    %add3A_141 = arith.addi %add3A_140, %mul3A_2 : i32
    %add3A_142 = arith.constant 0 : i32
    %add3A_143 = arith.addi %add3A_141, %add3A_142 : i32
    %dma_start3A_144 = arith.constant 0 : i32
    %dma_start3A_145 = arith.constant 0 : i32
    %dma_start3A_146 = tpu.memref_slice %arg9[%dma_start3A_144, %dma_start3A_145] : memref<48x1024xf32, #tpu.memory_space<vmem>> -> memref<48x1024xf32, #tpu.memory_space<vmem>>
    %dma_start3A_147 = arith.constant 0 : i32
    %dma_start3A_148 = tpu.memref_slice %arg4[%add3A_143, %dma_start3A_147] : memref<16384x1024xf32, #tpu.memory_space<hbm>> -> memref<48x1024xf32, #tpu.memory_space<hbm>>
    %dma_start3A_149 = arith.constant 0 : i32
    %dma_start3A_150 = tpu.memref_slice %arg4[%add3A_143, %dma_start3A_149] : memref<16384x1024xf32, #tpu.memory_space<hbm>> -> memref<48x1024xf32, #tpu.memory_space<hbm>>
    %dma_start3A_151 = arith.constant 0 : i32
    %dma_start3A_152 = arith.constant 0 : i32
    %dma_start3A_153 = tpu.memref_slice %arg9[%dma_start3A_151, %dma_start3A_152] : memref<48x1024xf32, #tpu.memory_space<vmem>> -> memref<48x1024xf32, #tpu.memory_space<vmem>>
    tpu.enqueue_dma source(%dma_start3A_153 : memref<48x1024xf32, #tpu.memory_space<vmem>>) target(%dma_start3A_150 : memref<48x1024xf32, #tpu.memory_space<hbm>>) target_semaphore(%arg12 : memref<!tpu.dma_semaphore, #tpu.memory_space<semaphore_mem>>)
    %add3A_154 = arith.constant 4096 : i32
    %add3A_155 = arith.addi %add3A_154, %mul3A_2 : i32
    %add3A_156 = arith.constant 0 : i32
    %add3A_157 = arith.addi %add3A_155, %add3A_156 : i32
    %dma_start3A_158 = arith.constant 0 : i32
    %dma_start3A_159 = arith.constant 0 : i32
    %dma_start3A_160 = tpu.memref_slice %arg9[%dma_start3A_158, %dma_start3A_159] : memref<48x1024xf32, #tpu.memory_space<vmem>> -> memref<48x1024xf32, #tpu.memory_space<vmem>>
    %dma_start3A_161 = arith.constant 0 : i32
    %dma_start3A_162 = tpu.memref_slice %arg4[%add3A_157, %dma_start3A_161] : memref<16384x1024xf32, #tpu.memory_space<hbm>> -> memref<48x1024xf32, #tpu.memory_space<hbm>>
    %dma_start3A_163 = arith.constant 0 : i32
    %dma_start3A_164 = tpu.memref_slice %arg4[%add3A_157, %dma_start3A_163] : memref<16384x1024xf32, #tpu.memory_space<hbm>> -> memref<48x1024xf32, #tpu.memory_space<hbm>>
    %dma_start3A_165 = arith.constant 0 : i32
    %dma_start3A_166 = arith.constant 0 : i32
    %dma_start3A_167 = tpu.memref_slice %arg9[%dma_start3A_165, %dma_start3A_166] : memref<48x1024xf32, #tpu.memory_space<vmem>> -> memref<48x1024xf32, #tpu.memory_space<vmem>>
    tpu.enqueue_dma source(%dma_start3A_167 : memref<48x1024xf32, #tpu.memory_space<vmem>>) target(%dma_start3A_164 : memref<48x1024xf32, #tpu.memory_space<hbm>>) target_semaphore(%arg12 : memref<!tpu.dma_semaphore, #tpu.memory_space<semaphore_mem>>)
    %add3A_168 = arith.constant 8192 : i32
    %add3A_169 = arith.addi %add3A_168, %mul3A_2 : i32
    %add3A_170 = arith.constant 0 : i32
    %add3A_171 = arith.addi %add3A_169, %add3A_170 : i32
    %dma_start3A_172 = arith.constant 0 : i32
    %dma_start3A_173 = arith.constant 0 : i32
    %dma_start3A_174 = tpu.memref_slice %arg9[%dma_start3A_172, %dma_start3A_173] : memref<48x1024xf32, #tpu.memory_space<vmem>> -> memref<48x1024xf32, #tpu.memory_space<vmem>>
    %dma_start3A_175 = arith.constant 0 : i32
    %dma_start3A_176 = tpu.memref_slice %arg4[%add3A_171, %dma_start3A_175] : memref<16384x1024xf32, #tpu.memory_space<hbm>> -> memref<48x1024xf32, #tpu.memory_space<hbm>>
    %dma_start3A_177 = arith.constant 0 : i32
    %dma_start3A_178 = tpu.memref_slice %arg4[%add3A_171, %dma_start3A_177] : memref<16384x1024xf32, #tpu.memory_space<hbm>> -> memref<48x1024xf32, #tpu.memory_space<hbm>>
    %dma_start3A_179 = arith.constant 0 : i32
    %dma_start3A_180 = arith.constant 0 : i32
    %dma_start3A_181 = tpu.memref_slice %arg9[%dma_start3A_179, %dma_start3A_180] : memref<48x1024xf32, #tpu.memory_space<vmem>> -> memref<48x1024xf32, #tpu.memory_space<vmem>>
    tpu.enqueue_dma source(%dma_start3A_181 : memref<48x1024xf32, #tpu.memory_space<vmem>>) target(%dma_start3A_178 : memref<48x1024xf32, #tpu.memory_space<hbm>>) target_semaphore(%arg12 : memref<!tpu.dma_semaphore, #tpu.memory_space<semaphore_mem>>)
    %add3A_182 = arith.constant 12288 : i32
    %add3A_183 = arith.addi %add3A_182, %mul3A_2 : i32
    %add3A_184 = arith.constant 0 : i32
    %add3A_185 = arith.addi %add3A_183, %add3A_184 : i32
    %dma_start3A_186 = arith.constant 0 : i32
    %dma_start3A_187 = arith.constant 0 : i32
    %dma_start3A_188 = tpu.memref_slice %arg9[%dma_start3A_186, %dma_start3A_187] : memref<48x1024xf32, #tpu.memory_space<vmem>> -> memref<48x1024xf32, #tpu.memory_space<vmem>>
    %dma_start3A_189 = arith.constant 0 : i32
    %dma_start3A_190 = tpu.memref_slice %arg4[%add3A_185, %dma_start3A_189] : memref<16384x1024xf32, #tpu.memory_space<hbm>> -> memref<48x1024xf32, #tpu.memory_space<hbm>>
    %dma_start3A_191 = arith.constant 0 : i32
    %dma_start3A_192 = tpu.memref_slice %arg4[%add3A_185, %dma_start3A_191] : memref<16384x1024xf32, #tpu.memory_space<hbm>> -> memref<48x1024xf32, #tpu.memory_space<hbm>>
    %dma_start3A_193 = arith.constant 0 : i32
    %dma_start3A_194 = arith.constant 0 : i32
    %dma_start3A_195 = tpu.memref_slice %arg9[%dma_start3A_193, %dma_start3A_194] : memref<48x1024xf32, #tpu.memory_space<vmem>> -> memref<48x1024xf32, #tpu.memory_space<vmem>>
    tpu.enqueue_dma source(%dma_start3A_195 : memref<48x1024xf32, #tpu.memory_space<vmem>>) target(%dma_start3A_192 : memref<48x1024xf32, #tpu.memory_space<hbm>>) target_semaphore(%arg12 : memref<!tpu.dma_semaphore, #tpu.memory_space<semaphore_mem>>)
    %dma_wait3A_196 = arith.constant 0 : i32
    %dma_wait3A_197 = arith.constant 0 : i32
    %dma_wait3A_198 = tpu.memref_slice %arg9[%dma_wait3A_196, %dma_wait3A_197] : memref<48x1024xf32, #tpu.memory_space<vmem>> -> memref<48x1024xf32, #tpu.memory_space<vmem>>
    %dma_wait3A_199 = arith.constant 0 : i32
    %dma_wait3A_200 = arith.constant 0 : i32
    %dma_wait3A_201 = tpu.memref_slice %arg4[%dma_wait3A_199, %dma_wait3A_200] : memref<16384x1024xf32, #tpu.memory_space<hbm>> -> memref<48x1024xf32, #tpu.memory_space<hbm>>
    %dma_wait3A_202 = arith.constant 0 : i32
    %dma_wait3A_203 = arith.constant 0 : i32
    %dma_wait3A_204 = tpu.memref_slice %arg9[%dma_wait3A_202, %dma_wait3A_203] : memref<48x1024xf32, #tpu.memory_space<vmem>> -> memref<48x1024xf32, #tpu.memory_space<vmem>>
    %dma_wait3A_205 = arith.constant 0 : i32
    %dma_wait3A_206 = arith.constant 0 : i32
    %dma_wait3A_207 = tpu.memref_slice %arg4[%dma_wait3A_205, %dma_wait3A_206] : memref<16384x1024xf32, #tpu.memory_space<hbm>> -> memref<48x1024xf32, #tpu.memory_space<hbm>>
    tpu.wait_dma2 semaphore(%arg12 : memref<!tpu.dma_semaphore, #tpu.memory_space<semaphore_mem>>) src(%dma_wait3A_207 : memref<48x1024xf32, #tpu.memory_space<hbm>>) dst(%dma_wait3A_204 : memref<48x1024xf32, #tpu.memory_space<vmem>>)
    %dma_wait3A_208 = arith.constant 0 : i32
    %dma_wait3A_209 = arith.constant 0 : i32
    %dma_wait3A_210 = tpu.memref_slice %arg9[%dma_wait3A_208, %dma_wait3A_209] : memref<48x1024xf32, #tpu.memory_space<vmem>> -> memref<48x1024xf32, #tpu.memory_space<vmem>>
    %dma_wait3A_211 = arith.constant 0 : i32
    %dma_wait3A_212 = arith.constant 0 : i32
    %dma_wait3A_213 = tpu.memref_slice %arg4[%dma_wait3A_211, %dma_wait3A_212] : memref<16384x1024xf32, #tpu.memory_space<hbm>> -> memref<48x1024xf32, #tpu.memory_space<hbm>>
    %dma_wait3A_214 = arith.constant 0 : i32
    %dma_wait3A_215 = arith.constant 0 : i32
    %dma_wait3A_216 = tpu.memref_slice %arg9[%dma_wait3A_214, %dma_wait3A_215] : memref<48x1024xf32, #tpu.memory_space<vmem>> -> memref<48x1024xf32, #tpu.memory_space<vmem>>
    %dma_wait3A_217 = arith.constant 0 : i32
    %dma_wait3A_218 = arith.constant 0 : i32
    %dma_wait3A_219 = tpu.memref_slice %arg4[%dma_wait3A_217, %dma_wait3A_218] : memref<16384x1024xf32, #tpu.memory_space<hbm>> -> memref<48x1024xf32, #tpu.memory_space<hbm>>
    tpu.wait_dma2 semaphore(%arg12 : memref<!tpu.dma_semaphore, #tpu.memory_space<semaphore_mem>>) src(%dma_wait3A_219 : memref<48x1024xf32, #tpu.memory_space<hbm>>) dst(%dma_wait3A_216 : memref<48x1024xf32, #tpu.memory_space<vmem>>)
    %dma_wait3A_220 = arith.constant 0 : i32
    %dma_wait3A_221 = arith.constant 0 : i32
    %dma_wait3A_222 = tpu.memref_slice %arg9[%dma_wait3A_220, %dma_wait3A_221] : memref<48x1024xf32, #tpu.memory_space<vmem>> -> memref<48x1024xf32, #tpu.memory_space<vmem>>
    %dma_wait3A_223 = arith.constant 0 : i32
    %dma_wait3A_224 = arith.constant 0 : i32
    %dma_wait3A_225 = tpu.memref_slice %arg4[%dma_wait3A_223, %dma_wait3A_224] : memref<16384x1024xf32, #tpu.memory_space<hbm>> -> memref<48x1024xf32, #tpu.memory_space<hbm>>
    %dma_wait3A_226 = arith.constant 0 : i32
    %dma_wait3A_227 = arith.constant 0 : i32
    %dma_wait3A_228 = tpu.memref_slice %arg9[%dma_wait3A_226, %dma_wait3A_227] : memref<48x1024xf32, #tpu.memory_space<vmem>> -> memref<48x1024xf32, #tpu.memory_space<vmem>>
    %dma_wait3A_229 = arith.constant 0 : i32
    %dma_wait3A_230 = arith.constant 0 : i32
    %dma_wait3A_231 = tpu.memref_slice %arg4[%dma_wait3A_229, %dma_wait3A_230] : memref<16384x1024xf32, #tpu.memory_space<hbm>> -> memref<48x1024xf32, #tpu.memory_space<hbm>>
    tpu.wait_dma2 semaphore(%arg12 : memref<!tpu.dma_semaphore, #tpu.memory_space<semaphore_mem>>) src(%dma_wait3A_231 : memref<48x1024xf32, #tpu.memory_space<hbm>>) dst(%dma_wait3A_228 : memref<48x1024xf32, #tpu.memory_space<vmem>>)
    %dma_wait3A_232 = arith.constant 0 : i32
    %dma_wait3A_233 = arith.constant 0 : i32
    %dma_wait3A_234 = tpu.memref_slice %arg9[%dma_wait3A_232, %dma_wait3A_233] : memref<48x1024xf32, #tpu.memory_space<vmem>> -> memref<48x1024xf32, #tpu.memory_space<vmem>>
    %dma_wait3A_235 = arith.constant 0 : i32
    %dma_wait3A_236 = arith.constant 0 : i32
    %dma_wait3A_237 = tpu.memref_slice %arg4[%dma_wait3A_235, %dma_wait3A_236] : memref<16384x1024xf32, #tpu.memory_space<hbm>> -> memref<48x1024xf32, #tpu.memory_space<hbm>>
    %dma_wait3A_238 = arith.constant 0 : i32
    %dma_wait3A_239 = arith.constant 0 : i32
    %dma_wait3A_240 = tpu.memref_slice %arg9[%dma_wait3A_238, %dma_wait3A_239] : memref<48x1024xf32, #tpu.memory_space<vmem>> -> memref<48x1024xf32, #tpu.memory_space<vmem>>
    %dma_wait3A_241 = arith.constant 0 : i32
    %dma_wait3A_242 = arith.constant 0 : i32
    %dma_wait3A_243 = tpu.memref_slice %arg4[%dma_wait3A_241, %dma_wait3A_242] : memref<16384x1024xf32, #tpu.memory_space<hbm>> -> memref<48x1024xf32, #tpu.memory_space<hbm>>
    tpu.wait_dma2 semaphore(%arg12 : memref<!tpu.dma_semaphore, #tpu.memory_space<semaphore_mem>>) src(%dma_wait3A_243 : memref<48x1024xf32, #tpu.memory_space<hbm>>) dst(%dma_wait3A_240 : memref<48x1024xf32, #tpu.memory_space<vmem>>)
    %dma_start3A_244 = arith.constant 0 : i32
    %dma_start3A_245 = arith.constant 0 : i32
    %dma_start3A_246 = tpu.memref_slice %arg9[%dma_start3A_244, %dma_start3A_245] : memref<48x1024xf32, #tpu.memory_space<vmem>> -> memref<32x1024xf32, #tpu.memory_space<vmem>>
    %dma_start3A_247 = arith.constant 96 : i32
    %dma_start3A_248 = tpu.memref_slice %arg6[%dma_start3A_247] : memref<128xi32, #tpu.memory_space<vmem>> -> memref<32xi32, #tpu.memory_space<vmem>>
    %dma_start3A_249 = arith.constant 0 : i32
    %dma_start3A_250 = arith.constant 0 : i32
    %dma_start3A_251 = tpu.memref_slice %arg3[%dma_start3A_249, %dma_start3A_250] : memref<8192x1024xf32, #tpu.memory_space<hbm>> -> memref<8192x1024xf32, #tpu.memory_space<hbm>>
    tpu.enqueue_indirect_dma source(%dma_start3A_251 : memref<8192x1024xf32, #tpu.memory_space<hbm>>) target(%dma_start3A_246 : memref<32x1024xf32, #tpu.memory_space<vmem>>) offsets(%dma_start3A_248 : memref<32xi32, #tpu.memory_space<vmem>>) semaphore(%arg11 : memref<!tpu.dma_semaphore, #tpu.memory_space<semaphore_mem>>)
    %dma_wait3A_252 = arith.constant 0 : i32
    %dma_wait3A_253 = arith.constant 0 : i32
    %dma_wait3A_254 = tpu.memref_slice %arg10[%dma_wait3A_252, %dma_wait3A_253] : memref<48x1024xf32, #tpu.memory_space<vmem>> -> memref<48x1024xf32, #tpu.memory_space<vmem>>
    %dma_wait3A_255 = arith.constant 48 : i32
    %dma_wait3A_256 = tpu.memref_slice %arg6[%dma_wait3A_255] : memref<128xi32, #tpu.memory_space<vmem>> -> memref<48xi32, #tpu.memory_space<vmem>>
    %dma_wait3A_257 = arith.constant 0 : i32
    %dma_wait3A_258 = arith.constant 0 : i32
    %dma_wait3A_259 = tpu.memref_slice %arg3[%dma_wait3A_257, %dma_wait3A_258] : memref<8192x1024xf32, #tpu.memory_space<hbm>> -> memref<8192x1024xf32, #tpu.memory_space<hbm>>
    tpu.wait_indirect_dma semaphore(%arg11 : memref<!tpu.dma_semaphore, #tpu.memory_space<semaphore_mem>>) src(%dma_wait3A_259 : memref<8192x1024xf32, #tpu.memory_space<hbm>>) dst(%dma_wait3A_254 : memref<48x1024xf32, #tpu.memory_space<vmem>>)
    %add3A_260 = arith.constant 0 : i32
    %add3A_261 = arith.addi %add3A_260, %mul3A_2 : i32
    %add3A_262 = arith.constant 48 : i32
    %add3A_263 = arith.addi %add3A_261, %add3A_262 : i32
    %dma_start3A_264 = arith.constant 0 : i32
    %dma_start3A_265 = arith.constant 0 : i32
    %dma_start3A_266 = tpu.memref_slice %arg10[%dma_start3A_264, %dma_start3A_265] : memref<48x1024xf32, #tpu.memory_space<vmem>> -> memref<48x1024xf32, #tpu.memory_space<vmem>>
    %dma_start3A_267 = arith.constant 0 : i32
    %dma_start3A_268 = tpu.memref_slice %arg4[%add3A_263, %dma_start3A_267] : memref<16384x1024xf32, #tpu.memory_space<hbm>> -> memref<48x1024xf32, #tpu.memory_space<hbm>>
    %dma_start3A_269 = arith.constant 0 : i32
    %dma_start3A_270 = tpu.memref_slice %arg4[%add3A_263, %dma_start3A_269] : memref<16384x1024xf32, #tpu.memory_space<hbm>> -> memref<48x1024xf32, #tpu.memory_space<hbm>>
    %dma_start3A_271 = arith.constant 0 : i32
    %dma_start3A_272 = arith.constant 0 : i32
    %dma_start3A_273 = tpu.memref_slice %arg10[%dma_start3A_271, %dma_start3A_272] : memref<48x1024xf32, #tpu.memory_space<vmem>> -> memref<48x1024xf32, #tpu.memory_space<vmem>>
    tpu.enqueue_dma source(%dma_start3A_273 : memref<48x1024xf32, #tpu.memory_space<vmem>>) target(%dma_start3A_270 : memref<48x1024xf32, #tpu.memory_space<hbm>>) target_semaphore(%arg13 : memref<!tpu.dma_semaphore, #tpu.memory_space<semaphore_mem>>)
    %add3A_274 = arith.constant 4096 : i32
    %add3A_275 = arith.addi %add3A_274, %mul3A_2 : i32
    %add3A_276 = arith.constant 48 : i32
    %add3A_277 = arith.addi %add3A_275, %add3A_276 : i32
    %dma_start3A_278 = arith.constant 0 : i32
    %dma_start3A_279 = arith.constant 0 : i32
    %dma_start3A_280 = tpu.memref_slice %arg10[%dma_start3A_278, %dma_start3A_279] : memref<48x1024xf32, #tpu.memory_space<vmem>> -> memref<48x1024xf32, #tpu.memory_space<vmem>>
    %dma_start3A_281 = arith.constant 0 : i32
    %dma_start3A_282 = tpu.memref_slice %arg4[%add3A_277, %dma_start3A_281] : memref<16384x1024xf32, #tpu.memory_space<hbm>> -> memref<48x1024xf32, #tpu.memory_space<hbm>>
    %dma_start3A_283 = arith.constant 0 : i32
    %dma_start3A_284 = tpu.memref_slice %arg4[%add3A_277, %dma_start3A_283] : memref<16384x1024xf32, #tpu.memory_space<hbm>> -> memref<48x1024xf32, #tpu.memory_space<hbm>>
    %dma_start3A_285 = arith.constant 0 : i32
    %dma_start3A_286 = arith.constant 0 : i32
    %dma_start3A_287 = tpu.memref_slice %arg10[%dma_start3A_285, %dma_start3A_286] : memref<48x1024xf32, #tpu.memory_space<vmem>> -> memref<48x1024xf32, #tpu.memory_space<vmem>>
    tpu.enqueue_dma source(%dma_start3A_287 : memref<48x1024xf32, #tpu.memory_space<vmem>>) target(%dma_start3A_284 : memref<48x1024xf32, #tpu.memory_space<hbm>>) target_semaphore(%arg13 : memref<!tpu.dma_semaphore, #tpu.memory_space<semaphore_mem>>)
    %add3A_288 = arith.constant 8192 : i32
    %add3A_289 = arith.addi %add3A_288, %mul3A_2 : i32
    %add3A_290 = arith.constant 48 : i32
    %add3A_291 = arith.addi %add3A_289, %add3A_290 : i32
    %dma_start3A_292 = arith.constant 0 : i32
    %dma_start3A_293 = arith.constant 0 : i32
    %dma_start3A_294 = tpu.memref_slice %arg10[%dma_start3A_292, %dma_start3A_293] : memref<48x1024xf32, #tpu.memory_space<vmem>> -> memref<48x1024xf32, #tpu.memory_space<vmem>>
    %dma_start3A_295 = arith.constant 0 : i32
    %dma_start3A_296 = tpu.memref_slice %arg4[%add3A_291, %dma_start3A_295] : memref<16384x1024xf32, #tpu.memory_space<hbm>> -> memref<48x1024xf32, #tpu.memory_space<hbm>>
    %dma_start3A_297 = arith.constant 0 : i32
    %dma_start3A_298 = tpu.memref_slice %arg4[%add3A_291, %dma_start3A_297] : memref<16384x1024xf32, #tpu.memory_space<hbm>> -> memref<48x1024xf32, #tpu.memory_space<hbm>>
    %dma_start3A_299 = arith.constant 0 : i32
    %dma_start3A_300 = arith.constant 0 : i32
    %dma_start3A_301 = tpu.memref_slice %arg10[%dma_start3A_299, %dma_start3A_300] : memref<48x1024xf32, #tpu.memory_space<vmem>> -> memref<48x1024xf32, #tpu.memory_space<vmem>>
    tpu.enqueue_dma source(%dma_start3A_301 : memref<48x1024xf32, #tpu.memory_space<vmem>>) target(%dma_start3A_298 : memref<48x1024xf32, #tpu.memory_space<hbm>>) target_semaphore(%arg13 : memref<!tpu.dma_semaphore, #tpu.memory_space<semaphore_mem>>)
    %add3A_302 = arith.constant 12288 : i32
    %add3A_303 = arith.addi %add3A_302, %mul3A_2 : i32
    %add3A_304 = arith.constant 48 : i32
    %add3A_305 = arith.addi %add3A_303, %add3A_304 : i32
    %dma_start3A_306 = arith.constant 0 : i32
    %dma_start3A_307 = arith.constant 0 : i32
    %dma_start3A_308 = tpu.memref_slice %arg10[%dma_start3A_306, %dma_start3A_307] : memref<48x1024xf32, #tpu.memory_space<vmem>> -> memref<48x1024xf32, #tpu.memory_space<vmem>>
    %dma_start3A_309 = arith.constant 0 : i32
    %dma_start3A_310 = tpu.memref_slice %arg4[%add3A_305, %dma_start3A_309] : memref<16384x1024xf32, #tpu.memory_space<hbm>> -> memref<48x1024xf32, #tpu.memory_space<hbm>>
    %dma_start3A_311 = arith.constant 0 : i32
    %dma_start3A_312 = tpu.memref_slice %arg4[%add3A_305, %dma_start3A_311] : memref<16384x1024xf32, #tpu.memory_space<hbm>> -> memref<48x1024xf32, #tpu.memory_space<hbm>>
    %dma_start3A_313 = arith.constant 0 : i32
    %dma_start3A_314 = arith.constant 0 : i32
    %dma_start3A_315 = tpu.memref_slice %arg10[%dma_start3A_313, %dma_start3A_314] : memref<48x1024xf32, #tpu.memory_space<vmem>> -> memref<48x1024xf32, #tpu.memory_space<vmem>>
    tpu.enqueue_dma source(%dma_start3A_315 : memref<48x1024xf32, #tpu.memory_space<vmem>>) target(%dma_start3A_312 : memref<48x1024xf32, #tpu.memory_space<hbm>>) target_semaphore(%arg13 : memref<!tpu.dma_semaphore, #tpu.memory_space<semaphore_mem>>)
    %dma_wait3A_316 = arith.constant 0 : i32
    %dma_wait3A_317 = arith.constant 0 : i32
    %dma_wait3A_318 = tpu.memref_slice %arg9[%dma_wait3A_316, %dma_wait3A_317] : memref<48x1024xf32, #tpu.memory_space<vmem>> -> memref<32x1024xf32, #tpu.memory_space<vmem>>
    %dma_wait3A_319 = arith.constant 96 : i32
    %dma_wait3A_320 = tpu.memref_slice %arg6[%dma_wait3A_319] : memref<128xi32, #tpu.memory_space<vmem>> -> memref<32xi32, #tpu.memory_space<vmem>>
    %dma_wait3A_321 = arith.constant 0 : i32
    %dma_wait3A_322 = arith.constant 0 : i32
    %dma_wait3A_323 = tpu.memref_slice %arg3[%dma_wait3A_321, %dma_wait3A_322] : memref<8192x1024xf32, #tpu.memory_space<hbm>> -> memref<8192x1024xf32, #tpu.memory_space<hbm>>
    tpu.wait_indirect_dma semaphore(%arg11 : memref<!tpu.dma_semaphore, #tpu.memory_space<semaphore_mem>>) src(%dma_wait3A_323 : memref<8192x1024xf32, #tpu.memory_space<hbm>>) dst(%dma_wait3A_318 : memref<32x1024xf32, #tpu.memory_space<vmem>>)
    %add3A_324 = arith.constant 0 : i32
    %add3A_325 = arith.addi %add3A_324, %mul3A_2 : i32
    %add3A_326 = arith.constant 96 : i32
    %add3A_327 = arith.addi %add3A_325, %add3A_326 : i32
    %dma_start3A_328 = arith.constant 0 : i32
    %dma_start3A_329 = arith.constant 0 : i32
    %dma_start3A_330 = tpu.memref_slice %arg9[%dma_start3A_328, %dma_start3A_329] : memref<48x1024xf32, #tpu.memory_space<vmem>> -> memref<32x1024xf32, #tpu.memory_space<vmem>>
    %dma_start3A_331 = arith.constant 0 : i32
    %dma_start3A_332 = tpu.memref_slice %arg4[%add3A_327, %dma_start3A_331] : memref<16384x1024xf32, #tpu.memory_space<hbm>> -> memref<32x1024xf32, #tpu.memory_space<hbm>>
    %dma_start3A_333 = arith.constant 0 : i32
    %dma_start3A_334 = tpu.memref_slice %arg4[%add3A_327, %dma_start3A_333] : memref<16384x1024xf32, #tpu.memory_space<hbm>> -> memref<32x1024xf32, #tpu.memory_space<hbm>>
    %dma_start3A_335 = arith.constant 0 : i32
    %dma_start3A_336 = arith.constant 0 : i32
    %dma_start3A_337 = tpu.memref_slice %arg9[%dma_start3A_335, %dma_start3A_336] : memref<48x1024xf32, #tpu.memory_space<vmem>> -> memref<32x1024xf32, #tpu.memory_space<vmem>>
    tpu.enqueue_dma source(%dma_start3A_337 : memref<32x1024xf32, #tpu.memory_space<vmem>>) target(%dma_start3A_334 : memref<32x1024xf32, #tpu.memory_space<hbm>>) target_semaphore(%arg12 : memref<!tpu.dma_semaphore, #tpu.memory_space<semaphore_mem>>)
    %add3A_338 = arith.constant 4096 : i32
    %add3A_339 = arith.addi %add3A_338, %mul3A_2 : i32
    %add3A_340 = arith.constant 96 : i32
    %add3A_341 = arith.addi %add3A_339, %add3A_340 : i32
    %dma_start3A_342 = arith.constant 0 : i32
    %dma_start3A_343 = arith.constant 0 : i32
    %dma_start3A_344 = tpu.memref_slice %arg9[%dma_start3A_342, %dma_start3A_343] : memref<48x1024xf32, #tpu.memory_space<vmem>> -> memref<32x1024xf32, #tpu.memory_space<vmem>>
    %dma_start3A_345 = arith.constant 0 : i32
    %dma_start3A_346 = tpu.memref_slice %arg4[%add3A_341, %dma_start3A_345] : memref<16384x1024xf32, #tpu.memory_space<hbm>> -> memref<32x1024xf32, #tpu.memory_space<hbm>>
    %dma_start3A_347 = arith.constant 0 : i32
    %dma_start3A_348 = tpu.memref_slice %arg4[%add3A_341, %dma_start3A_347] : memref<16384x1024xf32, #tpu.memory_space<hbm>> -> memref<32x1024xf32, #tpu.memory_space<hbm>>
    %dma_start3A_349 = arith.constant 0 : i32
    %dma_start3A_350 = arith.constant 0 : i32
    %dma_start3A_351 = tpu.memref_slice %arg9[%dma_start3A_349, %dma_start3A_350] : memref<48x1024xf32, #tpu.memory_space<vmem>> -> memref<32x1024xf32, #tpu.memory_space<vmem>>
    tpu.enqueue_dma source(%dma_start3A_351 : memref<32x1024xf32, #tpu.memory_space<vmem>>) target(%dma_start3A_348 : memref<32x1024xf32, #tpu.memory_space<hbm>>) target_semaphore(%arg12 : memref<!tpu.dma_semaphore, #tpu.memory_space<semaphore_mem>>)
    %add3A_352 = arith.constant 8192 : i32
    %add3A_353 = arith.addi %add3A_352, %mul3A_2 : i32
    %add3A_354 = arith.constant 96 : i32
    %add3A_355 = arith.addi %add3A_353, %add3A_354 : i32
    %dma_start3A_356 = arith.constant 0 : i32
    %dma_start3A_357 = arith.constant 0 : i32
    %dma_start3A_358 = tpu.memref_slice %arg9[%dma_start3A_356, %dma_start3A_357] : memref<48x1024xf32, #tpu.memory_space<vmem>> -> memref<32x1024xf32, #tpu.memory_space<vmem>>
    %dma_start3A_359 = arith.constant 0 : i32
    %dma_start3A_360 = tpu.memref_slice %arg4[%add3A_355, %dma_start3A_359] : memref<16384x1024xf32, #tpu.memory_space<hbm>> -> memref<32x1024xf32, #tpu.memory_space<hbm>>
    %dma_start3A_361 = arith.constant 0 : i32
    %dma_start3A_362 = tpu.memref_slice %arg4[%add3A_355, %dma_start3A_361] : memref<16384x1024xf32, #tpu.memory_space<hbm>> -> memref<32x1024xf32, #tpu.memory_space<hbm>>
    %dma_start3A_363 = arith.constant 0 : i32
    %dma_start3A_364 = arith.constant 0 : i32
    %dma_start3A_365 = tpu.memref_slice %arg9[%dma_start3A_363, %dma_start3A_364] : memref<48x1024xf32, #tpu.memory_space<vmem>> -> memref<32x1024xf32, #tpu.memory_space<vmem>>
    tpu.enqueue_dma source(%dma_start3A_365 : memref<32x1024xf32, #tpu.memory_space<vmem>>) target(%dma_start3A_362 : memref<32x1024xf32, #tpu.memory_space<hbm>>) target_semaphore(%arg12 : memref<!tpu.dma_semaphore, #tpu.memory_space<semaphore_mem>>)
    %add3A_366 = arith.constant 12288 : i32
    %add3A_367 = arith.addi %add3A_366, %mul3A_2 : i32
    %add3A_368 = arith.constant 96 : i32
    %add3A_369 = arith.addi %add3A_367, %add3A_368 : i32
    %dma_start3A_370 = arith.constant 0 : i32
    %dma_start3A_371 = arith.constant 0 : i32
    %dma_start3A_372 = tpu.memref_slice %arg9[%dma_start3A_370, %dma_start3A_371] : memref<48x1024xf32, #tpu.memory_space<vmem>> -> memref<32x1024xf32, #tpu.memory_space<vmem>>
    %dma_start3A_373 = arith.constant 0 : i32
    %dma_start3A_374 = tpu.memref_slice %arg4[%add3A_369, %dma_start3A_373] : memref<16384x1024xf32, #tpu.memory_space<hbm>> -> memref<32x1024xf32, #tpu.memory_space<hbm>>
    %dma_start3A_375 = arith.constant 0 : i32
    %dma_start3A_376 = tpu.memref_slice %arg4[%add3A_369, %dma_start3A_375] : memref<16384x1024xf32, #tpu.memory_space<hbm>> -> memref<32x1024xf32, #tpu.memory_space<hbm>>
    %dma_start3A_377 = arith.constant 0 : i32
    %dma_start3A_378 = arith.constant 0 : i32
    %dma_start3A_379 = tpu.memref_slice %arg9[%dma_start3A_377, %dma_start3A_378] : memref<48x1024xf32, #tpu.memory_space<vmem>> -> memref<32x1024xf32, #tpu.memory_space<vmem>>
    tpu.enqueue_dma source(%dma_start3A_379 : memref<32x1024xf32, #tpu.memory_space<vmem>>) target(%dma_start3A_376 : memref<32x1024xf32, #tpu.memory_space<hbm>>) target_semaphore(%arg12 : memref<!tpu.dma_semaphore, #tpu.memory_space<semaphore_mem>>)
    %dma_wait3A_380 = arith.constant 0 : i32
    %dma_wait3A_381 = arith.constant 0 : i32
    %dma_wait3A_382 = tpu.memref_slice %arg10[%dma_wait3A_380, %dma_wait3A_381] : memref<48x1024xf32, #tpu.memory_space<vmem>> -> memref<48x1024xf32, #tpu.memory_space<vmem>>
    %dma_wait3A_383 = arith.constant 0 : i32
    %dma_wait3A_384 = arith.constant 0 : i32
    %dma_wait3A_385 = tpu.memref_slice %arg4[%dma_wait3A_383, %dma_wait3A_384] : memref<16384x1024xf32, #tpu.memory_space<hbm>> -> memref<48x1024xf32, #tpu.memory_space<hbm>>
    %dma_wait3A_386 = arith.constant 0 : i32
    %dma_wait3A_387 = arith.constant 0 : i32
    %dma_wait3A_388 = tpu.memref_slice %arg10[%dma_wait3A_386, %dma_wait3A_387] : memref<48x1024xf32, #tpu.memory_space<vmem>> -> memref<48x1024xf32, #tpu.memory_space<vmem>>
    %dma_wait3A_389 = arith.constant 0 : i32
    %dma_wait3A_390 = arith.constant 0 : i32
    %dma_wait3A_391 = tpu.memref_slice %arg4[%dma_wait3A_389, %dma_wait3A_390] : memref<16384x1024xf32, #tpu.memory_space<hbm>> -> memref<48x1024xf32, #tpu.memory_space<hbm>>
    tpu.wait_dma2 semaphore(%arg13 : memref<!tpu.dma_semaphore, #tpu.memory_space<semaphore_mem>>) src(%dma_wait3A_391 : memref<48x1024xf32, #tpu.memory_space<hbm>>) dst(%dma_wait3A_388 : memref<48x1024xf32, #tpu.memory_space<vmem>>)
    %dma_wait3A_392 = arith.constant 0 : i32
    %dma_wait3A_393 = arith.constant 0 : i32
    %dma_wait3A_394 = tpu.memref_slice %arg10[%dma_wait3A_392, %dma_wait3A_393] : memref<48x1024xf32, #tpu.memory_space<vmem>> -> memref<48x1024xf32, #tpu.memory_space<vmem>>
    %dma_wait3A_395 = arith.constant 0 : i32
    %dma_wait3A_396 = arith.constant 0 : i32
    %dma_wait3A_397 = tpu.memref_slice %arg4[%dma_wait3A_395, %dma_wait3A_396] : memref<16384x1024xf32, #tpu.memory_space<hbm>> -> memref<48x1024xf32, #tpu.memory_space<hbm>>
    %dma_wait3A_398 = arith.constant 0 : i32
    %dma_wait3A_399 = arith.constant 0 : i32
    %dma_wait3A_400 = tpu.memref_slice %arg10[%dma_wait3A_398, %dma_wait3A_399] : memref<48x1024xf32, #tpu.memory_space<vmem>> -> memref<48x1024xf32, #tpu.memory_space<vmem>>
    %dma_wait3A_401 = arith.constant 0 : i32
    %dma_wait3A_402 = arith.constant 0 : i32
    %dma_wait3A_403 = tpu.memref_slice %arg4[%dma_wait3A_401, %dma_wait3A_402] : memref<16384x1024xf32, #tpu.memory_space<hbm>> -> memref<48x1024xf32, #tpu.memory_space<hbm>>
    tpu.wait_dma2 semaphore(%arg13 : memref<!tpu.dma_semaphore, #tpu.memory_space<semaphore_mem>>) src(%dma_wait3A_403 : memref<48x1024xf32, #tpu.memory_space<hbm>>) dst(%dma_wait3A_400 : memref<48x1024xf32, #tpu.memory_space<vmem>>)
    %dma_wait3A_404 = arith.constant 0 : i32
    %dma_wait3A_405 = arith.constant 0 : i32
    %dma_wait3A_406 = tpu.memref_slice %arg10[%dma_wait3A_404, %dma_wait3A_405] : memref<48x1024xf32, #tpu.memory_space<vmem>> -> memref<48x1024xf32, #tpu.memory_space<vmem>>
    %dma_wait3A_407 = arith.constant 0 : i32
    %dma_wait3A_408 = arith.constant 0 : i32
    %dma_wait3A_409 = tpu.memref_slice %arg4[%dma_wait3A_407, %dma_wait3A_408] : memref<16384x1024xf32, #tpu.memory_space<hbm>> -> memref<48x1024xf32, #tpu.memory_space<hbm>>
    %dma_wait3A_410 = arith.constant 0 : i32
    %dma_wait3A_411 = arith.constant 0 : i32
    %dma_wait3A_412 = tpu.memref_slice %arg10[%dma_wait3A_410, %dma_wait3A_411] : memref<48x1024xf32, #tpu.memory_space<vmem>> -> memref<48x1024xf32, #tpu.memory_space<vmem>>
    %dma_wait3A_413 = arith.constant 0 : i32
    %dma_wait3A_414 = arith.constant 0 : i32
    %dma_wait3A_415 = tpu.memref_slice %arg4[%dma_wait3A_413, %dma_wait3A_414] : memref<16384x1024xf32, #tpu.memory_space<hbm>> -> memref<48x1024xf32, #tpu.memory_space<hbm>>
    tpu.wait_dma2 semaphore(%arg13 : memref<!tpu.dma_semaphore, #tpu.memory_space<semaphore_mem>>) src(%dma_wait3A_415 : memref<48x1024xf32, #tpu.memory_space<hbm>>) dst(%dma_wait3A_412 : memref<48x1024xf32, #tpu.memory_space<vmem>>)
    %dma_wait3A_416 = arith.constant 0 : i32
    %dma_wait3A_417 = arith.constant 0 : i32
    %dma_wait3A_418 = tpu.memref_slice %arg10[%dma_wait3A_416, %dma_wait3A_417] : memref<48x1024xf32, #tpu.memory_space<vmem>> -> memref<48x1024xf32, #tpu.memory_space<vmem>>
    %dma_wait3A_419 = arith.constant 0 : i32
    %dma_wait3A_420 = arith.constant 0 : i32
    %dma_wait3A_421 = tpu.memref_slice %arg4[%dma_wait3A_419, %dma_wait3A_420] : memref<16384x1024xf32, #tpu.memory_space<hbm>> -> memref<48x1024xf32, #tpu.memory_space<hbm>>
    %dma_wait3A_422 = arith.constant 0 : i32
    %dma_wait3A_423 = arith.constant 0 : i32
    %dma_wait3A_424 = tpu.memref_slice %arg10[%dma_wait3A_422, %dma_wait3A_423] : memref<48x1024xf32, #tpu.memory_space<vmem>> -> memref<48x1024xf32, #tpu.memory_space<vmem>>
    %dma_wait3A_425 = arith.constant 0 : i32
    %dma_wait3A_426 = arith.constant 0 : i32
    %dma_wait3A_427 = tpu.memref_slice %arg4[%dma_wait3A_425, %dma_wait3A_426] : memref<16384x1024xf32, #tpu.memory_space<hbm>> -> memref<48x1024xf32, #tpu.memory_space<hbm>>
    tpu.wait_dma2 semaphore(%arg13 : memref<!tpu.dma_semaphore, #tpu.memory_space<semaphore_mem>>) src(%dma_wait3A_427 : memref<48x1024xf32, #tpu.memory_space<hbm>>) dst(%dma_wait3A_424 : memref<48x1024xf32, #tpu.memory_space<vmem>>)
    %dma_wait3A_428 = arith.constant 0 : i32
    %dma_wait3A_429 = arith.constant 0 : i32
    %dma_wait3A_430 = tpu.memref_slice %arg9[%dma_wait3A_428, %dma_wait3A_429] : memref<48x1024xf32, #tpu.memory_space<vmem>> -> memref<32x1024xf32, #tpu.memory_space<vmem>>
    %dma_wait3A_431 = arith.constant 0 : i32
    %dma_wait3A_432 = arith.constant 0 : i32
    %dma_wait3A_433 = tpu.memref_slice %arg4[%dma_wait3A_431, %dma_wait3A_432] : memref<16384x1024xf32, #tpu.memory_space<hbm>> -> memref<32x1024xf32, #tpu.memory_space<hbm>>
    %dma_wait3A_434 = arith.constant 0 : i32
    %dma_wait3A_435 = arith.constant 0 : i32
    %dma_wait3A_436 = tpu.memref_slice %arg9[%dma_wait3A_434, %dma_wait3A_435] : memref<48x1024xf32, #tpu.memory_space<vmem>> -> memref<32x1024xf32, #tpu.memory_space<vmem>>
    %dma_wait3A_437 = arith.constant 0 : i32
    %dma_wait3A_438 = arith.constant 0 : i32
    %dma_wait3A_439 = tpu.memref_slice %arg4[%dma_wait3A_437, %dma_wait3A_438] : memref<16384x1024xf32, #tpu.memory_space<hbm>> -> memref<32x1024xf32, #tpu.memory_space<hbm>>
    tpu.wait_dma2 semaphore(%arg12 : memref<!tpu.dma_semaphore, #tpu.memory_space<semaphore_mem>>) src(%dma_wait3A_439 : memref<32x1024xf32, #tpu.memory_space<hbm>>) dst(%dma_wait3A_436 : memref<32x1024xf32, #tpu.memory_space<vmem>>)
    %dma_wait3A_440 = arith.constant 0 : i32
    %dma_wait3A_441 = arith.constant 0 : i32
    %dma_wait3A_442 = tpu.memref_slice %arg9[%dma_wait3A_440, %dma_wait3A_441] : memref<48x1024xf32, #tpu.memory_space<vmem>> -> memref<32x1024xf32, #tpu.memory_space<vmem>>
    %dma_wait3A_443 = arith.constant 0 : i32
    %dma_wait3A_444 = arith.constant 0 : i32
    %dma_wait3A_445 = tpu.memref_slice %arg4[%dma_wait3A_443, %dma_wait3A_444] : memref<16384x1024xf32, #tpu.memory_space<hbm>> -> memref<32x1024xf32, #tpu.memory_space<hbm>>
    %dma_wait3A_446 = arith.constant 0 : i32
    %dma_wait3A_447 = arith.constant 0 : i32
    %dma_wait3A_448 = tpu.memref_slice %arg9[%dma_wait3A_446, %dma_wait3A_447] : memref<48x1024xf32, #tpu.memory_space<vmem>> -> memref<32x1024xf32, #tpu.memory_space<vmem>>
    %dma_wait3A_449 = arith.constant 0 : i32
    %dma_wait3A_450 = arith.constant 0 : i32
    %dma_wait3A_451 = tpu.memref_slice %arg4[%dma_wait3A_449, %dma_wait3A_450] : memref<16384x1024xf32, #tpu.memory_space<hbm>> -> memref<32x1024xf32, #tpu.memory_space<hbm>>
    tpu.wait_dma2 semaphore(%arg12 : memref<!tpu.dma_semaphore, #tpu.memory_space<semaphore_mem>>) src(%dma_wait3A_451 : memref<32x1024xf32, #tpu.memory_space<hbm>>) dst(%dma_wait3A_448 : memref<32x1024xf32, #tpu.memory_space<vmem>>)
    %dma_wait3A_452 = arith.constant 0 : i32
    %dma_wait3A_453 = arith.constant 0 : i32
    %dma_wait3A_454 = tpu.memref_slice %arg9[%dma_wait3A_452, %dma_wait3A_453] : memref<48x1024xf32, #tpu.memory_space<vmem>> -> memref<32x1024xf32, #tpu.memory_space<vmem>>
    %dma_wait3A_455 = arith.constant 0 : i32
    %dma_wait3A_456 = arith.constant 0 : i32
    %dma_wait3A_457 = tpu.memref_slice %arg4[%dma_wait3A_455, %dma_wait3A_456] : memref<16384x1024xf32, #tpu.memory_space<hbm>> -> memref<32x1024xf32, #tpu.memory_space<hbm>>
    %dma_wait3A_458 = arith.constant 0 : i32
    %dma_wait3A_459 = arith.constant 0 : i32
    %dma_wait3A_460 = tpu.memref_slice %arg9[%dma_wait3A_458, %dma_wait3A_459] : memref<48x1024xf32, #tpu.memory_space<vmem>> -> memref<32x1024xf32, #tpu.memory_space<vmem>>
    %dma_wait3A_461 = arith.constant 0 : i32
    %dma_wait3A_462 = arith.constant 0 : i32
    %dma_wait3A_463 = tpu.memref_slice %arg4[%dma_wait3A_461, %dma_wait3A_462] : memref<16384x1024xf32, #tpu.memory_space<hbm>> -> memref<32x1024xf32, #tpu.memory_space<hbm>>
    tpu.wait_dma2 semaphore(%arg12 : memref<!tpu.dma_semaphore, #tpu.memory_space<semaphore_mem>>) src(%dma_wait3A_463 : memref<32x1024xf32, #tpu.memory_space<hbm>>) dst(%dma_wait3A_460 : memref<32x1024xf32, #tpu.memory_space<vmem>>)
    %dma_wait3A_464 = arith.constant 0 : i32
    %dma_wait3A_465 = arith.constant 0 : i32
    %dma_wait3A_466 = tpu.memref_slice %arg9[%dma_wait3A_464, %dma_wait3A_465] : memref<48x1024xf32, #tpu.memory_space<vmem>> -> memref<32x1024xf32, #tpu.memory_space<vmem>>
    %dma_wait3A_467 = arith.constant 0 : i32
    %dma_wait3A_468 = arith.constant 0 : i32
    %dma_wait3A_469 = tpu.memref_slice %arg4[%dma_wait3A_467, %dma_wait3A_468] : memref<16384x1024xf32, #tpu.memory_space<hbm>> -> memref<32x1024xf32, #tpu.memory_space<hbm>>
    %dma_wait3A_470 = arith.constant 0 : i32
    %dma_wait3A_471 = arith.constant 0 : i32
    %dma_wait3A_472 = tpu.memref_slice %arg9[%dma_wait3A_470, %dma_wait3A_471] : memref<48x1024xf32, #tpu.memory_space<vmem>> -> memref<32x1024xf32, #tpu.memory_space<vmem>>
    %dma_wait3A_473 = arith.constant 0 : i32
    %dma_wait3A_474 = arith.constant 0 : i32
    %dma_wait3A_475 = tpu.memref_slice %arg4[%dma_wait3A_473, %dma_wait3A_474] : memref<16384x1024xf32, #tpu.memory_space<hbm>> -> memref<32x1024xf32, #tpu.memory_space<hbm>>
    tpu.wait_dma2 semaphore(%arg12 : memref<!tpu.dma_semaphore, #tpu.memory_space<semaphore_mem>>) src(%dma_wait3A_475 : memref<32x1024xf32, #tpu.memory_space<hbm>>) dst(%dma_wait3A_472 : memref<32x1024xf32, #tpu.memory_space<vmem>>)
    %dma_wait3A_476 = arith.constant 0 : i32
    %dma_wait3A_477 = arith.constant 0 : i32
    %dma_wait3A_478 = tpu.memref_slice %arg5[%dma_wait3A_477] : memref<512xi32, #tpu.memory_space<vmem>> -> memref<128xi32, #tpu.memory_space<vmem>>
    %dma_wait3A_479 = tpu.memref_slice %arg2[%dma_wait3A_476, %mul3A_2] : memref<4x4096xi32, #tpu.memory_space<hbm>> -> memref<1x128xi32, #tpu.memory_space<hbm>>
    %dma_wait3A_480 = tpu.memref_squeeze %dma_wait3A_479 : memref<1x128xi32, #tpu.memory_space<hbm>> -> memref<128xi32, #tpu.memory_space<hbm>>
    %dma_wait3A_481 = arith.constant 0 : i32
    %dma_wait3A_482 = tpu.memref_slice %arg5[%dma_wait3A_481] : memref<512xi32, #tpu.memory_space<vmem>> -> memref<128xi32, #tpu.memory_space<vmem>>
    %dma_wait3A_483 = tpu.memref_slice %arg2[%dma_wait3A_476, %mul3A_2] : memref<4x4096xi32, #tpu.memory_space<hbm>> -> memref<1x128xi32, #tpu.memory_space<hbm>>
    %dma_wait3A_484 = tpu.memref_squeeze %dma_wait3A_483 : memref<1x128xi32, #tpu.memory_space<hbm>> -> memref<128xi32, #tpu.memory_space<hbm>>
    tpu.wait_dma2 semaphore(%arg14 : memref<!tpu.dma_semaphore, #tpu.memory_space<semaphore_mem>>) src(%dma_wait3A_484 : memref<128xi32, #tpu.memory_space<hbm>>) dst(%dma_wait3A_482 : memref<128xi32, #tpu.memory_space<vmem>>)
    %dma_wait3A_485 = arith.constant 1 : i32
    %dma_wait3A_486 = arith.constant 128 : i32
    %dma_wait3A_487 = tpu.memref_slice %arg5[%dma_wait3A_486] : memref<512xi32, #tpu.memory_space<vmem>> -> memref<128xi32, #tpu.memory_space<vmem>>
    %dma_wait3A_488 = tpu.memref_slice %arg2[%dma_wait3A_485, %mul3A_2] : memref<4x4096xi32, #tpu.memory_space<hbm>> -> memref<1x128xi32, #tpu.memory_space<hbm>>
    %dma_wait3A_489 = tpu.memref_squeeze %dma_wait3A_488 : memref<1x128xi32, #tpu.memory_space<hbm>> -> memref<128xi32, #tpu.memory_space<hbm>>
    %dma_wait3A_490 = arith.constant 128 : i32
    %dma_wait3A_491 = tpu.memref_slice %arg5[%dma_wait3A_490] : memref<512xi32, #tpu.memory_space<vmem>> -> memref<128xi32, #tpu.memory_space<vmem>>
    %dma_wait3A_492 = tpu.memref_slice %arg2[%dma_wait3A_485, %mul3A_2] : memref<4x4096xi32, #tpu.memory_space<hbm>> -> memref<1x128xi32, #tpu.memory_space<hbm>>
    %dma_wait3A_493 = tpu.memref_squeeze %dma_wait3A_492 : memref<1x128xi32, #tpu.memory_space<hbm>> -> memref<128xi32, #tpu.memory_space<hbm>>
    tpu.wait_dma2 semaphore(%arg14 : memref<!tpu.dma_semaphore, #tpu.memory_space<semaphore_mem>>) src(%dma_wait3A_493 : memref<128xi32, #tpu.memory_space<hbm>>) dst(%dma_wait3A_491 : memref<128xi32, #tpu.memory_space<vmem>>)
    %dma_wait3A_494 = arith.constant 2 : i32
    %dma_wait3A_495 = arith.constant 256 : i32
    %dma_wait3A_496 = tpu.memref_slice %arg5[%dma_wait3A_495] : memref<512xi32, #tpu.memory_space<vmem>> -> memref<128xi32, #tpu.memory_space<vmem>>
    %dma_wait3A_497 = tpu.memref_slice %arg2[%dma_wait3A_494, %mul3A_2] : memref<4x4096xi32, #tpu.memory_space<hbm>> -> memref<1x128xi32, #tpu.memory_space<hbm>>
    %dma_wait3A_498 = tpu.memref_squeeze %dma_wait3A_497 : memref<1x128xi32, #tpu.memory_space<hbm>> -> memref<128xi32, #tpu.memory_space<hbm>>
    %dma_wait3A_499 = arith.constant 256 : i32
    %dma_wait3A_500 = tpu.memref_slice %arg5[%dma_wait3A_499] : memref<512xi32, #tpu.memory_space<vmem>> -> memref<128xi32, #tpu.memory_space<vmem>>
    %dma_wait3A_501 = tpu.memref_slice %arg2[%dma_wait3A_494, %mul3A_2] : memref<4x4096xi32, #tpu.memory_space<hbm>> -> memref<1x128xi32, #tpu.memory_space<hbm>>
    %dma_wait3A_502 = tpu.memref_squeeze %dma_wait3A_501 : memref<1x128xi32, #tpu.memory_space<hbm>> -> memref<128xi32, #tpu.memory_space<hbm>>
    tpu.wait_dma2 semaphore(%arg14 : memref<!tpu.dma_semaphore, #tpu.memory_space<semaphore_mem>>) src(%dma_wait3A_502 : memref<128xi32, #tpu.memory_space<hbm>>) dst(%dma_wait3A_500 : memref<128xi32, #tpu.memory_space<vmem>>)
    %dma_wait3A_503 = arith.constant 3 : i32
    %dma_wait3A_504 = arith.constant 384 : i32
    %dma_wait3A_505 = tpu.memref_slice %arg5[%dma_wait3A_504] : memref<512xi32, #tpu.memory_space<vmem>> -> memref<128xi32, #tpu.memory_space<vmem>>
    %dma_wait3A_506 = tpu.memref_slice %arg2[%dma_wait3A_503, %mul3A_2] : memref<4x4096xi32, #tpu.memory_space<hbm>> -> memref<1x128xi32, #tpu.memory_space<hbm>>
    %dma_wait3A_507 = tpu.memref_squeeze %dma_wait3A_506 : memref<1x128xi32, #tpu.memory_space<hbm>> -> memref<128xi32, #tpu.memory_space<hbm>>
    %dma_wait3A_508 = arith.constant 384 : i32
    %dma_wait3A_509 = tpu.memref_slice %arg5[%dma_wait3A_508] : memref<512xi32, #tpu.memory_space<vmem>> -> memref<128xi32, #tpu.memory_space<vmem>>
    %dma_wait3A_510 = tpu.memref_slice %arg2[%dma_wait3A_503, %mul3A_2] : memref<4x4096xi32, #tpu.memory_space<hbm>> -> memref<1x128xi32, #tpu.memory_space<hbm>>
    %dma_wait3A_511 = tpu.memref_squeeze %dma_wait3A_510 : memref<1x128xi32, #tpu.memory_space<hbm>> -> memref<128xi32, #tpu.memory_space<hbm>>
    tpu.wait_dma2 semaphore(%arg14 : memref<!tpu.dma_semaphore, #tpu.memory_space<semaphore_mem>>) src(%dma_wait3A_511 : memref<128xi32, #tpu.memory_space<hbm>>) dst(%dma_wait3A_509 : memref<128xi32, #tpu.memory_space<vmem>>)
    %broadcast_in_dim3A = arith.constant 0 : i32
    %broadcast_in_dim3A_512 = vector.broadcast %broadcast_in_dim3A : i32 to vector<16xi32>
    %get3A = arith.constant 0 : index
    %get3A_513 = tpu.vector_load %arg5[%get3A] {strides = array<i32>} : memref<512xi32, #tpu.memory_space<vmem>>, vector<16xi32>,
    %get3A_514 = vector.shape_cast %get3A_513 : vector<16xi32> to vector<16xi32>
    %eq3A = arith.constant 0 : i32
    %eq3A_515 = vector.broadcast %eq3A : i32 to vector<16xi32>
    %eq3A_516 = arith.cmpi eq, %get3A_514, %eq3A_515 : vector<16xi32>
    %shift_left3A = arith.constant 1 : i32
    %shift_left3A_517 = arith.constant 0 : i32
    %shift_left3A_518 = arith.shli %shift_left3A, %shift_left3A_517 : i32
    %jit3A = arith.constant 0 : i32
    %broadcast_in_dim3A_519 = vector.broadcast %shift_left3A_518 : i32 to vector<16xi32>
    %broadcast_in_dim3A_520 = vector.broadcast %jit3A : i32 to vector<16xi32>
    %select_n3A = arith.select %eq3A_516, %broadcast_in_dim3A_519, %broadcast_in_dim3A_520 : vector<16xi1>, vector<16xi32>
    %or3A = arith.ori %broadcast_in_dim3A_512, %select_n3A : vector<16xi32>
    %get3A_521 = arith.constant 16 : index
    %get3A_522 = tpu.vector_load %arg5[%get3A_521] {strides = array<i32>} : memref<512xi32, #tpu.memory_space<vmem>>, vector<16xi32>,
    %get3A_523 = vector.shape_cast %get3A_522 : vector<16xi32> to vector<16xi32>
    %eq3A_524 = arith.constant 0 : i32
    %eq3A_525 = vector.broadcast %eq3A_524 : i32 to vector<16xi32>
    %eq3A_526 = arith.cmpi eq, %get3A_523, %eq3A_525 : vector<16xi32>
    %shift_left3A_527 = arith.constant 1 : i32
    %shift_left3A_528 = arith.constant 1 : i32
    %shift_left3A_529 = arith.shli %shift_left3A_527, %shift_left3A_528 : i32
    %jit3A_530 = arith.constant 0 : i32
    %broadcast_in_dim3A_531 = vector.broadcast %shift_left3A_529 : i32 to vector<16xi32>
    %broadcast_in_dim3A_532 = vector.broadcast %jit3A_530 : i32 to vector<16xi32>
    %select_n3A_533 = arith.select %eq3A_526, %broadcast_in_dim3A_531, %broadcast_in_dim3A_532 : vector<16xi1>, vector<16xi32>
    %or3A_534 = arith.ori %or3A, %select_n3A_533 : vector<16xi32>
    %get3A_535 = arith.constant 32 : index
    %get3A_536 = tpu.vector_load %arg5[%get3A_535] {strides = array<i32>} : memref<512xi32, #tpu.memory_space<vmem>>, vector<16xi32>,
    %get3A_537 = vector.shape_cast %get3A_536 : vector<16xi32> to vector<16xi32>
    %eq3A_538 = arith.constant 0 : i32
    %eq3A_539 = vector.broadcast %eq3A_538 : i32 to vector<16xi32>
    %eq3A_540 = arith.cmpi eq, %get3A_537, %eq3A_539 : vector<16xi32>
    %shift_left3A_541 = arith.constant 1 : i32
    %shift_left3A_542 = arith.constant 2 : i32
    %shift_left3A_543 = arith.shli %shift_left3A_541, %shift_left3A_542 : i32
    %jit3A_544 = arith.constant 0 : i32
    %broadcast_in_dim3A_545 = vector.broadcast %shift_left3A_543 : i32 to vector<16xi32>
    %broadcast_in_dim3A_546 = vector.broadcast %jit3A_544 : i32 to vector<16xi32>
    %select_n3A_547 = arith.select %eq3A_540, %broadcast_in_dim3A_545, %broadcast_in_dim3A_546 : vector<16xi1>, vector<16xi32>
    %or3A_548 = arith.ori %or3A_534, %select_n3A_547 : vector<16xi32>
    %get3A_549 = arith.constant 48 : index
    %get3A_550 = tpu.vector_load %arg5[%get3A_549] {strides = array<i32>} : memref<512xi32, #tpu.memory_space<vmem>>, vector<16xi32>,
    %get3A_551 = vector.shape_cast %get3A_550 : vector<16xi32> to vector<16xi32>
    %eq3A_552 = arith.constant 0 : i32
    %eq3A_553 = vector.broadcast %eq3A_552 : i32 to vector<16xi32>
    %eq3A_554 = arith.cmpi eq, %get3A_551, %eq3A_553 : vector<16xi32>
    %shift_left3A_555 = arith.constant 1 : i32
    %shift_left3A_556 = arith.constant 3 : i32
    %shift_left3A_557 = arith.shli %shift_left3A_555, %shift_left3A_556 : i32
    %jit3A_558 = arith.constant 0 : i32
    %broadcast_in_dim3A_559 = vector.broadcast %shift_left3A_557 : i32 to vector<16xi32>
    %broadcast_in_dim3A_560 = vector.broadcast %jit3A_558 : i32 to vector<16xi32>
    %select_n3A_561 = arith.select %eq3A_554, %broadcast_in_dim3A_559, %broadcast_in_dim3A_560 : vector<16xi1>, vector<16xi32>
    %or3A_562 = arith.ori %or3A_548, %select_n3A_561 : vector<16xi32>
    %get3A_563 = arith.constant 64 : index
    %get3A_564 = tpu.vector_load %arg5[%get3A_563] {strides = array<i32>} : memref<512xi32, #tpu.memory_space<vmem>>, vector<16xi32>,
    %get3A_565 = vector.shape_cast %get3A_564 : vector<16xi32> to vector<16xi32>
    %eq3A_566 = arith.constant 0 : i32
    %eq3A_567 = vector.broadcast %eq3A_566 : i32 to vector<16xi32>
    %eq3A_568 = arith.cmpi eq, %get3A_565, %eq3A_567 : vector<16xi32>
    %shift_left3A_569 = arith.constant 1 : i32
    %shift_left3A_570 = arith.constant 4 : i32
    %shift_left3A_571 = arith.shli %shift_left3A_569, %shift_left3A_570 : i32
    %jit3A_572 = arith.constant 0 : i32
    %broadcast_in_dim3A_573 = vector.broadcast %shift_left3A_571 : i32 to vector<16xi32>
    %broadcast_in_dim3A_574 = vector.broadcast %jit3A_572 : i32 to vector<16xi32>
    %select_n3A_575 = arith.select %eq3A_568, %broadcast_in_dim3A_573, %broadcast_in_dim3A_574 : vector<16xi1>, vector<16xi32>
    %or3A_576 = arith.ori %or3A_562, %select_n3A_575 : vector<16xi32>
    %get3A_577 = arith.constant 80 : index
    %get3A_578 = tpu.vector_load %arg5[%get3A_577] {strides = array<i32>} : memref<512xi32, #tpu.memory_space<vmem>>, vector<16xi32>,
    %get3A_579 = vector.shape_cast %get3A_578 : vector<16xi32> to vector<16xi32>
    %eq3A_580 = arith.constant 0 : i32
    %eq3A_581 = vector.broadcast %eq3A_580 : i32 to vector<16xi32>
    %eq3A_582 = arith.cmpi eq, %get3A_579, %eq3A_581 : vector<16xi32>
    %shift_left3A_583 = arith.constant 1 : i32
    %shift_left3A_584 = arith.constant 5 : i32
    %shift_left3A_585 = arith.shli %shift_left3A_583, %shift_left3A_584 : i32
    %jit3A_586 = arith.constant 0 : i32
    %broadcast_in_dim3A_587 = vector.broadcast %shift_left3A_585 : i32 to vector<16xi32>
    %broadcast_in_dim3A_588 = vector.broadcast %jit3A_586 : i32 to vector<16xi32>
    %select_n3A_589 = arith.select %eq3A_582, %broadcast_in_dim3A_587, %broadcast_in_dim3A_588 : vector<16xi1>, vector<16xi32>
    %or3A_590 = arith.ori %or3A_576, %select_n3A_589 : vector<16xi32>
    %get3A_591 = arith.constant 96 : index
    %get3A_592 = tpu.vector_load %arg5[%get3A_591] {strides = array<i32>} : memref<512xi32, #tpu.memory_space<vmem>>, vector<16xi32>,
    %get3A_593 = vector.shape_cast %get3A_592 : vector<16xi32> to vector<16xi32>
    %eq3A_594 = arith.constant 0 : i32
    %eq3A_595 = vector.broadcast %eq3A_594 : i32 to vector<16xi32>
    %eq3A_596 = arith.cmpi eq, %get3A_593, %eq3A_595 : vector<16xi32>
    %shift_left3A_597 = arith.constant 1 : i32
    %shift_left3A_598 = arith.constant 6 : i32
    %shift_left3A_599 = arith.shli %shift_left3A_597, %shift_left3A_598 : i32
    %jit3A_600 = arith.constant 0 : i32
    %broadcast_in_dim3A_601 = vector.broadcast %shift_left3A_599 : i32 to vector<16xi32>
    %broadcast_in_dim3A_602 = vector.broadcast %jit3A_600 : i32 to vector<16xi32>
    %select_n3A_603 = arith.select %eq3A_596, %broadcast_in_dim3A_601, %broadcast_in_dim3A_602 : vector<16xi1>, vector<16xi32>
    %or3A_604 = arith.ori %or3A_590, %select_n3A_603 : vector<16xi32>
    %get3A_605 = arith.constant 112 : index
    %get3A_606 = tpu.vector_load %arg5[%get3A_605] {strides = array<i32>} : memref<512xi32, #tpu.memory_space<vmem>>, vector<16xi32>,
    %get3A_607 = vector.shape_cast %get3A_606 : vector<16xi32> to vector<16xi32>
    %eq3A_608 = arith.constant 0 : i32
    %eq3A_609 = vector.broadcast %eq3A_608 : i32 to vector<16xi32>
    %eq3A_610 = arith.cmpi eq, %get3A_607, %eq3A_609 : vector<16xi32>
    %shift_left3A_611 = arith.constant 1 : i32
    %shift_left3A_612 = arith.constant 7 : i32
    %shift_left3A_613 = arith.shli %shift_left3A_611, %shift_left3A_612 : i32
    %jit3A_614 = arith.constant 0 : i32
    %broadcast_in_dim3A_615 = vector.broadcast %shift_left3A_613 : i32 to vector<16xi32>
    %broadcast_in_dim3A_616 = vector.broadcast %jit3A_614 : i32 to vector<16xi32>
    %select_n3A_617 = arith.select %eq3A_610, %broadcast_in_dim3A_615, %broadcast_in_dim3A_616 : vector<16xi1>, vector<16xi32>
    %or3A_618 = arith.ori %or3A_604, %select_n3A_617 : vector<16xi32>
    %get3A_619 = arith.constant 128 : index
    %get3A_620 = tpu.vector_load %arg5[%get3A_619] {strides = array<i32>} : memref<512xi32, #tpu.memory_space<vmem>>, vector<16xi32>,
    %get3A_621 = vector.shape_cast %get3A_620 : vector<16xi32> to vector<16xi32>
    %eq3A_622 = arith.constant 0 : i32
    %eq3A_623 = vector.broadcast %eq3A_622 : i32 to vector<16xi32>
    %eq3A_624 = arith.cmpi eq, %get3A_621, %eq3A_623 : vector<16xi32>
    %shift_left3A_625 = arith.constant 1 : i32
    %shift_left3A_626 = arith.constant 8 : i32
    %shift_left3A_627 = arith.shli %shift_left3A_625, %shift_left3A_626 : i32
    %jit3A_628 = arith.constant 0 : i32
    %broadcast_in_dim3A_629 = vector.broadcast %shift_left3A_627 : i32 to vector<16xi32>
    %broadcast_in_dim3A_630 = vector.broadcast %jit3A_628 : i32 to vector<16xi32>
    %select_n3A_631 = arith.select %eq3A_624, %broadcast_in_dim3A_629, %broadcast_in_dim3A_630 : vector<16xi1>, vector<16xi32>
    %or3A_632 = arith.ori %or3A_618, %select_n3A_631 : vector<16xi32>
    %get3A_633 = arith.constant 144 : index
    %get3A_634 = tpu.vector_load %arg5[%get3A_633] {strides = array<i32>} : memref<512xi32, #tpu.memory_space<vmem>>, vector<16xi32>,
    %get3A_635 = vector.shape_cast %get3A_634 : vector<16xi32> to vector<16xi32>
    %eq3A_636 = arith.constant 0 : i32
    %eq3A_637 = vector.broadcast %eq3A_636 : i32 to vector<16xi32>
    %eq3A_638 = arith.cmpi eq, %get3A_635, %eq3A_637 : vector<16xi32>
    %shift_left3A_639 = arith.constant 1 : i32
    %shift_left3A_640 = arith.constant 9 : i32
    %shift_left3A_641 = arith.shli %shift_left3A_639, %shift_left3A_640 : i32
    %jit3A_642 = arith.constant 0 : i32
    %broadcast_in_dim3A_643 = vector.broadcast %shift_left3A_641 : i32 to vector<16xi32>
    %broadcast_in_dim3A_644 = vector.broadcast %jit3A_642 : i32 to vector<16xi32>
    %select_n3A_645 = arith.select %eq3A_638, %broadcast_in_dim3A_643, %broadcast_in_dim3A_644 : vector<16xi1>, vector<16xi32>
    %or3A_646 = arith.ori %or3A_632, %select_n3A_645 : vector<16xi32>
    %get3A_647 = arith.constant 160 : index
    %get3A_648 = tpu.vector_load %arg5[%get3A_647] {strides = array<i32>} : memref<512xi32, #tpu.memory_space<vmem>>, vector<16xi32>,
    %get3A_649 = vector.shape_cast %get3A_648 : vector<16xi32> to vector<16xi32>
    %eq3A_650 = arith.constant 0 : i32
    %eq3A_651 = vector.broadcast %eq3A_650 : i32 to vector<16xi32>
    %eq3A_652 = arith.cmpi eq, %get3A_649, %eq3A_651 : vector<16xi32>
    %shift_left3A_653 = arith.constant 1 : i32
    %shift_left3A_654 = arith.constant 10 : i32
    %shift_left3A_655 = arith.shli %shift_left3A_653, %shift_left3A_654 : i32
    %jit3A_656 = arith.constant 0 : i32
    %broadcast_in_dim3A_657 = vector.broadcast %shift_left3A_655 : i32 to vector<16xi32>
    %broadcast_in_dim3A_658 = vector.broadcast %jit3A_656 : i32 to vector<16xi32>
    %select_n3A_659 = arith.select %eq3A_652, %broadcast_in_dim3A_657, %broadcast_in_dim3A_658 : vector<16xi1>, vector<16xi32>
    %or3A_660 = arith.ori %or3A_646, %select_n3A_659 : vector<16xi32>
    %get3A_661 = arith.constant 176 : index
    %get3A_662 = tpu.vector_load %arg5[%get3A_661] {strides = array<i32>} : memref<512xi32, #tpu.memory_space<vmem>>, vector<16xi32>,
    %get3A_663 = vector.shape_cast %get3A_662 : vector<16xi32> to vector<16xi32>
    %eq3A_664 = arith.constant 0 : i32
    %eq3A_665 = vector.broadcast %eq3A_664 : i32 to vector<16xi32>
    %eq3A_666 = arith.cmpi eq, %get3A_663, %eq3A_665 : vector<16xi32>
    %shift_left3A_667 = arith.constant 1 : i32
    %shift_left3A_668 = arith.constant 11 : i32
    %shift_left3A_669 = arith.shli %shift_left3A_667, %shift_left3A_668 : i32
    %jit3A_670 = arith.constant 0 : i32
    %broadcast_in_dim3A_671 = vector.broadcast %shift_left3A_669 : i32 to vector<16xi32>
    %broadcast_in_dim3A_672 = vector.broadcast %jit3A_670 : i32 to vector<16xi32>
    %select_n3A_673 = arith.select %eq3A_666, %broadcast_in_dim3A_671, %broadcast_in_dim3A_672 : vector<16xi1>, vector<16xi32>
    %or3A_674 = arith.ori %or3A_660, %select_n3A_673 : vector<16xi32>
    %get3A_675 = arith.constant 192 : index
    %get3A_676 = tpu.vector_load %arg5[%get3A_675] {strides = array<i32>} : memref<512xi32, #tpu.memory_space<vmem>>, vector<16xi32>,
    %get3A_677 = vector.shape_cast %get3A_676 : vector<16xi32> to vector<16xi32>
    %eq3A_678 = arith.constant 0 : i32
    %eq3A_679 = vector.broadcast %eq3A_678 : i32 to vector<16xi32>
    %eq3A_680 = arith.cmpi eq, %get3A_677, %eq3A_679 : vector<16xi32>
    %shift_left3A_681 = arith.constant 1 : i32
    %shift_left3A_682 = arith.constant 12 : i32
    %shift_left3A_683 = arith.shli %shift_left3A_681, %shift_left3A_682 : i32
    %jit3A_684 = arith.constant 0 : i32
    %broadcast_in_dim3A_685 = vector.broadcast %shift_left3A_683 : i32 to vector<16xi32>
    %broadcast_in_dim3A_686 = vector.broadcast %jit3A_684 : i32 to vector<16xi32>
    %select_n3A_687 = arith.select %eq3A_680, %broadcast_in_dim3A_685, %broadcast_in_dim3A_686 : vector<16xi1>, vector<16xi32>
    %or3A_688 = arith.ori %or3A_674, %select_n3A_687 : vector<16xi32>
    %get3A_689 = arith.constant 208 : index
    %get3A_690 = tpu.vector_load %arg5[%get3A_689] {strides = array<i32>} : memref<512xi32, #tpu.memory_space<vmem>>, vector<16xi32>,
    %get3A_691 = vector.shape_cast %get3A_690 : vector<16xi32> to vector<16xi32>
    %eq3A_692 = arith.constant 0 : i32
    %eq3A_693 = vector.broadcast %eq3A_692 : i32 to vector<16xi32>
    %eq3A_694 = arith.cmpi eq, %get3A_691, %eq3A_693 : vector<16xi32>
    %shift_left3A_695 = arith.constant 1 : i32
    %shift_left3A_696 = arith.constant 13 : i32
    %shift_left3A_697 = arith.shli %shift_left3A_695, %shift_left3A_696 : i32
    %jit3A_698 = arith.constant 0 : i32
    %broadcast_in_dim3A_699 = vector.broadcast %shift_left3A_697 : i32 to vector<16xi32>
    %broadcast_in_dim3A_700 = vector.broadcast %jit3A_698 : i32 to vector<16xi32>
    %select_n3A_701 = arith.select %eq3A_694, %broadcast_in_dim3A_699, %broadcast_in_dim3A_700 : vector<16xi1>, vector<16xi32>
    %or3A_702 = arith.ori %or3A_688, %select_n3A_701 : vector<16xi32>
    %get3A_703 = arith.constant 224 : index
    %get3A_704 = tpu.vector_load %arg5[%get3A_703] {strides = array<i32>} : memref<512xi32, #tpu.memory_space<vmem>>, vector<16xi32>,
    %get3A_705 = vector.shape_cast %get3A_704 : vector<16xi32> to vector<16xi32>
    %eq3A_706 = arith.constant 0 : i32
    %eq3A_707 = vector.broadcast %eq3A_706 : i32 to vector<16xi32>
    %eq3A_708 = arith.cmpi eq, %get3A_705, %eq3A_707 : vector<16xi32>
    %shift_left3A_709 = arith.constant 1 : i32
    %shift_left3A_710 = arith.constant 14 : i32
    %shift_left3A_711 = arith.shli %shift_left3A_709, %shift_left3A_710 : i32
    %jit3A_712 = arith.constant 0 : i32
    %broadcast_in_dim3A_713 = vector.broadcast %shift_left3A_711 : i32 to vector<16xi32>
    %broadcast_in_dim3A_714 = vector.broadcast %jit3A_712 : i32 to vector<16xi32>
    %select_n3A_715 = arith.select %eq3A_708, %broadcast_in_dim3A_713, %broadcast_in_dim3A_714 : vector<16xi1>, vector<16xi32>
    %or3A_716 = arith.ori %or3A_702, %select_n3A_715 : vector<16xi32>
    %get3A_717 = arith.constant 240 : index
    %get3A_718 = tpu.vector_load %arg5[%get3A_717] {strides = array<i32>} : memref<512xi32, #tpu.memory_space<vmem>>, vector<16xi32>,
    %get3A_719 = vector.shape_cast %get3A_718 : vector<16xi32> to vector<16xi32>
    %eq3A_720 = arith.constant 0 : i32
    %eq3A_721 = vector.broadcast %eq3A_720 : i32 to vector<16xi32>
    %eq3A_722 = arith.cmpi eq, %get3A_719, %eq3A_721 : vector<16xi32>
    %shift_left3A_723 = arith.constant 1 : i32
    %shift_left3A_724 = arith.constant 15 : i32
    %shift_left3A_725 = arith.shli %shift_left3A_723, %shift_left3A_724 : i32
    %jit3A_726 = arith.constant 0 : i32
    %broadcast_in_dim3A_727 = vector.broadcast %shift_left3A_725 : i32 to vector<16xi32>
    %broadcast_in_dim3A_728 = vector.broadcast %jit3A_726 : i32 to vector<16xi32>
    %select_n3A_729 = arith.select %eq3A_722, %broadcast_in_dim3A_727, %broadcast_in_dim3A_728 : vector<16xi1>, vector<16xi32>
    %or3A_730 = arith.ori %or3A_716, %select_n3A_729 : vector<16xi32>
    %get3A_731 = arith.constant 256 : index
    %get3A_732 = tpu.vector_load %arg5[%get3A_731] {strides = array<i32>} : memref<512xi32, #tpu.memory_space<vmem>>, vector<16xi32>,
    %get3A_733 = vector.shape_cast %get3A_732 : vector<16xi32> to vector<16xi32>
    %eq3A_734 = arith.constant 0 : i32
    %eq3A_735 = vector.broadcast %eq3A_734 : i32 to vector<16xi32>
    %eq3A_736 = arith.cmpi eq, %get3A_733, %eq3A_735 : vector<16xi32>
    %shift_left3A_737 = arith.constant 1 : i32
    %shift_left3A_738 = arith.constant 16 : i32
    %shift_left3A_739 = arith.shli %shift_left3A_737, %shift_left3A_738 : i32
    %jit3A_740 = arith.constant 0 : i32
    %broadcast_in_dim3A_741 = vector.broadcast %shift_left3A_739 : i32 to vector<16xi32>
    %broadcast_in_dim3A_742 = vector.broadcast %jit3A_740 : i32 to vector<16xi32>
    %select_n3A_743 = arith.select %eq3A_736, %broadcast_in_dim3A_741, %broadcast_in_dim3A_742 : vector<16xi1>, vector<16xi32>
    %or3A_744 = arith.ori %or3A_730, %select_n3A_743 : vector<16xi32>
    %get3A_745 = arith.constant 272 : index
    %get3A_746 = tpu.vector_load %arg5[%get3A_745] {strides = array<i32>} : memref<512xi32, #tpu.memory_space<vmem>>, vector<16xi32>,
    %get3A_747 = vector.shape_cast %get3A_746 : vector<16xi32> to vector<16xi32>
    %eq3A_748 = arith.constant 0 : i32
    %eq3A_749 = vector.broadcast %eq3A_748 : i32 to vector<16xi32>
    %eq3A_750 = arith.cmpi eq, %get3A_747, %eq3A_749 : vector<16xi32>
    %shift_left3A_751 = arith.constant 1 : i32
    %shift_left3A_752 = arith.constant 17 : i32
    %shift_left3A_753 = arith.shli %shift_left3A_751, %shift_left3A_752 : i32
    %jit3A_754 = arith.constant 0 : i32
    %broadcast_in_dim3A_755 = vector.broadcast %shift_left3A_753 : i32 to vector<16xi32>
    %broadcast_in_dim3A_756 = vector.broadcast %jit3A_754 : i32 to vector<16xi32>
    %select_n3A_757 = arith.select %eq3A_750, %broadcast_in_dim3A_755, %broadcast_in_dim3A_756 : vector<16xi1>, vector<16xi32>
    %or3A_758 = arith.ori %or3A_744, %select_n3A_757 : vector<16xi32>
    %get3A_759 = arith.constant 288 : index
    %get3A_760 = tpu.vector_load %arg5[%get3A_759] {strides = array<i32>} : memref<512xi32, #tpu.memory_space<vmem>>, vector<16xi32>,
    %get3A_761 = vector.shape_cast %get3A_760 : vector<16xi32> to vector<16xi32>
    %eq3A_762 = arith.constant 0 : i32
    %eq3A_763 = vector.broadcast %eq3A_762 : i32 to vector<16xi32>
    %eq3A_764 = arith.cmpi eq, %get3A_761, %eq3A_763 : vector<16xi32>
    %shift_left3A_765 = arith.constant 1 : i32
    %shift_left3A_766 = arith.constant 18 : i32
    %shift_left3A_767 = arith.shli %shift_left3A_765, %shift_left3A_766 : i32
    %jit3A_768 = arith.constant 0 : i32
    %broadcast_in_dim3A_769 = vector.broadcast %shift_left3A_767 : i32 to vector<16xi32>
    %broadcast_in_dim3A_770 = vector.broadcast %jit3A_768 : i32 to vector<16xi32>
    %select_n3A_771 = arith.select %eq3A_764, %broadcast_in_dim3A_769, %broadcast_in_dim3A_770 : vector<16xi1>, vector<16xi32>
    %or3A_772 = arith.ori %or3A_758, %select_n3A_771 : vector<16xi32>
    %get3A_773 = arith.constant 304 : index
    %get3A_774 = tpu.vector_load %arg5[%get3A_773] {strides = array<i32>} : memref<512xi32, #tpu.memory_space<vmem>>, vector<16xi32>,
    %get3A_775 = vector.shape_cast %get3A_774 : vector<16xi32> to vector<16xi32>
    %eq3A_776 = arith.constant 0 : i32
    %eq3A_777 = vector.broadcast %eq3A_776 : i32 to vector<16xi32>
    %eq3A_778 = arith.cmpi eq, %get3A_775, %eq3A_777 : vector<16xi32>
    %shift_left3A_779 = arith.constant 1 : i32
    %shift_left3A_780 = arith.constant 19 : i32
    %shift_left3A_781 = arith.shli %shift_left3A_779, %shift_left3A_780 : i32
    %jit3A_782 = arith.constant 0 : i32
    %broadcast_in_dim3A_783 = vector.broadcast %shift_left3A_781 : i32 to vector<16xi32>
    %broadcast_in_dim3A_784 = vector.broadcast %jit3A_782 : i32 to vector<16xi32>
    %select_n3A_785 = arith.select %eq3A_778, %broadcast_in_dim3A_783, %broadcast_in_dim3A_784 : vector<16xi1>, vector<16xi32>
    %or3A_786 = arith.ori %or3A_772, %select_n3A_785 : vector<16xi32>
    %get3A_787 = arith.constant 320 : index
    %get3A_788 = tpu.vector_load %arg5[%get3A_787] {strides = array<i32>} : memref<512xi32, #tpu.memory_space<vmem>>, vector<16xi32>,
    %get3A_789 = vector.shape_cast %get3A_788 : vector<16xi32> to vector<16xi32>
    %eq3A_790 = arith.constant 0 : i32
    %eq3A_791 = vector.broadcast %eq3A_790 : i32 to vector<16xi32>
    %eq3A_792 = arith.cmpi eq, %get3A_789, %eq3A_791 : vector<16xi32>
    %shift_left3A_793 = arith.constant 1 : i32
    %shift_left3A_794 = arith.constant 20 : i32
    %shift_left3A_795 = arith.shli %shift_left3A_793, %shift_left3A_794 : i32
    %jit3A_796 = arith.constant 0 : i32
    %broadcast_in_dim3A_797 = vector.broadcast %shift_left3A_795 : i32 to vector<16xi32>
    %broadcast_in_dim3A_798 = vector.broadcast %jit3A_796 : i32 to vector<16xi32>
    %select_n3A_799 = arith.select %eq3A_792, %broadcast_in_dim3A_797, %broadcast_in_dim3A_798 : vector<16xi1>, vector<16xi32>
    %or3A_800 = arith.ori %or3A_786, %select_n3A_799 : vector<16xi32>
    %get3A_801 = arith.constant 336 : index
    %get3A_802 = tpu.vector_load %arg5[%get3A_801] {strides = array<i32>} : memref<512xi32, #tpu.memory_space<vmem>>, vector<16xi32>,
    %get3A_803 = vector.shape_cast %get3A_802 : vector<16xi32> to vector<16xi32>
    %eq3A_804 = arith.constant 0 : i32
    %eq3A_805 = vector.broadcast %eq3A_804 : i32 to vector<16xi32>
    %eq3A_806 = arith.cmpi eq, %get3A_803, %eq3A_805 : vector<16xi32>
    %shift_left3A_807 = arith.constant 1 : i32
    %shift_left3A_808 = arith.constant 21 : i32
    %shift_left3A_809 = arith.shli %shift_left3A_807, %shift_left3A_808 : i32
    %jit3A_810 = arith.constant 0 : i32
    %broadcast_in_dim3A_811 = vector.broadcast %shift_left3A_809 : i32 to vector<16xi32>
    %broadcast_in_dim3A_812 = vector.broadcast %jit3A_810 : i32 to vector<16xi32>
    %select_n3A_813 = arith.select %eq3A_806, %broadcast_in_dim3A_811, %broadcast_in_dim3A_812 : vector<16xi1>, vector<16xi32>
    %or3A_814 = arith.ori %or3A_800, %select_n3A_813 : vector<16xi32>
    %get3A_815 = arith.constant 352 : index
    %get3A_816 = tpu.vector_load %arg5[%get3A_815] {strides = array<i32>} : memref<512xi32, #tpu.memory_space<vmem>>, vector<16xi32>,
    %get3A_817 = vector.shape_cast %get3A_816 : vector<16xi32> to vector<16xi32>
    %eq3A_818 = arith.constant 0 : i32
    %eq3A_819 = vector.broadcast %eq3A_818 : i32 to vector<16xi32>
    %eq3A_820 = arith.cmpi eq, %get3A_817, %eq3A_819 : vector<16xi32>
    %shift_left3A_821 = arith.constant 1 : i32
    %shift_left3A_822 = arith.constant 22 : i32
    %shift_left3A_823 = arith.shli %shift_left3A_821, %shift_left3A_822 : i32
    %jit3A_824 = arith.constant 0 : i32
    %broadcast_in_dim3A_825 = vector.broadcast %shift_left3A_823 : i32 to vector<16xi32>
    %broadcast_in_dim3A_826 = vector.broadcast %jit3A_824 : i32 to vector<16xi32>
    %select_n3A_827 = arith.select %eq3A_820, %broadcast_in_dim3A_825, %broadcast_in_dim3A_826 : vector<16xi1>, vector<16xi32>
    %or3A_828 = arith.ori %or3A_814, %select_n3A_827 : vector<16xi32>
    %get3A_829 = arith.constant 368 : index
    %get3A_830 = tpu.vector_load %arg5[%get3A_829] {strides = array<i32>} : memref<512xi32, #tpu.memory_space<vmem>>, vector<16xi32>,
    %get3A_831 = vector.shape_cast %get3A_830 : vector<16xi32> to vector<16xi32>
    %eq3A_832 = arith.constant 0 : i32
    %eq3A_833 = vector.broadcast %eq3A_832 : i32 to vector<16xi32>
    %eq3A_834 = arith.cmpi eq, %get3A_831, %eq3A_833 : vector<16xi32>
    %shift_left3A_835 = arith.constant 1 : i32
    %shift_left3A_836 = arith.constant 23 : i32
    %shift_left3A_837 = arith.shli %shift_left3A_835, %shift_left3A_836 : i32
    %jit3A_838 = arith.constant 0 : i32
    %broadcast_in_dim3A_839 = vector.broadcast %shift_left3A_837 : i32 to vector<16xi32>
    %broadcast_in_dim3A_840 = vector.broadcast %jit3A_838 : i32 to vector<16xi32>
    %select_n3A_841 = arith.select %eq3A_834, %broadcast_in_dim3A_839, %broadcast_in_dim3A_840 : vector<16xi1>, vector<16xi32>
    %or3A_842 = arith.ori %or3A_828, %select_n3A_841 : vector<16xi32>
    %get3A_843 = arith.constant 384 : index
    %get3A_844 = tpu.vector_load %arg5[%get3A_843] {strides = array<i32>} : memref<512xi32, #tpu.memory_space<vmem>>, vector<16xi32>,
    %get3A_845 = vector.shape_cast %get3A_844 : vector<16xi32> to vector<16xi32>
    %eq3A_846 = arith.constant 0 : i32
    %eq3A_847 = vector.broadcast %eq3A_846 : i32 to vector<16xi32>
    %eq3A_848 = arith.cmpi eq, %get3A_845, %eq3A_847 : vector<16xi32>
    %shift_left3A_849 = arith.constant 1 : i32
    %shift_left3A_850 = arith.constant 24 : i32
    %shift_left3A_851 = arith.shli %shift_left3A_849, %shift_left3A_850 : i32
    %jit3A_852 = arith.constant 0 : i32
    %broadcast_in_dim3A_853 = vector.broadcast %shift_left3A_851 : i32 to vector<16xi32>
    %broadcast_in_dim3A_854 = vector.broadcast %jit3A_852 : i32 to vector<16xi32>
    %select_n3A_855 = arith.select %eq3A_848, %broadcast_in_dim3A_853, %broadcast_in_dim3A_854 : vector<16xi1>, vector<16xi32>
    %or3A_856 = arith.ori %or3A_842, %select_n3A_855 : vector<16xi32>
    %get3A_857 = arith.constant 400 : index
    %get3A_858 = tpu.vector_load %arg5[%get3A_857] {strides = array<i32>} : memref<512xi32, #tpu.memory_space<vmem>>, vector<16xi32>,
    %get3A_859 = vector.shape_cast %get3A_858 : vector<16xi32> to vector<16xi32>
    %eq3A_860 = arith.constant 0 : i32
    %eq3A_861 = vector.broadcast %eq3A_860 : i32 to vector<16xi32>
    %eq3A_862 = arith.cmpi eq, %get3A_859, %eq3A_861 : vector<16xi32>
    %shift_left3A_863 = arith.constant 1 : i32
    %shift_left3A_864 = arith.constant 25 : i32
    %shift_left3A_865 = arith.shli %shift_left3A_863, %shift_left3A_864 : i32
    %jit3A_866 = arith.constant 0 : i32
    %broadcast_in_dim3A_867 = vector.broadcast %shift_left3A_865 : i32 to vector<16xi32>
    %broadcast_in_dim3A_868 = vector.broadcast %jit3A_866 : i32 to vector<16xi32>
    %select_n3A_869 = arith.select %eq3A_862, %broadcast_in_dim3A_867, %broadcast_in_dim3A_868 : vector<16xi1>, vector<16xi32>
    %or3A_870 = arith.ori %or3A_856, %select_n3A_869 : vector<16xi32>
    %get3A_871 = arith.constant 416 : index
    %get3A_872 = tpu.vector_load %arg5[%get3A_871] {strides = array<i32>} : memref<512xi32, #tpu.memory_space<vmem>>, vector<16xi32>,
    %get3A_873 = vector.shape_cast %get3A_872 : vector<16xi32> to vector<16xi32>
    %eq3A_874 = arith.constant 0 : i32
    %eq3A_875 = vector.broadcast %eq3A_874 : i32 to vector<16xi32>
    %eq3A_876 = arith.cmpi eq, %get3A_873, %eq3A_875 : vector<16xi32>
    %shift_left3A_877 = arith.constant 1 : i32
    %shift_left3A_878 = arith.constant 26 : i32
    %shift_left3A_879 = arith.shli %shift_left3A_877, %shift_left3A_878 : i32
    %jit3A_880 = arith.constant 0 : i32
    %broadcast_in_dim3A_881 = vector.broadcast %shift_left3A_879 : i32 to vector<16xi32>
    %broadcast_in_dim3A_882 = vector.broadcast %jit3A_880 : i32 to vector<16xi32>
    %select_n3A_883 = arith.select %eq3A_876, %broadcast_in_dim3A_881, %broadcast_in_dim3A_882 : vector<16xi1>, vector<16xi32>
    %or3A_884 = arith.ori %or3A_870, %select_n3A_883 : vector<16xi32>
    %get3A_885 = arith.constant 432 : index
    %get3A_886 = tpu.vector_load %arg5[%get3A_885] {strides = array<i32>} : memref<512xi32, #tpu.memory_space<vmem>>, vector<16xi32>,
    %get3A_887 = vector.shape_cast %get3A_886 : vector<16xi32> to vector<16xi32>
    %eq3A_888 = arith.constant 0 : i32
    %eq3A_889 = vector.broadcast %eq3A_888 : i32 to vector<16xi32>
    %eq3A_890 = arith.cmpi eq, %get3A_887, %eq3A_889 : vector<16xi32>
    %shift_left3A_891 = arith.constant 1 : i32
    %shift_left3A_892 = arith.constant 27 : i32
    %shift_left3A_893 = arith.shli %shift_left3A_891, %shift_left3A_892 : i32
    %jit3A_894 = arith.constant 0 : i32
    %broadcast_in_dim3A_895 = vector.broadcast %shift_left3A_893 : i32 to vector<16xi32>
    %broadcast_in_dim3A_896 = vector.broadcast %jit3A_894 : i32 to vector<16xi32>
    %select_n3A_897 = arith.select %eq3A_890, %broadcast_in_dim3A_895, %broadcast_in_dim3A_896 : vector<16xi1>, vector<16xi32>
    %or3A_898 = arith.ori %or3A_884, %select_n3A_897 : vector<16xi32>
    %get3A_899 = arith.constant 448 : index
    %get3A_900 = tpu.vector_load %arg5[%get3A_899] {strides = array<i32>} : memref<512xi32, #tpu.memory_space<vmem>>, vector<16xi32>,
    %get3A_901 = vector.shape_cast %get3A_900 : vector<16xi32> to vector<16xi32>
    %eq3A_902 = arith.constant 0 : i32
    %eq3A_903 = vector.broadcast %eq3A_902 : i32 to vector<16xi32>
    %eq3A_904 = arith.cmpi eq, %get3A_901, %eq3A_903 : vector<16xi32>
    %shift_left3A_905 = arith.constant 1 : i32
    %shift_left3A_906 = arith.constant 28 : i32
    %shift_left3A_907 = arith.shli %shift_left3A_905, %shift_left3A_906 : i32
    %jit3A_908 = arith.constant 0 : i32
    %broadcast_in_dim3A_909 = vector.broadcast %shift_left3A_907 : i32 to vector<16xi32>
    %broadcast_in_dim3A_910 = vector.broadcast %jit3A_908 : i32 to vector<16xi32>
    %select_n3A_911 = arith.select %eq3A_904, %broadcast_in_dim3A_909, %broadcast_in_dim3A_910 : vector<16xi1>, vector<16xi32>
    %or3A_912 = arith.ori %or3A_898, %select_n3A_911 : vector<16xi32>
    %get3A_913 = arith.constant 464 : index
    %get3A_914 = tpu.vector_load %arg5[%get3A_913] {strides = array<i32>} : memref<512xi32, #tpu.memory_space<vmem>>, vector<16xi32>,
    %get3A_915 = vector.shape_cast %get3A_914 : vector<16xi32> to vector<16xi32>
    %eq3A_916 = arith.constant 0 : i32
    %eq3A_917 = vector.broadcast %eq3A_916 : i32 to vector<16xi32>
    %eq3A_918 = arith.cmpi eq, %get3A_915, %eq3A_917 : vector<16xi32>
    %shift_left3A_919 = arith.constant 1 : i32
    %shift_left3A_920 = arith.constant 29 : i32
    %shift_left3A_921 = arith.shli %shift_left3A_919, %shift_left3A_920 : i32
    %jit3A_922 = arith.constant 0 : i32
    %broadcast_in_dim3A_923 = vector.broadcast %shift_left3A_921 : i32 to vector<16xi32>
    %broadcast_in_dim3A_924 = vector.broadcast %jit3A_922 : i32 to vector<16xi32>
    %select_n3A_925 = arith.select %eq3A_918, %broadcast_in_dim3A_923, %broadcast_in_dim3A_924 : vector<16xi1>, vector<16xi32>
    %or3A_926 = arith.ori %or3A_912, %select_n3A_925 : vector<16xi32>
    %get3A_927 = arith.constant 480 : index
    %get3A_928 = tpu.vector_load %arg5[%get3A_927] {strides = array<i32>} : memref<512xi32, #tpu.memory_space<vmem>>, vector<16xi32>,
    %get3A_929 = vector.shape_cast %get3A_928 : vector<16xi32> to vector<16xi32>
    %eq3A_930 = arith.constant 0 : i32
    %eq3A_931 = vector.broadcast %eq3A_930 : i32 to vector<16xi32>
    %eq3A_932 = arith.cmpi eq, %get3A_929, %eq3A_931 : vector<16xi32>
    %shift_left3A_933 = arith.constant 1 : i32
    %shift_left3A_934 = arith.constant 30 : i32
    %shift_left3A_935 = arith.shli %shift_left3A_933, %shift_left3A_934 : i32
    %jit3A_936 = arith.constant 0 : i32
    %broadcast_in_dim3A_937 = vector.broadcast %shift_left3A_935 : i32 to vector<16xi32>
    %broadcast_in_dim3A_938 = vector.broadcast %jit3A_936 : i32 to vector<16xi32>
    %select_n3A_939 = arith.select %eq3A_932, %broadcast_in_dim3A_937, %broadcast_in_dim3A_938 : vector<16xi1>, vector<16xi32>
    %or3A_940 = arith.ori %or3A_926, %select_n3A_939 : vector<16xi32>
    %get3A_941 = arith.constant 496 : index
    %get3A_942 = tpu.vector_load %arg5[%get3A_941] {strides = array<i32>} : memref<512xi32, #tpu.memory_space<vmem>>, vector<16xi32>,
    %get3A_943 = vector.shape_cast %get3A_942 : vector<16xi32> to vector<16xi32>
    %eq3A_944 = arith.constant 0 : i32
    %eq3A_945 = vector.broadcast %eq3A_944 : i32 to vector<16xi32>
    %eq3A_946 = arith.cmpi eq, %get3A_943, %eq3A_945 : vector<16xi32>
    %shift_left3A_947 = arith.constant 1 : i32
    %shift_left3A_948 = arith.constant 31 : i32
    %shift_left3A_949 = arith.shli %shift_left3A_947, %shift_left3A_948 : i32
    %jit3A_950 = arith.constant 0 : i32
    %broadcast_in_dim3A_951 = vector.broadcast %shift_left3A_949 : i32 to vector<16xi32>
    %broadcast_in_dim3A_952 = vector.broadcast %jit3A_950 : i32 to vector<16xi32>
    %select_n3A_953 = arith.select %eq3A_946, %broadcast_in_dim3A_951, %broadcast_in_dim3A_952 : vector<16xi1>, vector<16xi32>
    %or3A_954 = arith.ori %or3A_940, %select_n3A_953 : vector<16xi32>
    %xor3A = arith.constant 1 : i32
    %xor3A_955 = vector.broadcast %xor3A : i32 to vector<16xi32>
    %xor3A_956 = arith.xori %iota3A, %xor3A_955 : vector<16xi32>
    %broadcast_in_dim3A_957 = vector.shape_cast %xor3A_956 : vector<16xi32> to vector<16x1xi32>
    %gather3A = vector.shape_cast %broadcast_in_dim3A_957 : vector<16x1xi32> to vector<16xi32>
    %gather3A_958 = tpu.dynamic_gather %or3A_954[%gather3A] in [0] : vector<16xi32>, vector<16xi32> -> vector<16xi32>
    %or3A_959 = arith.ori %or3A_954, %gather3A_958 : vector<16xi32>
    %xor3A_960 = arith.constant 2 : i32
    %xor3A_961 = vector.broadcast %xor3A_960 : i32 to vector<16xi32>
    %xor3A_962 = arith.xori %iota3A, %xor3A_961 : vector<16xi32>
    %broadcast_in_dim3A_963 = vector.shape_cast %xor3A_962 : vector<16xi32> to vector<16x1xi32>
    %gather3A_964 = vector.shape_cast %broadcast_in_dim3A_963 : vector<16x1xi32> to vector<16xi32>
    %gather3A_965 = tpu.dynamic_gather %or3A_959[%gather3A_964] in [0] : vector<16xi32>, vector<16xi32> -> vector<16xi32>
    %or3A_966 = arith.ori %or3A_959, %gather3A_965 : vector<16xi32>
    %xor3A_967 = arith.constant 4 : i32
    %xor3A_968 = vector.broadcast %xor3A_967 : i32 to vector<16xi32>
    %xor3A_969 = arith.xori %iota3A, %xor3A_968 : vector<16xi32>
    %broadcast_in_dim3A_970 = vector.shape_cast %xor3A_969 : vector<16xi32> to vector<16x1xi32>
    %gather3A_971 = vector.shape_cast %broadcast_in_dim3A_970 : vector<16x1xi32> to vector<16xi32>
    %gather3A_972 = tpu.dynamic_gather %or3A_966[%gather3A_971] in [0] : vector<16xi32>, vector<16xi32> -> vector<16xi32>
    %or3A_973 = arith.ori %or3A_966, %gather3A_972 : vector<16xi32>
    %xor3A_974 = arith.constant 8 : i32
    %xor3A_975 = vector.broadcast %xor3A_974 : i32 to vector<16xi32>
    %xor3A_976 = arith.xori %iota3A, %xor3A_975 : vector<16xi32>
    %broadcast_in_dim3A_977 = vector.shape_cast %xor3A_976 : vector<16xi32> to vector<16x1xi32>
    %gather3A_978 = vector.shape_cast %broadcast_in_dim3A_977 : vector<16x1xi32> to vector<16xi32>
    %gather3A_979 = tpu.dynamic_gather %or3A_973[%gather3A_978] in [0] : vector<16xi32>, vector<16xi32> -> vector<16xi32>
    %or3A_980 = arith.ori %or3A_973, %gather3A_979 : vector<16xi32>
    %slice3A = vector.extract_strided_slice %or3A_980 {offsets = [0], sizes = [1], strides = [1]} : vector<16xi32> to vector<1xi32>
    %squeeze3A = vector.extract %slice3A[0] : i32 from vector<1xi32>
    %ne3A = arith.constant 0 : i32
    %ne3A_981 = arith.cmpi ne, %squeeze3A, %ne3A : i32
    %convert_element_type3A = arith.extui %ne3A_981 : i1 to i32
    %cond3A = arith.constant 0 : i32
    %cond3A_982 = arith.cmpi ne, %convert_element_type3A, %cond3A : i32
    scf.if %cond3A_982 {
      %shift_left3A_983 = arith.constant 1 : i32
      %shift_left3A_984 = arith.constant 0 : i32
      %shift_left3A_985 = arith.shli %shift_left3A_983, %shift_left3A_984 : i32
      %and3A = arith.andi %squeeze3A, %shift_left3A_985 : i32
      %ne3A_986 = arith.constant 0 : i32
      %ne3A_987 = arith.cmpi ne, %and3A, %ne3A_986 : i32
      %convert_element_type3A_988 = arith.extui %ne3A_987 : i1 to i32
      %cond3A_989 = arith.constant 0 : i32
      %cond3A_990 = arith.cmpi ne, %convert_element_type3A_988, %cond3A_989 : i32
      scf.if %cond3A_990 {
        %get3A_1270 = arith.constant 0 : index
        %get3A_1271 = tpu.vector_load %arg5[%get3A_1270] {strides = array<i32>} : memref<512xi32, #tpu.memory_space<vmem>>, vector<16xi32>,
        %get3A_1272 = vector.shape_cast %get3A_1271 : vector<16xi32> to vector<16xi32>
        %eq3A_1273 = arith.constant 0 : i32
        %eq3A_1274 = vector.broadcast %eq3A_1273 : i32 to vector<16xi32>
        %eq3A_1275 = arith.cmpi eq, %get3A_1272, %eq3A_1274 : vector<16xi32>
        %add3A_1276 = arith.constant 0 : i32
        %add3A_1277 = arith.addi %mul3A_2, %add3A_1276 : i32
        %add3A_1278 = arith.constant 1 : i32
        %add3A_1279 = arith.addi %add3A_1277, %add3A_1278 : i32
        %add3A_1280 = vector.broadcast %add3A_1279 : i32 to vector<16xi32>
        %add3A_1281 = arith.addi %iota3A, %add3A_1280 : vector<16xi32>
        %jit3A_1282 = arith.constant 0 : i32
        %broadcast_in_dim3A_1283 = vector.broadcast %jit3A_1282 : i32 to vector<16xi32>
        %select_n3A_1284 = arith.select %eq3A_1275, %broadcast_in_dim3A_1283, %add3A_1281 : vector<16xi1>, vector<16xi32>
        %swap3A_1285 = arith.constant 0 : index
        %swap3A_1286 = tpu.vector_load %arg7[%swap3A_1285] {strides = array<i32>} : memref<16xi32, #tpu.memory_space<vmem>>, vector<16xi32>,
        %swap3A_1287 = vector.shape_cast %swap3A_1286 : vector<16xi32> to vector<16xi32>
        %swap3A_1288 = vector.shape_cast %select_n3A_1284 : vector<16xi32> to vector<16xi32>
        tpu.vector_store %arg7[%swap3A_1285], %swap3A_1288 {strides = array<i32>} : memref<16xi32, #tpu.memory_space<vmem>>, vector<16xi32>,
        %dma_start3A_1289 = arith.constant 0 : i32
        %dma_start3A_1290 = arith.constant 0 : i32
        %dma_start3A_1291 = tpu.memref_slice %arg3[%dma_start3A_1289, %dma_start3A_1290] : memref<8192x1024xf32, #tpu.memory_space<hbm>> -> memref<8192x1024xf32, #tpu.memory_space<hbm>>
        tpu.enqueue_indirect_dma source(%dma_start3A_1291 : memref<8192x1024xf32, #tpu.memory_space<hbm>>) target(%arg8 : memref<16x1024xf32, #tpu.memory_space<vmem>>) offsets(%arg7 : memref<16xi32, #tpu.memory_space<vmem>>) semaphore(%arg14 : memref<!tpu.dma_semaphore, #tpu.memory_space<semaphore_mem>>)
        %dma_wait3A_1292 = arith.constant 0 : i32
        %dma_wait3A_1293 = arith.constant 0 : i32
        %dma_wait3A_1294 = tpu.memref_slice %arg3[%dma_wait3A_1292, %dma_wait3A_1293] : memref<8192x1024xf32, #tpu.memory_space<hbm>> -> memref<8192x1024xf32, #tpu.memory_space<hbm>>
        tpu.wait_indirect_dma semaphore(%arg14 : memref<!tpu.dma_semaphore, #tpu.memory_space<semaphore_mem>>) src(%dma_wait3A_1294 : memref<8192x1024xf32, #tpu.memory_space<hbm>>) dst(%arg8 : memref<16x1024xf32, #tpu.memory_space<vmem>>)
        %add3A_1295 = arith.constant 0 : i32
        %add3A_1296 = arith.addi %add3A_1295, %mul3A_2 : i32
        %add3A_1297 = arith.constant 0 : i32
        %add3A_1298 = arith.addi %add3A_1296, %add3A_1297 : i32
        "tpu.region"() ({
          %run_scoped3A = tpu.sem_alloc : memref<!tpu.dma_semaphore, #tpu.memory_space<semaphore_mem>>
          %dma_start3A_1299 = arith.constant 0 : i32
          %dma_start3A_1300 = tpu.memref_slice %arg4[%add3A_1298, %dma_start3A_1299] : memref<16384x1024xf32, #tpu.memory_space<hbm>> -> memref<16x1024xf32, #tpu.memory_space<hbm>>
          %dma_start3A_1301 = arith.constant 0 : i32
          %dma_start3A_1302 = tpu.memref_slice %arg4[%add3A_1298, %dma_start3A_1301] : memref<16384x1024xf32, #tpu.memory_space<hbm>> -> memref<16x1024xf32, #tpu.memory_space<hbm>>
          tpu.enqueue_dma source(%arg8 : memref<16x1024xf32, #tpu.memory_space<vmem>>) target(%dma_start3A_1302 : memref<16x1024xf32, #tpu.memory_space<hbm>>) target_semaphore(%run_scoped3A : memref<!tpu.dma_semaphore, #tpu.memory_space<semaphore_mem>>)
          %dma_wait3A_1303 = arith.constant 0 : i32
          %dma_wait3A_1304 = tpu.memref_slice %arg4[%add3A_1298, %dma_wait3A_1303] : memref<16384x1024xf32, #tpu.memory_space<hbm>> -> memref<16x1024xf32, #tpu.memory_space<hbm>>
          %dma_wait3A_1305 = arith.constant 0 : i32
          %dma_wait3A_1306 = tpu.memref_slice %arg4[%add3A_1298, %dma_wait3A_1305] : memref<16384x1024xf32, #tpu.memory_space<hbm>> -> memref<16x1024xf32, #tpu.memory_space<hbm>>
          tpu.wait_dma2 semaphore(%run_scoped3A : memref<!tpu.dma_semaphore, #tpu.memory_space<semaphore_mem>>) src(%arg8 : memref<16x1024xf32, #tpu.memory_space<vmem>>) dst(%dma_wait3A_1306 : memref<16x1024xf32, #tpu.memory_space<hbm>>)
          tpu.yield
        }) : () -> ()
      } else {
      }
      %shift_left3A_991 = arith.constant 1 : i32
      %shift_left3A_992 = arith.constant 1 : i32
      %shift_left3A_993 = arith.shli %shift_left3A_991, %shift_left3A_992 : i32
      %and3A_994 = arith.andi %squeeze3A, %shift_left3A_993 : i32
      %ne3A_995 = arith.constant 0 : i32
      %ne3A_996 = arith.cmpi ne, %and3A_994, %ne3A_995 : i32
      %convert_element_type3A_997 = arith.extui %ne3A_996 : i1 to i32
      %cond3A_998 = arith.constant 0 : i32
      %cond3A_999 = arith.cmpi ne, %convert_element_type3A_997, %cond3A_998 : i32
      scf.if %cond3A_999 {
        %get3A_1270 = arith.constant 16 : index
        %get3A_1271 = tpu.vector_load %arg5[%get3A_1270] {strides = array<i32>} : memref<512xi32, #tpu.memory_space<vmem>>, vector<16xi32>,
        %get3A_1272 = vector.shape_cast %get3A_1271 : vector<16xi32> to vector<16xi32>
        %eq3A_1273 = arith.constant 0 : i32
        %eq3A_1274 = vector.broadcast %eq3A_1273 : i32 to vector<16xi32>
        %eq3A_1275 = arith.cmpi eq, %get3A_1272, %eq3A_1274 : vector<16xi32>
        %add3A_1276 = arith.constant 16 : i32
        %add3A_1277 = arith.addi %mul3A_2, %add3A_1276 : i32
        %add3A_1278 = arith.constant 1 : i32
        %add3A_1279 = arith.addi %add3A_1277, %add3A_1278 : i32
        %add3A_1280 = vector.broadcast %add3A_1279 : i32 to vector<16xi32>
        %add3A_1281 = arith.addi %iota3A, %add3A_1280 : vector<16xi32>
        %jit3A_1282 = arith.constant 0 : i32
        %broadcast_in_dim3A_1283 = vector.broadcast %jit3A_1282 : i32 to vector<16xi32>
        %select_n3A_1284 = arith.select %eq3A_1275, %broadcast_in_dim3A_1283, %add3A_1281 : vector<16xi1>, vector<16xi32>
        %swap3A_1285 = arith.constant 0 : index
        %swap3A_1286 = tpu.vector_load %arg7[%swap3A_1285] {strides = array<i32>} : memref<16xi32, #tpu.memory_space<vmem>>, vector<16xi32>,
        %swap3A_1287 = vector.shape_cast %swap3A_1286 : vector<16xi32> to vector<16xi32>
        %swap3A_1288 = vector.shape_cast %select_n3A_1284 : vector<16xi32> to vector<16xi32>
        tpu.vector_store %arg7[%swap3A_1285], %swap3A_1288 {strides = array<i32>} : memref<16xi32, #tpu.memory_space<vmem>>, vector<16xi32>,
        %dma_start3A_1289 = arith.constant 0 : i32
        %dma_start3A_1290 = arith.constant 0 : i32
        %dma_start3A_1291 = tpu.memref_slice %arg3[%dma_start3A_1289, %dma_start3A_1290] : memref<8192x1024xf32, #tpu.memory_space<hbm>> -> memref<8192x1024xf32, #tpu.memory_space<hbm>>
        tpu.enqueue_indirect_dma source(%dma_start3A_1291 : memref<8192x1024xf32, #tpu.memory_space<hbm>>) target(%arg8 : memref<16x1024xf32, #tpu.memory_space<vmem>>) offsets(%arg7 : memref<16xi32, #tpu.memory_space<vmem>>) semaphore(%arg14 : memref<!tpu.dma_semaphore, #tpu.memory_space<semaphore_mem>>)
        %dma_wait3A_1292 = arith.constant 0 : i32
        %dma_wait3A_1293 = arith.constant 0 : i32
        %dma_wait3A_1294 = tpu.memref_slice %arg3[%dma_wait3A_1292, %dma_wait3A_1293] : memref<8192x1024xf32, #tpu.memory_space<hbm>> -> memref<8192x1024xf32, #tpu.memory_space<hbm>>
        tpu.wait_indirect_dma semaphore(%arg14 : memref<!tpu.dma_semaphore, #tpu.memory_space<semaphore_mem>>) src(%dma_wait3A_1294 : memref<8192x1024xf32, #tpu.memory_space<hbm>>) dst(%arg8 : memref<16x1024xf32, #tpu.memory_space<vmem>>)
        %add3A_1295 = arith.constant 0 : i32
        %add3A_1296 = arith.addi %add3A_1295, %mul3A_2 : i32
        %add3A_1297 = arith.constant 16 : i32
        %add3A_1298 = arith.addi %add3A_1296, %add3A_1297 : i32
        "tpu.region"() ({
          %run_scoped3A = tpu.sem_alloc : memref<!tpu.dma_semaphore, #tpu.memory_space<semaphore_mem>>
          %dma_start3A_1299 = arith.constant 0 : i32
          %dma_start3A_1300 = tpu.memref_slice %arg4[%add3A_1298, %dma_start3A_1299] : memref<16384x1024xf32, #tpu.memory_space<hbm>> -> memref<16x1024xf32, #tpu.memory_space<hbm>>
          %dma_start3A_1301 = arith.constant 0 : i32
          %dma_start3A_1302 = tpu.memref_slice %arg4[%add3A_1298, %dma_start3A_1301] : memref<16384x1024xf32, #tpu.memory_space<hbm>> -> memref<16x1024xf32, #tpu.memory_space<hbm>>
          tpu.enqueue_dma source(%arg8 : memref<16x1024xf32, #tpu.memory_space<vmem>>) target(%dma_start3A_1302 : memref<16x1024xf32, #tpu.memory_space<hbm>>) target_semaphore(%run_scoped3A : memref<!tpu.dma_semaphore, #tpu.memory_space<semaphore_mem>>)
          %dma_wait3A_1303 = arith.constant 0 : i32
          %dma_wait3A_1304 = tpu.memref_slice %arg4[%add3A_1298, %dma_wait3A_1303] : memref<16384x1024xf32, #tpu.memory_space<hbm>> -> memref<16x1024xf32, #tpu.memory_space<hbm>>
          %dma_wait3A_1305 = arith.constant 0 : i32
          %dma_wait3A_1306 = tpu.memref_slice %arg4[%add3A_1298, %dma_wait3A_1305] : memref<16384x1024xf32, #tpu.memory_space<hbm>> -> memref<16x1024xf32, #tpu.memory_space<hbm>>
          tpu.wait_dma2 semaphore(%run_scoped3A : memref<!tpu.dma_semaphore, #tpu.memory_space<semaphore_mem>>) src(%arg8 : memref<16x1024xf32, #tpu.memory_space<vmem>>) dst(%dma_wait3A_1306 : memref<16x1024xf32, #tpu.memory_space<hbm>>)
          tpu.yield
        }) : () -> ()
      } else {
      }
      %shift_left3A_1000 = arith.constant 1 : i32
      %shift_left3A_1001 = arith.constant 2 : i32
      %shift_left3A_1002 = arith.shli %shift_left3A_1000, %shift_left3A_1001 : i32
      %and3A_1003 = arith.andi %squeeze3A, %shift_left3A_1002 : i32
      %ne3A_1004 = arith.constant 0 : i32
      %ne3A_1005 = arith.cmpi ne, %and3A_1003, %ne3A_1004 : i32
      %convert_element_type3A_1006 = arith.extui %ne3A_1005 : i1 to i32
      %cond3A_1007 = arith.constant 0 : i32
      %cond3A_1008 = arith.cmpi ne, %convert_element_type3A_1006, %cond3A_1007 : i32
      scf.if %cond3A_1008 {
        %get3A_1270 = arith.constant 32 : index
        %get3A_1271 = tpu.vector_load %arg5[%get3A_1270] {strides = array<i32>} : memref<512xi32, #tpu.memory_space<vmem>>, vector<16xi32>,
        %get3A_1272 = vector.shape_cast %get3A_1271 : vector<16xi32> to vector<16xi32>
        %eq3A_1273 = arith.constant 0 : i32
        %eq3A_1274 = vector.broadcast %eq3A_1273 : i32 to vector<16xi32>
        %eq3A_1275 = arith.cmpi eq, %get3A_1272, %eq3A_1274 : vector<16xi32>
        %add3A_1276 = arith.constant 32 : i32
        %add3A_1277 = arith.addi %mul3A_2, %add3A_1276 : i32
        %add3A_1278 = arith.constant 1 : i32
        %add3A_1279 = arith.addi %add3A_1277, %add3A_1278 : i32
        %add3A_1280 = vector.broadcast %add3A_1279 : i32 to vector<16xi32>
        %add3A_1281 = arith.addi %iota3A, %add3A_1280 : vector<16xi32>
        %jit3A_1282 = arith.constant 0 : i32
        %broadcast_in_dim3A_1283 = vector.broadcast %jit3A_1282 : i32 to vector<16xi32>
        %select_n3A_1284 = arith.select %eq3A_1275, %broadcast_in_dim3A_1283, %add3A_1281 : vector<16xi1>, vector<16xi32>
        %swap3A_1285 = arith.constant 0 : index
        %swap3A_1286 = tpu.vector_load %arg7[%swap3A_1285] {strides = array<i32>} : memref<16xi32, #tpu.memory_space<vmem>>, vector<16xi32>,
        %swap3A_1287 = vector.shape_cast %swap3A_1286 : vector<16xi32> to vector<16xi32>
        %swap3A_1288 = vector.shape_cast %select_n3A_1284 : vector<16xi32> to vector<16xi32>
        tpu.vector_store %arg7[%swap3A_1285], %swap3A_1288 {strides = array<i32>} : memref<16xi32, #tpu.memory_space<vmem>>, vector<16xi32>,
        %dma_start3A_1289 = arith.constant 0 : i32
        %dma_start3A_1290 = arith.constant 0 : i32
        %dma_start3A_1291 = tpu.memref_slice %arg3[%dma_start3A_1289, %dma_start3A_1290] : memref<8192x1024xf32, #tpu.memory_space<hbm>> -> memref<8192x1024xf32, #tpu.memory_space<hbm>>
        tpu.enqueue_indirect_dma source(%dma_start3A_1291 : memref<8192x1024xf32, #tpu.memory_space<hbm>>) target(%arg8 : memref<16x1024xf32, #tpu.memory_space<vmem>>) offsets(%arg7 : memref<16xi32, #tpu.memory_space<vmem>>) semaphore(%arg14 : memref<!tpu.dma_semaphore, #tpu.memory_space<semaphore_mem>>)
        %dma_wait3A_1292 = arith.constant 0 : i32
        %dma_wait3A_1293 = arith.constant 0 : i32
        %dma_wait3A_1294 = tpu.memref_slice %arg3[%dma_wait3A_1292, %dma_wait3A_1293] : memref<8192x1024xf32, #tpu.memory_space<hbm>> -> memref<8192x1024xf32, #tpu.memory_space<hbm>>
        tpu.wait_indirect_dma semaphore(%arg14 : memref<!tpu.dma_semaphore, #tpu.memory_space<semaphore_mem>>) src(%dma_wait3A_1294 : memref<8192x1024xf32, #tpu.memory_space<hbm>>) dst(%arg8 : memref<16x1024xf32, #tpu.memory_space<vmem>>)
        %add3A_1295 = arith.constant 0 : i32
        %add3A_1296 = arith.addi %add3A_1295, %mul3A_2 : i32
        %add3A_1297 = arith.constant 32 : i32
        %add3A_1298 = arith.addi %add3A_1296, %add3A_1297 : i32
        "tpu.region"() ({
          %run_scoped3A = tpu.sem_alloc : memref<!tpu.dma_semaphore, #tpu.memory_space<semaphore_mem>>
          %dma_start3A_1299 = arith.constant 0 : i32
          %dma_start3A_1300 = tpu.memref_slice %arg4[%add3A_1298, %dma_start3A_1299] : memref<16384x1024xf32, #tpu.memory_space<hbm>> -> memref<16x1024xf32, #tpu.memory_space<hbm>>
          %dma_start3A_1301 = arith.constant 0 : i32
          %dma_start3A_1302 = tpu.memref_slice %arg4[%add3A_1298, %dma_start3A_1301] : memref<16384x1024xf32, #tpu.memory_space<hbm>> -> memref<16x1024xf32, #tpu.memory_space<hbm>>
          tpu.enqueue_dma source(%arg8 : memref<16x1024xf32, #tpu.memory_space<vmem>>) target(%dma_start3A_1302 : memref<16x1024xf32, #tpu.memory_space<hbm>>) target_semaphore(%run_scoped3A : memref<!tpu.dma_semaphore, #tpu.memory_space<semaphore_mem>>)
          %dma_wait3A_1303 = arith.constant 0 : i32
          %dma_wait3A_1304 = tpu.memref_slice %arg4[%add3A_1298, %dma_wait3A_1303] : memref<16384x1024xf32, #tpu.memory_space<hbm>> -> memref<16x1024xf32, #tpu.memory_space<hbm>>
          %dma_wait3A_1305 = arith.constant 0 : i32
          %dma_wait3A_1306 = tpu.memref_slice %arg4[%add3A_1298, %dma_wait3A_1305] : memref<16384x1024xf32, #tpu.memory_space<hbm>> -> memref<16x1024xf32, #tpu.memory_space<hbm>>
          tpu.wait_dma2 semaphore(%run_scoped3A : memref<!tpu.dma_semaphore, #tpu.memory_space<semaphore_mem>>) src(%arg8 : memref<16x1024xf32, #tpu.memory_space<vmem>>) dst(%dma_wait3A_1306 : memref<16x1024xf32, #tpu.memory_space<hbm>>)
          tpu.yield
        }) : () -> ()
      } else {
      }
      %shift_left3A_1009 = arith.constant 1 : i32
      %shift_left3A_1010 = arith.constant 3 : i32
      %shift_left3A_1011 = arith.shli %shift_left3A_1009, %shift_left3A_1010 : i32
      %and3A_1012 = arith.andi %squeeze3A, %shift_left3A_1011 : i32
      %ne3A_1013 = arith.constant 0 : i32
      %ne3A_1014 = arith.cmpi ne, %and3A_1012, %ne3A_1013 : i32
      %convert_element_type3A_1015 = arith.extui %ne3A_1014 : i1 to i32
      %cond3A_1016 = arith.constant 0 : i32
      %cond3A_1017 = arith.cmpi ne, %convert_element_type3A_1015, %cond3A_1016 : i32
      scf.if %cond3A_1017 {
        %get3A_1270 = arith.constant 48 : index
        %get3A_1271 = tpu.vector_load %arg5[%get3A_1270] {strides = array<i32>} : memref<512xi32, #tpu.memory_space<vmem>>, vector<16xi32>,
        %get3A_1272 = vector.shape_cast %get3A_1271 : vector<16xi32> to vector<16xi32>
        %eq3A_1273 = arith.constant 0 : i32
        %eq3A_1274 = vector.broadcast %eq3A_1273 : i32 to vector<16xi32>
        %eq3A_1275 = arith.cmpi eq, %get3A_1272, %eq3A_1274 : vector<16xi32>
        %add3A_1276 = arith.constant 48 : i32
        %add3A_1277 = arith.addi %mul3A_2, %add3A_1276 : i32
        %add3A_1278 = arith.constant 1 : i32
        %add3A_1279 = arith.addi %add3A_1277, %add3A_1278 : i32
        %add3A_1280 = vector.broadcast %add3A_1279 : i32 to vector<16xi32>
        %add3A_1281 = arith.addi %iota3A, %add3A_1280 : vector<16xi32>
        %jit3A_1282 = arith.constant 0 : i32
        %broadcast_in_dim3A_1283 = vector.broadcast %jit3A_1282 : i32 to vector<16xi32>
        %select_n3A_1284 = arith.select %eq3A_1275, %broadcast_in_dim3A_1283, %add3A_1281 : vector<16xi1>, vector<16xi32>
        %swap3A_1285 = arith.constant 0 : index
        %swap3A_1286 = tpu.vector_load %arg7[%swap3A_1285] {strides = array<i32>} : memref<16xi32, #tpu.memory_space<vmem>>, vector<16xi32>,
        %swap3A_1287 = vector.shape_cast %swap3A_1286 : vector<16xi32> to vector<16xi32>
        %swap3A_1288 = vector.shape_cast %select_n3A_1284 : vector<16xi32> to vector<16xi32>
        tpu.vector_store %arg7[%swap3A_1285], %swap3A_1288 {strides = array<i32>} : memref<16xi32, #tpu.memory_space<vmem>>, vector<16xi32>,
        %dma_start3A_1289 = arith.constant 0 : i32
        %dma_start3A_1290 = arith.constant 0 : i32
        %dma_start3A_1291 = tpu.memref_slice %arg3[%dma_start3A_1289, %dma_start3A_1290] : memref<8192x1024xf32, #tpu.memory_space<hbm>> -> memref<8192x1024xf32, #tpu.memory_space<hbm>>
        tpu.enqueue_indirect_dma source(%dma_start3A_1291 : memref<8192x1024xf32, #tpu.memory_space<hbm>>) target(%arg8 : memref<16x1024xf32, #tpu.memory_space<vmem>>) offsets(%arg7 : memref<16xi32, #tpu.memory_space<vmem>>) semaphore(%arg14 : memref<!tpu.dma_semaphore, #tpu.memory_space<semaphore_mem>>)
        %dma_wait3A_1292 = arith.constant 0 : i32
        %dma_wait3A_1293 = arith.constant 0 : i32
        %dma_wait3A_1294 = tpu.memref_slice %arg3[%dma_wait3A_1292, %dma_wait3A_1293] : memref<8192x1024xf32, #tpu.memory_space<hbm>> -> memref<8192x1024xf32, #tpu.memory_space<hbm>>
        tpu.wait_indirect_dma semaphore(%arg14 : memref<!tpu.dma_semaphore, #tpu.memory_space<semaphore_mem>>) src(%dma_wait3A_1294 : memref<8192x1024xf32, #tpu.memory_space<hbm>>) dst(%arg8 : memref<16x1024xf32, #tpu.memory_space<vmem>>)
        %add3A_1295 = arith.constant 0 : i32
        %add3A_1296 = arith.addi %add3A_1295, %mul3A_2 : i32
        %add3A_1297 = arith.constant 48 : i32
        %add3A_1298 = arith.addi %add3A_1296, %add3A_1297 : i32
        "tpu.region"() ({
          %run_scoped3A = tpu.sem_alloc : memref<!tpu.dma_semaphore, #tpu.memory_space<semaphore_mem>>
          %dma_start3A_1299 = arith.constant 0 : i32
          %dma_start3A_1300 = tpu.memref_slice %arg4[%add3A_1298, %dma_start3A_1299] : memref<16384x1024xf32, #tpu.memory_space<hbm>> -> memref<16x1024xf32, #tpu.memory_space<hbm>>
          %dma_start3A_1301 = arith.constant 0 : i32
          %dma_start3A_1302 = tpu.memref_slice %arg4[%add3A_1298, %dma_start3A_1301] : memref<16384x1024xf32, #tpu.memory_space<hbm>> -> memref<16x1024xf32, #tpu.memory_space<hbm>>
          tpu.enqueue_dma source(%arg8 : memref<16x1024xf32, #tpu.memory_space<vmem>>) target(%dma_start3A_1302 : memref<16x1024xf32, #tpu.memory_space<hbm>>) target_semaphore(%run_scoped3A : memref<!tpu.dma_semaphore, #tpu.memory_space<semaphore_mem>>)
          %dma_wait3A_1303 = arith.constant 0 : i32
          %dma_wait3A_1304 = tpu.memref_slice %arg4[%add3A_1298, %dma_wait3A_1303] : memref<16384x1024xf32, #tpu.memory_space<hbm>> -> memref<16x1024xf32, #tpu.memory_space<hbm>>
          %dma_wait3A_1305 = arith.constant 0 : i32
          %dma_wait3A_1306 = tpu.memref_slice %arg4[%add3A_1298, %dma_wait3A_1305] : memref<16384x1024xf32, #tpu.memory_space<hbm>> -> memref<16x1024xf32, #tpu.memory_space<hbm>>
          tpu.wait_dma2 semaphore(%run_scoped3A : memref<!tpu.dma_semaphore, #tpu.memory_space<semaphore_mem>>) src(%arg8 : memref<16x1024xf32, #tpu.memory_space<vmem>>) dst(%dma_wait3A_1306 : memref<16x1024xf32, #tpu.memory_space<hbm>>)
          tpu.yield
        }) : () -> ()
      } else {
      }
      %shift_left3A_1018 = arith.constant 1 : i32
      %shift_left3A_1019 = arith.constant 4 : i32
      %shift_left3A_1020 = arith.shli %shift_left3A_1018, %shift_left3A_1019 : i32
      %and3A_1021 = arith.andi %squeeze3A, %shift_left3A_1020 : i32
      %ne3A_1022 = arith.constant 0 : i32
      %ne3A_1023 = arith.cmpi ne, %and3A_1021, %ne3A_1022 : i32
      %convert_element_type3A_1024 = arith.extui %ne3A_1023 : i1 to i32
      %cond3A_1025 = arith.constant 0 : i32
      %cond3A_1026 = arith.cmpi ne, %convert_element_type3A_1024, %cond3A_1025 : i32
      scf.if %cond3A_1026 {
        %get3A_1270 = arith.constant 64 : index
        %get3A_1271 = tpu.vector_load %arg5[%get3A_1270] {strides = array<i32>} : memref<512xi32, #tpu.memory_space<vmem>>, vector<16xi32>,
        %get3A_1272 = vector.shape_cast %get3A_1271 : vector<16xi32> to vector<16xi32>
        %eq3A_1273 = arith.constant 0 : i32
        %eq3A_1274 = vector.broadcast %eq3A_1273 : i32 to vector<16xi32>
        %eq3A_1275 = arith.cmpi eq, %get3A_1272, %eq3A_1274 : vector<16xi32>
        %add3A_1276 = arith.constant 64 : i32
        %add3A_1277 = arith.addi %mul3A_2, %add3A_1276 : i32
        %add3A_1278 = arith.constant 1 : i32
        %add3A_1279 = arith.addi %add3A_1277, %add3A_1278 : i32
        %add3A_1280 = vector.broadcast %add3A_1279 : i32 to vector<16xi32>
        %add3A_1281 = arith.addi %iota3A, %add3A_1280 : vector<16xi32>
        %jit3A_1282 = arith.constant 0 : i32
        %broadcast_in_dim3A_1283 = vector.broadcast %jit3A_1282 : i32 to vector<16xi32>
        %select_n3A_1284 = arith.select %eq3A_1275, %broadcast_in_dim3A_1283, %add3A_1281 : vector<16xi1>, vector<16xi32>
        %swap3A_1285 = arith.constant 0 : index
        %swap3A_1286 = tpu.vector_load %arg7[%swap3A_1285] {strides = array<i32>} : memref<16xi32, #tpu.memory_space<vmem>>, vector<16xi32>,
        %swap3A_1287 = vector.shape_cast %swap3A_1286 : vector<16xi32> to vector<16xi32>
        %swap3A_1288 = vector.shape_cast %select_n3A_1284 : vector<16xi32> to vector<16xi32>
        tpu.vector_store %arg7[%swap3A_1285], %swap3A_1288 {strides = array<i32>} : memref<16xi32, #tpu.memory_space<vmem>>, vector<16xi32>,
        %dma_start3A_1289 = arith.constant 0 : i32
        %dma_start3A_1290 = arith.constant 0 : i32
        %dma_start3A_1291 = tpu.memref_slice %arg3[%dma_start3A_1289, %dma_start3A_1290] : memref<8192x1024xf32, #tpu.memory_space<hbm>> -> memref<8192x1024xf32, #tpu.memory_space<hbm>>
        tpu.enqueue_indirect_dma source(%dma_start3A_1291 : memref<8192x1024xf32, #tpu.memory_space<hbm>>) target(%arg8 : memref<16x1024xf32, #tpu.memory_space<vmem>>) offsets(%arg7 : memref<16xi32, #tpu.memory_space<vmem>>) semaphore(%arg14 : memref<!tpu.dma_semaphore, #tpu.memory_space<semaphore_mem>>)
        %dma_wait3A_1292 = arith.constant 0 : i32
        %dma_wait3A_1293 = arith.constant 0 : i32
        %dma_wait3A_1294 = tpu.memref_slice %arg3[%dma_wait3A_1292, %dma_wait3A_1293] : memref<8192x1024xf32, #tpu.memory_space<hbm>> -> memref<8192x1024xf32, #tpu.memory_space<hbm>>
        tpu.wait_indirect_dma semaphore(%arg14 : memref<!tpu.dma_semaphore, #tpu.memory_space<semaphore_mem>>) src(%dma_wait3A_1294 : memref<8192x1024xf32, #tpu.memory_space<hbm>>) dst(%arg8 : memref<16x1024xf32, #tpu.memory_space<vmem>>)
        %add3A_1295 = arith.constant 0 : i32
        %add3A_1296 = arith.addi %add3A_1295, %mul3A_2 : i32
        %add3A_1297 = arith.constant 64 : i32
        %add3A_1298 = arith.addi %add3A_1296, %add3A_1297 : i32
        "tpu.region"() ({
          %run_scoped3A = tpu.sem_alloc : memref<!tpu.dma_semaphore, #tpu.memory_space<semaphore_mem>>
          %dma_start3A_1299 = arith.constant 0 : i32
          %dma_start3A_1300 = tpu.memref_slice %arg4[%add3A_1298, %dma_start3A_1299] : memref<16384x1024xf32, #tpu.memory_space<hbm>> -> memref<16x1024xf32, #tpu.memory_space<hbm>>
          %dma_start3A_1301 = arith.constant 0 : i32
          %dma_start3A_1302 = tpu.memref_slice %arg4[%add3A_1298, %dma_start3A_1301] : memref<16384x1024xf32, #tpu.memory_space<hbm>> -> memref<16x1024xf32, #tpu.memory_space<hbm>>
          tpu.enqueue_dma source(%arg8 : memref<16x1024xf32, #tpu.memory_space<vmem>>) target(%dma_start3A_1302 : memref<16x1024xf32, #tpu.memory_space<hbm>>) target_semaphore(%run_scoped3A : memref<!tpu.dma_semaphore, #tpu.memory_space<semaphore_mem>>)
          %dma_wait3A_1303 = arith.constant 0 : i32
          %dma_wait3A_1304 = tpu.memref_slice %arg4[%add3A_1298, %dma_wait3A_1303] : memref<16384x1024xf32, #tpu.memory_space<hbm>> -> memref<16x1024xf32, #tpu.memory_space<hbm>>
          %dma_wait3A_1305 = arith.constant 0 : i32
          %dma_wait3A_1306 = tpu.memref_slice %arg4[%add3A_1298, %dma_wait3A_1305] : memref<16384x1024xf32, #tpu.memory_space<hbm>> -> memref<16x1024xf32, #tpu.memory_space<hbm>>
          tpu.wait_dma2 semaphore(%run_scoped3A : memref<!tpu.dma_semaphore, #tpu.memory_space<semaphore_mem>>) src(%arg8 : memref<16x1024xf32, #tpu.memory_space<vmem>>) dst(%dma_wait3A_1306 : memref<16x1024xf32, #tpu.memory_space<hbm>>)
          tpu.yield
        }) : () -> ()
      } else {
      }
      %shift_left3A_1027 = arith.constant 1 : i32
      %shift_left3A_1028 = arith.constant 5 : i32
      %shift_left3A_1029 = arith.shli %shift_left3A_1027, %shift_left3A_1028 : i32
      %and3A_1030 = arith.andi %squeeze3A, %shift_left3A_1029 : i32
      %ne3A_1031 = arith.constant 0 : i32
      %ne3A_1032 = arith.cmpi ne, %and3A_1030, %ne3A_1031 : i32
      %convert_element_type3A_1033 = arith.extui %ne3A_1032 : i1 to i32
      %cond3A_1034 = arith.constant 0 : i32
      %cond3A_1035 = arith.cmpi ne, %convert_element_type3A_1033, %cond3A_1034 : i32
      scf.if %cond3A_1035 {
        %get3A_1270 = arith.constant 80 : index
        %get3A_1271 = tpu.vector_load %arg5[%get3A_1270] {strides = array<i32>} : memref<512xi32, #tpu.memory_space<vmem>>, vector<16xi32>,
        %get3A_1272 = vector.shape_cast %get3A_1271 : vector<16xi32> to vector<16xi32>
        %eq3A_1273 = arith.constant 0 : i32
        %eq3A_1274 = vector.broadcast %eq3A_1273 : i32 to vector<16xi32>
        %eq3A_1275 = arith.cmpi eq, %get3A_1272, %eq3A_1274 : vector<16xi32>
        %add3A_1276 = arith.constant 80 : i32
        %add3A_1277 = arith.addi %mul3A_2, %add3A_1276 : i32
        %add3A_1278 = arith.constant 1 : i32
        %add3A_1279 = arith.addi %add3A_1277, %add3A_1278 : i32
        %add3A_1280 = vector.broadcast %add3A_1279 : i32 to vector<16xi32>
        %add3A_1281 = arith.addi %iota3A, %add3A_1280 : vector<16xi32>
        %jit3A_1282 = arith.constant 0 : i32
        %broadcast_in_dim3A_1283 = vector.broadcast %jit3A_1282 : i32 to vector<16xi32>
        %select_n3A_1284 = arith.select %eq3A_1275, %broadcast_in_dim3A_1283, %add3A_1281 : vector<16xi1>, vector<16xi32>
        %swap3A_1285 = arith.constant 0 : index
        %swap3A_1286 = tpu.vector_load %arg7[%swap3A_1285] {strides = array<i32>} : memref<16xi32, #tpu.memory_space<vmem>>, vector<16xi32>,
        %swap3A_1287 = vector.shape_cast %swap3A_1286 : vector<16xi32> to vector<16xi32>
        %swap3A_1288 = vector.shape_cast %select_n3A_1284 : vector<16xi32> to vector<16xi32>
        tpu.vector_store %arg7[%swap3A_1285], %swap3A_1288 {strides = array<i32>} : memref<16xi32, #tpu.memory_space<vmem>>, vector<16xi32>,
        %dma_start3A_1289 = arith.constant 0 : i32
        %dma_start3A_1290 = arith.constant 0 : i32
        %dma_start3A_1291 = tpu.memref_slice %arg3[%dma_start3A_1289, %dma_start3A_1290] : memref<8192x1024xf32, #tpu.memory_space<hbm>> -> memref<8192x1024xf32, #tpu.memory_space<hbm>>
        tpu.enqueue_indirect_dma source(%dma_start3A_1291 : memref<8192x1024xf32, #tpu.memory_space<hbm>>) target(%arg8 : memref<16x1024xf32, #tpu.memory_space<vmem>>) offsets(%arg7 : memref<16xi32, #tpu.memory_space<vmem>>) semaphore(%arg14 : memref<!tpu.dma_semaphore, #tpu.memory_space<semaphore_mem>>)
        %dma_wait3A_1292 = arith.constant 0 : i32
        %dma_wait3A_1293 = arith.constant 0 : i32
        %dma_wait3A_1294 = tpu.memref_slice %arg3[%dma_wait3A_1292, %dma_wait3A_1293] : memref<8192x1024xf32, #tpu.memory_space<hbm>> -> memref<8192x1024xf32, #tpu.memory_space<hbm>>
        tpu.wait_indirect_dma semaphore(%arg14 : memref<!tpu.dma_semaphore, #tpu.memory_space<semaphore_mem>>) src(%dma_wait3A_1294 : memref<8192x1024xf32, #tpu.memory_space<hbm>>) dst(%arg8 : memref<16x1024xf32, #tpu.memory_space<vmem>>)
        %add3A_1295 = arith.constant 0 : i32
        %add3A_1296 = arith.addi %add3A_1295, %mul3A_2 : i32
        %add3A_1297 = arith.constant 80 : i32
        %add3A_1298 = arith.addi %add3A_1296, %add3A_1297 : i32
        "tpu.region"() ({
          %run_scoped3A = tpu.sem_alloc : memref<!tpu.dma_semaphore, #tpu.memory_space<semaphore_mem>>
          %dma_start3A_1299 = arith.constant 0 : i32
          %dma_start3A_1300 = tpu.memref_slice %arg4[%add3A_1298, %dma_start3A_1299] : memref<16384x1024xf32, #tpu.memory_space<hbm>> -> memref<16x1024xf32, #tpu.memory_space<hbm>>
          %dma_start3A_1301 = arith.constant 0 : i32
          %dma_start3A_1302 = tpu.memref_slice %arg4[%add3A_1298, %dma_start3A_1301] : memref<16384x1024xf32, #tpu.memory_space<hbm>> -> memref<16x1024xf32, #tpu.memory_space<hbm>>
          tpu.enqueue_dma source(%arg8 : memref<16x1024xf32, #tpu.memory_space<vmem>>) target(%dma_start3A_1302 : memref<16x1024xf32, #tpu.memory_space<hbm>>) target_semaphore(%run_scoped3A : memref<!tpu.dma_semaphore, #tpu.memory_space<semaphore_mem>>)
          %dma_wait3A_1303 = arith.constant 0 : i32
          %dma_wait3A_1304 = tpu.memref_slice %arg4[%add3A_1298, %dma_wait3A_1303] : memref<16384x1024xf32, #tpu.memory_space<hbm>> -> memref<16x1024xf32, #tpu.memory_space<hbm>>
          %dma_wait3A_1305 = arith.constant 0 : i32
          %dma_wait3A_1306 = tpu.memref_slice %arg4[%add3A_1298, %dma_wait3A_1305] : memref<16384x1024xf32, #tpu.memory_space<hbm>> -> memref<16x1024xf32, #tpu.memory_space<hbm>>
          tpu.wait_dma2 semaphore(%run_scoped3A : memref<!tpu.dma_semaphore, #tpu.memory_space<semaphore_mem>>) src(%arg8 : memref<16x1024xf32, #tpu.memory_space<vmem>>) dst(%dma_wait3A_1306 : memref<16x1024xf32, #tpu.memory_space<hbm>>)
          tpu.yield
        }) : () -> ()
      } else {
      }
      %shift_left3A_1036 = arith.constant 1 : i32
      %shift_left3A_1037 = arith.constant 6 : i32
      %shift_left3A_1038 = arith.shli %shift_left3A_1036, %shift_left3A_1037 : i32
      %and3A_1039 = arith.andi %squeeze3A, %shift_left3A_1038 : i32
      %ne3A_1040 = arith.constant 0 : i32
      %ne3A_1041 = arith.cmpi ne, %and3A_1039, %ne3A_1040 : i32
      %convert_element_type3A_1042 = arith.extui %ne3A_1041 : i1 to i32
      %cond3A_1043 = arith.constant 0 : i32
      %cond3A_1044 = arith.cmpi ne, %convert_element_type3A_1042, %cond3A_1043 : i32
      scf.if %cond3A_1044 {
        %get3A_1270 = arith.constant 96 : index
        %get3A_1271 = tpu.vector_load %arg5[%get3A_1270] {strides = array<i32>} : memref<512xi32, #tpu.memory_space<vmem>>, vector<16xi32>,
        %get3A_1272 = vector.shape_cast %get3A_1271 : vector<16xi32> to vector<16xi32>
        %eq3A_1273 = arith.constant 0 : i32
        %eq3A_1274 = vector.broadcast %eq3A_1273 : i32 to vector<16xi32>
        %eq3A_1275 = arith.cmpi eq, %get3A_1272, %eq3A_1274 : vector<16xi32>
        %add3A_1276 = arith.constant 96 : i32
        %add3A_1277 = arith.addi %mul3A_2, %add3A_1276 : i32
        %add3A_1278 = arith.constant 1 : i32
        %add3A_1279 = arith.addi %add3A_1277, %add3A_1278 : i32
        %add3A_1280 = vector.broadcast %add3A_1279 : i32 to vector<16xi32>
        %add3A_1281 = arith.addi %iota3A, %add3A_1280 : vector<16xi32>
        %jit3A_1282 = arith.constant 0 : i32
        %broadcast_in_dim3A_1283 = vector.broadcast %jit3A_1282 : i32 to vector<16xi32>
        %select_n3A_1284 = arith.select %eq3A_1275, %broadcast_in_dim3A_1283, %add3A_1281 : vector<16xi1>, vector<16xi32>
        %swap3A_1285 = arith.constant 0 : index
        %swap3A_1286 = tpu.vector_load %arg7[%swap3A_1285] {strides = array<i32>} : memref<16xi32, #tpu.memory_space<vmem>>, vector<16xi32>,
        %swap3A_1287 = vector.shape_cast %swap3A_1286 : vector<16xi32> to vector<16xi32>
        %swap3A_1288 = vector.shape_cast %select_n3A_1284 : vector<16xi32> to vector<16xi32>
        tpu.vector_store %arg7[%swap3A_1285], %swap3A_1288 {strides = array<i32>} : memref<16xi32, #tpu.memory_space<vmem>>, vector<16xi32>,
        %dma_start3A_1289 = arith.constant 0 : i32
        %dma_start3A_1290 = arith.constant 0 : i32
        %dma_start3A_1291 = tpu.memref_slice %arg3[%dma_start3A_1289, %dma_start3A_1290] : memref<8192x1024xf32, #tpu.memory_space<hbm>> -> memref<8192x1024xf32, #tpu.memory_space<hbm>>
        tpu.enqueue_indirect_dma source(%dma_start3A_1291 : memref<8192x1024xf32, #tpu.memory_space<hbm>>) target(%arg8 : memref<16x1024xf32, #tpu.memory_space<vmem>>) offsets(%arg7 : memref<16xi32, #tpu.memory_space<vmem>>) semaphore(%arg14 : memref<!tpu.dma_semaphore, #tpu.memory_space<semaphore_mem>>)
        %dma_wait3A_1292 = arith.constant 0 : i32
        %dma_wait3A_1293 = arith.constant 0 : i32
        %dma_wait3A_1294 = tpu.memref_slice %arg3[%dma_wait3A_1292, %dma_wait3A_1293] : memref<8192x1024xf32, #tpu.memory_space<hbm>> -> memref<8192x1024xf32, #tpu.memory_space<hbm>>
        tpu.wait_indirect_dma semaphore(%arg14 : memref<!tpu.dma_semaphore, #tpu.memory_space<semaphore_mem>>) src(%dma_wait3A_1294 : memref<8192x1024xf32, #tpu.memory_space<hbm>>) dst(%arg8 : memref<16x1024xf32, #tpu.memory_space<vmem>>)
        %add3A_1295 = arith.constant 0 : i32
        %add3A_1296 = arith.addi %add3A_1295, %mul3A_2 : i32
        %add3A_1297 = arith.constant 96 : i32
        %add3A_1298 = arith.addi %add3A_1296, %add3A_1297 : i32
        "tpu.region"() ({
          %run_scoped3A = tpu.sem_alloc : memref<!tpu.dma_semaphore, #tpu.memory_space<semaphore_mem>>
          %dma_start3A_1299 = arith.constant 0 : i32
          %dma_start3A_1300 = tpu.memref_slice %arg4[%add3A_1298, %dma_start3A_1299] : memref<16384x1024xf32, #tpu.memory_space<hbm>> -> memref<16x1024xf32, #tpu.memory_space<hbm>>
          %dma_start3A_1301 = arith.constant 0 : i32
          %dma_start3A_1302 = tpu.memref_slice %arg4[%add3A_1298, %dma_start3A_1301] : memref<16384x1024xf32, #tpu.memory_space<hbm>> -> memref<16x1024xf32, #tpu.memory_space<hbm>>
          tpu.enqueue_dma source(%arg8 : memref<16x1024xf32, #tpu.memory_space<vmem>>) target(%dma_start3A_1302 : memref<16x1024xf32, #tpu.memory_space<hbm>>) target_semaphore(%run_scoped3A : memref<!tpu.dma_semaphore, #tpu.memory_space<semaphore_mem>>)
          %dma_wait3A_1303 = arith.constant 0 : i32
          %dma_wait3A_1304 = tpu.memref_slice %arg4[%add3A_1298, %dma_wait3A_1303] : memref<16384x1024xf32, #tpu.memory_space<hbm>> -> memref<16x1024xf32, #tpu.memory_space<hbm>>
          %dma_wait3A_1305 = arith.constant 0 : i32
          %dma_wait3A_1306 = tpu.memref_slice %arg4[%add3A_1298, %dma_wait3A_1305] : memref<16384x1024xf32, #tpu.memory_space<hbm>> -> memref<16x1024xf32, #tpu.memory_space<hbm>>
          tpu.wait_dma2 semaphore(%run_scoped3A : memref<!tpu.dma_semaphore, #tpu.memory_space<semaphore_mem>>) src(%arg8 : memref<16x1024xf32, #tpu.memory_space<vmem>>) dst(%dma_wait3A_1306 : memref<16x1024xf32, #tpu.memory_space<hbm>>)
          tpu.yield
        }) : () -> ()
      } else {
      }
      %shift_left3A_1045 = arith.constant 1 : i32
      %shift_left3A_1046 = arith.constant 7 : i32
      %shift_left3A_1047 = arith.shli %shift_left3A_1045, %shift_left3A_1046 : i32
      %and3A_1048 = arith.andi %squeeze3A, %shift_left3A_1047 : i32
      %ne3A_1049 = arith.constant 0 : i32
      %ne3A_1050 = arith.cmpi ne, %and3A_1048, %ne3A_1049 : i32
      %convert_element_type3A_1051 = arith.extui %ne3A_1050 : i1 to i32
      %cond3A_1052 = arith.constant 0 : i32
      %cond3A_1053 = arith.cmpi ne, %convert_element_type3A_1051, %cond3A_1052 : i32
      scf.if %cond3A_1053 {
        %get3A_1270 = arith.constant 112 : index
        %get3A_1271 = tpu.vector_load %arg5[%get3A_1270] {strides = array<i32>} : memref<512xi32, #tpu.memory_space<vmem>>, vector<16xi32>,
        %get3A_1272 = vector.shape_cast %get3A_1271 : vector<16xi32> to vector<16xi32>
        %eq3A_1273 = arith.constant 0 : i32
        %eq3A_1274 = vector.broadcast %eq3A_1273 : i32 to vector<16xi32>
        %eq3A_1275 = arith.cmpi eq, %get3A_1272, %eq3A_1274 : vector<16xi32>
        %add3A_1276 = arith.constant 112 : i32
        %add3A_1277 = arith.addi %mul3A_2, %add3A_1276 : i32
        %add3A_1278 = arith.constant 1 : i32
        %add3A_1279 = arith.addi %add3A_1277, %add3A_1278 : i32
        %add3A_1280 = vector.broadcast %add3A_1279 : i32 to vector<16xi32>
        %add3A_1281 = arith.addi %iota3A, %add3A_1280 : vector<16xi32>
        %jit3A_1282 = arith.constant 0 : i32
        %broadcast_in_dim3A_1283 = vector.broadcast %jit3A_1282 : i32 to vector<16xi32>
        %select_n3A_1284 = arith.select %eq3A_1275, %broadcast_in_dim3A_1283, %add3A_1281 : vector<16xi1>, vector<16xi32>
        %swap3A_1285 = arith.constant 0 : index
        %swap3A_1286 = tpu.vector_load %arg7[%swap3A_1285] {strides = array<i32>} : memref<16xi32, #tpu.memory_space<vmem>>, vector<16xi32>,
        %swap3A_1287 = vector.shape_cast %swap3A_1286 : vector<16xi32> to vector<16xi32>
        %swap3A_1288 = vector.shape_cast %select_n3A_1284 : vector<16xi32> to vector<16xi32>
        tpu.vector_store %arg7[%swap3A_1285], %swap3A_1288 {strides = array<i32>} : memref<16xi32, #tpu.memory_space<vmem>>, vector<16xi32>,
        %dma_start3A_1289 = arith.constant 0 : i32
        %dma_start3A_1290 = arith.constant 0 : i32
        %dma_start3A_1291 = tpu.memref_slice %arg3[%dma_start3A_1289, %dma_start3A_1290] : memref<8192x1024xf32, #tpu.memory_space<hbm>> -> memref<8192x1024xf32, #tpu.memory_space<hbm>>
        tpu.enqueue_indirect_dma source(%dma_start3A_1291 : memref<8192x1024xf32, #tpu.memory_space<hbm>>) target(%arg8 : memref<16x1024xf32, #tpu.memory_space<vmem>>) offsets(%arg7 : memref<16xi32, #tpu.memory_space<vmem>>) semaphore(%arg14 : memref<!tpu.dma_semaphore, #tpu.memory_space<semaphore_mem>>)
        %dma_wait3A_1292 = arith.constant 0 : i32
        %dma_wait3A_1293 = arith.constant 0 : i32
        %dma_wait3A_1294 = tpu.memref_slice %arg3[%dma_wait3A_1292, %dma_wait3A_1293] : memref<8192x1024xf32, #tpu.memory_space<hbm>> -> memref<8192x1024xf32, #tpu.memory_space<hbm>>
        tpu.wait_indirect_dma semaphore(%arg14 : memref<!tpu.dma_semaphore, #tpu.memory_space<semaphore_mem>>) src(%dma_wait3A_1294 : memref<8192x1024xf32, #tpu.memory_space<hbm>>) dst(%arg8 : memref<16x1024xf32, #tpu.memory_space<vmem>>)
        %add3A_1295 = arith.constant 0 : i32
        %add3A_1296 = arith.addi %add3A_1295, %mul3A_2 : i32
        %add3A_1297 = arith.constant 112 : i32
        %add3A_1298 = arith.addi %add3A_1296, %add3A_1297 : i32
        "tpu.region"() ({
          %run_scoped3A = tpu.sem_alloc : memref<!tpu.dma_semaphore, #tpu.memory_space<semaphore_mem>>
          %dma_start3A_1299 = arith.constant 0 : i32
          %dma_start3A_1300 = tpu.memref_slice %arg4[%add3A_1298, %dma_start3A_1299] : memref<16384x1024xf32, #tpu.memory_space<hbm>> -> memref<16x1024xf32, #tpu.memory_space<hbm>>
          %dma_start3A_1301 = arith.constant 0 : i32
          %dma_start3A_1302 = tpu.memref_slice %arg4[%add3A_1298, %dma_start3A_1301] : memref<16384x1024xf32, #tpu.memory_space<hbm>> -> memref<16x1024xf32, #tpu.memory_space<hbm>>
          tpu.enqueue_dma source(%arg8 : memref<16x1024xf32, #tpu.memory_space<vmem>>) target(%dma_start3A_1302 : memref<16x1024xf32, #tpu.memory_space<hbm>>) target_semaphore(%run_scoped3A : memref<!tpu.dma_semaphore, #tpu.memory_space<semaphore_mem>>)
          %dma_wait3A_1303 = arith.constant 0 : i32
          %dma_wait3A_1304 = tpu.memref_slice %arg4[%add3A_1298, %dma_wait3A_1303] : memref<16384x1024xf32, #tpu.memory_space<hbm>> -> memref<16x1024xf32, #tpu.memory_space<hbm>>
          %dma_wait3A_1305 = arith.constant 0 : i32
          %dma_wait3A_1306 = tpu.memref_slice %arg4[%add3A_1298, %dma_wait3A_1305] : memref<16384x1024xf32, #tpu.memory_space<hbm>> -> memref<16x1024xf32, #tpu.memory_space<hbm>>
          tpu.wait_dma2 semaphore(%run_scoped3A : memref<!tpu.dma_semaphore, #tpu.memory_space<semaphore_mem>>) src(%arg8 : memref<16x1024xf32, #tpu.memory_space<vmem>>) dst(%dma_wait3A_1306 : memref<16x1024xf32, #tpu.memory_space<hbm>>)
          tpu.yield
        }) : () -> ()
      } else {
      }
      %shift_left3A_1054 = arith.constant 1 : i32
      %shift_left3A_1055 = arith.constant 8 : i32
      %shift_left3A_1056 = arith.shli %shift_left3A_1054, %shift_left3A_1055 : i32
      %and3A_1057 = arith.andi %squeeze3A, %shift_left3A_1056 : i32
      %ne3A_1058 = arith.constant 0 : i32
      %ne3A_1059 = arith.cmpi ne, %and3A_1057, %ne3A_1058 : i32
      %convert_element_type3A_1060 = arith.extui %ne3A_1059 : i1 to i32
      %cond3A_1061 = arith.constant 0 : i32
      %cond3A_1062 = arith.cmpi ne, %convert_element_type3A_1060, %cond3A_1061 : i32
      scf.if %cond3A_1062 {
        %get3A_1270 = arith.constant 128 : index
        %get3A_1271 = tpu.vector_load %arg5[%get3A_1270] {strides = array<i32>} : memref<512xi32, #tpu.memory_space<vmem>>, vector<16xi32>,
        %get3A_1272 = vector.shape_cast %get3A_1271 : vector<16xi32> to vector<16xi32>
        %eq3A_1273 = arith.constant 0 : i32
        %eq3A_1274 = vector.broadcast %eq3A_1273 : i32 to vector<16xi32>
        %eq3A_1275 = arith.cmpi eq, %get3A_1272, %eq3A_1274 : vector<16xi32>
        %add3A_1276 = arith.constant 0 : i32
        %add3A_1277 = arith.addi %mul3A_2, %add3A_1276 : i32
        %add3A_1278 = arith.constant 1 : i32
        %add3A_1279 = arith.addi %add3A_1277, %add3A_1278 : i32
        %add3A_1280 = vector.broadcast %add3A_1279 : i32 to vector<16xi32>
        %add3A_1281 = arith.addi %iota3A, %add3A_1280 : vector<16xi32>
        %jit3A_1282 = arith.constant 0 : i32
        %broadcast_in_dim3A_1283 = vector.broadcast %jit3A_1282 : i32 to vector<16xi32>
        %select_n3A_1284 = arith.select %eq3A_1275, %broadcast_in_dim3A_1283, %add3A_1281 : vector<16xi1>, vector<16xi32>
        %swap3A_1285 = arith.constant 0 : index
        %swap3A_1286 = tpu.vector_load %arg7[%swap3A_1285] {strides = array<i32>} : memref<16xi32, #tpu.memory_space<vmem>>, vector<16xi32>,
        %swap3A_1287 = vector.shape_cast %swap3A_1286 : vector<16xi32> to vector<16xi32>
        %swap3A_1288 = vector.shape_cast %select_n3A_1284 : vector<16xi32> to vector<16xi32>
        tpu.vector_store %arg7[%swap3A_1285], %swap3A_1288 {strides = array<i32>} : memref<16xi32, #tpu.memory_space<vmem>>, vector<16xi32>,
        %dma_start3A_1289 = arith.constant 0 : i32
        %dma_start3A_1290 = arith.constant 0 : i32
        %dma_start3A_1291 = tpu.memref_slice %arg3[%dma_start3A_1289, %dma_start3A_1290] : memref<8192x1024xf32, #tpu.memory_space<hbm>> -> memref<8192x1024xf32, #tpu.memory_space<hbm>>
        tpu.enqueue_indirect_dma source(%dma_start3A_1291 : memref<8192x1024xf32, #tpu.memory_space<hbm>>) target(%arg8 : memref<16x1024xf32, #tpu.memory_space<vmem>>) offsets(%arg7 : memref<16xi32, #tpu.memory_space<vmem>>) semaphore(%arg14 : memref<!tpu.dma_semaphore, #tpu.memory_space<semaphore_mem>>)
        %dma_wait3A_1292 = arith.constant 0 : i32
        %dma_wait3A_1293 = arith.constant 0 : i32
        %dma_wait3A_1294 = tpu.memref_slice %arg3[%dma_wait3A_1292, %dma_wait3A_1293] : memref<8192x1024xf32, #tpu.memory_space<hbm>> -> memref<8192x1024xf32, #tpu.memory_space<hbm>>
        tpu.wait_indirect_dma semaphore(%arg14 : memref<!tpu.dma_semaphore, #tpu.memory_space<semaphore_mem>>) src(%dma_wait3A_1294 : memref<8192x1024xf32, #tpu.memory_space<hbm>>) dst(%arg8 : memref<16x1024xf32, #tpu.memory_space<vmem>>)
        %add3A_1295 = arith.constant 4096 : i32
        %add3A_1296 = arith.addi %add3A_1295, %mul3A_2 : i32
        %add3A_1297 = arith.constant 0 : i32
        %add3A_1298 = arith.addi %add3A_1296, %add3A_1297 : i32
        "tpu.region"() ({
          %run_scoped3A = tpu.sem_alloc : memref<!tpu.dma_semaphore, #tpu.memory_space<semaphore_mem>>
          %dma_start3A_1299 = arith.constant 0 : i32
          %dma_start3A_1300 = tpu.memref_slice %arg4[%add3A_1298, %dma_start3A_1299] : memref<16384x1024xf32, #tpu.memory_space<hbm>> -> memref<16x1024xf32, #tpu.memory_space<hbm>>
          %dma_start3A_1301 = arith.constant 0 : i32
          %dma_start3A_1302 = tpu.memref_slice %arg4[%add3A_1298, %dma_start3A_1301] : memref<16384x1024xf32, #tpu.memory_space<hbm>> -> memref<16x1024xf32, #tpu.memory_space<hbm>>
          tpu.enqueue_dma source(%arg8 : memref<16x1024xf32, #tpu.memory_space<vmem>>) target(%dma_start3A_1302 : memref<16x1024xf32, #tpu.memory_space<hbm>>) target_semaphore(%run_scoped3A : memref<!tpu.dma_semaphore, #tpu.memory_space<semaphore_mem>>)
          %dma_wait3A_1303 = arith.constant 0 : i32
          %dma_wait3A_1304 = tpu.memref_slice %arg4[%add3A_1298, %dma_wait3A_1303] : memref<16384x1024xf32, #tpu.memory_space<hbm>> -> memref<16x1024xf32, #tpu.memory_space<hbm>>
          %dma_wait3A_1305 = arith.constant 0 : i32
          %dma_wait3A_1306 = tpu.memref_slice %arg4[%add3A_1298, %dma_wait3A_1305] : memref<16384x1024xf32, #tpu.memory_space<hbm>> -> memref<16x1024xf32, #tpu.memory_space<hbm>>
          tpu.wait_dma2 semaphore(%run_scoped3A : memref<!tpu.dma_semaphore, #tpu.memory_space<semaphore_mem>>) src(%arg8 : memref<16x1024xf32, #tpu.memory_space<vmem>>) dst(%dma_wait3A_1306 : memref<16x1024xf32, #tpu.memory_space<hbm>>)
          tpu.yield
        }) : () -> ()
      } else {
      }
      %shift_left3A_1063 = arith.constant 1 : i32
      %shift_left3A_1064 = arith.constant 9 : i32
      %shift_left3A_1065 = arith.shli %shift_left3A_1063, %shift_left3A_1064 : i32
      %and3A_1066 = arith.andi %squeeze3A, %shift_left3A_1065 : i32
      %ne3A_1067 = arith.constant 0 : i32
      %ne3A_1068 = arith.cmpi ne, %and3A_1066, %ne3A_1067 : i32
      %convert_element_type3A_1069 = arith.extui %ne3A_1068 : i1 to i32
      %cond3A_1070 = arith.constant 0 : i32
      %cond3A_1071 = arith.cmpi ne, %convert_element_type3A_1069, %cond3A_1070 : i32
      scf.if %cond3A_1071 {
        %get3A_1270 = arith.constant 144 : index
        %get3A_1271 = tpu.vector_load %arg5[%get3A_1270] {strides = array<i32>} : memref<512xi32, #tpu.memory_space<vmem>>, vector<16xi32>,
        %get3A_1272 = vector.shape_cast %get3A_1271 : vector<16xi32> to vector<16xi32>
        %eq3A_1273 = arith.constant 0 : i32
        %eq3A_1274 = vector.broadcast %eq3A_1273 : i32 to vector<16xi32>
        %eq3A_1275 = arith.cmpi eq, %get3A_1272, %eq3A_1274 : vector<16xi32>
        %add3A_1276 = arith.constant 16 : i32
        %add3A_1277 = arith.addi %mul3A_2, %add3A_1276 : i32
        %add3A_1278 = arith.constant 1 : i32
        %add3A_1279 = arith.addi %add3A_1277, %add3A_1278 : i32
        %add3A_1280 = vector.broadcast %add3A_1279 : i32 to vector<16xi32>
        %add3A_1281 = arith.addi %iota3A, %add3A_1280 : vector<16xi32>
        %jit3A_1282 = arith.constant 0 : i32
        %broadcast_in_dim3A_1283 = vector.broadcast %jit3A_1282 : i32 to vector<16xi32>
        %select_n3A_1284 = arith.select %eq3A_1275, %broadcast_in_dim3A_1283, %add3A_1281 : vector<16xi1>, vector<16xi32>
        %swap3A_1285 = arith.constant 0 : index
        %swap3A_1286 = tpu.vector_load %arg7[%swap3A_1285] {strides = array<i32>} : memref<16xi32, #tpu.memory_space<vmem>>, vector<16xi32>,
        %swap3A_1287 = vector.shape_cast %swap3A_1286 : vector<16xi32> to vector<16xi32>
        %swap3A_1288 = vector.shape_cast %select_n3A_1284 : vector<16xi32> to vector<16xi32>
        tpu.vector_store %arg7[%swap3A_1285], %swap3A_1288 {strides = array<i32>} : memref<16xi32, #tpu.memory_space<vmem>>, vector<16xi32>,
        %dma_start3A_1289 = arith.constant 0 : i32
        %dma_start3A_1290 = arith.constant 0 : i32
        %dma_start3A_1291 = tpu.memref_slice %arg3[%dma_start3A_1289, %dma_start3A_1290] : memref<8192x1024xf32, #tpu.memory_space<hbm>> -> memref<8192x1024xf32, #tpu.memory_space<hbm>>
        tpu.enqueue_indirect_dma source(%dma_start3A_1291 : memref<8192x1024xf32, #tpu.memory_space<hbm>>) target(%arg8 : memref<16x1024xf32, #tpu.memory_space<vmem>>) offsets(%arg7 : memref<16xi32, #tpu.memory_space<vmem>>) semaphore(%arg14 : memref<!tpu.dma_semaphore, #tpu.memory_space<semaphore_mem>>)
        %dma_wait3A_1292 = arith.constant 0 : i32
        %dma_wait3A_1293 = arith.constant 0 : i32
        %dma_wait3A_1294 = tpu.memref_slice %arg3[%dma_wait3A_1292, %dma_wait3A_1293] : memref<8192x1024xf32, #tpu.memory_space<hbm>> -> memref<8192x1024xf32, #tpu.memory_space<hbm>>
        tpu.wait_indirect_dma semaphore(%arg14 : memref<!tpu.dma_semaphore, #tpu.memory_space<semaphore_mem>>) src(%dma_wait3A_1294 : memref<8192x1024xf32, #tpu.memory_space<hbm>>) dst(%arg8 : memref<16x1024xf32, #tpu.memory_space<vmem>>)
        %add3A_1295 = arith.constant 4096 : i32
        %add3A_1296 = arith.addi %add3A_1295, %mul3A_2 : i32
        %add3A_1297 = arith.constant 16 : i32
        %add3A_1298 = arith.addi %add3A_1296, %add3A_1297 : i32
        "tpu.region"() ({
          %run_scoped3A = tpu.sem_alloc : memref<!tpu.dma_semaphore, #tpu.memory_space<semaphore_mem>>
          %dma_start3A_1299 = arith.constant 0 : i32
          %dma_start3A_1300 = tpu.memref_slice %arg4[%add3A_1298, %dma_start3A_1299] : memref<16384x1024xf32, #tpu.memory_space<hbm>> -> memref<16x1024xf32, #tpu.memory_space<hbm>>
          %dma_start3A_1301 = arith.constant 0 : i32
          %dma_start3A_1302 = tpu.memref_slice %arg4[%add3A_1298, %dma_start3A_1301] : memref<16384x1024xf32, #tpu.memory_space<hbm>> -> memref<16x1024xf32, #tpu.memory_space<hbm>>
          tpu.enqueue_dma source(%arg8 : memref<16x1024xf32, #tpu.memory_space<vmem>>) target(%dma_start3A_1302 : memref<16x1024xf32, #tpu.memory_space<hbm>>) target_semaphore(%run_scoped3A : memref<!tpu.dma_semaphore, #tpu.memory_space<semaphore_mem>>)
          %dma_wait3A_1303 = arith.constant 0 : i32
          %dma_wait3A_1304 = tpu.memref_slice %arg4[%add3A_1298, %dma_wait3A_1303] : memref<16384x1024xf32, #tpu.memory_space<hbm>> -> memref<16x1024xf32, #tpu.memory_space<hbm>>
          %dma_wait3A_1305 = arith.constant 0 : i32
          %dma_wait3A_1306 = tpu.memref_slice %arg4[%add3A_1298, %dma_wait3A_1305] : memref<16384x1024xf32, #tpu.memory_space<hbm>> -> memref<16x1024xf32, #tpu.memory_space<hbm>>
          tpu.wait_dma2 semaphore(%run_scoped3A : memref<!tpu.dma_semaphore, #tpu.memory_space<semaphore_mem>>) src(%arg8 : memref<16x1024xf32, #tpu.memory_space<vmem>>) dst(%dma_wait3A_1306 : memref<16x1024xf32, #tpu.memory_space<hbm>>)
          tpu.yield
        }) : () -> ()
      } else {
      }
      %shift_left3A_1072 = arith.constant 1 : i32
      %shift_left3A_1073 = arith.constant 10 : i32
      %shift_left3A_1074 = arith.shli %shift_left3A_1072, %shift_left3A_1073 : i32
      %and3A_1075 = arith.andi %squeeze3A, %shift_left3A_1074 : i32
      %ne3A_1076 = arith.constant 0 : i32
      %ne3A_1077 = arith.cmpi ne, %and3A_1075, %ne3A_1076 : i32
      %convert_element_type3A_1078 = arith.extui %ne3A_1077 : i1 to i32
      %cond3A_1079 = arith.constant 0 : i32
      %cond3A_1080 = arith.cmpi ne, %convert_element_type3A_1078, %cond3A_1079 : i32
      scf.if %cond3A_1080 {
        %get3A_1270 = arith.constant 160 : index
        %get3A_1271 = tpu.vector_load %arg5[%get3A_1270] {strides = array<i32>} : memref<512xi32, #tpu.memory_space<vmem>>, vector<16xi32>,
        %get3A_1272 = vector.shape_cast %get3A_1271 : vector<16xi32> to vector<16xi32>
        %eq3A_1273 = arith.constant 0 : i32
        %eq3A_1274 = vector.broadcast %eq3A_1273 : i32 to vector<16xi32>
        %eq3A_1275 = arith.cmpi eq, %get3A_1272, %eq3A_1274 : vector<16xi32>
        %add3A_1276 = arith.constant 32 : i32
        %add3A_1277 = arith.addi %mul3A_2, %add3A_1276 : i32
        %add3A_1278 = arith.constant 1 : i32
        %add3A_1279 = arith.addi %add3A_1277, %add3A_1278 : i32
        %add3A_1280 = vector.broadcast %add3A_1279 : i32 to vector<16xi32>
        %add3A_1281 = arith.addi %iota3A, %add3A_1280 : vector<16xi32>
        %jit3A_1282 = arith.constant 0 : i32
        %broadcast_in_dim3A_1283 = vector.broadcast %jit3A_1282 : i32 to vector<16xi32>
        %select_n3A_1284 = arith.select %eq3A_1275, %broadcast_in_dim3A_1283, %add3A_1281 : vector<16xi1>, vector<16xi32>
        %swap3A_1285 = arith.constant 0 : index
        %swap3A_1286 = tpu.vector_load %arg7[%swap3A_1285] {strides = array<i32>} : memref<16xi32, #tpu.memory_space<vmem>>, vector<16xi32>,
        %swap3A_1287 = vector.shape_cast %swap3A_1286 : vector<16xi32> to vector<16xi32>
        %swap3A_1288 = vector.shape_cast %select_n3A_1284 : vector<16xi32> to vector<16xi32>
        tpu.vector_store %arg7[%swap3A_1285], %swap3A_1288 {strides = array<i32>} : memref<16xi32, #tpu.memory_space<vmem>>, vector<16xi32>,
        %dma_start3A_1289 = arith.constant 0 : i32
        %dma_start3A_1290 = arith.constant 0 : i32
        %dma_start3A_1291 = tpu.memref_slice %arg3[%dma_start3A_1289, %dma_start3A_1290] : memref<8192x1024xf32, #tpu.memory_space<hbm>> -> memref<8192x1024xf32, #tpu.memory_space<hbm>>
        tpu.enqueue_indirect_dma source(%dma_start3A_1291 : memref<8192x1024xf32, #tpu.memory_space<hbm>>) target(%arg8 : memref<16x1024xf32, #tpu.memory_space<vmem>>) offsets(%arg7 : memref<16xi32, #tpu.memory_space<vmem>>) semaphore(%arg14 : memref<!tpu.dma_semaphore, #tpu.memory_space<semaphore_mem>>)
        %dma_wait3A_1292 = arith.constant 0 : i32
        %dma_wait3A_1293 = arith.constant 0 : i32
        %dma_wait3A_1294 = tpu.memref_slice %arg3[%dma_wait3A_1292, %dma_wait3A_1293] : memref<8192x1024xf32, #tpu.memory_space<hbm>> -> memref<8192x1024xf32, #tpu.memory_space<hbm>>
        tpu.wait_indirect_dma semaphore(%arg14 : memref<!tpu.dma_semaphore, #tpu.memory_space<semaphore_mem>>) src(%dma_wait3A_1294 : memref<8192x1024xf32, #tpu.memory_space<hbm>>) dst(%arg8 : memref<16x1024xf32, #tpu.memory_space<vmem>>)
        %add3A_1295 = arith.constant 4096 : i32
        %add3A_1296 = arith.addi %add3A_1295, %mul3A_2 : i32
        %add3A_1297 = arith.constant 32 : i32
        %add3A_1298 = arith.addi %add3A_1296, %add3A_1297 : i32
        "tpu.region"() ({
          %run_scoped3A = tpu.sem_alloc : memref<!tpu.dma_semaphore, #tpu.memory_space<semaphore_mem>>
          %dma_start3A_1299 = arith.constant 0 : i32
          %dma_start3A_1300 = tpu.memref_slice %arg4[%add3A_1298, %dma_start3A_1299] : memref<16384x1024xf32, #tpu.memory_space<hbm>> -> memref<16x1024xf32, #tpu.memory_space<hbm>>
          %dma_start3A_1301 = arith.constant 0 : i32
          %dma_start3A_1302 = tpu.memref_slice %arg4[%add3A_1298, %dma_start3A_1301] : memref<16384x1024xf32, #tpu.memory_space<hbm>> -> memref<16x1024xf32, #tpu.memory_space<hbm>>
          tpu.enqueue_dma source(%arg8 : memref<16x1024xf32, #tpu.memory_space<vmem>>) target(%dma_start3A_1302 : memref<16x1024xf32, #tpu.memory_space<hbm>>) target_semaphore(%run_scoped3A : memref<!tpu.dma_semaphore, #tpu.memory_space<semaphore_mem>>)
          %dma_wait3A_1303 = arith.constant 0 : i32
          %dma_wait3A_1304 = tpu.memref_slice %arg4[%add3A_1298, %dma_wait3A_1303] : memref<16384x1024xf32, #tpu.memory_space<hbm>> -> memref<16x1024xf32, #tpu.memory_space<hbm>>
          %dma_wait3A_1305 = arith.constant 0 : i32
          %dma_wait3A_1306 = tpu.memref_slice %arg4[%add3A_1298, %dma_wait3A_1305] : memref<16384x1024xf32, #tpu.memory_space<hbm>> -> memref<16x1024xf32, #tpu.memory_space<hbm>>
          tpu.wait_dma2 semaphore(%run_scoped3A : memref<!tpu.dma_semaphore, #tpu.memory_space<semaphore_mem>>) src(%arg8 : memref<16x1024xf32, #tpu.memory_space<vmem>>) dst(%dma_wait3A_1306 : memref<16x1024xf32, #tpu.memory_space<hbm>>)
          tpu.yield
        }) : () -> ()
      } else {
      }
      %shift_left3A_1081 = arith.constant 1 : i32
      %shift_left3A_1082 = arith.constant 11 : i32
      %shift_left3A_1083 = arith.shli %shift_left3A_1081, %shift_left3A_1082 : i32
      %and3A_1084 = arith.andi %squeeze3A, %shift_left3A_1083 : i32
      %ne3A_1085 = arith.constant 0 : i32
      %ne3A_1086 = arith.cmpi ne, %and3A_1084, %ne3A_1085 : i32
      %convert_element_type3A_1087 = arith.extui %ne3A_1086 : i1 to i32
      %cond3A_1088 = arith.constant 0 : i32
      %cond3A_1089 = arith.cmpi ne, %convert_element_type3A_1087, %cond3A_1088 : i32
      scf.if %cond3A_1089 {
        %get3A_1270 = arith.constant 176 : index
        %get3A_1271 = tpu.vector_load %arg5[%get3A_1270] {strides = array<i32>} : memref<512xi32, #tpu.memory_space<vmem>>, vector<16xi32>,
        %get3A_1272 = vector.shape_cast %get3A_1271 : vector<16xi32> to vector<16xi32>
        %eq3A_1273 = arith.constant 0 : i32
        %eq3A_1274 = vector.broadcast %eq3A_1273 : i32 to vector<16xi32>
        %eq3A_1275 = arith.cmpi eq, %get3A_1272, %eq3A_1274 : vector<16xi32>
        %add3A_1276 = arith.constant 48 : i32
        %add3A_1277 = arith.addi %mul3A_2, %add3A_1276 : i32
        %add3A_1278 = arith.constant 1 : i32
        %add3A_1279 = arith.addi %add3A_1277, %add3A_1278 : i32
        %add3A_1280 = vector.broadcast %add3A_1279 : i32 to vector<16xi32>
        %add3A_1281 = arith.addi %iota3A, %add3A_1280 : vector<16xi32>
        %jit3A_1282 = arith.constant 0 : i32
        %broadcast_in_dim3A_1283 = vector.broadcast %jit3A_1282 : i32 to vector<16xi32>
        %select_n3A_1284 = arith.select %eq3A_1275, %broadcast_in_dim3A_1283, %add3A_1281 : vector<16xi1>, vector<16xi32>
        %swap3A_1285 = arith.constant 0 : index
        %swap3A_1286 = tpu.vector_load %arg7[%swap3A_1285] {strides = array<i32>} : memref<16xi32, #tpu.memory_space<vmem>>, vector<16xi32>,
        %swap3A_1287 = vector.shape_cast %swap3A_1286 : vector<16xi32> to vector<16xi32>
        %swap3A_1288 = vector.shape_cast %select_n3A_1284 : vector<16xi32> to vector<16xi32>
        tpu.vector_store %arg7[%swap3A_1285], %swap3A_1288 {strides = array<i32>} : memref<16xi32, #tpu.memory_space<vmem>>, vector<16xi32>,
        %dma_start3A_1289 = arith.constant 0 : i32
        %dma_start3A_1290 = arith.constant 0 : i32
        %dma_start3A_1291 = tpu.memref_slice %arg3[%dma_start3A_1289, %dma_start3A_1290] : memref<8192x1024xf32, #tpu.memory_space<hbm>> -> memref<8192x1024xf32, #tpu.memory_space<hbm>>
        tpu.enqueue_indirect_dma source(%dma_start3A_1291 : memref<8192x1024xf32, #tpu.memory_space<hbm>>) target(%arg8 : memref<16x1024xf32, #tpu.memory_space<vmem>>) offsets(%arg7 : memref<16xi32, #tpu.memory_space<vmem>>) semaphore(%arg14 : memref<!tpu.dma_semaphore, #tpu.memory_space<semaphore_mem>>)
        %dma_wait3A_1292 = arith.constant 0 : i32
        %dma_wait3A_1293 = arith.constant 0 : i32
        %dma_wait3A_1294 = tpu.memref_slice %arg3[%dma_wait3A_1292, %dma_wait3A_1293] : memref<8192x1024xf32, #tpu.memory_space<hbm>> -> memref<8192x1024xf32, #tpu.memory_space<hbm>>
        tpu.wait_indirect_dma semaphore(%arg14 : memref<!tpu.dma_semaphore, #tpu.memory_space<semaphore_mem>>) src(%dma_wait3A_1294 : memref<8192x1024xf32, #tpu.memory_space<hbm>>) dst(%arg8 : memref<16x1024xf32, #tpu.memory_space<vmem>>)
        %add3A_1295 = arith.constant 4096 : i32
        %add3A_1296 = arith.addi %add3A_1295, %mul3A_2 : i32
        %add3A_1297 = arith.constant 48 : i32
        %add3A_1298 = arith.addi %add3A_1296, %add3A_1297 : i32
        "tpu.region"() ({
          %run_scoped3A = tpu.sem_alloc : memref<!tpu.dma_semaphore, #tpu.memory_space<semaphore_mem>>
          %dma_start3A_1299 = arith.constant 0 : i32
          %dma_start3A_1300 = tpu.memref_slice %arg4[%add3A_1298, %dma_start3A_1299] : memref<16384x1024xf32, #tpu.memory_space<hbm>> -> memref<16x1024xf32, #tpu.memory_space<hbm>>
          %dma_start3A_1301 = arith.constant 0 : i32
          %dma_start3A_1302 = tpu.memref_slice %arg4[%add3A_1298, %dma_start3A_1301] : memref<16384x1024xf32, #tpu.memory_space<hbm>> -> memref<16x1024xf32, #tpu.memory_space<hbm>>
          tpu.enqueue_dma source(%arg8 : memref<16x1024xf32, #tpu.memory_space<vmem>>) target(%dma_start3A_1302 : memref<16x1024xf32, #tpu.memory_space<hbm>>) target_semaphore(%run_scoped3A : memref<!tpu.dma_semaphore, #tpu.memory_space<semaphore_mem>>)
          %dma_wait3A_1303 = arith.constant 0 : i32
          %dma_wait3A_1304 = tpu.memref_slice %arg4[%add3A_1298, %dma_wait3A_1303] : memref<16384x1024xf32, #tpu.memory_space<hbm>> -> memref<16x1024xf32, #tpu.memory_space<hbm>>
          %dma_wait3A_1305 = arith.constant 0 : i32
          %dma_wait3A_1306 = tpu.memref_slice %arg4[%add3A_1298, %dma_wait3A_1305] : memref<16384x1024xf32, #tpu.memory_space<hbm>> -> memref<16x1024xf32, #tpu.memory_space<hbm>>
          tpu.wait_dma2 semaphore(%run_scoped3A : memref<!tpu.dma_semaphore, #tpu.memory_space<semaphore_mem>>) src(%arg8 : memref<16x1024xf32, #tpu.memory_space<vmem>>) dst(%dma_wait3A_1306 : memref<16x1024xf32, #tpu.memory_space<hbm>>)
          tpu.yield
        }) : () -> ()
      } else {
      }
      %shift_left3A_1090 = arith.constant 1 : i32
      %shift_left3A_1091 = arith.constant 12 : i32
      %shift_left3A_1092 = arith.shli %shift_left3A_1090, %shift_left3A_1091 : i32
      %and3A_1093 = arith.andi %squeeze3A, %shift_left3A_1092 : i32
      %ne3A_1094 = arith.constant 0 : i32
      %ne3A_1095 = arith.cmpi ne, %and3A_1093, %ne3A_1094 : i32
      %convert_element_type3A_1096 = arith.extui %ne3A_1095 : i1 to i32
      %cond3A_1097 = arith.constant 0 : i32
      %cond3A_1098 = arith.cmpi ne, %convert_element_type3A_1096, %cond3A_1097 : i32
      scf.if %cond3A_1098 {
        %get3A_1270 = arith.constant 192 : index
        %get3A_1271 = tpu.vector_load %arg5[%get3A_1270] {strides = array<i32>} : memref<512xi32, #tpu.memory_space<vmem>>, vector<16xi32>,
        %get3A_1272 = vector.shape_cast %get3A_1271 : vector<16xi32> to vector<16xi32>
        %eq3A_1273 = arith.constant 0 : i32
        %eq3A_1274 = vector.broadcast %eq3A_1273 : i32 to vector<16xi32>
        %eq3A_1275 = arith.cmpi eq, %get3A_1272, %eq3A_1274 : vector<16xi32>
        %add3A_1276 = arith.constant 64 : i32
        %add3A_1277 = arith.addi %mul3A_2, %add3A_1276 : i32
        %add3A_1278 = arith.constant 1 : i32
        %add3A_1279 = arith.addi %add3A_1277, %add3A_1278 : i32
        %add3A_1280 = vector.broadcast %add3A_1279 : i32 to vector<16xi32>
        %add3A_1281 = arith.addi %iota3A, %add3A_1280 : vector<16xi32>
        %jit3A_1282 = arith.constant 0 : i32
        %broadcast_in_dim3A_1283 = vector.broadcast %jit3A_1282 : i32 to vector<16xi32>
        %select_n3A_1284 = arith.select %eq3A_1275, %broadcast_in_dim3A_1283, %add3A_1281 : vector<16xi1>, vector<16xi32>
        %swap3A_1285 = arith.constant 0 : index
        %swap3A_1286 = tpu.vector_load %arg7[%swap3A_1285] {strides = array<i32>} : memref<16xi32, #tpu.memory_space<vmem>>, vector<16xi32>,
        %swap3A_1287 = vector.shape_cast %swap3A_1286 : vector<16xi32> to vector<16xi32>
        %swap3A_1288 = vector.shape_cast %select_n3A_1284 : vector<16xi32> to vector<16xi32>
        tpu.vector_store %arg7[%swap3A_1285], %swap3A_1288 {strides = array<i32>} : memref<16xi32, #tpu.memory_space<vmem>>, vector<16xi32>,
        %dma_start3A_1289 = arith.constant 0 : i32
        %dma_start3A_1290 = arith.constant 0 : i32
        %dma_start3A_1291 = tpu.memref_slice %arg3[%dma_start3A_1289, %dma_start3A_1290] : memref<8192x1024xf32, #tpu.memory_space<hbm>> -> memref<8192x1024xf32, #tpu.memory_space<hbm>>
        tpu.enqueue_indirect_dma source(%dma_start3A_1291 : memref<8192x1024xf32, #tpu.memory_space<hbm>>) target(%arg8 : memref<16x1024xf32, #tpu.memory_space<vmem>>) offsets(%arg7 : memref<16xi32, #tpu.memory_space<vmem>>) semaphore(%arg14 : memref<!tpu.dma_semaphore, #tpu.memory_space<semaphore_mem>>)
        %dma_wait3A_1292 = arith.constant 0 : i32
        %dma_wait3A_1293 = arith.constant 0 : i32
        %dma_wait3A_1294 = tpu.memref_slice %arg3[%dma_wait3A_1292, %dma_wait3A_1293] : memref<8192x1024xf32, #tpu.memory_space<hbm>> -> memref<8192x1024xf32, #tpu.memory_space<hbm>>
        tpu.wait_indirect_dma semaphore(%arg14 : memref<!tpu.dma_semaphore, #tpu.memory_space<semaphore_mem>>) src(%dma_wait3A_1294 : memref<8192x1024xf32, #tpu.memory_space<hbm>>) dst(%arg8 : memref<16x1024xf32, #tpu.memory_space<vmem>>)
        %add3A_1295 = arith.constant 4096 : i32
        %add3A_1296 = arith.addi %add3A_1295, %mul3A_2 : i32
        %add3A_1297 = arith.constant 64 : i32
        %add3A_1298 = arith.addi %add3A_1296, %add3A_1297 : i32
        "tpu.region"() ({
          %run_scoped3A = tpu.sem_alloc : memref<!tpu.dma_semaphore, #tpu.memory_space<semaphore_mem>>
          %dma_start3A_1299 = arith.constant 0 : i32
          %dma_start3A_1300 = tpu.memref_slice %arg4[%add3A_1298, %dma_start3A_1299] : memref<16384x1024xf32, #tpu.memory_space<hbm>> -> memref<16x1024xf32, #tpu.memory_space<hbm>>
          %dma_start3A_1301 = arith.constant 0 : i32
          %dma_start3A_1302 = tpu.memref_slice %arg4[%add3A_1298, %dma_start3A_1301] : memref<16384x1024xf32, #tpu.memory_space<hbm>> -> memref<16x1024xf32, #tpu.memory_space<hbm>>
          tpu.enqueue_dma source(%arg8 : memref<16x1024xf32, #tpu.memory_space<vmem>>) target(%dma_start3A_1302 : memref<16x1024xf32, #tpu.memory_space<hbm>>) target_semaphore(%run_scoped3A : memref<!tpu.dma_semaphore, #tpu.memory_space<semaphore_mem>>)
          %dma_wait3A_1303 = arith.constant 0 : i32
          %dma_wait3A_1304 = tpu.memref_slice %arg4[%add3A_1298, %dma_wait3A_1303] : memref<16384x1024xf32, #tpu.memory_space<hbm>> -> memref<16x1024xf32, #tpu.memory_space<hbm>>
          %dma_wait3A_1305 = arith.constant 0 : i32
          %dma_wait3A_1306 = tpu.memref_slice %arg4[%add3A_1298, %dma_wait3A_1305] : memref<16384x1024xf32, #tpu.memory_space<hbm>> -> memref<16x1024xf32, #tpu.memory_space<hbm>>
          tpu.wait_dma2 semaphore(%run_scoped3A : memref<!tpu.dma_semaphore, #tpu.memory_space<semaphore_mem>>) src(%arg8 : memref<16x1024xf32, #tpu.memory_space<vmem>>) dst(%dma_wait3A_1306 : memref<16x1024xf32, #tpu.memory_space<hbm>>)
          tpu.yield
        }) : () -> ()
      } else {
      }
      %shift_left3A_1099 = arith.constant 1 : i32
      %shift_left3A_1100 = arith.constant 13 : i32
      %shift_left3A_1101 = arith.shli %shift_left3A_1099, %shift_left3A_1100 : i32
      %and3A_1102 = arith.andi %squeeze3A, %shift_left3A_1101 : i32
      %ne3A_1103 = arith.constant 0 : i32
      %ne3A_1104 = arith.cmpi ne, %and3A_1102, %ne3A_1103 : i32
      %convert_element_type3A_1105 = arith.extui %ne3A_1104 : i1 to i32
      %cond3A_1106 = arith.constant 0 : i32
      %cond3A_1107 = arith.cmpi ne, %convert_element_type3A_1105, %cond3A_1106 : i32
      scf.if %cond3A_1107 {
        %get3A_1270 = arith.constant 208 : index
        %get3A_1271 = tpu.vector_load %arg5[%get3A_1270] {strides = array<i32>} : memref<512xi32, #tpu.memory_space<vmem>>, vector<16xi32>,
        %get3A_1272 = vector.shape_cast %get3A_1271 : vector<16xi32> to vector<16xi32>
        %eq3A_1273 = arith.constant 0 : i32
        %eq3A_1274 = vector.broadcast %eq3A_1273 : i32 to vector<16xi32>
        %eq3A_1275 = arith.cmpi eq, %get3A_1272, %eq3A_1274 : vector<16xi32>
        %add3A_1276 = arith.constant 80 : i32
        %add3A_1277 = arith.addi %mul3A_2, %add3A_1276 : i32
        %add3A_1278 = arith.constant 1 : i32
        %add3A_1279 = arith.addi %add3A_1277, %add3A_1278 : i32
        %add3A_1280 = vector.broadcast %add3A_1279 : i32 to vector<16xi32>
        %add3A_1281 = arith.addi %iota3A, %add3A_1280 : vector<16xi32>
        %jit3A_1282 = arith.constant 0 : i32
        %broadcast_in_dim3A_1283 = vector.broadcast %jit3A_1282 : i32 to vector<16xi32>
        %select_n3A_1284 = arith.select %eq3A_1275, %broadcast_in_dim3A_1283, %add3A_1281 : vector<16xi1>, vector<16xi32>
        %swap3A_1285 = arith.constant 0 : index
        %swap3A_1286 = tpu.vector_load %arg7[%swap3A_1285] {strides = array<i32>} : memref<16xi32, #tpu.memory_space<vmem>>, vector<16xi32>,
        %swap3A_1287 = vector.shape_cast %swap3A_1286 : vector<16xi32> to vector<16xi32>
        %swap3A_1288 = vector.shape_cast %select_n3A_1284 : vector<16xi32> to vector<16xi32>
        tpu.vector_store %arg7[%swap3A_1285], %swap3A_1288 {strides = array<i32>} : memref<16xi32, #tpu.memory_space<vmem>>, vector<16xi32>,
        %dma_start3A_1289 = arith.constant 0 : i32
        %dma_start3A_1290 = arith.constant 0 : i32
        %dma_start3A_1291 = tpu.memref_slice %arg3[%dma_start3A_1289, %dma_start3A_1290] : memref<8192x1024xf32, #tpu.memory_space<hbm>> -> memref<8192x1024xf32, #tpu.memory_space<hbm>>
        tpu.enqueue_indirect_dma source(%dma_start3A_1291 : memref<8192x1024xf32, #tpu.memory_space<hbm>>) target(%arg8 : memref<16x1024xf32, #tpu.memory_space<vmem>>) offsets(%arg7 : memref<16xi32, #tpu.memory_space<vmem>>) semaphore(%arg14 : memref<!tpu.dma_semaphore, #tpu.memory_space<semaphore_mem>>)
        %dma_wait3A_1292 = arith.constant 0 : i32
        %dma_wait3A_1293 = arith.constant 0 : i32
        %dma_wait3A_1294 = tpu.memref_slice %arg3[%dma_wait3A_1292, %dma_wait3A_1293] : memref<8192x1024xf32, #tpu.memory_space<hbm>> -> memref<8192x1024xf32, #tpu.memory_space<hbm>>
        tpu.wait_indirect_dma semaphore(%arg14 : memref<!tpu.dma_semaphore, #tpu.memory_space<semaphore_mem>>) src(%dma_wait3A_1294 : memref<8192x1024xf32, #tpu.memory_space<hbm>>) dst(%arg8 : memref<16x1024xf32, #tpu.memory_space<vmem>>)
        %add3A_1295 = arith.constant 4096 : i32
        %add3A_1296 = arith.addi %add3A_1295, %mul3A_2 : i32
        %add3A_1297 = arith.constant 80 : i32
        %add3A_1298 = arith.addi %add3A_1296, %add3A_1297 : i32
        "tpu.region"() ({
          %run_scoped3A = tpu.sem_alloc : memref<!tpu.dma_semaphore, #tpu.memory_space<semaphore_mem>>
          %dma_start3A_1299 = arith.constant 0 : i32
          %dma_start3A_1300 = tpu.memref_slice %arg4[%add3A_1298, %dma_start3A_1299] : memref<16384x1024xf32, #tpu.memory_space<hbm>> -> memref<16x1024xf32, #tpu.memory_space<hbm>>
          %dma_start3A_1301 = arith.constant 0 : i32
          %dma_start3A_1302 = tpu.memref_slice %arg4[%add3A_1298, %dma_start3A_1301] : memref<16384x1024xf32, #tpu.memory_space<hbm>> -> memref<16x1024xf32, #tpu.memory_space<hbm>>
          tpu.enqueue_dma source(%arg8 : memref<16x1024xf32, #tpu.memory_space<vmem>>) target(%dma_start3A_1302 : memref<16x1024xf32, #tpu.memory_space<hbm>>) target_semaphore(%run_scoped3A : memref<!tpu.dma_semaphore, #tpu.memory_space<semaphore_mem>>)
          %dma_wait3A_1303 = arith.constant 0 : i32
          %dma_wait3A_1304 = tpu.memref_slice %arg4[%add3A_1298, %dma_wait3A_1303] : memref<16384x1024xf32, #tpu.memory_space<hbm>> -> memref<16x1024xf32, #tpu.memory_space<hbm>>
          %dma_wait3A_1305 = arith.constant 0 : i32
          %dma_wait3A_1306 = tpu.memref_slice %arg4[%add3A_1298, %dma_wait3A_1305] : memref<16384x1024xf32, #tpu.memory_space<hbm>> -> memref<16x1024xf32, #tpu.memory_space<hbm>>
          tpu.wait_dma2 semaphore(%run_scoped3A : memref<!tpu.dma_semaphore, #tpu.memory_space<semaphore_mem>>) src(%arg8 : memref<16x1024xf32, #tpu.memory_space<vmem>>) dst(%dma_wait3A_1306 : memref<16x1024xf32, #tpu.memory_space<hbm>>)
          tpu.yield
        }) : () -> ()
      } else {
      }
      %shift_left3A_1108 = arith.constant 1 : i32
      %shift_left3A_1109 = arith.constant 14 : i32
      %shift_left3A_1110 = arith.shli %shift_left3A_1108, %shift_left3A_1109 : i32
      %and3A_1111 = arith.andi %squeeze3A, %shift_left3A_1110 : i32
      %ne3A_1112 = arith.constant 0 : i32
      %ne3A_1113 = arith.cmpi ne, %and3A_1111, %ne3A_1112 : i32
      %convert_element_type3A_1114 = arith.extui %ne3A_1113 : i1 to i32
      %cond3A_1115 = arith.constant 0 : i32
      %cond3A_1116 = arith.cmpi ne, %convert_element_type3A_1114, %cond3A_1115 : i32
      scf.if %cond3A_1116 {
        %get3A_1270 = arith.constant 224 : index
        %get3A_1271 = tpu.vector_load %arg5[%get3A_1270] {strides = array<i32>} : memref<512xi32, #tpu.memory_space<vmem>>, vector<16xi32>,
        %get3A_1272 = vector.shape_cast %get3A_1271 : vector<16xi32> to vector<16xi32>
        %eq3A_1273 = arith.constant 0 : i32
        %eq3A_1274 = vector.broadcast %eq3A_1273 : i32 to vector<16xi32>
        %eq3A_1275 = arith.cmpi eq, %get3A_1272, %eq3A_1274 : vector<16xi32>
        %add3A_1276 = arith.constant 96 : i32
        %add3A_1277 = arith.addi %mul3A_2, %add3A_1276 : i32
        %add3A_1278 = arith.constant 1 : i32
        %add3A_1279 = arith.addi %add3A_1277, %add3A_1278 : i32
        %add3A_1280 = vector.broadcast %add3A_1279 : i32 to vector<16xi32>
        %add3A_1281 = arith.addi %iota3A, %add3A_1280 : vector<16xi32>
        %jit3A_1282 = arith.constant 0 : i32
        %broadcast_in_dim3A_1283 = vector.broadcast %jit3A_1282 : i32 to vector<16xi32>
        %select_n3A_1284 = arith.select %eq3A_1275, %broadcast_in_dim3A_1283, %add3A_1281 : vector<16xi1>, vector<16xi32>
        %swap3A_1285 = arith.constant 0 : index
        %swap3A_1286 = tpu.vector_load %arg7[%swap3A_1285] {strides = array<i32>} : memref<16xi32, #tpu.memory_space<vmem>>, vector<16xi32>,
        %swap3A_1287 = vector.shape_cast %swap3A_1286 : vector<16xi32> to vector<16xi32>
        %swap3A_1288 = vector.shape_cast %select_n3A_1284 : vector<16xi32> to vector<16xi32>
        tpu.vector_store %arg7[%swap3A_1285], %swap3A_1288 {strides = array<i32>} : memref<16xi32, #tpu.memory_space<vmem>>, vector<16xi32>,
        %dma_start3A_1289 = arith.constant 0 : i32
        %dma_start3A_1290 = arith.constant 0 : i32
        %dma_start3A_1291 = tpu.memref_slice %arg3[%dma_start3A_1289, %dma_start3A_1290] : memref<8192x1024xf32, #tpu.memory_space<hbm>> -> memref<8192x1024xf32, #tpu.memory_space<hbm>>
        tpu.enqueue_indirect_dma source(%dma_start3A_1291 : memref<8192x1024xf32, #tpu.memory_space<hbm>>) target(%arg8 : memref<16x1024xf32, #tpu.memory_space<vmem>>) offsets(%arg7 : memref<16xi32, #tpu.memory_space<vmem>>) semaphore(%arg14 : memref<!tpu.dma_semaphore, #tpu.memory_space<semaphore_mem>>)
        %dma_wait3A_1292 = arith.constant 0 : i32
        %dma_wait3A_1293 = arith.constant 0 : i32
        %dma_wait3A_1294 = tpu.memref_slice %arg3[%dma_wait3A_1292, %dma_wait3A_1293] : memref<8192x1024xf32, #tpu.memory_space<hbm>> -> memref<8192x1024xf32, #tpu.memory_space<hbm>>
        tpu.wait_indirect_dma semaphore(%arg14 : memref<!tpu.dma_semaphore, #tpu.memory_space<semaphore_mem>>) src(%dma_wait3A_1294 : memref<8192x1024xf32, #tpu.memory_space<hbm>>) dst(%arg8 : memref<16x1024xf32, #tpu.memory_space<vmem>>)
        %add3A_1295 = arith.constant 4096 : i32
        %add3A_1296 = arith.addi %add3A_1295, %mul3A_2 : i32
        %add3A_1297 = arith.constant 96 : i32
        %add3A_1298 = arith.addi %add3A_1296, %add3A_1297 : i32
        "tpu.region"() ({
          %run_scoped3A = tpu.sem_alloc : memref<!tpu.dma_semaphore, #tpu.memory_space<semaphore_mem>>
          %dma_start3A_1299 = arith.constant 0 : i32
          %dma_start3A_1300 = tpu.memref_slice %arg4[%add3A_1298, %dma_start3A_1299] : memref<16384x1024xf32, #tpu.memory_space<hbm>> -> memref<16x1024xf32, #tpu.memory_space<hbm>>
          %dma_start3A_1301 = arith.constant 0 : i32
          %dma_start3A_1302 = tpu.memref_slice %arg4[%add3A_1298, %dma_start3A_1301] : memref<16384x1024xf32, #tpu.memory_space<hbm>> -> memref<16x1024xf32, #tpu.memory_space<hbm>>
          tpu.enqueue_dma source(%arg8 : memref<16x1024xf32, #tpu.memory_space<vmem>>) target(%dma_start3A_1302 : memref<16x1024xf32, #tpu.memory_space<hbm>>) target_semaphore(%run_scoped3A : memref<!tpu.dma_semaphore, #tpu.memory_space<semaphore_mem>>)
          %dma_wait3A_1303 = arith.constant 0 : i32
          %dma_wait3A_1304 = tpu.memref_slice %arg4[%add3A_1298, %dma_wait3A_1303] : memref<16384x1024xf32, #tpu.memory_space<hbm>> -> memref<16x1024xf32, #tpu.memory_space<hbm>>
          %dma_wait3A_1305 = arith.constant 0 : i32
          %dma_wait3A_1306 = tpu.memref_slice %arg4[%add3A_1298, %dma_wait3A_1305] : memref<16384x1024xf32, #tpu.memory_space<hbm>> -> memref<16x1024xf32, #tpu.memory_space<hbm>>
          tpu.wait_dma2 semaphore(%run_scoped3A : memref<!tpu.dma_semaphore, #tpu.memory_space<semaphore_mem>>) src(%arg8 : memref<16x1024xf32, #tpu.memory_space<vmem>>) dst(%dma_wait3A_1306 : memref<16x1024xf32, #tpu.memory_space<hbm>>)
          tpu.yield
        }) : () -> ()
      } else {
      }
      %shift_left3A_1117 = arith.constant 1 : i32
      %shift_left3A_1118 = arith.constant 15 : i32
      %shift_left3A_1119 = arith.shli %shift_left3A_1117, %shift_left3A_1118 : i32
      %and3A_1120 = arith.andi %squeeze3A, %shift_left3A_1119 : i32
      %ne3A_1121 = arith.constant 0 : i32
      %ne3A_1122 = arith.cmpi ne, %and3A_1120, %ne3A_1121 : i32
      %convert_element_type3A_1123 = arith.extui %ne3A_1122 : i1 to i32
      %cond3A_1124 = arith.constant 0 : i32
      %cond3A_1125 = arith.cmpi ne, %convert_element_type3A_1123, %cond3A_1124 : i32
      scf.if %cond3A_1125 {
        %get3A_1270 = arith.constant 240 : index
        %get3A_1271 = tpu.vector_load %arg5[%get3A_1270] {strides = array<i32>} : memref<512xi32, #tpu.memory_space<vmem>>, vector<16xi32>,
        %get3A_1272 = vector.shape_cast %get3A_1271 : vector<16xi32> to vector<16xi32>
        %eq3A_1273 = arith.constant 0 : i32
        %eq3A_1274 = vector.broadcast %eq3A_1273 : i32 to vector<16xi32>
        %eq3A_1275 = arith.cmpi eq, %get3A_1272, %eq3A_1274 : vector<16xi32>
        %add3A_1276 = arith.constant 112 : i32
        %add3A_1277 = arith.addi %mul3A_2, %add3A_1276 : i32
        %add3A_1278 = arith.constant 1 : i32
        %add3A_1279 = arith.addi %add3A_1277, %add3A_1278 : i32
        %add3A_1280 = vector.broadcast %add3A_1279 : i32 to vector<16xi32>
        %add3A_1281 = arith.addi %iota3A, %add3A_1280 : vector<16xi32>
        %jit3A_1282 = arith.constant 0 : i32
        %broadcast_in_dim3A_1283 = vector.broadcast %jit3A_1282 : i32 to vector<16xi32>
        %select_n3A_1284 = arith.select %eq3A_1275, %broadcast_in_dim3A_1283, %add3A_1281 : vector<16xi1>, vector<16xi32>
        %swap3A_1285 = arith.constant 0 : index
        %swap3A_1286 = tpu.vector_load %arg7[%swap3A_1285] {strides = array<i32>} : memref<16xi32, #tpu.memory_space<vmem>>, vector<16xi32>,
        %swap3A_1287 = vector.shape_cast %swap3A_1286 : vector<16xi32> to vector<16xi32>
        %swap3A_1288 = vector.shape_cast %select_n3A_1284 : vector<16xi32> to vector<16xi32>
        tpu.vector_store %arg7[%swap3A_1285], %swap3A_1288 {strides = array<i32>} : memref<16xi32, #tpu.memory_space<vmem>>, vector<16xi32>,
        %dma_start3A_1289 = arith.constant 0 : i32
        %dma_start3A_1290 = arith.constant 0 : i32
        %dma_start3A_1291 = tpu.memref_slice %arg3[%dma_start3A_1289, %dma_start3A_1290] : memref<8192x1024xf32, #tpu.memory_space<hbm>> -> memref<8192x1024xf32, #tpu.memory_space<hbm>>
        tpu.enqueue_indirect_dma source(%dma_start3A_1291 : memref<8192x1024xf32, #tpu.memory_space<hbm>>) target(%arg8 : memref<16x1024xf32, #tpu.memory_space<vmem>>) offsets(%arg7 : memref<16xi32, #tpu.memory_space<vmem>>) semaphore(%arg14 : memref<!tpu.dma_semaphore, #tpu.memory_space<semaphore_mem>>)
        %dma_wait3A_1292 = arith.constant 0 : i32
        %dma_wait3A_1293 = arith.constant 0 : i32
        %dma_wait3A_1294 = tpu.memref_slice %arg3[%dma_wait3A_1292, %dma_wait3A_1293] : memref<8192x1024xf32, #tpu.memory_space<hbm>> -> memref<8192x1024xf32, #tpu.memory_space<hbm>>
        tpu.wait_indirect_dma semaphore(%arg14 : memref<!tpu.dma_semaphore, #tpu.memory_space<semaphore_mem>>) src(%dma_wait3A_1294 : memref<8192x1024xf32, #tpu.memory_space<hbm>>) dst(%arg8 : memref<16x1024xf32, #tpu.memory_space<vmem>>)
        %add3A_1295 = arith.constant 4096 : i32
        %add3A_1296 = arith.addi %add3A_1295, %mul3A_2 : i32
        %add3A_1297 = arith.constant 112 : i32
        %add3A_1298 = arith.addi %add3A_1296, %add3A_1297 : i32
        "tpu.region"() ({
          %run_scoped3A = tpu.sem_alloc : memref<!tpu.dma_semaphore, #tpu.memory_space<semaphore_mem>>
          %dma_start3A_1299 = arith.constant 0 : i32
          %dma_start3A_1300 = tpu.memref_slice %arg4[%add3A_1298, %dma_start3A_1299] : memref<16384x1024xf32, #tpu.memory_space<hbm>> -> memref<16x1024xf32, #tpu.memory_space<hbm>>
          %dma_start3A_1301 = arith.constant 0 : i32
          %dma_start3A_1302 = tpu.memref_slice %arg4[%add3A_1298, %dma_start3A_1301] : memref<16384x1024xf32, #tpu.memory_space<hbm>> -> memref<16x1024xf32, #tpu.memory_space<hbm>>
          tpu.enqueue_dma source(%arg8 : memref<16x1024xf32, #tpu.memory_space<vmem>>) target(%dma_start3A_1302 : memref<16x1024xf32, #tpu.memory_space<hbm>>) target_semaphore(%run_scoped3A : memref<!tpu.dma_semaphore, #tpu.memory_space<semaphore_mem>>)
          %dma_wait3A_1303 = arith.constant 0 : i32
          %dma_wait3A_1304 = tpu.memref_slice %arg4[%add3A_1298, %dma_wait3A_1303] : memref<16384x1024xf32, #tpu.memory_space<hbm>> -> memref<16x1024xf32, #tpu.memory_space<hbm>>
          %dma_wait3A_1305 = arith.constant 0 : i32
          %dma_wait3A_1306 = tpu.memref_slice %arg4[%add3A_1298, %dma_wait3A_1305] : memref<16384x1024xf32, #tpu.memory_space<hbm>> -> memref<16x1024xf32, #tpu.memory_space<hbm>>
          tpu.wait_dma2 semaphore(%run_scoped3A : memref<!tpu.dma_semaphore, #tpu.memory_space<semaphore_mem>>) src(%arg8 : memref<16x1024xf32, #tpu.memory_space<vmem>>) dst(%dma_wait3A_1306 : memref<16x1024xf32, #tpu.memory_space<hbm>>)
          tpu.yield
        }) : () -> ()
      } else {
      }
      %shift_left3A_1126 = arith.constant 1 : i32
      %shift_left3A_1127 = arith.constant 16 : i32
      %shift_left3A_1128 = arith.shli %shift_left3A_1126, %shift_left3A_1127 : i32
      %and3A_1129 = arith.andi %squeeze3A, %shift_left3A_1128 : i32
      %ne3A_1130 = arith.constant 0 : i32
      %ne3A_1131 = arith.cmpi ne, %and3A_1129, %ne3A_1130 : i32
      %convert_element_type3A_1132 = arith.extui %ne3A_1131 : i1 to i32
      %cond3A_1133 = arith.constant 0 : i32
      %cond3A_1134 = arith.cmpi ne, %convert_element_type3A_1132, %cond3A_1133 : i32
      scf.if %cond3A_1134 {
        %get3A_1270 = arith.constant 256 : index
        %get3A_1271 = tpu.vector_load %arg5[%get3A_1270] {strides = array<i32>} : memref<512xi32, #tpu.memory_space<vmem>>, vector<16xi32>,
        %get3A_1272 = vector.shape_cast %get3A_1271 : vector<16xi32> to vector<16xi32>
        %eq3A_1273 = arith.constant 0 : i32
        %eq3A_1274 = vector.broadcast %eq3A_1273 : i32 to vector<16xi32>
        %eq3A_1275 = arith.cmpi eq, %get3A_1272, %eq3A_1274 : vector<16xi32>
        %add3A_1276 = arith.constant 0 : i32
        %add3A_1277 = arith.addi %mul3A_2, %add3A_1276 : i32
        %add3A_1278 = arith.constant 1 : i32
        %add3A_1279 = arith.addi %add3A_1277, %add3A_1278 : i32
        %add3A_1280 = vector.broadcast %add3A_1279 : i32 to vector<16xi32>
        %add3A_1281 = arith.addi %iota3A, %add3A_1280 : vector<16xi32>
        %jit3A_1282 = arith.constant 0 : i32
        %broadcast_in_dim3A_1283 = vector.broadcast %jit3A_1282 : i32 to vector<16xi32>
        %select_n3A_1284 = arith.select %eq3A_1275, %broadcast_in_dim3A_1283, %add3A_1281 : vector<16xi1>, vector<16xi32>
        %swap3A_1285 = arith.constant 0 : index
        %swap3A_1286 = tpu.vector_load %arg7[%swap3A_1285] {strides = array<i32>} : memref<16xi32, #tpu.memory_space<vmem>>, vector<16xi32>,
        %swap3A_1287 = vector.shape_cast %swap3A_1286 : vector<16xi32> to vector<16xi32>
        %swap3A_1288 = vector.shape_cast %select_n3A_1284 : vector<16xi32> to vector<16xi32>
        tpu.vector_store %arg7[%swap3A_1285], %swap3A_1288 {strides = array<i32>} : memref<16xi32, #tpu.memory_space<vmem>>, vector<16xi32>,
        %dma_start3A_1289 = arith.constant 0 : i32
        %dma_start3A_1290 = arith.constant 0 : i32
        %dma_start3A_1291 = tpu.memref_slice %arg3[%dma_start3A_1289, %dma_start3A_1290] : memref<8192x1024xf32, #tpu.memory_space<hbm>> -> memref<8192x1024xf32, #tpu.memory_space<hbm>>
        tpu.enqueue_indirect_dma source(%dma_start3A_1291 : memref<8192x1024xf32, #tpu.memory_space<hbm>>) target(%arg8 : memref<16x1024xf32, #tpu.memory_space<vmem>>) offsets(%arg7 : memref<16xi32, #tpu.memory_space<vmem>>) semaphore(%arg14 : memref<!tpu.dma_semaphore, #tpu.memory_space<semaphore_mem>>)
        %dma_wait3A_1292 = arith.constant 0 : i32
        %dma_wait3A_1293 = arith.constant 0 : i32
        %dma_wait3A_1294 = tpu.memref_slice %arg3[%dma_wait3A_1292, %dma_wait3A_1293] : memref<8192x1024xf32, #tpu.memory_space<hbm>> -> memref<8192x1024xf32, #tpu.memory_space<hbm>>
        tpu.wait_indirect_dma semaphore(%arg14 : memref<!tpu.dma_semaphore, #tpu.memory_space<semaphore_mem>>) src(%dma_wait3A_1294 : memref<8192x1024xf32, #tpu.memory_space<hbm>>) dst(%arg8 : memref<16x1024xf32, #tpu.memory_space<vmem>>)
        %add3A_1295 = arith.constant 8192 : i32
        %add3A_1296 = arith.addi %add3A_1295, %mul3A_2 : i32
        %add3A_1297 = arith.constant 0 : i32
        %add3A_1298 = arith.addi %add3A_1296, %add3A_1297 : i32
        "tpu.region"() ({
          %run_scoped3A = tpu.sem_alloc : memref<!tpu.dma_semaphore, #tpu.memory_space<semaphore_mem>>
          %dma_start3A_1299 = arith.constant 0 : i32
          %dma_start3A_1300 = tpu.memref_slice %arg4[%add3A_1298, %dma_start3A_1299] : memref<16384x1024xf32, #tpu.memory_space<hbm>> -> memref<16x1024xf32, #tpu.memory_space<hbm>>
          %dma_start3A_1301 = arith.constant 0 : i32
          %dma_start3A_1302 = tpu.memref_slice %arg4[%add3A_1298, %dma_start3A_1301] : memref<16384x1024xf32, #tpu.memory_space<hbm>> -> memref<16x1024xf32, #tpu.memory_space<hbm>>
          tpu.enqueue_dma source(%arg8 : memref<16x1024xf32, #tpu.memory_space<vmem>>) target(%dma_start3A_1302 : memref<16x1024xf32, #tpu.memory_space<hbm>>) target_semaphore(%run_scoped3A : memref<!tpu.dma_semaphore, #tpu.memory_space<semaphore_mem>>)
          %dma_wait3A_1303 = arith.constant 0 : i32
          %dma_wait3A_1304 = tpu.memref_slice %arg4[%add3A_1298, %dma_wait3A_1303] : memref<16384x1024xf32, #tpu.memory_space<hbm>> -> memref<16x1024xf32, #tpu.memory_space<hbm>>
          %dma_wait3A_1305 = arith.constant 0 : i32
          %dma_wait3A_1306 = tpu.memref_slice %arg4[%add3A_1298, %dma_wait3A_1305] : memref<16384x1024xf32, #tpu.memory_space<hbm>> -> memref<16x1024xf32, #tpu.memory_space<hbm>>
          tpu.wait_dma2 semaphore(%run_scoped3A : memref<!tpu.dma_semaphore, #tpu.memory_space<semaphore_mem>>) src(%arg8 : memref<16x1024xf32, #tpu.memory_space<vmem>>) dst(%dma_wait3A_1306 : memref<16x1024xf32, #tpu.memory_space<hbm>>)
          tpu.yield
        }) : () -> ()
      } else {
      }
      %shift_left3A_1135 = arith.constant 1 : i32
      %shift_left3A_1136 = arith.constant 17 : i32
      %shift_left3A_1137 = arith.shli %shift_left3A_1135, %shift_left3A_1136 : i32
      %and3A_1138 = arith.andi %squeeze3A, %shift_left3A_1137 : i32
      %ne3A_1139 = arith.constant 0 : i32
      %ne3A_1140 = arith.cmpi ne, %and3A_1138, %ne3A_1139 : i32
      %convert_element_type3A_1141 = arith.extui %ne3A_1140 : i1 to i32
      %cond3A_1142 = arith.constant 0 : i32
      %cond3A_1143 = arith.cmpi ne, %convert_element_type3A_1141, %cond3A_1142 : i32
      scf.if %cond3A_1143 {
        %get3A_1270 = arith.constant 272 : index
        %get3A_1271 = tpu.vector_load %arg5[%get3A_1270] {strides = array<i32>} : memref<512xi32, #tpu.memory_space<vmem>>, vector<16xi32>,
        %get3A_1272 = vector.shape_cast %get3A_1271 : vector<16xi32> to vector<16xi32>
        %eq3A_1273 = arith.constant 0 : i32
        %eq3A_1274 = vector.broadcast %eq3A_1273 : i32 to vector<16xi32>
        %eq3A_1275 = arith.cmpi eq, %get3A_1272, %eq3A_1274 : vector<16xi32>
        %add3A_1276 = arith.constant 16 : i32
        %add3A_1277 = arith.addi %mul3A_2, %add3A_1276 : i32
        %add3A_1278 = arith.constant 1 : i32
        %add3A_1279 = arith.addi %add3A_1277, %add3A_1278 : i32
        %add3A_1280 = vector.broadcast %add3A_1279 : i32 to vector<16xi32>
        %add3A_1281 = arith.addi %iota3A, %add3A_1280 : vector<16xi32>
        %jit3A_1282 = arith.constant 0 : i32
        %broadcast_in_dim3A_1283 = vector.broadcast %jit3A_1282 : i32 to vector<16xi32>
        %select_n3A_1284 = arith.select %eq3A_1275, %broadcast_in_dim3A_1283, %add3A_1281 : vector<16xi1>, vector<16xi32>
        %swap3A_1285 = arith.constant 0 : index
        %swap3A_1286 = tpu.vector_load %arg7[%swap3A_1285] {strides = array<i32>} : memref<16xi32, #tpu.memory_space<vmem>>, vector<16xi32>,
        %swap3A_1287 = vector.shape_cast %swap3A_1286 : vector<16xi32> to vector<16xi32>
        %swap3A_1288 = vector.shape_cast %select_n3A_1284 : vector<16xi32> to vector<16xi32>
        tpu.vector_store %arg7[%swap3A_1285], %swap3A_1288 {strides = array<i32>} : memref<16xi32, #tpu.memory_space<vmem>>, vector<16xi32>,
        %dma_start3A_1289 = arith.constant 0 : i32
        %dma_start3A_1290 = arith.constant 0 : i32
        %dma_start3A_1291 = tpu.memref_slice %arg3[%dma_start3A_1289, %dma_start3A_1290] : memref<8192x1024xf32, #tpu.memory_space<hbm>> -> memref<8192x1024xf32, #tpu.memory_space<hbm>>
        tpu.enqueue_indirect_dma source(%dma_start3A_1291 : memref<8192x1024xf32, #tpu.memory_space<hbm>>) target(%arg8 : memref<16x1024xf32, #tpu.memory_space<vmem>>) offsets(%arg7 : memref<16xi32, #tpu.memory_space<vmem>>) semaphore(%arg14 : memref<!tpu.dma_semaphore, #tpu.memory_space<semaphore_mem>>)
        %dma_wait3A_1292 = arith.constant 0 : i32
        %dma_wait3A_1293 = arith.constant 0 : i32
        %dma_wait3A_1294 = tpu.memref_slice %arg3[%dma_wait3A_1292, %dma_wait3A_1293] : memref<8192x1024xf32, #tpu.memory_space<hbm>> -> memref<8192x1024xf32, #tpu.memory_space<hbm>>
        tpu.wait_indirect_dma semaphore(%arg14 : memref<!tpu.dma_semaphore, #tpu.memory_space<semaphore_mem>>) src(%dma_wait3A_1294 : memref<8192x1024xf32, #tpu.memory_space<hbm>>) dst(%arg8 : memref<16x1024xf32, #tpu.memory_space<vmem>>)
        %add3A_1295 = arith.constant 8192 : i32
        %add3A_1296 = arith.addi %add3A_1295, %mul3A_2 : i32
        %add3A_1297 = arith.constant 16 : i32
        %add3A_1298 = arith.addi %add3A_1296, %add3A_1297 : i32
        "tpu.region"() ({
          %run_scoped3A = tpu.sem_alloc : memref<!tpu.dma_semaphore, #tpu.memory_space<semaphore_mem>>
          %dma_start3A_1299 = arith.constant 0 : i32
          %dma_start3A_1300 = tpu.memref_slice %arg4[%add3A_1298, %dma_start3A_1299] : memref<16384x1024xf32, #tpu.memory_space<hbm>> -> memref<16x1024xf32, #tpu.memory_space<hbm>>
          %dma_start3A_1301 = arith.constant 0 : i32
          %dma_start3A_1302 = tpu.memref_slice %arg4[%add3A_1298, %dma_start3A_1301] : memref<16384x1024xf32, #tpu.memory_space<hbm>> -> memref<16x1024xf32, #tpu.memory_space<hbm>>
          tpu.enqueue_dma source(%arg8 : memref<16x1024xf32, #tpu.memory_space<vmem>>) target(%dma_start3A_1302 : memref<16x1024xf32, #tpu.memory_space<hbm>>) target_semaphore(%run_scoped3A : memref<!tpu.dma_semaphore, #tpu.memory_space<semaphore_mem>>)
          %dma_wait3A_1303 = arith.constant 0 : i32
          %dma_wait3A_1304 = tpu.memref_slice %arg4[%add3A_1298, %dma_wait3A_1303] : memref<16384x1024xf32, #tpu.memory_space<hbm>> -> memref<16x1024xf32, #tpu.memory_space<hbm>>
          %dma_wait3A_1305 = arith.constant 0 : i32
          %dma_wait3A_1306 = tpu.memref_slice %arg4[%add3A_1298, %dma_wait3A_1305] : memref<16384x1024xf32, #tpu.memory_space<hbm>> -> memref<16x1024xf32, #tpu.memory_space<hbm>>
          tpu.wait_dma2 semaphore(%run_scoped3A : memref<!tpu.dma_semaphore, #tpu.memory_space<semaphore_mem>>) src(%arg8 : memref<16x1024xf32, #tpu.memory_space<vmem>>) dst(%dma_wait3A_1306 : memref<16x1024xf32, #tpu.memory_space<hbm>>)
          tpu.yield
        }) : () -> ()
      } else {
      }
      %shift_left3A_1144 = arith.constant 1 : i32
      %shift_left3A_1145 = arith.constant 18 : i32
      %shift_left3A_1146 = arith.shli %shift_left3A_1144, %shift_left3A_1145 : i32
      %and3A_1147 = arith.andi %squeeze3A, %shift_left3A_1146 : i32
      %ne3A_1148 = arith.constant 0 : i32
      %ne3A_1149 = arith.cmpi ne, %and3A_1147, %ne3A_1148 : i32
      %convert_element_type3A_1150 = arith.extui %ne3A_1149 : i1 to i32
      %cond3A_1151 = arith.constant 0 : i32
      %cond3A_1152 = arith.cmpi ne, %convert_element_type3A_1150, %cond3A_1151 : i32
      scf.if %cond3A_1152 {
        %get3A_1270 = arith.constant 288 : index
        %get3A_1271 = tpu.vector_load %arg5[%get3A_1270] {strides = array<i32>} : memref<512xi32, #tpu.memory_space<vmem>>, vector<16xi32>,
        %get3A_1272 = vector.shape_cast %get3A_1271 : vector<16xi32> to vector<16xi32>
        %eq3A_1273 = arith.constant 0 : i32
        %eq3A_1274 = vector.broadcast %eq3A_1273 : i32 to vector<16xi32>
        %eq3A_1275 = arith.cmpi eq, %get3A_1272, %eq3A_1274 : vector<16xi32>
        %add3A_1276 = arith.constant 32 : i32
        %add3A_1277 = arith.addi %mul3A_2, %add3A_1276 : i32
        %add3A_1278 = arith.constant 1 : i32
        %add3A_1279 = arith.addi %add3A_1277, %add3A_1278 : i32
        %add3A_1280 = vector.broadcast %add3A_1279 : i32 to vector<16xi32>
        %add3A_1281 = arith.addi %iota3A, %add3A_1280 : vector<16xi32>
        %jit3A_1282 = arith.constant 0 : i32
        %broadcast_in_dim3A_1283 = vector.broadcast %jit3A_1282 : i32 to vector<16xi32>
        %select_n3A_1284 = arith.select %eq3A_1275, %broadcast_in_dim3A_1283, %add3A_1281 : vector<16xi1>, vector<16xi32>
        %swap3A_1285 = arith.constant 0 : index
        %swap3A_1286 = tpu.vector_load %arg7[%swap3A_1285] {strides = array<i32>} : memref<16xi32, #tpu.memory_space<vmem>>, vector<16xi32>,
        %swap3A_1287 = vector.shape_cast %swap3A_1286 : vector<16xi32> to vector<16xi32>
        %swap3A_1288 = vector.shape_cast %select_n3A_1284 : vector<16xi32> to vector<16xi32>
        tpu.vector_store %arg7[%swap3A_1285], %swap3A_1288 {strides = array<i32>} : memref<16xi32, #tpu.memory_space<vmem>>, vector<16xi32>,
        %dma_start3A_1289 = arith.constant 0 : i32
        %dma_start3A_1290 = arith.constant 0 : i32
        %dma_start3A_1291 = tpu.memref_slice %arg3[%dma_start3A_1289, %dma_start3A_1290] : memref<8192x1024xf32, #tpu.memory_space<hbm>> -> memref<8192x1024xf32, #tpu.memory_space<hbm>>
        tpu.enqueue_indirect_dma source(%dma_start3A_1291 : memref<8192x1024xf32, #tpu.memory_space<hbm>>) target(%arg8 : memref<16x1024xf32, #tpu.memory_space<vmem>>) offsets(%arg7 : memref<16xi32, #tpu.memory_space<vmem>>) semaphore(%arg14 : memref<!tpu.dma_semaphore, #tpu.memory_space<semaphore_mem>>)
        %dma_wait3A_1292 = arith.constant 0 : i32
        %dma_wait3A_1293 = arith.constant 0 : i32
        %dma_wait3A_1294 = tpu.memref_slice %arg3[%dma_wait3A_1292, %dma_wait3A_1293] : memref<8192x1024xf32, #tpu.memory_space<hbm>> -> memref<8192x1024xf32, #tpu.memory_space<hbm>>
        tpu.wait_indirect_dma semaphore(%arg14 : memref<!tpu.dma_semaphore, #tpu.memory_space<semaphore_mem>>) src(%dma_wait3A_1294 : memref<8192x1024xf32, #tpu.memory_space<hbm>>) dst(%arg8 : memref<16x1024xf32, #tpu.memory_space<vmem>>)
        %add3A_1295 = arith.constant 8192 : i32
        %add3A_1296 = arith.addi %add3A_1295, %mul3A_2 : i32
        %add3A_1297 = arith.constant 32 : i32
        %add3A_1298 = arith.addi %add3A_1296, %add3A_1297 : i32
        "tpu.region"() ({
          %run_scoped3A = tpu.sem_alloc : memref<!tpu.dma_semaphore, #tpu.memory_space<semaphore_mem>>
          %dma_start3A_1299 = arith.constant 0 : i32
          %dma_start3A_1300 = tpu.memref_slice %arg4[%add3A_1298, %dma_start3A_1299] : memref<16384x1024xf32, #tpu.memory_space<hbm>> -> memref<16x1024xf32, #tpu.memory_space<hbm>>
          %dma_start3A_1301 = arith.constant 0 : i32
          %dma_start3A_1302 = tpu.memref_slice %arg4[%add3A_1298, %dma_start3A_1301] : memref<16384x1024xf32, #tpu.memory_space<hbm>> -> memref<16x1024xf32, #tpu.memory_space<hbm>>
          tpu.enqueue_dma source(%arg8 : memref<16x1024xf32, #tpu.memory_space<vmem>>) target(%dma_start3A_1302 : memref<16x1024xf32, #tpu.memory_space<hbm>>) target_semaphore(%run_scoped3A : memref<!tpu.dma_semaphore, #tpu.memory_space<semaphore_mem>>)
          %dma_wait3A_1303 = arith.constant 0 : i32
          %dma_wait3A_1304 = tpu.memref_slice %arg4[%add3A_1298, %dma_wait3A_1303] : memref<16384x1024xf32, #tpu.memory_space<hbm>> -> memref<16x1024xf32, #tpu.memory_space<hbm>>
          %dma_wait3A_1305 = arith.constant 0 : i32
          %dma_wait3A_1306 = tpu.memref_slice %arg4[%add3A_1298, %dma_wait3A_1305] : memref<16384x1024xf32, #tpu.memory_space<hbm>> -> memref<16x1024xf32, #tpu.memory_space<hbm>>
          tpu.wait_dma2 semaphore(%run_scoped3A : memref<!tpu.dma_semaphore, #tpu.memory_space<semaphore_mem>>) src(%arg8 : memref<16x1024xf32, #tpu.memory_space<vmem>>) dst(%dma_wait3A_1306 : memref<16x1024xf32, #tpu.memory_space<hbm>>)
          tpu.yield
        }) : () -> ()
      } else {
      }
      %shift_left3A_1153 = arith.constant 1 : i32
      %shift_left3A_1154 = arith.constant 19 : i32
      %shift_left3A_1155 = arith.shli %shift_left3A_1153, %shift_left3A_1154 : i32
      %and3A_1156 = arith.andi %squeeze3A, %shift_left3A_1155 : i32
      %ne3A_1157 = arith.constant 0 : i32
      %ne3A_1158 = arith.cmpi ne, %and3A_1156, %ne3A_1157 : i32
      %convert_element_type3A_1159 = arith.extui %ne3A_1158 : i1 to i32
      %cond3A_1160 = arith.constant 0 : i32
      %cond3A_1161 = arith.cmpi ne, %convert_element_type3A_1159, %cond3A_1160 : i32
      scf.if %cond3A_1161 {
        %get3A_1270 = arith.constant 304 : index
        %get3A_1271 = tpu.vector_load %arg5[%get3A_1270] {strides = array<i32>} : memref<512xi32, #tpu.memory_space<vmem>>, vector<16xi32>,
        %get3A_1272 = vector.shape_cast %get3A_1271 : vector<16xi32> to vector<16xi32>
        %eq3A_1273 = arith.constant 0 : i32
        %eq3A_1274 = vector.broadcast %eq3A_1273 : i32 to vector<16xi32>
        %eq3A_1275 = arith.cmpi eq, %get3A_1272, %eq3A_1274 : vector<16xi32>
        %add3A_1276 = arith.constant 48 : i32
        %add3A_1277 = arith.addi %mul3A_2, %add3A_1276 : i32
        %add3A_1278 = arith.constant 1 : i32
        %add3A_1279 = arith.addi %add3A_1277, %add3A_1278 : i32
        %add3A_1280 = vector.broadcast %add3A_1279 : i32 to vector<16xi32>
        %add3A_1281 = arith.addi %iota3A, %add3A_1280 : vector<16xi32>
        %jit3A_1282 = arith.constant 0 : i32
        %broadcast_in_dim3A_1283 = vector.broadcast %jit3A_1282 : i32 to vector<16xi32>
        %select_n3A_1284 = arith.select %eq3A_1275, %broadcast_in_dim3A_1283, %add3A_1281 : vector<16xi1>, vector<16xi32>
        %swap3A_1285 = arith.constant 0 : index
        %swap3A_1286 = tpu.vector_load %arg7[%swap3A_1285] {strides = array<i32>} : memref<16xi32, #tpu.memory_space<vmem>>, vector<16xi32>,
        %swap3A_1287 = vector.shape_cast %swap3A_1286 : vector<16xi32> to vector<16xi32>
        %swap3A_1288 = vector.shape_cast %select_n3A_1284 : vector<16xi32> to vector<16xi32>
        tpu.vector_store %arg7[%swap3A_1285], %swap3A_1288 {strides = array<i32>} : memref<16xi32, #tpu.memory_space<vmem>>, vector<16xi32>,
        %dma_start3A_1289 = arith.constant 0 : i32
        %dma_start3A_1290 = arith.constant 0 : i32
        %dma_start3A_1291 = tpu.memref_slice %arg3[%dma_start3A_1289, %dma_start3A_1290] : memref<8192x1024xf32, #tpu.memory_space<hbm>> -> memref<8192x1024xf32, #tpu.memory_space<hbm>>
        tpu.enqueue_indirect_dma source(%dma_start3A_1291 : memref<8192x1024xf32, #tpu.memory_space<hbm>>) target(%arg8 : memref<16x1024xf32, #tpu.memory_space<vmem>>) offsets(%arg7 : memref<16xi32, #tpu.memory_space<vmem>>) semaphore(%arg14 : memref<!tpu.dma_semaphore, #tpu.memory_space<semaphore_mem>>)
        %dma_wait3A_1292 = arith.constant 0 : i32
        %dma_wait3A_1293 = arith.constant 0 : i32
        %dma_wait3A_1294 = tpu.memref_slice %arg3[%dma_wait3A_1292, %dma_wait3A_1293] : memref<8192x1024xf32, #tpu.memory_space<hbm>> -> memref<8192x1024xf32, #tpu.memory_space<hbm>>
        tpu.wait_indirect_dma semaphore(%arg14 : memref<!tpu.dma_semaphore, #tpu.memory_space<semaphore_mem>>) src(%dma_wait3A_1294 : memref<8192x1024xf32, #tpu.memory_space<hbm>>) dst(%arg8 : memref<16x1024xf32, #tpu.memory_space<vmem>>)
        %add3A_1295 = arith.constant 8192 : i32
        %add3A_1296 = arith.addi %add3A_1295, %mul3A_2 : i32
        %add3A_1297 = arith.constant 48 : i32
        %add3A_1298 = arith.addi %add3A_1296, %add3A_1297 : i32
        "tpu.region"() ({
          %run_scoped3A = tpu.sem_alloc : memref<!tpu.dma_semaphore, #tpu.memory_space<semaphore_mem>>
          %dma_start3A_1299 = arith.constant 0 : i32
          %dma_start3A_1300 = tpu.memref_slice %arg4[%add3A_1298, %dma_start3A_1299] : memref<16384x1024xf32, #tpu.memory_space<hbm>> -> memref<16x1024xf32, #tpu.memory_space<hbm>>
          %dma_start3A_1301 = arith.constant 0 : i32
          %dma_start3A_1302 = tpu.memref_slice %arg4[%add3A_1298, %dma_start3A_1301] : memref<16384x1024xf32, #tpu.memory_space<hbm>> -> memref<16x1024xf32, #tpu.memory_space<hbm>>
          tpu.enqueue_dma source(%arg8 : memref<16x1024xf32, #tpu.memory_space<vmem>>) target(%dma_start3A_1302 : memref<16x1024xf32, #tpu.memory_space<hbm>>) target_semaphore(%run_scoped3A : memref<!tpu.dma_semaphore, #tpu.memory_space<semaphore_mem>>)
          %dma_wait3A_1303 = arith.constant 0 : i32
          %dma_wait3A_1304 = tpu.memref_slice %arg4[%add3A_1298, %dma_wait3A_1303] : memref<16384x1024xf32, #tpu.memory_space<hbm>> -> memref<16x1024xf32, #tpu.memory_space<hbm>>
          %dma_wait3A_1305 = arith.constant 0 : i32
          %dma_wait3A_1306 = tpu.memref_slice %arg4[%add3A_1298, %dma_wait3A_1305] : memref<16384x1024xf32, #tpu.memory_space<hbm>> -> memref<16x1024xf32, #tpu.memory_space<hbm>>
          tpu.wait_dma2 semaphore(%run_scoped3A : memref<!tpu.dma_semaphore, #tpu.memory_space<semaphore_mem>>) src(%arg8 : memref<16x1024xf32, #tpu.memory_space<vmem>>) dst(%dma_wait3A_1306 : memref<16x1024xf32, #tpu.memory_space<hbm>>)
          tpu.yield
        }) : () -> ()
      } else {
      }
      %shift_left3A_1162 = arith.constant 1 : i32
      %shift_left3A_1163 = arith.constant 20 : i32
      %shift_left3A_1164 = arith.shli %shift_left3A_1162, %shift_left3A_1163 : i32
      %and3A_1165 = arith.andi %squeeze3A, %shift_left3A_1164 : i32
      %ne3A_1166 = arith.constant 0 : i32
      %ne3A_1167 = arith.cmpi ne, %and3A_1165, %ne3A_1166 : i32
      %convert_element_type3A_1168 = arith.extui %ne3A_1167 : i1 to i32
      %cond3A_1169 = arith.constant 0 : i32
      %cond3A_1170 = arith.cmpi ne, %convert_element_type3A_1168, %cond3A_1169 : i32
      scf.if %cond3A_1170 {
        %get3A_1270 = arith.constant 320 : index
        %get3A_1271 = tpu.vector_load %arg5[%get3A_1270] {strides = array<i32>} : memref<512xi32, #tpu.memory_space<vmem>>, vector<16xi32>,
        %get3A_1272 = vector.shape_cast %get3A_1271 : vector<16xi32> to vector<16xi32>
        %eq3A_1273 = arith.constant 0 : i32
        %eq3A_1274 = vector.broadcast %eq3A_1273 : i32 to vector<16xi32>
        %eq3A_1275 = arith.cmpi eq, %get3A_1272, %eq3A_1274 : vector<16xi32>
        %add3A_1276 = arith.constant 64 : i32
        %add3A_1277 = arith.addi %mul3A_2, %add3A_1276 : i32
        %add3A_1278 = arith.constant 1 : i32
        %add3A_1279 = arith.addi %add3A_1277, %add3A_1278 : i32
        %add3A_1280 = vector.broadcast %add3A_1279 : i32 to vector<16xi32>
        %add3A_1281 = arith.addi %iota3A, %add3A_1280 : vector<16xi32>
        %jit3A_1282 = arith.constant 0 : i32
        %broadcast_in_dim3A_1283 = vector.broadcast %jit3A_1282 : i32 to vector<16xi32>
        %select_n3A_1284 = arith.select %eq3A_1275, %broadcast_in_dim3A_1283, %add3A_1281 : vector<16xi1>, vector<16xi32>
        %swap3A_1285 = arith.constant 0 : index
        %swap3A_1286 = tpu.vector_load %arg7[%swap3A_1285] {strides = array<i32>} : memref<16xi32, #tpu.memory_space<vmem>>, vector<16xi32>,
        %swap3A_1287 = vector.shape_cast %swap3A_1286 : vector<16xi32> to vector<16xi32>
        %swap3A_1288 = vector.shape_cast %select_n3A_1284 : vector<16xi32> to vector<16xi32>
        tpu.vector_store %arg7[%swap3A_1285], %swap3A_1288 {strides = array<i32>} : memref<16xi32, #tpu.memory_space<vmem>>, vector<16xi32>,
        %dma_start3A_1289 = arith.constant 0 : i32
        %dma_start3A_1290 = arith.constant 0 : i32
        %dma_start3A_1291 = tpu.memref_slice %arg3[%dma_start3A_1289, %dma_start3A_1290] : memref<8192x1024xf32, #tpu.memory_space<hbm>> -> memref<8192x1024xf32, #tpu.memory_space<hbm>>
        tpu.enqueue_indirect_dma source(%dma_start3A_1291 : memref<8192x1024xf32, #tpu.memory_space<hbm>>) target(%arg8 : memref<16x1024xf32, #tpu.memory_space<vmem>>) offsets(%arg7 : memref<16xi32, #tpu.memory_space<vmem>>) semaphore(%arg14 : memref<!tpu.dma_semaphore, #tpu.memory_space<semaphore_mem>>)
        %dma_wait3A_1292 = arith.constant 0 : i32
        %dma_wait3A_1293 = arith.constant 0 : i32
        %dma_wait3A_1294 = tpu.memref_slice %arg3[%dma_wait3A_1292, %dma_wait3A_1293] : memref<8192x1024xf32, #tpu.memory_space<hbm>> -> memref<8192x1024xf32, #tpu.memory_space<hbm>>
        tpu.wait_indirect_dma semaphore(%arg14 : memref<!tpu.dma_semaphore, #tpu.memory_space<semaphore_mem>>) src(%dma_wait3A_1294 : memref<8192x1024xf32, #tpu.memory_space<hbm>>) dst(%arg8 : memref<16x1024xf32, #tpu.memory_space<vmem>>)
        %add3A_1295 = arith.constant 8192 : i32
        %add3A_1296 = arith.addi %add3A_1295, %mul3A_2 : i32
        %add3A_1297 = arith.constant 64 : i32
        %add3A_1298 = arith.addi %add3A_1296, %add3A_1297 : i32
        "tpu.region"() ({
          %run_scoped3A = tpu.sem_alloc : memref<!tpu.dma_semaphore, #tpu.memory_space<semaphore_mem>>
          %dma_start3A_1299 = arith.constant 0 : i32
          %dma_start3A_1300 = tpu.memref_slice %arg4[%add3A_1298, %dma_start3A_1299] : memref<16384x1024xf32, #tpu.memory_space<hbm>> -> memref<16x1024xf32, #tpu.memory_space<hbm>>
          %dma_start3A_1301 = arith.constant 0 : i32
          %dma_start3A_1302 = tpu.memref_slice %arg4[%add3A_1298, %dma_start3A_1301] : memref<16384x1024xf32, #tpu.memory_space<hbm>> -> memref<16x1024xf32, #tpu.memory_space<hbm>>
          tpu.enqueue_dma source(%arg8 : memref<16x1024xf32, #tpu.memory_space<vmem>>) target(%dma_start3A_1302 : memref<16x1024xf32, #tpu.memory_space<hbm>>) target_semaphore(%run_scoped3A : memref<!tpu.dma_semaphore, #tpu.memory_space<semaphore_mem>>)
          %dma_wait3A_1303 = arith.constant 0 : i32
          %dma_wait3A_1304 = tpu.memref_slice %arg4[%add3A_1298, %dma_wait3A_1303] : memref<16384x1024xf32, #tpu.memory_space<hbm>> -> memref<16x1024xf32, #tpu.memory_space<hbm>>
          %dma_wait3A_1305 = arith.constant 0 : i32
          %dma_wait3A_1306 = tpu.memref_slice %arg4[%add3A_1298, %dma_wait3A_1305] : memref<16384x1024xf32, #tpu.memory_space<hbm>> -> memref<16x1024xf32, #tpu.memory_space<hbm>>
          tpu.wait_dma2 semaphore(%run_scoped3A : memref<!tpu.dma_semaphore, #tpu.memory_space<semaphore_mem>>) src(%arg8 : memref<16x1024xf32, #tpu.memory_space<vmem>>) dst(%dma_wait3A_1306 : memref<16x1024xf32, #tpu.memory_space<hbm>>)
          tpu.yield
        }) : () -> ()
      } else {
      }
      %shift_left3A_1171 = arith.constant 1 : i32
      %shift_left3A_1172 = arith.constant 21 : i32
      %shift_left3A_1173 = arith.shli %shift_left3A_1171, %shift_left3A_1172 : i32
      %and3A_1174 = arith.andi %squeeze3A, %shift_left3A_1173 : i32
      %ne3A_1175 = arith.constant 0 : i32
      %ne3A_1176 = arith.cmpi ne, %and3A_1174, %ne3A_1175 : i32
      %convert_element_type3A_1177 = arith.extui %ne3A_1176 : i1 to i32
      %cond3A_1178 = arith.constant 0 : i32
      %cond3A_1179 = arith.cmpi ne, %convert_element_type3A_1177, %cond3A_1178 : i32
      scf.if %cond3A_1179 {
        %get3A_1270 = arith.constant 336 : index
        %get3A_1271 = tpu.vector_load %arg5[%get3A_1270] {strides = array<i32>} : memref<512xi32, #tpu.memory_space<vmem>>, vector<16xi32>,
        %get3A_1272 = vector.shape_cast %get3A_1271 : vector<16xi32> to vector<16xi32>
        %eq3A_1273 = arith.constant 0 : i32
        %eq3A_1274 = vector.broadcast %eq3A_1273 : i32 to vector<16xi32>
        %eq3A_1275 = arith.cmpi eq, %get3A_1272, %eq3A_1274 : vector<16xi32>
        %add3A_1276 = arith.constant 80 : i32
        %add3A_1277 = arith.addi %mul3A_2, %add3A_1276 : i32
        %add3A_1278 = arith.constant 1 : i32
        %add3A_1279 = arith.addi %add3A_1277, %add3A_1278 : i32
        %add3A_1280 = vector.broadcast %add3A_1279 : i32 to vector<16xi32>
        %add3A_1281 = arith.addi %iota3A, %add3A_1280 : vector<16xi32>
        %jit3A_1282 = arith.constant 0 : i32
        %broadcast_in_dim3A_1283 = vector.broadcast %jit3A_1282 : i32 to vector<16xi32>
        %select_n3A_1284 = arith.select %eq3A_1275, %broadcast_in_dim3A_1283, %add3A_1281 : vector<16xi1>, vector<16xi32>
        %swap3A_1285 = arith.constant 0 : index
        %swap3A_1286 = tpu.vector_load %arg7[%swap3A_1285] {strides = array<i32>} : memref<16xi32, #tpu.memory_space<vmem>>, vector<16xi32>,
        %swap3A_1287 = vector.shape_cast %swap3A_1286 : vector<16xi32> to vector<16xi32>
        %swap3A_1288 = vector.shape_cast %select_n3A_1284 : vector<16xi32> to vector<16xi32>
        tpu.vector_store %arg7[%swap3A_1285], %swap3A_1288 {strides = array<i32>} : memref<16xi32, #tpu.memory_space<vmem>>, vector<16xi32>,
        %dma_start3A_1289 = arith.constant 0 : i32
        %dma_start3A_1290 = arith.constant 0 : i32
        %dma_start3A_1291 = tpu.memref_slice %arg3[%dma_start3A_1289, %dma_start3A_1290] : memref<8192x1024xf32, #tpu.memory_space<hbm>> -> memref<8192x1024xf32, #tpu.memory_space<hbm>>
        tpu.enqueue_indirect_dma source(%dma_start3A_1291 : memref<8192x1024xf32, #tpu.memory_space<hbm>>) target(%arg8 : memref<16x1024xf32, #tpu.memory_space<vmem>>) offsets(%arg7 : memref<16xi32, #tpu.memory_space<vmem>>) semaphore(%arg14 : memref<!tpu.dma_semaphore, #tpu.memory_space<semaphore_mem>>)
        %dma_wait3A_1292 = arith.constant 0 : i32
        %dma_wait3A_1293 = arith.constant 0 : i32
        %dma_wait3A_1294 = tpu.memref_slice %arg3[%dma_wait3A_1292, %dma_wait3A_1293] : memref<8192x1024xf32, #tpu.memory_space<hbm>> -> memref<8192x1024xf32, #tpu.memory_space<hbm>>
        tpu.wait_indirect_dma semaphore(%arg14 : memref<!tpu.dma_semaphore, #tpu.memory_space<semaphore_mem>>) src(%dma_wait3A_1294 : memref<8192x1024xf32, #tpu.memory_space<hbm>>) dst(%arg8 : memref<16x1024xf32, #tpu.memory_space<vmem>>)
        %add3A_1295 = arith.constant 8192 : i32
        %add3A_1296 = arith.addi %add3A_1295, %mul3A_2 : i32
        %add3A_1297 = arith.constant 80 : i32
        %add3A_1298 = arith.addi %add3A_1296, %add3A_1297 : i32
        "tpu.region"() ({
          %run_scoped3A = tpu.sem_alloc : memref<!tpu.dma_semaphore, #tpu.memory_space<semaphore_mem>>
          %dma_start3A_1299 = arith.constant 0 : i32
          %dma_start3A_1300 = tpu.memref_slice %arg4[%add3A_1298, %dma_start3A_1299] : memref<16384x1024xf32, #tpu.memory_space<hbm>> -> memref<16x1024xf32, #tpu.memory_space<hbm>>
          %dma_start3A_1301 = arith.constant 0 : i32
          %dma_start3A_1302 = tpu.memref_slice %arg4[%add3A_1298, %dma_start3A_1301] : memref<16384x1024xf32, #tpu.memory_space<hbm>> -> memref<16x1024xf32, #tpu.memory_space<hbm>>
          tpu.enqueue_dma source(%arg8 : memref<16x1024xf32, #tpu.memory_space<vmem>>) target(%dma_start3A_1302 : memref<16x1024xf32, #tpu.memory_space<hbm>>) target_semaphore(%run_scoped3A : memref<!tpu.dma_semaphore, #tpu.memory_space<semaphore_mem>>)
          %dma_wait3A_1303 = arith.constant 0 : i32
          %dma_wait3A_1304 = tpu.memref_slice %arg4[%add3A_1298, %dma_wait3A_1303] : memref<16384x1024xf32, #tpu.memory_space<hbm>> -> memref<16x1024xf32, #tpu.memory_space<hbm>>
          %dma_wait3A_1305 = arith.constant 0 : i32
          %dma_wait3A_1306 = tpu.memref_slice %arg4[%add3A_1298, %dma_wait3A_1305] : memref<16384x1024xf32, #tpu.memory_space<hbm>> -> memref<16x1024xf32, #tpu.memory_space<hbm>>
          tpu.wait_dma2 semaphore(%run_scoped3A : memref<!tpu.dma_semaphore, #tpu.memory_space<semaphore_mem>>) src(%arg8 : memref<16x1024xf32, #tpu.memory_space<vmem>>) dst(%dma_wait3A_1306 : memref<16x1024xf32, #tpu.memory_space<hbm>>)
          tpu.yield
        }) : () -> ()
      } else {
      }
      %shift_left3A_1180 = arith.constant 1 : i32
      %shift_left3A_1181 = arith.constant 22 : i32
      %shift_left3A_1182 = arith.shli %shift_left3A_1180, %shift_left3A_1181 : i32
      %and3A_1183 = arith.andi %squeeze3A, %shift_left3A_1182 : i32
      %ne3A_1184 = arith.constant 0 : i32
      %ne3A_1185 = arith.cmpi ne, %and3A_1183, %ne3A_1184 : i32
      %convert_element_type3A_1186 = arith.extui %ne3A_1185 : i1 to i32
      %cond3A_1187 = arith.constant 0 : i32
      %cond3A_1188 = arith.cmpi ne, %convert_element_type3A_1186, %cond3A_1187 : i32
      scf.if %cond3A_1188 {
        %get3A_1270 = arith.constant 352 : index
        %get3A_1271 = tpu.vector_load %arg5[%get3A_1270] {strides = array<i32>} : memref<512xi32, #tpu.memory_space<vmem>>, vector<16xi32>,
        %get3A_1272 = vector.shape_cast %get3A_1271 : vector<16xi32> to vector<16xi32>
        %eq3A_1273 = arith.constant 0 : i32
        %eq3A_1274 = vector.broadcast %eq3A_1273 : i32 to vector<16xi32>
        %eq3A_1275 = arith.cmpi eq, %get3A_1272, %eq3A_1274 : vector<16xi32>
        %add3A_1276 = arith.constant 96 : i32
        %add3A_1277 = arith.addi %mul3A_2, %add3A_1276 : i32
        %add3A_1278 = arith.constant 1 : i32
        %add3A_1279 = arith.addi %add3A_1277, %add3A_1278 : i32
        %add3A_1280 = vector.broadcast %add3A_1279 : i32 to vector<16xi32>
        %add3A_1281 = arith.addi %iota3A, %add3A_1280 : vector<16xi32>
        %jit3A_1282 = arith.constant 0 : i32
        %broadcast_in_dim3A_1283 = vector.broadcast %jit3A_1282 : i32 to vector<16xi32>
        %select_n3A_1284 = arith.select %eq3A_1275, %broadcast_in_dim3A_1283, %add3A_1281 : vector<16xi1>, vector<16xi32>
        %swap3A_1285 = arith.constant 0 : index
        %swap3A_1286 = tpu.vector_load %arg7[%swap3A_1285] {strides = array<i32>} : memref<16xi32, #tpu.memory_space<vmem>>, vector<16xi32>,
        %swap3A_1287 = vector.shape_cast %swap3A_1286 : vector<16xi32> to vector<16xi32>
        %swap3A_1288 = vector.shape_cast %select_n3A_1284 : vector<16xi32> to vector<16xi32>
        tpu.vector_store %arg7[%swap3A_1285], %swap3A_1288 {strides = array<i32>} : memref<16xi32, #tpu.memory_space<vmem>>, vector<16xi32>,
        %dma_start3A_1289 = arith.constant 0 : i32
        %dma_start3A_1290 = arith.constant 0 : i32
        %dma_start3A_1291 = tpu.memref_slice %arg3[%dma_start3A_1289, %dma_start3A_1290] : memref<8192x1024xf32, #tpu.memory_space<hbm>> -> memref<8192x1024xf32, #tpu.memory_space<hbm>>
        tpu.enqueue_indirect_dma source(%dma_start3A_1291 : memref<8192x1024xf32, #tpu.memory_space<hbm>>) target(%arg8 : memref<16x1024xf32, #tpu.memory_space<vmem>>) offsets(%arg7 : memref<16xi32, #tpu.memory_space<vmem>>) semaphore(%arg14 : memref<!tpu.dma_semaphore, #tpu.memory_space<semaphore_mem>>)
        %dma_wait3A_1292 = arith.constant 0 : i32
        %dma_wait3A_1293 = arith.constant 0 : i32
        %dma_wait3A_1294 = tpu.memref_slice %arg3[%dma_wait3A_1292, %dma_wait3A_1293] : memref<8192x1024xf32, #tpu.memory_space<hbm>> -> memref<8192x1024xf32, #tpu.memory_space<hbm>>
        tpu.wait_indirect_dma semaphore(%arg14 : memref<!tpu.dma_semaphore, #tpu.memory_space<semaphore_mem>>) src(%dma_wait3A_1294 : memref<8192x1024xf32, #tpu.memory_space<hbm>>) dst(%arg8 : memref<16x1024xf32, #tpu.memory_space<vmem>>)
        %add3A_1295 = arith.constant 8192 : i32
        %add3A_1296 = arith.addi %add3A_1295, %mul3A_2 : i32
        %add3A_1297 = arith.constant 96 : i32
        %add3A_1298 = arith.addi %add3A_1296, %add3A_1297 : i32
        "tpu.region"() ({
          %run_scoped3A = tpu.sem_alloc : memref<!tpu.dma_semaphore, #tpu.memory_space<semaphore_mem>>
          %dma_start3A_1299 = arith.constant 0 : i32
          %dma_start3A_1300 = tpu.memref_slice %arg4[%add3A_1298, %dma_start3A_1299] : memref<16384x1024xf32, #tpu.memory_space<hbm>> -> memref<16x1024xf32, #tpu.memory_space<hbm>>
          %dma_start3A_1301 = arith.constant 0 : i32
          %dma_start3A_1302 = tpu.memref_slice %arg4[%add3A_1298, %dma_start3A_1301] : memref<16384x1024xf32, #tpu.memory_space<hbm>> -> memref<16x1024xf32, #tpu.memory_space<hbm>>
          tpu.enqueue_dma source(%arg8 : memref<16x1024xf32, #tpu.memory_space<vmem>>) target(%dma_start3A_1302 : memref<16x1024xf32, #tpu.memory_space<hbm>>) target_semaphore(%run_scoped3A : memref<!tpu.dma_semaphore, #tpu.memory_space<semaphore_mem>>)
          %dma_wait3A_1303 = arith.constant 0 : i32
          %dma_wait3A_1304 = tpu.memref_slice %arg4[%add3A_1298, %dma_wait3A_1303] : memref<16384x1024xf32, #tpu.memory_space<hbm>> -> memref<16x1024xf32, #tpu.memory_space<hbm>>
          %dma_wait3A_1305 = arith.constant 0 : i32
          %dma_wait3A_1306 = tpu.memref_slice %arg4[%add3A_1298, %dma_wait3A_1305] : memref<16384x1024xf32, #tpu.memory_space<hbm>> -> memref<16x1024xf32, #tpu.memory_space<hbm>>
          tpu.wait_dma2 semaphore(%run_scoped3A : memref<!tpu.dma_semaphore, #tpu.memory_space<semaphore_mem>>) src(%arg8 : memref<16x1024xf32, #tpu.memory_space<vmem>>) dst(%dma_wait3A_1306 : memref<16x1024xf32, #tpu.memory_space<hbm>>)
          tpu.yield
        }) : () -> ()
      } else {
      }
      %shift_left3A_1189 = arith.constant 1 : i32
      %shift_left3A_1190 = arith.constant 23 : i32
      %shift_left3A_1191 = arith.shli %shift_left3A_1189, %shift_left3A_1190 : i32
      %and3A_1192 = arith.andi %squeeze3A, %shift_left3A_1191 : i32
      %ne3A_1193 = arith.constant 0 : i32
      %ne3A_1194 = arith.cmpi ne, %and3A_1192, %ne3A_1193 : i32
      %convert_element_type3A_1195 = arith.extui %ne3A_1194 : i1 to i32
      %cond3A_1196 = arith.constant 0 : i32
      %cond3A_1197 = arith.cmpi ne, %convert_element_type3A_1195, %cond3A_1196 : i32
      scf.if %cond3A_1197 {
        %get3A_1270 = arith.constant 368 : index
        %get3A_1271 = tpu.vector_load %arg5[%get3A_1270] {strides = array<i32>} : memref<512xi32, #tpu.memory_space<vmem>>, vector<16xi32>,
        %get3A_1272 = vector.shape_cast %get3A_1271 : vector<16xi32> to vector<16xi32>
        %eq3A_1273 = arith.constant 0 : i32
        %eq3A_1274 = vector.broadcast %eq3A_1273 : i32 to vector<16xi32>
        %eq3A_1275 = arith.cmpi eq, %get3A_1272, %eq3A_1274 : vector<16xi32>
        %add3A_1276 = arith.constant 112 : i32
        %add3A_1277 = arith.addi %mul3A_2, %add3A_1276 : i32
        %add3A_1278 = arith.constant 1 : i32
        %add3A_1279 = arith.addi %add3A_1277, %add3A_1278 : i32
        %add3A_1280 = vector.broadcast %add3A_1279 : i32 to vector<16xi32>
        %add3A_1281 = arith.addi %iota3A, %add3A_1280 : vector<16xi32>
        %jit3A_1282 = arith.constant 0 : i32
        %broadcast_in_dim3A_1283 = vector.broadcast %jit3A_1282 : i32 to vector<16xi32>
        %select_n3A_1284 = arith.select %eq3A_1275, %broadcast_in_dim3A_1283, %add3A_1281 : vector<16xi1>, vector<16xi32>
        %swap3A_1285 = arith.constant 0 : index
        %swap3A_1286 = tpu.vector_load %arg7[%swap3A_1285] {strides = array<i32>} : memref<16xi32, #tpu.memory_space<vmem>>, vector<16xi32>,
        %swap3A_1287 = vector.shape_cast %swap3A_1286 : vector<16xi32> to vector<16xi32>
        %swap3A_1288 = vector.shape_cast %select_n3A_1284 : vector<16xi32> to vector<16xi32>
        tpu.vector_store %arg7[%swap3A_1285], %swap3A_1288 {strides = array<i32>} : memref<16xi32, #tpu.memory_space<vmem>>, vector<16xi32>,
        %dma_start3A_1289 = arith.constant 0 : i32
        %dma_start3A_1290 = arith.constant 0 : i32
        %dma_start3A_1291 = tpu.memref_slice %arg3[%dma_start3A_1289, %dma_start3A_1290] : memref<8192x1024xf32, #tpu.memory_space<hbm>> -> memref<8192x1024xf32, #tpu.memory_space<hbm>>
        tpu.enqueue_indirect_dma source(%dma_start3A_1291 : memref<8192x1024xf32, #tpu.memory_space<hbm>>) target(%arg8 : memref<16x1024xf32, #tpu.memory_space<vmem>>) offsets(%arg7 : memref<16xi32, #tpu.memory_space<vmem>>) semaphore(%arg14 : memref<!tpu.dma_semaphore, #tpu.memory_space<semaphore_mem>>)
        %dma_wait3A_1292 = arith.constant 0 : i32
        %dma_wait3A_1293 = arith.constant 0 : i32
        %dma_wait3A_1294 = tpu.memref_slice %arg3[%dma_wait3A_1292, %dma_wait3A_1293] : memref<8192x1024xf32, #tpu.memory_space<hbm>> -> memref<8192x1024xf32, #tpu.memory_space<hbm>>
        tpu.wait_indirect_dma semaphore(%arg14 : memref<!tpu.dma_semaphore, #tpu.memory_space<semaphore_mem>>) src(%dma_wait3A_1294 : memref<8192x1024xf32, #tpu.memory_space<hbm>>) dst(%arg8 : memref<16x1024xf32, #tpu.memory_space<vmem>>)
        %add3A_1295 = arith.constant 8192 : i32
        %add3A_1296 = arith.addi %add3A_1295, %mul3A_2 : i32
        %add3A_1297 = arith.constant 112 : i32
        %add3A_1298 = arith.addi %add3A_1296, %add3A_1297 : i32
        "tpu.region"() ({
          %run_scoped3A = tpu.sem_alloc : memref<!tpu.dma_semaphore, #tpu.memory_space<semaphore_mem>>
          %dma_start3A_1299 = arith.constant 0 : i32
          %dma_start3A_1300 = tpu.memref_slice %arg4[%add3A_1298, %dma_start3A_1299] : memref<16384x1024xf32, #tpu.memory_space<hbm>> -> memref<16x1024xf32, #tpu.memory_space<hbm>>
          %dma_start3A_1301 = arith.constant 0 : i32
          %dma_start3A_1302 = tpu.memref_slice %arg4[%add3A_1298, %dma_start3A_1301] : memref<16384x1024xf32, #tpu.memory_space<hbm>> -> memref<16x1024xf32, #tpu.memory_space<hbm>>
          tpu.enqueue_dma source(%arg8 : memref<16x1024xf32, #tpu.memory_space<vmem>>) target(%dma_start3A_1302 : memref<16x1024xf32, #tpu.memory_space<hbm>>) target_semaphore(%run_scoped3A : memref<!tpu.dma_semaphore, #tpu.memory_space<semaphore_mem>>)
          %dma_wait3A_1303 = arith.constant 0 : i32
          %dma_wait3A_1304 = tpu.memref_slice %arg4[%add3A_1298, %dma_wait3A_1303] : memref<16384x1024xf32, #tpu.memory_space<hbm>> -> memref<16x1024xf32, #tpu.memory_space<hbm>>
          %dma_wait3A_1305 = arith.constant 0 : i32
          %dma_wait3A_1306 = tpu.memref_slice %arg4[%add3A_1298, %dma_wait3A_1305] : memref<16384x1024xf32, #tpu.memory_space<hbm>> -> memref<16x1024xf32, #tpu.memory_space<hbm>>
          tpu.wait_dma2 semaphore(%run_scoped3A : memref<!tpu.dma_semaphore, #tpu.memory_space<semaphore_mem>>) src(%arg8 : memref<16x1024xf32, #tpu.memory_space<vmem>>) dst(%dma_wait3A_1306 : memref<16x1024xf32, #tpu.memory_space<hbm>>)
          tpu.yield
        }) : () -> ()
      } else {
      }
      %shift_left3A_1198 = arith.constant 1 : i32
      %shift_left3A_1199 = arith.constant 24 : i32
      %shift_left3A_1200 = arith.shli %shift_left3A_1198, %shift_left3A_1199 : i32
      %and3A_1201 = arith.andi %squeeze3A, %shift_left3A_1200 : i32
      %ne3A_1202 = arith.constant 0 : i32
      %ne3A_1203 = arith.cmpi ne, %and3A_1201, %ne3A_1202 : i32
      %convert_element_type3A_1204 = arith.extui %ne3A_1203 : i1 to i32
      %cond3A_1205 = arith.constant 0 : i32
      %cond3A_1206 = arith.cmpi ne, %convert_element_type3A_1204, %cond3A_1205 : i32
      scf.if %cond3A_1206 {
        %get3A_1270 = arith.constant 384 : index
        %get3A_1271 = tpu.vector_load %arg5[%get3A_1270] {strides = array<i32>} : memref<512xi32, #tpu.memory_space<vmem>>, vector<16xi32>,
        %get3A_1272 = vector.shape_cast %get3A_1271 : vector<16xi32> to vector<16xi32>
        %eq3A_1273 = arith.constant 0 : i32
        %eq3A_1274 = vector.broadcast %eq3A_1273 : i32 to vector<16xi32>
        %eq3A_1275 = arith.cmpi eq, %get3A_1272, %eq3A_1274 : vector<16xi32>
        %add3A_1276 = arith.constant 0 : i32
        %add3A_1277 = arith.addi %mul3A_2, %add3A_1276 : i32
        %add3A_1278 = arith.constant 1 : i32
        %add3A_1279 = arith.addi %add3A_1277, %add3A_1278 : i32
        %add3A_1280 = vector.broadcast %add3A_1279 : i32 to vector<16xi32>
        %add3A_1281 = arith.addi %iota3A, %add3A_1280 : vector<16xi32>
        %jit3A_1282 = arith.constant 0 : i32
        %broadcast_in_dim3A_1283 = vector.broadcast %jit3A_1282 : i32 to vector<16xi32>
        %select_n3A_1284 = arith.select %eq3A_1275, %broadcast_in_dim3A_1283, %add3A_1281 : vector<16xi1>, vector<16xi32>
        %swap3A_1285 = arith.constant 0 : index
        %swap3A_1286 = tpu.vector_load %arg7[%swap3A_1285] {strides = array<i32>} : memref<16xi32, #tpu.memory_space<vmem>>, vector<16xi32>,
        %swap3A_1287 = vector.shape_cast %swap3A_1286 : vector<16xi32> to vector<16xi32>
        %swap3A_1288 = vector.shape_cast %select_n3A_1284 : vector<16xi32> to vector<16xi32>
        tpu.vector_store %arg7[%swap3A_1285], %swap3A_1288 {strides = array<i32>} : memref<16xi32, #tpu.memory_space<vmem>>, vector<16xi32>,
        %dma_start3A_1289 = arith.constant 0 : i32
        %dma_start3A_1290 = arith.constant 0 : i32
        %dma_start3A_1291 = tpu.memref_slice %arg3[%dma_start3A_1289, %dma_start3A_1290] : memref<8192x1024xf32, #tpu.memory_space<hbm>> -> memref<8192x1024xf32, #tpu.memory_space<hbm>>
        tpu.enqueue_indirect_dma source(%dma_start3A_1291 : memref<8192x1024xf32, #tpu.memory_space<hbm>>) target(%arg8 : memref<16x1024xf32, #tpu.memory_space<vmem>>) offsets(%arg7 : memref<16xi32, #tpu.memory_space<vmem>>) semaphore(%arg14 : memref<!tpu.dma_semaphore, #tpu.memory_space<semaphore_mem>>)
        %dma_wait3A_1292 = arith.constant 0 : i32
        %dma_wait3A_1293 = arith.constant 0 : i32
        %dma_wait3A_1294 = tpu.memref_slice %arg3[%dma_wait3A_1292, %dma_wait3A_1293] : memref<8192x1024xf32, #tpu.memory_space<hbm>> -> memref<8192x1024xf32, #tpu.memory_space<hbm>>
        tpu.wait_indirect_dma semaphore(%arg14 : memref<!tpu.dma_semaphore, #tpu.memory_space<semaphore_mem>>) src(%dma_wait3A_1294 : memref<8192x1024xf32, #tpu.memory_space<hbm>>) dst(%arg8 : memref<16x1024xf32, #tpu.memory_space<vmem>>)
        %add3A_1295 = arith.constant 12288 : i32
        %add3A_1296 = arith.addi %add3A_1295, %mul3A_2 : i32
        %add3A_1297 = arith.constant 0 : i32
        %add3A_1298 = arith.addi %add3A_1296, %add3A_1297 : i32
        "tpu.region"() ({
          %run_scoped3A = tpu.sem_alloc : memref<!tpu.dma_semaphore, #tpu.memory_space<semaphore_mem>>
          %dma_start3A_1299 = arith.constant 0 : i32
          %dma_start3A_1300 = tpu.memref_slice %arg4[%add3A_1298, %dma_start3A_1299] : memref<16384x1024xf32, #tpu.memory_space<hbm>> -> memref<16x1024xf32, #tpu.memory_space<hbm>>
          %dma_start3A_1301 = arith.constant 0 : i32
          %dma_start3A_1302 = tpu.memref_slice %arg4[%add3A_1298, %dma_start3A_1301] : memref<16384x1024xf32, #tpu.memory_space<hbm>> -> memref<16x1024xf32, #tpu.memory_space<hbm>>
          tpu.enqueue_dma source(%arg8 : memref<16x1024xf32, #tpu.memory_space<vmem>>) target(%dma_start3A_1302 : memref<16x1024xf32, #tpu.memory_space<hbm>>) target_semaphore(%run_scoped3A : memref<!tpu.dma_semaphore, #tpu.memory_space<semaphore_mem>>)
          %dma_wait3A_1303 = arith.constant 0 : i32
          %dma_wait3A_1304 = tpu.memref_slice %arg4[%add3A_1298, %dma_wait3A_1303] : memref<16384x1024xf32, #tpu.memory_space<hbm>> -> memref<16x1024xf32, #tpu.memory_space<hbm>>
          %dma_wait3A_1305 = arith.constant 0 : i32
          %dma_wait3A_1306 = tpu.memref_slice %arg4[%add3A_1298, %dma_wait3A_1305] : memref<16384x1024xf32, #tpu.memory_space<hbm>> -> memref<16x1024xf32, #tpu.memory_space<hbm>>
          tpu.wait_dma2 semaphore(%run_scoped3A : memref<!tpu.dma_semaphore, #tpu.memory_space<semaphore_mem>>) src(%arg8 : memref<16x1024xf32, #tpu.memory_space<vmem>>) dst(%dma_wait3A_1306 : memref<16x1024xf32, #tpu.memory_space<hbm>>)
          tpu.yield
        }) : () -> ()
      } else {
      }
      %shift_left3A_1207 = arith.constant 1 : i32
      %shift_left3A_1208 = arith.constant 25 : i32
      %shift_left3A_1209 = arith.shli %shift_left3A_1207, %shift_left3A_1208 : i32
      %and3A_1210 = arith.andi %squeeze3A, %shift_left3A_1209 : i32
      %ne3A_1211 = arith.constant 0 : i32
      %ne3A_1212 = arith.cmpi ne, %and3A_1210, %ne3A_1211 : i32
      %convert_element_type3A_1213 = arith.extui %ne3A_1212 : i1 to i32
      %cond3A_1214 = arith.constant 0 : i32
      %cond3A_1215 = arith.cmpi ne, %convert_element_type3A_1213, %cond3A_1214 : i32
      scf.if %cond3A_1215 {
        %get3A_1270 = arith.constant 400 : index
        %get3A_1271 = tpu.vector_load %arg5[%get3A_1270] {strides = array<i32>} : memref<512xi32, #tpu.memory_space<vmem>>, vector<16xi32>,
        %get3A_1272 = vector.shape_cast %get3A_1271 : vector<16xi32> to vector<16xi32>
        %eq3A_1273 = arith.constant 0 : i32
        %eq3A_1274 = vector.broadcast %eq3A_1273 : i32 to vector<16xi32>
        %eq3A_1275 = arith.cmpi eq, %get3A_1272, %eq3A_1274 : vector<16xi32>
        %add3A_1276 = arith.constant 16 : i32
        %add3A_1277 = arith.addi %mul3A_2, %add3A_1276 : i32
        %add3A_1278 = arith.constant 1 : i32
        %add3A_1279 = arith.addi %add3A_1277, %add3A_1278 : i32
        %add3A_1280 = vector.broadcast %add3A_1279 : i32 to vector<16xi32>
        %add3A_1281 = arith.addi %iota3A, %add3A_1280 : vector<16xi32>
        %jit3A_1282 = arith.constant 0 : i32
        %broadcast_in_dim3A_1283 = vector.broadcast %jit3A_1282 : i32 to vector<16xi32>
        %select_n3A_1284 = arith.select %eq3A_1275, %broadcast_in_dim3A_1283, %add3A_1281 : vector<16xi1>, vector<16xi32>
        %swap3A_1285 = arith.constant 0 : index
        %swap3A_1286 = tpu.vector_load %arg7[%swap3A_1285] {strides = array<i32>} : memref<16xi32, #tpu.memory_space<vmem>>, vector<16xi32>,
        %swap3A_1287 = vector.shape_cast %swap3A_1286 : vector<16xi32> to vector<16xi32>
        %swap3A_1288 = vector.shape_cast %select_n3A_1284 : vector<16xi32> to vector<16xi32>
        tpu.vector_store %arg7[%swap3A_1285], %swap3A_1288 {strides = array<i32>} : memref<16xi32, #tpu.memory_space<vmem>>, vector<16xi32>,
        %dma_start3A_1289 = arith.constant 0 : i32
        %dma_start3A_1290 = arith.constant 0 : i32
        %dma_start3A_1291 = tpu.memref_slice %arg3[%dma_start3A_1289, %dma_start3A_1290] : memref<8192x1024xf32, #tpu.memory_space<hbm>> -> memref<8192x1024xf32, #tpu.memory_space<hbm>>
        tpu.enqueue_indirect_dma source(%dma_start3A_1291 : memref<8192x1024xf32, #tpu.memory_space<hbm>>) target(%arg8 : memref<16x1024xf32, #tpu.memory_space<vmem>>) offsets(%arg7 : memref<16xi32, #tpu.memory_space<vmem>>) semaphore(%arg14 : memref<!tpu.dma_semaphore, #tpu.memory_space<semaphore_mem>>)
        %dma_wait3A_1292 = arith.constant 0 : i32
        %dma_wait3A_1293 = arith.constant 0 : i32
        %dma_wait3A_1294 = tpu.memref_slice %arg3[%dma_wait3A_1292, %dma_wait3A_1293] : memref<8192x1024xf32, #tpu.memory_space<hbm>> -> memref<8192x1024xf32, #tpu.memory_space<hbm>>
        tpu.wait_indirect_dma semaphore(%arg14 : memref<!tpu.dma_semaphore, #tpu.memory_space<semaphore_mem>>) src(%dma_wait3A_1294 : memref<8192x1024xf32, #tpu.memory_space<hbm>>) dst(%arg8 : memref<16x1024xf32, #tpu.memory_space<vmem>>)
        %add3A_1295 = arith.constant 12288 : i32
        %add3A_1296 = arith.addi %add3A_1295, %mul3A_2 : i32
        %add3A_1297 = arith.constant 16 : i32
        %add3A_1298 = arith.addi %add3A_1296, %add3A_1297 : i32
        "tpu.region"() ({
          %run_scoped3A = tpu.sem_alloc : memref<!tpu.dma_semaphore, #tpu.memory_space<semaphore_mem>>
          %dma_start3A_1299 = arith.constant 0 : i32
          %dma_start3A_1300 = tpu.memref_slice %arg4[%add3A_1298, %dma_start3A_1299] : memref<16384x1024xf32, #tpu.memory_space<hbm>> -> memref<16x1024xf32, #tpu.memory_space<hbm>>
          %dma_start3A_1301 = arith.constant 0 : i32
          %dma_start3A_1302 = tpu.memref_slice %arg4[%add3A_1298, %dma_start3A_1301] : memref<16384x1024xf32, #tpu.memory_space<hbm>> -> memref<16x1024xf32, #tpu.memory_space<hbm>>
          tpu.enqueue_dma source(%arg8 : memref<16x1024xf32, #tpu.memory_space<vmem>>) target(%dma_start3A_1302 : memref<16x1024xf32, #tpu.memory_space<hbm>>) target_semaphore(%run_scoped3A : memref<!tpu.dma_semaphore, #tpu.memory_space<semaphore_mem>>)
          %dma_wait3A_1303 = arith.constant 0 : i32
          %dma_wait3A_1304 = tpu.memref_slice %arg4[%add3A_1298, %dma_wait3A_1303] : memref<16384x1024xf32, #tpu.memory_space<hbm>> -> memref<16x1024xf32, #tpu.memory_space<hbm>>
          %dma_wait3A_1305 = arith.constant 0 : i32
          %dma_wait3A_1306 = tpu.memref_slice %arg4[%add3A_1298, %dma_wait3A_1305] : memref<16384x1024xf32, #tpu.memory_space<hbm>> -> memref<16x1024xf32, #tpu.memory_space<hbm>>
          tpu.wait_dma2 semaphore(%run_scoped3A : memref<!tpu.dma_semaphore, #tpu.memory_space<semaphore_mem>>) src(%arg8 : memref<16x1024xf32, #tpu.memory_space<vmem>>) dst(%dma_wait3A_1306 : memref<16x1024xf32, #tpu.memory_space<hbm>>)
          tpu.yield
        }) : () -> ()
      } else {
      }
      %shift_left3A_1216 = arith.constant 1 : i32
      %shift_left3A_1217 = arith.constant 26 : i32
      %shift_left3A_1218 = arith.shli %shift_left3A_1216, %shift_left3A_1217 : i32
      %and3A_1219 = arith.andi %squeeze3A, %shift_left3A_1218 : i32
      %ne3A_1220 = arith.constant 0 : i32
      %ne3A_1221 = arith.cmpi ne, %and3A_1219, %ne3A_1220 : i32
      %convert_element_type3A_1222 = arith.extui %ne3A_1221 : i1 to i32
      %cond3A_1223 = arith.constant 0 : i32
      %cond3A_1224 = arith.cmpi ne, %convert_element_type3A_1222, %cond3A_1223 : i32
      scf.if %cond3A_1224 {
        %get3A_1270 = arith.constant 416 : index
        %get3A_1271 = tpu.vector_load %arg5[%get3A_1270] {strides = array<i32>} : memref<512xi32, #tpu.memory_space<vmem>>, vector<16xi32>,
        %get3A_1272 = vector.shape_cast %get3A_1271 : vector<16xi32> to vector<16xi32>
        %eq3A_1273 = arith.constant 0 : i32
        %eq3A_1274 = vector.broadcast %eq3A_1273 : i32 to vector<16xi32>
        %eq3A_1275 = arith.cmpi eq, %get3A_1272, %eq3A_1274 : vector<16xi32>
        %add3A_1276 = arith.constant 32 : i32
        %add3A_1277 = arith.addi %mul3A_2, %add3A_1276 : i32
        %add3A_1278 = arith.constant 1 : i32
        %add3A_1279 = arith.addi %add3A_1277, %add3A_1278 : i32
        %add3A_1280 = vector.broadcast %add3A_1279 : i32 to vector<16xi32>
        %add3A_1281 = arith.addi %iota3A, %add3A_1280 : vector<16xi32>
        %jit3A_1282 = arith.constant 0 : i32
        %broadcast_in_dim3A_1283 = vector.broadcast %jit3A_1282 : i32 to vector<16xi32>
        %select_n3A_1284 = arith.select %eq3A_1275, %broadcast_in_dim3A_1283, %add3A_1281 : vector<16xi1>, vector<16xi32>
        %swap3A_1285 = arith.constant 0 : index
        %swap3A_1286 = tpu.vector_load %arg7[%swap3A_1285] {strides = array<i32>} : memref<16xi32, #tpu.memory_space<vmem>>, vector<16xi32>,
        %swap3A_1287 = vector.shape_cast %swap3A_1286 : vector<16xi32> to vector<16xi32>
        %swap3A_1288 = vector.shape_cast %select_n3A_1284 : vector<16xi32> to vector<16xi32>
        tpu.vector_store %arg7[%swap3A_1285], %swap3A_1288 {strides = array<i32>} : memref<16xi32, #tpu.memory_space<vmem>>, vector<16xi32>,
        %dma_start3A_1289 = arith.constant 0 : i32
        %dma_start3A_1290 = arith.constant 0 : i32
        %dma_start3A_1291 = tpu.memref_slice %arg3[%dma_start3A_1289, %dma_start3A_1290] : memref<8192x1024xf32, #tpu.memory_space<hbm>> -> memref<8192x1024xf32, #tpu.memory_space<hbm>>
        tpu.enqueue_indirect_dma source(%dma_start3A_1291 : memref<8192x1024xf32, #tpu.memory_space<hbm>>) target(%arg8 : memref<16x1024xf32, #tpu.memory_space<vmem>>) offsets(%arg7 : memref<16xi32, #tpu.memory_space<vmem>>) semaphore(%arg14 : memref<!tpu.dma_semaphore, #tpu.memory_space<semaphore_mem>>)
        %dma_wait3A_1292 = arith.constant 0 : i32
        %dma_wait3A_1293 = arith.constant 0 : i32
        %dma_wait3A_1294 = tpu.memref_slice %arg3[%dma_wait3A_1292, %dma_wait3A_1293] : memref<8192x1024xf32, #tpu.memory_space<hbm>> -> memref<8192x1024xf32, #tpu.memory_space<hbm>>
        tpu.wait_indirect_dma semaphore(%arg14 : memref<!tpu.dma_semaphore, #tpu.memory_space<semaphore_mem>>) src(%dma_wait3A_1294 : memref<8192x1024xf32, #tpu.memory_space<hbm>>) dst(%arg8 : memref<16x1024xf32, #tpu.memory_space<vmem>>)
        %add3A_1295 = arith.constant 12288 : i32
        %add3A_1296 = arith.addi %add3A_1295, %mul3A_2 : i32
        %add3A_1297 = arith.constant 32 : i32
        %add3A_1298 = arith.addi %add3A_1296, %add3A_1297 : i32
        "tpu.region"() ({
          %run_scoped3A = tpu.sem_alloc : memref<!tpu.dma_semaphore, #tpu.memory_space<semaphore_mem>>
          %dma_start3A_1299 = arith.constant 0 : i32
          %dma_start3A_1300 = tpu.memref_slice %arg4[%add3A_1298, %dma_start3A_1299] : memref<16384x1024xf32, #tpu.memory_space<hbm>> -> memref<16x1024xf32, #tpu.memory_space<hbm>>
          %dma_start3A_1301 = arith.constant 0 : i32
          %dma_start3A_1302 = tpu.memref_slice %arg4[%add3A_1298, %dma_start3A_1301] : memref<16384x1024xf32, #tpu.memory_space<hbm>> -> memref<16x1024xf32, #tpu.memory_space<hbm>>
          tpu.enqueue_dma source(%arg8 : memref<16x1024xf32, #tpu.memory_space<vmem>>) target(%dma_start3A_1302 : memref<16x1024xf32, #tpu.memory_space<hbm>>) target_semaphore(%run_scoped3A : memref<!tpu.dma_semaphore, #tpu.memory_space<semaphore_mem>>)
          %dma_wait3A_1303 = arith.constant 0 : i32
          %dma_wait3A_1304 = tpu.memref_slice %arg4[%add3A_1298, %dma_wait3A_1303] : memref<16384x1024xf32, #tpu.memory_space<hbm>> -> memref<16x1024xf32, #tpu.memory_space<hbm>>
          %dma_wait3A_1305 = arith.constant 0 : i32
          %dma_wait3A_1306 = tpu.memref_slice %arg4[%add3A_1298, %dma_wait3A_1305] : memref<16384x1024xf32, #tpu.memory_space<hbm>> -> memref<16x1024xf32, #tpu.memory_space<hbm>>
          tpu.wait_dma2 semaphore(%run_scoped3A : memref<!tpu.dma_semaphore, #tpu.memory_space<semaphore_mem>>) src(%arg8 : memref<16x1024xf32, #tpu.memory_space<vmem>>) dst(%dma_wait3A_1306 : memref<16x1024xf32, #tpu.memory_space<hbm>>)
          tpu.yield
        }) : () -> ()
      } else {
      }
      %shift_left3A_1225 = arith.constant 1 : i32
      %shift_left3A_1226 = arith.constant 27 : i32
      %shift_left3A_1227 = arith.shli %shift_left3A_1225, %shift_left3A_1226 : i32
      %and3A_1228 = arith.andi %squeeze3A, %shift_left3A_1227 : i32
      %ne3A_1229 = arith.constant 0 : i32
      %ne3A_1230 = arith.cmpi ne, %and3A_1228, %ne3A_1229 : i32
      %convert_element_type3A_1231 = arith.extui %ne3A_1230 : i1 to i32
      %cond3A_1232 = arith.constant 0 : i32
      %cond3A_1233 = arith.cmpi ne, %convert_element_type3A_1231, %cond3A_1232 : i32
      scf.if %cond3A_1233 {
        %get3A_1270 = arith.constant 432 : index
        %get3A_1271 = tpu.vector_load %arg5[%get3A_1270] {strides = array<i32>} : memref<512xi32, #tpu.memory_space<vmem>>, vector<16xi32>,
        %get3A_1272 = vector.shape_cast %get3A_1271 : vector<16xi32> to vector<16xi32>
        %eq3A_1273 = arith.constant 0 : i32
        %eq3A_1274 = vector.broadcast %eq3A_1273 : i32 to vector<16xi32>
        %eq3A_1275 = arith.cmpi eq, %get3A_1272, %eq3A_1274 : vector<16xi32>
        %add3A_1276 = arith.constant 48 : i32
        %add3A_1277 = arith.addi %mul3A_2, %add3A_1276 : i32
        %add3A_1278 = arith.constant 1 : i32
        %add3A_1279 = arith.addi %add3A_1277, %add3A_1278 : i32
        %add3A_1280 = vector.broadcast %add3A_1279 : i32 to vector<16xi32>
        %add3A_1281 = arith.addi %iota3A, %add3A_1280 : vector<16xi32>
        %jit3A_1282 = arith.constant 0 : i32
        %broadcast_in_dim3A_1283 = vector.broadcast %jit3A_1282 : i32 to vector<16xi32>
        %select_n3A_1284 = arith.select %eq3A_1275, %broadcast_in_dim3A_1283, %add3A_1281 : vector<16xi1>, vector<16xi32>
        %swap3A_1285 = arith.constant 0 : index
        %swap3A_1286 = tpu.vector_load %arg7[%swap3A_1285] {strides = array<i32>} : memref<16xi32, #tpu.memory_space<vmem>>, vector<16xi32>,
        %swap3A_1287 = vector.shape_cast %swap3A_1286 : vector<16xi32> to vector<16xi32>
        %swap3A_1288 = vector.shape_cast %select_n3A_1284 : vector<16xi32> to vector<16xi32>
        tpu.vector_store %arg7[%swap3A_1285], %swap3A_1288 {strides = array<i32>} : memref<16xi32, #tpu.memory_space<vmem>>, vector<16xi32>,
        %dma_start3A_1289 = arith.constant 0 : i32
        %dma_start3A_1290 = arith.constant 0 : i32
        %dma_start3A_1291 = tpu.memref_slice %arg3[%dma_start3A_1289, %dma_start3A_1290] : memref<8192x1024xf32, #tpu.memory_space<hbm>> -> memref<8192x1024xf32, #tpu.memory_space<hbm>>
        tpu.enqueue_indirect_dma source(%dma_start3A_1291 : memref<8192x1024xf32, #tpu.memory_space<hbm>>) target(%arg8 : memref<16x1024xf32, #tpu.memory_space<vmem>>) offsets(%arg7 : memref<16xi32, #tpu.memory_space<vmem>>) semaphore(%arg14 : memref<!tpu.dma_semaphore, #tpu.memory_space<semaphore_mem>>)
        %dma_wait3A_1292 = arith.constant 0 : i32
        %dma_wait3A_1293 = arith.constant 0 : i32
        %dma_wait3A_1294 = tpu.memref_slice %arg3[%dma_wait3A_1292, %dma_wait3A_1293] : memref<8192x1024xf32, #tpu.memory_space<hbm>> -> memref<8192x1024xf32, #tpu.memory_space<hbm>>
        tpu.wait_indirect_dma semaphore(%arg14 : memref<!tpu.dma_semaphore, #tpu.memory_space<semaphore_mem>>) src(%dma_wait3A_1294 : memref<8192x1024xf32, #tpu.memory_space<hbm>>) dst(%arg8 : memref<16x1024xf32, #tpu.memory_space<vmem>>)
        %add3A_1295 = arith.constant 12288 : i32
        %add3A_1296 = arith.addi %add3A_1295, %mul3A_2 : i32
        %add3A_1297 = arith.constant 48 : i32
        %add3A_1298 = arith.addi %add3A_1296, %add3A_1297 : i32
        "tpu.region"() ({
          %run_scoped3A = tpu.sem_alloc : memref<!tpu.dma_semaphore, #tpu.memory_space<semaphore_mem>>
          %dma_start3A_1299 = arith.constant 0 : i32
          %dma_start3A_1300 = tpu.memref_slice %arg4[%add3A_1298, %dma_start3A_1299] : memref<16384x1024xf32, #tpu.memory_space<hbm>> -> memref<16x1024xf32, #tpu.memory_space<hbm>>
          %dma_start3A_1301 = arith.constant 0 : i32
          %dma_start3A_1302 = tpu.memref_slice %arg4[%add3A_1298, %dma_start3A_1301] : memref<16384x1024xf32, #tpu.memory_space<hbm>> -> memref<16x1024xf32, #tpu.memory_space<hbm>>
          tpu.enqueue_dma source(%arg8 : memref<16x1024xf32, #tpu.memory_space<vmem>>) target(%dma_start3A_1302 : memref<16x1024xf32, #tpu.memory_space<hbm>>) target_semaphore(%run_scoped3A : memref<!tpu.dma_semaphore, #tpu.memory_space<semaphore_mem>>)
          %dma_wait3A_1303 = arith.constant 0 : i32
          %dma_wait3A_1304 = tpu.memref_slice %arg4[%add3A_1298, %dma_wait3A_1303] : memref<16384x1024xf32, #tpu.memory_space<hbm>> -> memref<16x1024xf32, #tpu.memory_space<hbm>>
          %dma_wait3A_1305 = arith.constant 0 : i32
          %dma_wait3A_1306 = tpu.memref_slice %arg4[%add3A_1298, %dma_wait3A_1305] : memref<16384x1024xf32, #tpu.memory_space<hbm>> -> memref<16x1024xf32, #tpu.memory_space<hbm>>
          tpu.wait_dma2 semaphore(%run_scoped3A : memref<!tpu.dma_semaphore, #tpu.memory_space<semaphore_mem>>) src(%arg8 : memref<16x1024xf32, #tpu.memory_space<vmem>>) dst(%dma_wait3A_1306 : memref<16x1024xf32, #tpu.memory_space<hbm>>)
          tpu.yield
        }) : () -> ()
      } else {
      }
      %shift_left3A_1234 = arith.constant 1 : i32
      %shift_left3A_1235 = arith.constant 28 : i32
      %shift_left3A_1236 = arith.shli %shift_left3A_1234, %shift_left3A_1235 : i32
      %and3A_1237 = arith.andi %squeeze3A, %shift_left3A_1236 : i32
      %ne3A_1238 = arith.constant 0 : i32
      %ne3A_1239 = arith.cmpi ne, %and3A_1237, %ne3A_1238 : i32
      %convert_element_type3A_1240 = arith.extui %ne3A_1239 : i1 to i32
      %cond3A_1241 = arith.constant 0 : i32
      %cond3A_1242 = arith.cmpi ne, %convert_element_type3A_1240, %cond3A_1241 : i32
      scf.if %cond3A_1242 {
        %get3A_1270 = arith.constant 448 : index
        %get3A_1271 = tpu.vector_load %arg5[%get3A_1270] {strides = array<i32>} : memref<512xi32, #tpu.memory_space<vmem>>, vector<16xi32>,
        %get3A_1272 = vector.shape_cast %get3A_1271 : vector<16xi32> to vector<16xi32>
        %eq3A_1273 = arith.constant 0 : i32
        %eq3A_1274 = vector.broadcast %eq3A_1273 : i32 to vector<16xi32>
        %eq3A_1275 = arith.cmpi eq, %get3A_1272, %eq3A_1274 : vector<16xi32>
        %add3A_1276 = arith.constant 64 : i32
        %add3A_1277 = arith.addi %mul3A_2, %add3A_1276 : i32
        %add3A_1278 = arith.constant 1 : i32
        %add3A_1279 = arith.addi %add3A_1277, %add3A_1278 : i32
        %add3A_1280 = vector.broadcast %add3A_1279 : i32 to vector<16xi32>
        %add3A_1281 = arith.addi %iota3A, %add3A_1280 : vector<16xi32>
        %jit3A_1282 = arith.constant 0 : i32
        %broadcast_in_dim3A_1283 = vector.broadcast %jit3A_1282 : i32 to vector<16xi32>
        %select_n3A_1284 = arith.select %eq3A_1275, %broadcast_in_dim3A_1283, %add3A_1281 : vector<16xi1>, vector<16xi32>
        %swap3A_1285 = arith.constant 0 : index
        %swap3A_1286 = tpu.vector_load %arg7[%swap3A_1285] {strides = array<i32>} : memref<16xi32, #tpu.memory_space<vmem>>, vector<16xi32>,
        %swap3A_1287 = vector.shape_cast %swap3A_1286 : vector<16xi32> to vector<16xi32>
        %swap3A_1288 = vector.shape_cast %select_n3A_1284 : vector<16xi32> to vector<16xi32>
        tpu.vector_store %arg7[%swap3A_1285], %swap3A_1288 {strides = array<i32>} : memref<16xi32, #tpu.memory_space<vmem>>, vector<16xi32>,
        %dma_start3A_1289 = arith.constant 0 : i32
        %dma_start3A_1290 = arith.constant 0 : i32
        %dma_start3A_1291 = tpu.memref_slice %arg3[%dma_start3A_1289, %dma_start3A_1290] : memref<8192x1024xf32, #tpu.memory_space<hbm>> -> memref<8192x1024xf32, #tpu.memory_space<hbm>>
        tpu.enqueue_indirect_dma source(%dma_start3A_1291 : memref<8192x1024xf32, #tpu.memory_space<hbm>>) target(%arg8 : memref<16x1024xf32, #tpu.memory_space<vmem>>) offsets(%arg7 : memref<16xi32, #tpu.memory_space<vmem>>) semaphore(%arg14 : memref<!tpu.dma_semaphore, #tpu.memory_space<semaphore_mem>>)
        %dma_wait3A_1292 = arith.constant 0 : i32
        %dma_wait3A_1293 = arith.constant 0 : i32
        %dma_wait3A_1294 = tpu.memref_slice %arg3[%dma_wait3A_1292, %dma_wait3A_1293] : memref<8192x1024xf32, #tpu.memory_space<hbm>> -> memref<8192x1024xf32, #tpu.memory_space<hbm>>
        tpu.wait_indirect_dma semaphore(%arg14 : memref<!tpu.dma_semaphore, #tpu.memory_space<semaphore_mem>>) src(%dma_wait3A_1294 : memref<8192x1024xf32, #tpu.memory_space<hbm>>) dst(%arg8 : memref<16x1024xf32, #tpu.memory_space<vmem>>)
        %add3A_1295 = arith.constant 12288 : i32
        %add3A_1296 = arith.addi %add3A_1295, %mul3A_2 : i32
        %add3A_1297 = arith.constant 64 : i32
        %add3A_1298 = arith.addi %add3A_1296, %add3A_1297 : i32
        "tpu.region"() ({
          %run_scoped3A = tpu.sem_alloc : memref<!tpu.dma_semaphore, #tpu.memory_space<semaphore_mem>>
          %dma_start3A_1299 = arith.constant 0 : i32
          %dma_start3A_1300 = tpu.memref_slice %arg4[%add3A_1298, %dma_start3A_1299] : memref<16384x1024xf32, #tpu.memory_space<hbm>> -> memref<16x1024xf32, #tpu.memory_space<hbm>>
          %dma_start3A_1301 = arith.constant 0 : i32
          %dma_start3A_1302 = tpu.memref_slice %arg4[%add3A_1298, %dma_start3A_1301] : memref<16384x1024xf32, #tpu.memory_space<hbm>> -> memref<16x1024xf32, #tpu.memory_space<hbm>>
          tpu.enqueue_dma source(%arg8 : memref<16x1024xf32, #tpu.memory_space<vmem>>) target(%dma_start3A_1302 : memref<16x1024xf32, #tpu.memory_space<hbm>>) target_semaphore(%run_scoped3A : memref<!tpu.dma_semaphore, #tpu.memory_space<semaphore_mem>>)
          %dma_wait3A_1303 = arith.constant 0 : i32
          %dma_wait3A_1304 = tpu.memref_slice %arg4[%add3A_1298, %dma_wait3A_1303] : memref<16384x1024xf32, #tpu.memory_space<hbm>> -> memref<16x1024xf32, #tpu.memory_space<hbm>>
          %dma_wait3A_1305 = arith.constant 0 : i32
          %dma_wait3A_1306 = tpu.memref_slice %arg4[%add3A_1298, %dma_wait3A_1305] : memref<16384x1024xf32, #tpu.memory_space<hbm>> -> memref<16x1024xf32, #tpu.memory_space<hbm>>
          tpu.wait_dma2 semaphore(%run_scoped3A : memref<!tpu.dma_semaphore, #tpu.memory_space<semaphore_mem>>) src(%arg8 : memref<16x1024xf32, #tpu.memory_space<vmem>>) dst(%dma_wait3A_1306 : memref<16x1024xf32, #tpu.memory_space<hbm>>)
          tpu.yield
        }) : () -> ()
      } else {
      }
      %shift_left3A_1243 = arith.constant 1 : i32
      %shift_left3A_1244 = arith.constant 29 : i32
      %shift_left3A_1245 = arith.shli %shift_left3A_1243, %shift_left3A_1244 : i32
      %and3A_1246 = arith.andi %squeeze3A, %shift_left3A_1245 : i32
      %ne3A_1247 = arith.constant 0 : i32
      %ne3A_1248 = arith.cmpi ne, %and3A_1246, %ne3A_1247 : i32
      %convert_element_type3A_1249 = arith.extui %ne3A_1248 : i1 to i32
      %cond3A_1250 = arith.constant 0 : i32
      %cond3A_1251 = arith.cmpi ne, %convert_element_type3A_1249, %cond3A_1250 : i32
      scf.if %cond3A_1251 {
        %get3A_1270 = arith.constant 464 : index
        %get3A_1271 = tpu.vector_load %arg5[%get3A_1270] {strides = array<i32>} : memref<512xi32, #tpu.memory_space<vmem>>, vector<16xi32>,
        %get3A_1272 = vector.shape_cast %get3A_1271 : vector<16xi32> to vector<16xi32>
        %eq3A_1273 = arith.constant 0 : i32
        %eq3A_1274 = vector.broadcast %eq3A_1273 : i32 to vector<16xi32>
        %eq3A_1275 = arith.cmpi eq, %get3A_1272, %eq3A_1274 : vector<16xi32>
        %add3A_1276 = arith.constant 80 : i32
        %add3A_1277 = arith.addi %mul3A_2, %add3A_1276 : i32
        %add3A_1278 = arith.constant 1 : i32
        %add3A_1279 = arith.addi %add3A_1277, %add3A_1278 : i32
        %add3A_1280 = vector.broadcast %add3A_1279 : i32 to vector<16xi32>
        %add3A_1281 = arith.addi %iota3A, %add3A_1280 : vector<16xi32>
        %jit3A_1282 = arith.constant 0 : i32
        %broadcast_in_dim3A_1283 = vector.broadcast %jit3A_1282 : i32 to vector<16xi32>
        %select_n3A_1284 = arith.select %eq3A_1275, %broadcast_in_dim3A_1283, %add3A_1281 : vector<16xi1>, vector<16xi32>
        %swap3A_1285 = arith.constant 0 : index
        %swap3A_1286 = tpu.vector_load %arg7[%swap3A_1285] {strides = array<i32>} : memref<16xi32, #tpu.memory_space<vmem>>, vector<16xi32>,
        %swap3A_1287 = vector.shape_cast %swap3A_1286 : vector<16xi32> to vector<16xi32>
        %swap3A_1288 = vector.shape_cast %select_n3A_1284 : vector<16xi32> to vector<16xi32>
        tpu.vector_store %arg7[%swap3A_1285], %swap3A_1288 {strides = array<i32>} : memref<16xi32, #tpu.memory_space<vmem>>, vector<16xi32>,
        %dma_start3A_1289 = arith.constant 0 : i32
        %dma_start3A_1290 = arith.constant 0 : i32
        %dma_start3A_1291 = tpu.memref_slice %arg3[%dma_start3A_1289, %dma_start3A_1290] : memref<8192x1024xf32, #tpu.memory_space<hbm>> -> memref<8192x1024xf32, #tpu.memory_space<hbm>>
        tpu.enqueue_indirect_dma source(%dma_start3A_1291 : memref<8192x1024xf32, #tpu.memory_space<hbm>>) target(%arg8 : memref<16x1024xf32, #tpu.memory_space<vmem>>) offsets(%arg7 : memref<16xi32, #tpu.memory_space<vmem>>) semaphore(%arg14 : memref<!tpu.dma_semaphore, #tpu.memory_space<semaphore_mem>>)
        %dma_wait3A_1292 = arith.constant 0 : i32
        %dma_wait3A_1293 = arith.constant 0 : i32
        %dma_wait3A_1294 = tpu.memref_slice %arg3[%dma_wait3A_1292, %dma_wait3A_1293] : memref<8192x1024xf32, #tpu.memory_space<hbm>> -> memref<8192x1024xf32, #tpu.memory_space<hbm>>
        tpu.wait_indirect_dma semaphore(%arg14 : memref<!tpu.dma_semaphore, #tpu.memory_space<semaphore_mem>>) src(%dma_wait3A_1294 : memref<8192x1024xf32, #tpu.memory_space<hbm>>) dst(%arg8 : memref<16x1024xf32, #tpu.memory_space<vmem>>)
        %add3A_1295 = arith.constant 12288 : i32
        %add3A_1296 = arith.addi %add3A_1295, %mul3A_2 : i32
        %add3A_1297 = arith.constant 80 : i32
        %add3A_1298 = arith.addi %add3A_1296, %add3A_1297 : i32
        "tpu.region"() ({
          %run_scoped3A = tpu.sem_alloc : memref<!tpu.dma_semaphore, #tpu.memory_space<semaphore_mem>>
          %dma_start3A_1299 = arith.constant 0 : i32
          %dma_start3A_1300 = tpu.memref_slice %arg4[%add3A_1298, %dma_start3A_1299] : memref<16384x1024xf32, #tpu.memory_space<hbm>> -> memref<16x1024xf32, #tpu.memory_space<hbm>>
          %dma_start3A_1301 = arith.constant 0 : i32
          %dma_start3A_1302 = tpu.memref_slice %arg4[%add3A_1298, %dma_start3A_1301] : memref<16384x1024xf32, #tpu.memory_space<hbm>> -> memref<16x1024xf32, #tpu.memory_space<hbm>>
          tpu.enqueue_dma source(%arg8 : memref<16x1024xf32, #tpu.memory_space<vmem>>) target(%dma_start3A_1302 : memref<16x1024xf32, #tpu.memory_space<hbm>>) target_semaphore(%run_scoped3A : memref<!tpu.dma_semaphore, #tpu.memory_space<semaphore_mem>>)
          %dma_wait3A_1303 = arith.constant 0 : i32
          %dma_wait3A_1304 = tpu.memref_slice %arg4[%add3A_1298, %dma_wait3A_1303] : memref<16384x1024xf32, #tpu.memory_space<hbm>> -> memref<16x1024xf32, #tpu.memory_space<hbm>>
          %dma_wait3A_1305 = arith.constant 0 : i32
          %dma_wait3A_1306 = tpu.memref_slice %arg4[%add3A_1298, %dma_wait3A_1305] : memref<16384x1024xf32, #tpu.memory_space<hbm>> -> memref<16x1024xf32, #tpu.memory_space<hbm>>
          tpu.wait_dma2 semaphore(%run_scoped3A : memref<!tpu.dma_semaphore, #tpu.memory_space<semaphore_mem>>) src(%arg8 : memref<16x1024xf32, #tpu.memory_space<vmem>>) dst(%dma_wait3A_1306 : memref<16x1024xf32, #tpu.memory_space<hbm>>)
          tpu.yield
        }) : () -> ()
      } else {
      }
      %shift_left3A_1252 = arith.constant 1 : i32
      %shift_left3A_1253 = arith.constant 30 : i32
      %shift_left3A_1254 = arith.shli %shift_left3A_1252, %shift_left3A_1253 : i32
      %and3A_1255 = arith.andi %squeeze3A, %shift_left3A_1254 : i32
      %ne3A_1256 = arith.constant 0 : i32
      %ne3A_1257 = arith.cmpi ne, %and3A_1255, %ne3A_1256 : i32
      %convert_element_type3A_1258 = arith.extui %ne3A_1257 : i1 to i32
      %cond3A_1259 = arith.constant 0 : i32
      %cond3A_1260 = arith.cmpi ne, %convert_element_type3A_1258, %cond3A_1259 : i32
      scf.if %cond3A_1260 {
        %get3A_1270 = arith.constant 480 : index
        %get3A_1271 = tpu.vector_load %arg5[%get3A_1270] {strides = array<i32>} : memref<512xi32, #tpu.memory_space<vmem>>, vector<16xi32>,
        %get3A_1272 = vector.shape_cast %get3A_1271 : vector<16xi32> to vector<16xi32>
        %eq3A_1273 = arith.constant 0 : i32
        %eq3A_1274 = vector.broadcast %eq3A_1273 : i32 to vector<16xi32>
        %eq3A_1275 = arith.cmpi eq, %get3A_1272, %eq3A_1274 : vector<16xi32>
        %add3A_1276 = arith.constant 96 : i32
        %add3A_1277 = arith.addi %mul3A_2, %add3A_1276 : i32
        %add3A_1278 = arith.constant 1 : i32
        %add3A_1279 = arith.addi %add3A_1277, %add3A_1278 : i32
        %add3A_1280 = vector.broadcast %add3A_1279 : i32 to vector<16xi32>
        %add3A_1281 = arith.addi %iota3A, %add3A_1280 : vector<16xi32>
        %jit3A_1282 = arith.constant 0 : i32
        %broadcast_in_dim3A_1283 = vector.broadcast %jit3A_1282 : i32 to vector<16xi32>
        %select_n3A_1284 = arith.select %eq3A_1275, %broadcast_in_dim3A_1283, %add3A_1281 : vector<16xi1>, vector<16xi32>
        %swap3A_1285 = arith.constant 0 : index
        %swap3A_1286 = tpu.vector_load %arg7[%swap3A_1285] {strides = array<i32>} : memref<16xi32, #tpu.memory_space<vmem>>, vector<16xi32>,
        %swap3A_1287 = vector.shape_cast %swap3A_1286 : vector<16xi32> to vector<16xi32>
        %swap3A_1288 = vector.shape_cast %select_n3A_1284 : vector<16xi32> to vector<16xi32>
        tpu.vector_store %arg7[%swap3A_1285], %swap3A_1288 {strides = array<i32>} : memref<16xi32, #tpu.memory_space<vmem>>, vector<16xi32>,
        %dma_start3A_1289 = arith.constant 0 : i32
        %dma_start3A_1290 = arith.constant 0 : i32
        %dma_start3A_1291 = tpu.memref_slice %arg3[%dma_start3A_1289, %dma_start3A_1290] : memref<8192x1024xf32, #tpu.memory_space<hbm>> -> memref<8192x1024xf32, #tpu.memory_space<hbm>>
        tpu.enqueue_indirect_dma source(%dma_start3A_1291 : memref<8192x1024xf32, #tpu.memory_space<hbm>>) target(%arg8 : memref<16x1024xf32, #tpu.memory_space<vmem>>) offsets(%arg7 : memref<16xi32, #tpu.memory_space<vmem>>) semaphore(%arg14 : memref<!tpu.dma_semaphore, #tpu.memory_space<semaphore_mem>>)
        %dma_wait3A_1292 = arith.constant 0 : i32
        %dma_wait3A_1293 = arith.constant 0 : i32
        %dma_wait3A_1294 = tpu.memref_slice %arg3[%dma_wait3A_1292, %dma_wait3A_1293] : memref<8192x1024xf32, #tpu.memory_space<hbm>> -> memref<8192x1024xf32, #tpu.memory_space<hbm>>
        tpu.wait_indirect_dma semaphore(%arg14 : memref<!tpu.dma_semaphore, #tpu.memory_space<semaphore_mem>>) src(%dma_wait3A_1294 : memref<8192x1024xf32, #tpu.memory_space<hbm>>) dst(%arg8 : memref<16x1024xf32, #tpu.memory_space<vmem>>)
        %add3A_1295 = arith.constant 12288 : i32
        %add3A_1296 = arith.addi %add3A_1295, %mul3A_2 : i32
        %add3A_1297 = arith.constant 96 : i32
        %add3A_1298 = arith.addi %add3A_1296, %add3A_1297 : i32
        "tpu.region"() ({
          %run_scoped3A = tpu.sem_alloc : memref<!tpu.dma_semaphore, #tpu.memory_space<semaphore_mem>>
          %dma_start3A_1299 = arith.constant 0 : i32
          %dma_start3A_1300 = tpu.memref_slice %arg4[%add3A_1298, %dma_start3A_1299] : memref<16384x1024xf32, #tpu.memory_space<hbm>> -> memref<16x1024xf32, #tpu.memory_space<hbm>>
          %dma_start3A_1301 = arith.constant 0 : i32
          %dma_start3A_1302 = tpu.memref_slice %arg4[%add3A_1298, %dma_start3A_1301] : memref<16384x1024xf32, #tpu.memory_space<hbm>> -> memref<16x1024xf32, #tpu.memory_space<hbm>>
          tpu.enqueue_dma source(%arg8 : memref<16x1024xf32, #tpu.memory_space<vmem>>) target(%dma_start3A_1302 : memref<16x1024xf32, #tpu.memory_space<hbm>>) target_semaphore(%run_scoped3A : memref<!tpu.dma_semaphore, #tpu.memory_space<semaphore_mem>>)
          %dma_wait3A_1303 = arith.constant 0 : i32
          %dma_wait3A_1304 = tpu.memref_slice %arg4[%add3A_1298, %dma_wait3A_1303] : memref<16384x1024xf32, #tpu.memory_space<hbm>> -> memref<16x1024xf32, #tpu.memory_space<hbm>>
          %dma_wait3A_1305 = arith.constant 0 : i32
          %dma_wait3A_1306 = tpu.memref_slice %arg4[%add3A_1298, %dma_wait3A_1305] : memref<16384x1024xf32, #tpu.memory_space<hbm>> -> memref<16x1024xf32, #tpu.memory_space<hbm>>
          tpu.wait_dma2 semaphore(%run_scoped3A : memref<!tpu.dma_semaphore, #tpu.memory_space<semaphore_mem>>) src(%arg8 : memref<16x1024xf32, #tpu.memory_space<vmem>>) dst(%dma_wait3A_1306 : memref<16x1024xf32, #tpu.memory_space<hbm>>)
          tpu.yield
        }) : () -> ()
      } else {
      }
      %shift_left3A_1261 = arith.constant 1 : i32
      %shift_left3A_1262 = arith.constant 31 : i32
      %shift_left3A_1263 = arith.shli %shift_left3A_1261, %shift_left3A_1262 : i32
      %and3A_1264 = arith.andi %squeeze3A, %shift_left3A_1263 : i32
      %ne3A_1265 = arith.constant 0 : i32
      %ne3A_1266 = arith.cmpi ne, %and3A_1264, %ne3A_1265 : i32
      %convert_element_type3A_1267 = arith.extui %ne3A_1266 : i1 to i32
      %cond3A_1268 = arith.constant 0 : i32
      %cond3A_1269 = arith.cmpi ne, %convert_element_type3A_1267, %cond3A_1268 : i32
      scf.if %cond3A_1269 {
        %get3A_1270 = arith.constant 496 : index
        %get3A_1271 = tpu.vector_load %arg5[%get3A_1270] {strides = array<i32>} : memref<512xi32, #tpu.memory_space<vmem>>, vector<16xi32>,
        %get3A_1272 = vector.shape_cast %get3A_1271 : vector<16xi32> to vector<16xi32>
        %eq3A_1273 = arith.constant 0 : i32
        %eq3A_1274 = vector.broadcast %eq3A_1273 : i32 to vector<16xi32>
        %eq3A_1275 = arith.cmpi eq, %get3A_1272, %eq3A_1274 : vector<16xi32>
        %add3A_1276 = arith.constant 112 : i32
        %add3A_1277 = arith.addi %mul3A_2, %add3A_1276 : i32
        %add3A_1278 = arith.constant 1 : i32
        %add3A_1279 = arith.addi %add3A_1277, %add3A_1278 : i32
        %add3A_1280 = vector.broadcast %add3A_1279 : i32 to vector<16xi32>
        %add3A_1281 = arith.addi %iota3A, %add3A_1280 : vector<16xi32>
        %jit3A_1282 = arith.constant 0 : i32
        %broadcast_in_dim3A_1283 = vector.broadcast %jit3A_1282 : i32 to vector<16xi32>
        %select_n3A_1284 = arith.select %eq3A_1275, %broadcast_in_dim3A_1283, %add3A_1281 : vector<16xi1>, vector<16xi32>
        %swap3A_1285 = arith.constant 0 : index
        %swap3A_1286 = tpu.vector_load %arg7[%swap3A_1285] {strides = array<i32>} : memref<16xi32, #tpu.memory_space<vmem>>, vector<16xi32>,
        %swap3A_1287 = vector.shape_cast %swap3A_1286 : vector<16xi32> to vector<16xi32>
        %swap3A_1288 = vector.shape_cast %select_n3A_1284 : vector<16xi32> to vector<16xi32>
        tpu.vector_store %arg7[%swap3A_1285], %swap3A_1288 {strides = array<i32>} : memref<16xi32, #tpu.memory_space<vmem>>, vector<16xi32>,
        %dma_start3A_1289 = arith.constant 0 : i32
        %dma_start3A_1290 = arith.constant 0 : i32
        %dma_start3A_1291 = tpu.memref_slice %arg3[%dma_start3A_1289, %dma_start3A_1290] : memref<8192x1024xf32, #tpu.memory_space<hbm>> -> memref<8192x1024xf32, #tpu.memory_space<hbm>>
        tpu.enqueue_indirect_dma source(%dma_start3A_1291 : memref<8192x1024xf32, #tpu.memory_space<hbm>>) target(%arg8 : memref<16x1024xf32, #tpu.memory_space<vmem>>) offsets(%arg7 : memref<16xi32, #tpu.memory_space<vmem>>) semaphore(%arg14 : memref<!tpu.dma_semaphore, #tpu.memory_space<semaphore_mem>>)
        %dma_wait3A_1292 = arith.constant 0 : i32
        %dma_wait3A_1293 = arith.constant 0 : i32
        %dma_wait3A_1294 = tpu.memref_slice %arg3[%dma_wait3A_1292, %dma_wait3A_1293] : memref<8192x1024xf32, #tpu.memory_space<hbm>> -> memref<8192x1024xf32, #tpu.memory_space<hbm>>
        tpu.wait_indirect_dma semaphore(%arg14 : memref<!tpu.dma_semaphore, #tpu.memory_space<semaphore_mem>>) src(%dma_wait3A_1294 : memref<8192x1024xf32, #tpu.memory_space<hbm>>) dst(%arg8 : memref<16x1024xf32, #tpu.memory_space<vmem>>)
        %add3A_1295 = arith.constant 12288 : i32
        %add3A_1296 = arith.addi %add3A_1295, %mul3A_2 : i32
        %add3A_1297 = arith.constant 112 : i32
        %add3A_1298 = arith.addi %add3A_1296, %add3A_1297 : i32
        "tpu.region"() ({
          %run_scoped3A = tpu.sem_alloc : memref<!tpu.dma_semaphore, #tpu.memory_space<semaphore_mem>>
          %dma_start3A_1299 = arith.constant 0 : i32
          %dma_start3A_1300 = tpu.memref_slice %arg4[%add3A_1298, %dma_start3A_1299] : memref<16384x1024xf32, #tpu.memory_space<hbm>> -> memref<16x1024xf32, #tpu.memory_space<hbm>>
          %dma_start3A_1301 = arith.constant 0 : i32
          %dma_start3A_1302 = tpu.memref_slice %arg4[%add3A_1298, %dma_start3A_1301] : memref<16384x1024xf32, #tpu.memory_space<hbm>> -> memref<16x1024xf32, #tpu.memory_space<hbm>>
          tpu.enqueue_dma source(%arg8 : memref<16x1024xf32, #tpu.memory_space<vmem>>) target(%dma_start3A_1302 : memref<16x1024xf32, #tpu.memory_space<hbm>>) target_semaphore(%run_scoped3A : memref<!tpu.dma_semaphore, #tpu.memory_space<semaphore_mem>>)
          %dma_wait3A_1303 = arith.constant 0 : i32
          %dma_wait3A_1304 = tpu.memref_slice %arg4[%add3A_1298, %dma_wait3A_1303] : memref<16384x1024xf32, #tpu.memory_space<hbm>> -> memref<16x1024xf32, #tpu.memory_space<hbm>>
          %dma_wait3A_1305 = arith.constant 0 : i32
          %dma_wait3A_1306 = tpu.memref_slice %arg4[%add3A_1298, %dma_wait3A_1305] : memref<16384x1024xf32, #tpu.memory_space<hbm>> -> memref<16x1024xf32, #tpu.memory_space<hbm>>
          tpu.wait_dma2 semaphore(%run_scoped3A : memref<!tpu.dma_semaphore, #tpu.memory_space<semaphore_mem>>) src(%arg8 : memref<16x1024xf32, #tpu.memory_space<vmem>>) dst(%dma_wait3A_1306 : memref<16x1024xf32, #tpu.memory_space<hbm>>)
          tpu.yield
        }) : () -> ()
      } else {
      }
    } else {
    }
    return
  }
}

</mosaic_0001>

<sc_bundles>
// kernel: _sc_embed.3.cloned.1.call-start
scs
__scs_entry_jumppad:
0x0: {  	(pc) =	sbr.rel $0x88, $3  }
0x1: {  	(tag) =	ssettag $0x0;
	lr =	simm.s32 $0x1  }
0x2: {  	[smem:$0x3F9F] =	sst lr;
	_ =	strace $0xD0000000  }
0x3: {  	_ = 	snop  }
0x4: {  	_ = 	snop  }
0x5: {  	_ = 	snop  }
0x6: {  	_ = 	snop  }
0x7: {  	_ = 	snop  }
__scs_overlays_trampoline_lowered:
0x8: {  	[smem:$0x3FAE] =	sst s0  }
0x9: {  	[smem:$0x3FAF] =	sst s1  }
0xa: {  	[smem:$0x3FB0] =	sst s2  }
0xb: {  	[smem:$0x3FB1] =	sst s3  }
0xc: {  	[smem:$0x3FB2] =	sst s4  }
0xd: {  	[smem:$0x3FB3] =	sst s5  }
0xe: {  	[smem:$0x3FB4] =	sst s6  }
0xf: {  	[smem:$0x3FB5] =	sst s7  }
0x10: {  	[smem:$0x3FB6] =	sst s8  }
0x11: {  	[smem:$0x3FB7] =	sst s9;
	s0 =	simm.s32 @!p0 $0x0  }
0x12: {  	s1 =	sld [smem:$0x3F9D];
	s0 =	simm.s32 @p0 $0x1  }
0x13: {  	[smem:$0x3FB8] =	sst s0;
	s0 =	simm.s32 @!p1 $0x0  }
0x14: {  	s2 =	sld [smem:$0x3F9C];
	s0 =	simm.s32 @p1 $0x1  }
0x15: {  	[smem:$0x3FB9] =	sst s0;
	s0 =	simm.s32 @!p2 $0x0  }
0x16: {  	s3 =	sld [smem:$0x3FDB];
	s0 =	simm.s32 @p2 $0x1  }
0x17: {  	s4 =	simm.s32 $0x1BF5;
	[smem:$0x3FBB] =	sst s0  }
0x18: {  	s0 =	sld [smem:$0x3F9E];
	_ =	swait.ge [sflag:s4], $0x0  }
0x19: {  	s7 =	sld [smem:$0x3F9F]  }
0x1a: {  	s8 =	sadd.s32 $0xFFFFE003, lr  }
0x1b: {  	s9 =	sadd.s32 $0xFFFFFEF7, lr;
	s5 =	simm.s32 $0xFFFFFFFF;
	p2 =	slt.u32 s8, $0xFFFFF086  }
0x1c: {  	p1 =	slt.u32 s9, $0xF7A;
	s5 =	simm.s32 @!p2 $0x0  }
0x1d: {  	s5 =	simm.s32 @p1 $0x1;
	p0 =	seq.s32 s7, s2  }
0x1e: {  	s7 =	smul.u32 @!p0 $0xF7A, s2;
	p2 =	seq.s32 @!p0 s5, $0x0  }
0x1f: {  	s9 =	smul.u32 $0xF7A, s1;
	s8 =	simm.s32 @!p0 $0x1BF5;
	p2 =	por !p2, p0  }
0x20: {  	[sflag:s8] =	ssyncset.s32 @!p0 $0xFFFFF086;
	s6 =	sadd.s32 @!p0 s3, s7;
	s7 =	simm.s32 @!p0 $0x108  }
0x21: {  	s3 =	sadd.s32 s3, s9;
	s6 =	sadd.s32 @!p0 $0x88, s6;
	s7 =	simm.s32 @p2 $0x1082  }
0x22: {  	[simem:s7], [sflag:s8] =	dma.local @!p0 [hbm:s6], $0xF7A  }
0x23: {  	s9 =	sor.u32 $0xD0000000, s2;
	s6 =	simm.s32 $0x108;
	_ =	swait.ge @!p0 [sflag:s8], $0x0  }
0x24: {  	s3 =	sadd.s32 $0x88, s3;
	s6 =	simm.s32 @!p1 $0x1082;
	[sflag:s4] =	ssyncset.s32 $0xFFFFF086  }
0x25: {  	[simem:s6], [sflag:s4] =	dma.local [hbm:s3], $0xF7A  }
0x26: {  	[smem:$0x3F9F] =	sst s1;
	(tag) =	ssettag s2;
	_ =	strace s9  }
0x27: {  	s1 =	sld [smem:$0x3FAF]  }
0x28: {  	s2 =	sld [smem:$0x3FB0]  }
0x29: {  	s4 =	sld [smem:$0x3FB2]  }
0x2a: {  	p0 =	seq.s32 s5, $0x0;
	s5 =	sld [smem:$0x3FB3]  }
0x2b: {  	s6 =	sld [smem:$0x3FB4]  }
0x2c: {  	s7 =	sld [smem:$0x3FB5]  }
0x2d: {  	s3 =	simm.s32 $0x108;
	s8 =	sld [smem:$0x3FB6]  }
0x2e: {  	s3 =	simm.s32 @!p0 $0x1082;
	s9 =	sld [smem:$0x3FB7]  }
0x2f: {  	lr =	sadd.s32 s0, s3;
	s0 =	sld [smem:$0x3FAE]  }
0x30: {  	s3 =	sld [smem:$0x3FB1]  }
0x31: {  	[smem:$0x3FBA] =	sst s10  }
0x32: {  	s10 =	sld [smem:$0x3FB8];
	_ =	sdelay $0x3  }
0x33: {  	p0 =	seq.s32 s10, $0x1;
	s10 =	sld [smem:$0x3FBA];
	_ =	sdelay $0x3  }
0x34: {  	[smem:$0x3FBA] =	sst s10  }
0x35: {  	s10 =	sld [smem:$0x3FB9];
	_ =	sdelay $0x3  }
0x36: {  	p1 =	seq.s32 s10, $0x1;
	s10 =	sld [smem:$0x3FBA];
	_ =	sdelay $0x3  }
0x37: {  	[smem:$0x3FBA] =	sst s10  }
0x38: {  	s10 =	sld [smem:$0x3FBB]  }
0x39: {  	_ = 	snop;
	(pc) =	sbr.ind lr, $3  }
0x3a: {  	_ = 	snop  }
0x3b: {  	_ = 	snop  }
0x3c: {  	p2 =	seq.s32 s10, $0x1;
	s10 =	sld [smem:$0x3FBA]  }
0x3d: {  	_ =	shalt  }
0x3e: {  	_ =	shalt  }
0x3f: {  	_ =	shalt  }
0x40: {  	_ =	shalt  }
0x41: {  	_ =	shalt  }
0x42: {  	_ =	shalt  }
0x43: {  	_ =	shalt  }
0x44: {  	_ =	shalt  }
0x45: {  	_ =	shalt  }
0x46: {  	_ =	shalt  }
0x47: {  	_ =	shalt  }
0x48: {  	_ =	shalt  }
0x49: {  	_ =	shalt  }
0x4a: {  	_ =	shalt  }
0x4b: {  	_ =	shalt  }
0x4c: {  	_ =	shalt  }
0x4d: {  	_ =	shalt  }
0x4e: {  	_ =	shalt  }
0x4f: {  	_ =	shalt  }
0x50: {  	_ =	shalt  }
0x51: {  	_ =	shalt  }
0x52: {  	_ =	shalt  }
0x53: {  	_ =	shalt  }
0x54: {  	_ =	shalt  }
0x55: {  	_ =	shalt  }
0x56: {  	_ =	shalt  }
0x57: {  	_ =	shalt  }
0x58: {  	_ =	shalt  }
0x59: {  	_ =	shalt  }
0x5a: {  	_ =	shalt  }
0x5b: {  	_ =	shalt  }
0x5c: {  	_ =	shalt  }
0x5d: {  	_ =	shalt  }
0x5e: {  	_ =	shalt  }
0x5f: {  	_ =	shalt  }
0x60: {  	_ =	shalt  }
0x61: {  	_ =	shalt  }
0x62: {  	_ =	shalt  }
0x63: {  	_ =	shalt  }
0x64: {  	_ =	shalt  }
0x65: {  	_ =	shalt  }
0x66: {  	_ =	shalt  }
0x67: {  	_ =	shalt  }
0x68: {  	_ =	shalt  }
0x69: {  	_ =	shalt  }
0x6a: {  	_ =	shalt  }
0x6b: {  	_ =	shalt  }
0x6c: {  	_ =	shalt  }
0x6d: {  	_ =	shalt  }
0x6e: {  	_ =	shalt  }
0x6f: {  	_ =	shalt  }
0x70: {  	_ =	shalt  }
0x71: {  	_ =	shalt  }
0x72: {  	_ =	shalt  }
0x73: {  	_ =	shalt  }
0x74: {  	_ =	shalt  }
0x75: {  	_ =	shalt  }
0x76: {  	_ =	shalt  }
0x77: {  	_ =	shalt  }
0x78: {  	_ =	shalt  }
0x79: {  	_ =	shalt  }
0x7a: {  	_ =	shalt  }
0x7b: {  	_ =	shalt  }
0x7c: {  	_ =	shalt  }
0x7d: {  	_ =	shalt  }
0x7e: {  	_ =	shalt  }
0x7f: {  	_ =	shalt  }
0x80: {  	_ =	shalt  }
0x81: {  	_ =	shalt  }
0x82: {  	_ =	shalt  }
0x83: {  	_ =	shalt  }
0x84: {  	_ =	shalt  }
0x85: {  	_ =	shalt  }
0x86: {  	_ =	shalt  }
0x87: {  	_ =	shalt  }
.Lfunc_end0:
.L_simem_size_0:
called_computation_lowered:
.L_overlay_start_0:
0x88: {  	s2 =	sld [smem:$0x3FD9]  }
0x89: {  	s3 =	sld [smem:$0x3FFE];
	_ =	sdelay $0x1  }
0x8a: {  	s1 =	srdreg.scid  }
0x8b: {  	s0 =	sand.u32 $0x1, s1  }
0x8c: {  	s18 =	sshll.u32 s0, $0xA;
	s2 =	sadd.s32 s3, s2  }
0x8d: {  	s2 =	sadd.s32 s2, s18  }
0x8e: {  	[smem:$0x3FC6] =	sst s2  }
0x8f: {  	_ = 	snop  }
0x90: {  	s2 =	sld [smem:$0x3FC9]  }
0x91: {  	s19 =	sld [smem:$0x3FC8]  }
0x92: {  	s4 =	sld [smem:$0x3FD0];
	(tm) =	ssettm $0x1  }
0x93: {  	s5 =	sld [smem:$0x3FFB];
	_ =	sdelay $0x3  }
0x94: {  	_ =	strace s5  }
0x95: {  	s5 =	sld [smem:$0x3FFC];
	_ =	sdelay $0x3  }
0x96: {  	_ =	strace s5  }
0x97: {  	s5 =	sld [smem:$0x3FFD];
	_ =	sdelay $0x3  }
0x98: {  	_ =	strace s5  }
0x99: {  	_ =	strace $0x8FFFFFFF  }
0x9a: {  	s20 =	sld [smem:$0x3FDB];
	_ =	sdelay $0x1  }
0x9b: {  	s6 =	simm.s32 $_scs_section_size  }
0x9c: {  	s7 =	simm.s32 $_size__tile_overlayer_lowered;
	s8 =	simm.s32 $_tile_overlayer_lowered  }
0x9d: {  	s23 =	simm.s32 $0x1BFF;
	s22 =	sshll.u32 s8, $0x1;
	s5 =	sadd.s32 s6, s20  }
0x9e: {  	s9 =	simm.s32 $0x0;
	s21 =	sshll.u32 s7, $0x1;
	s7 =	sadd.s32 s22, s5  }
0x9f: {  	[timem:s9], [sflag:s23] =	dma.local [hbm:s7], s21  }
0xa0: {  	_ =	swait.ge [sflag:s23], s21  }
0xa1: {  	s6 =	ssub.s32 $0x0, s21;
	[sflag:s23] =	ssyncset.done $0x0  }
0xa2: {  	[sflag:s23] =	ssyncadd.s32 s6;
	_ =	sdelay $0x1  }
0xa3: {  	s24 =	simm.s32 $0x1B8B  }
0xa4: {  	_ =	swait.ge [sflag:s24], $0x1  }
0xa5: {  	[sflag:s24] =	ssyncset.done $0x0  }
0xa6: {  	s25 =	simm.s32 $0x1B8E;
	[sflag:s24] =	ssyncadd.s32 $0xFFFFFFFF  }
0xa7: {  	s26 =	simm.s32 $execute0_lowered;
	[smem:$0x3FD2] =	sst s25  }
0xa8: {  	s6 =	sshll.u32 s26, $0x1;
	_ =	strace $0x80000046;
	[dreg:$0x1] =	wrdreg $0xFFFFFFFF  }
0xa9: {  	s28 =	simm.s32 $_size_execute0_lowered;
	s5 =	sadd.s32 s5, s6;
	[dreg:$0x0] =	wrdreg $0x0  }
0xaa: {  	s6 =	sshll.u32 s28, $0x1;
	[dreg:$0x2] =	wrdreg s5  }
0xab: {  	[dreg:$0x3] =	wrdreg s6  }
0xac: {  	[dreg:$0x4] =	wrdreg $0xC0  }
0xad: {  	_ =	task [dreg:s9], $0x5FFFF  }
0xae: {  	[dreg:$0x1] =	wrdreg $0xFFFFFFFF  }
0xaf: {  	[dreg:$0x0] =	wrdreg $0x60  }
0xb0: {  	[dreg:$0x2] =	wrdreg s2  }
0xb1: {  	[dreg:$0x3] =	wrdreg s19  }
0xb2: {  	[dreg:$0x4] =	wrdreg s4  }
0xb3: {  	[dreg:$0x5] =	wrdreg $0x9  }
0xb4: {  	_ =	task.clear_ibuf [dreg:s9], $0x6FFFF;
	_ =	strace $0x90000046  }
0xb5: {  	s29 =	simm.s32 $0x9;
	_ =	strace $0x80000048  }
0xb6: {  	_ =	swait.ge [sflag:s29], $0x1  }
0xb7: {  	[sflag:s29] =	ssyncadd.s32 $0xFFFFFFFF  }
0xb8: {  	_ =	strace $0x90000048  }
0xb9: {  	_ =	sfence  }
0xba: {  	s30 =	sld [smem:$0x0];
	_ =	sdelay $0x2  }
0xbb: {  	s31 =	sshll.u32 s1, $0xD;
	s1 =	sshrl.u32 s1, $0x2  }
0xbc: {  	s3 =	sand.u32 $0x4000, s31;
	s1 =	sadd.s32 s1, s30  }
0xbd: {  	s0 =	sor.u32 s3, s0;
	s1 =	sshll.u32 s1, $0x11  }
0xbe: {  	s0 =	sor.u32 s1, s0  }
0xbf: {  	s0 =	sadd.s32 $0x8F2B, s0  }
0xc0: {  	[sflag:s0] =	ssyncadd.remote.s32 $0x1  }
0xc1: {  	_ =	sfence.sel $0xFFFF  }
0xc2: {  	[dreg:$0x0] =	wrdreg $0xFFFFFFFF;
	(pc) =	sbr.abs _section_cstart, $3  }
0xc3: {  	[dreg:$0x1] =	wrdreg $0xFFFFFFFF  }
0xc4: {  	_ =	task.clear_ibuf [dreg:s9], $0x2FFFF;
	_ =	strace $0x9FFFFFFF  }
0xc5: {  	(tm) =	ssettm $0x7FFFFFFF  }
tec
execute0_lowered:
.L_overlay_start_1:
0x0: {  	(tag) =	ssettag $0x1  }
0x1: {  	s0 =	rddreg [dreg:$0x0]  }
0x2: {  	s2 =	rddreg [dreg:$0x1]  }
0x3: {  	s11 =	rddreg [dreg:$0x2];
	s1 =	srdreg.scid;
	s3 =	simm.s32 $0x0  }
0x4: {  	s6 =	stileid.u32;
	s30 =	simm.s32 $0x6B00;
	s1 =	sand.u32 $0x1, s1  }
0x5: {  	s6 =	sshll.u32 s6, $0x8;
	s4 =	ssub.s32 $0x2, s1;
	s1 =	sshll.u32 s1, $0x7  }
0x6: {  	s31 =	simm.s32 $0x7300;
	[smem:$0x7FF] =	sst s3;
	s9 =	sor.u32 s1, s6  }
0x7: {  	_ =	strace $0x80000047;
	s5 =	sshrl.u32 s4, $0x1;
	s26 =	sshrl.u32 s9, $0x1  }
0x8: {  	s17 =	ssub.s32 s4, s5;
	s28 =	sor.u32 $0x1, s9;
	s4 =	sadd.s32 s0, s26  }
0x9: {  	s7 =	sor.u32 $0x11, s9;
	s8 =	sadd.s32 $0x10, s4;
	[dreg:$0x1b] =	wrdreg s4  }
0xa: {  	s12 =	sshll.u32 s9, $0x7;
	s29 =	sadd.s32 $0x20, s4;
	[dreg:$0x4] =	wrdreg s8  }
0xb: {  	s13 =	sadd.s32 s11, s12;
	s10 =	sadd.s32 $0x30, s4;
	[dreg:$0x5] =	wrdreg s29  }
0xc: {  	s25 =	sor.u32 $0x21, s9;
	s11 =	sadd.s32 $0x80000, s13;
	[dreg:$0x6] =	wrdreg s10  }
0xd: {  	s6 =	sor.u32 $0x31, s9;
	s12 =	sadd.s32 $0x100000, s13;
	[dreg:$0x1c] =	wrdreg s11  }
0xe: {  	s24 =	sor.u32 $0x41, s9;
	s14 =	sadd.s32 $0x180000, s13;
	[dreg:$0x1d] =	wrdreg s12  }
0xf: {  	s1 =	sor.u32 $0x51, s9;
	s26 =	sadd.s32 $0x800, s13;
	[dreg:$0x1e] =	wrdreg s14  }
0x10: {  	s5 =	sor.u32 $0x61, s9;
	s15 =	sadd.s32 $0x1000, s13;
	[dreg:$0x7] =	wrdreg s26  }
0x11: {  	s0 =	sor.u32 $0x71, s9;
	s21 =	sadd.s32 $0x2800, s13;
	[dreg:$0x8] =	wrdreg s15  }
0x12: {  	s11 =	smax.u32 s17, $0x1;
	s17 =	sadd.s32 $0x2000, s13;
	[dreg:$0xa] =	wrdreg s21  }
0x13: {  	v12 =	vlaneseq.u32;
	s9 =	sadd.s32 $0x200, s2;
	s29 =	sadd.s32 $0x80800, s13;
	[dreg:$0x9] =	wrdreg s17  }
0x14: {  	v2 =	vadd.s32 s25, v12;
	s25 =	simm.s32 $0x4300;
	s14 =	sadd.s32 $0x81000, s13;
	[dreg:$0xb] =	wrdreg s29  }
0x15: {  	v7 =	vimm.s32 $0xEFCDAB89;
	v6 =	vadd.s32 s5, v12;
	s5 =	simm.s32 $0xB300;
	s15 =	sadd.s32 $0x82000, s13;
	[dreg:$0xc] =	wrdreg s14  }
0x16: {  	v8 =	vimm.s32 $0x67452301;
	v9 =	vimm.s32 $0xDCFE98BA;
	s4 =	sadd.s32 $0x1800, s13;
	s21 =	sadd.s32 $0x83800, s13;
	[dreg:$0xd] =	wrdreg s15  }
0x17: {  	v11 =	vimm.s32 $0x54761032;
	v13 =	vimm.s32 $0xBA98FEDC;
	s16 =	sadd.s32 $0x81800, s13;
	s17 =	sadd.s32 $0x82800, s13;
	[dreg:$0xf] =	wrdreg s21  }
0x18: {  	v14 =	vimm.s32 $0x32107654;
	vm0 =	vmmov $0xffff;
	v10 =	vunpack.c.l.s4.s8 v7;
	s18 =	sadd.s32 $0x181800, s13;
	s29 =	sadd.s32 $0x100800, s13;
	[dreg:$0xe] =	wrdreg s17  }
0x19: {  	v8 =	vunpack.c.l.s4.s8 v8;
	v9 =	vunpack.c.l.s4.s8 v9;
	v11 =	vunpack.c.l.s4.s8 v11;
	s19 =	sadd.s32 $0x3000, s13;
	s14 =	sadd.s32 $0x101000, s13;
	[dreg:$0x10] =	wrdreg s29  }
0x1a: {  	v15 =	vshrl.u32 v12, $0x3;
	v13 =	vunpack.c.l.s4.s8 v13;
	v14 =	vunpack.c.l.s4.s8 v14;
	s20 =	sadd.s32 $0x83000, s13;
	s15 =	sadd.s32 $0x102000, s13;
	[dreg:$0x11] =	wrdreg s14  }
0x1b: {  	v10 =	vunpack.c.0.s8.s32 v10;
	v8 =	vunpack.c.0.s8.s32 v8;
	v9 =	vunpack.c.0.s8.s32 v9;
	s23 =	sadd.s32 $0x103000, s13;
	s21 =	sadd.s32 $0x102800, s13;
	[dreg:$0x12] =	wrdreg s15  }
0x1c: {  	v11 =	vunpack.c.0.s8.s32 v11;
	v13 =	vunpack.c.0.s8.s32 v13;
	v14 =	vunpack.c.0.s8.s32 v14;
	s22 =	sadd.s32 $0x183000, s13;
	s17 =	sadd.s32 $0x3800, s13;
	[dreg:$0x14] =	wrdreg s21  }
0x1d: {  	v0 =	vadd.s32 s28, v12;
	v8 =	vcombine.low v8, v10;
	v10 =	vimm.s32 $0xFEDCBA98;
	s8 =	sadd.s32 $0x100, s2;
	s29 =	sadd.s32 $0x103800, s13;
	[dreg:$0x13] =	wrdreg s17  }
0x1e: {  	v9 =	vcombine.low v11, v9;
	v11 =	vimm.s32 $0x76543210;
	v16 =	vunpack.c.l.s4.s8 v10;
	s10 =	sadd.s32 $0x300, s2;
	s14 =	sadd.s32 $0x180800, s13;
	[dreg:$0x15] =	wrdreg s29  }
.Ltmp0:
0x1f: {  	v1 =	vadd.s32 s7, v12;
	v3 =	vadd.s32 s6, v12;
	v17 =	vunpack.c.l.s4.s8 v11;
	s15 =	sadd.s32 $0x181000, s13;
	[dreg:$0x16] =	wrdreg s14;
	(pc) =	sbr.rel .LBB2_1-.Ltmp0, $4  }
0x20: {  	v4 =	vadd.s32 s24, v12;
	v11 =	vmul.u32 $0x8, v15;
	s12 =	sadd.s32 $0x101800, s13;
	v15 =	vunpack.c.0.s8.s32 v16;
	s21 =	sadd.s32 $0x182800, s13;
	[dreg:$0x17] =	wrdreg s15  }
0x21: {  	v5 =	vadd.s32 s1, v12;
	v13 =	vcombine.low v14, v13;
	s26 =	simm.s32 $0xAB00;
	v16 =	vunpack.c.0.s8.s32 v17;
	s17 =	sadd.s32 $0x182000, s13;
	[dreg:$0x19] =	wrdreg s21  }
0x22: {  	v14 =	vimm.s32 $0x0;
	v7 =	vadd.s32 s0, v12;
	s29 =	sadd.s32 $0x183800, s13;
	v15 =	vand.u32 $0xF, v15;
	s15 =	simm.s32 $0x9300;
	[dreg:$0x18] =	wrdreg s17  }
0x23: {  	v10 =	vand.u32 $0x7, v12;
	v12 =	vor.u32 $0x8, v12;
	s14 =	simm.s32 $0xA300;
	[dreg:$0x1a] =	wrdreg s29;
	v15 =	vcombine.low v15, v16;
	s17 =	simm.s32 $0xBB00  }
.LBB2_3:
0x24: {  	s0 =	rddreg [dreg:$0x1f]  }
0x25: {  	s11 =	sadd.s32 $0xFFFFFFFF, s0  }
0x26: {  	p0 =	sne.s32 s11, $0x0  }
.Ltmp1:
0x27: {  	_ = 	snop;
	(pc) =	sbr.rel @!p0 .LBB2_4-.Ltmp1, $2  }
0x28: {  	_ =	sdelay $0x2  }
0x29: {  	s13 =	smov.u32 s1  }
.LBB2_1:
0x2a: {  	[tilespmem:$0x200] =	vst v0  }
0x2b: {  	[tilespmem:$0x210] =	vst v1  }
0x2c: {  	[tilespmem:$0x220] =	vst v2  }
0x2d: {  	[tilespmem:$0x230] =	vst v3  }
0x2e: {  	[tilespmem:$0x240] =	vst v4  }
0x2f: {  	[tilespmem:$0x250] =	vst v5  }
0x30: {  	[dreg:$0x1f] =	wrdreg s11;
	[tilespmem:$0x260] =	vst v6  }
0x31: {  	[tilespmem:$0x270] =	vst v7;
	s21 =	smov.u32 s19;
	s0 =	rddreg [dreg:$0x1b]  }
0x32: {  	[tilespmem:s3], [sflag:$0x4] =	stream.linear.gather [hbm4b:s0+s3], $0x80, $0x38;
	[tilespmem:$0x1C300] =	vst v63  }
0x33: {  	s19 =	smov.u32 s16;
	s6 =	rddreg [dreg:$0x4];
	s7 =	simm.s32 $0x80  }
0x34: {  	[tilespmem:s7], [sflag:$0x4] =	stream.linear.gather [hbm4b:s6+s3], $0x80, $0x38;
	[tilespmem:$0x1C300] =	vst v63  }
0x35: {  	s16 =	smov.u32 s4;
	s1 =	rddreg [dreg:$0x5];
	s4 =	simm.s32 $0x100  }
0x36: {  	[tilespmem:s4], [sflag:$0x4] =	stream.linear.gather [hbm4b:s1+s3], $0x80, $0x38;
	[tilespmem:$0x1C300] =	vst v63  }
0x37: {  	s11 =	simm.s32 $0x180;
	s7 =	rddreg [dreg:$0x6]  }
0x38: {  	[tilespmem:s11], [sflag:$0x4] =	stream.linear.gather [hbm4b:s7+s3], $0x80, $0x38;
	[tilespmem:$0x1C300] =	vst v63  }
0x39: {  	v16 =	vld [tilespmem:$0x200];
	_ =	sdelay $0x4  }
0x3a: {  	v17 =	vshll.u32 v16, $0x3  }
0x3b: {  	v16 =	vand.u32 $0x7, v16;
	v17 =	vand.u32 $0xFFFFFFC0, v17  }
0x3c: {  	v16 =	vor.u32 v16, v17  }
0x3d: {  	v17 =	vperm.xlane v16, v10;
	_ =	sdelay $0x1  }
0x3e: {  	v17 =	vadd.s32 v11, v17;
	_ =	sdelay $0x4  }
0x3f: {  	[tilespmem:s25], [sflag:$0x1] =	stream.indirect_vreg.gather [hbm4b:s2+s3], $0x80, v17, vm0, $0xb8;
	[tilespmem:$0x1C300] =	vst v63  }
0x40: {  	s6 =	simm.s32 $0x4B00;
	v16 =	vperm.xlane v16, v12  }
0x41: {  	[tilespmem:s6], [sflag:$0x1] =	stream.indirect_vreg.gather [hbm4b:s8+s3], $0x80, v17, vm0, $0xb8;
	[tilespmem:$0x1C300] =	vst v63  }
0x42: {  	s7 =	simm.s32 $0x5300;
	v16 =	vadd.s32 v11, v16  }
0x43: {  	[tilespmem:s7], [sflag:$0x1] =	stream.indirect_vreg.gather [hbm4b:s9+s3], $0x80, v17, vm0, $0xb8;
	[tilespmem:$0x1C300] =	vst v63  }
0x44: {  	s28 =	simm.s32 $0x5B00  }
0x45: {  	[tilespmem:s28], [sflag:$0x1] =	stream.indirect_vreg.gather [hbm4b:s10+s3], $0x80, v17, vm0, $0xb8;
	[tilespmem:$0x1C300] =	vst v63  }
0x46: {  	s29 =	simm.s32 $0x6300  }
0x47: {  	[tilespmem:s29], [sflag:$0x1] =	stream.indirect_vreg.gather [hbm4b:s2+s3], $0x80, v16, vm0, $0xb8;
	[tilespmem:$0x1C300] =	vst v63  }
0x48: {  	_ = 	snop  }
0x49: {  	[tilespmem:s30], [sflag:$0x1] =	stream.indirect_vreg.gather [hbm4b:s8+s3], $0x80, v16, vm0, $0xb8;
	[tilespmem:$0x1C300] =	vst v63  }
0x4a: {  	_ = 	snop  }
0x4b: {  	[tilespmem:s31], [sflag:$0x1] =	stream.indirect_vreg.gather [hbm4b:s9+s3], $0x80, v16, vm0, $0xb8;
	[tilespmem:$0x1C300] =	vst v63  }
0x4c: {  	s4 =	simm.s32 $0x7B00  }
0x4d: {  	[tilespmem:s4], [sflag:$0x1] =	stream.indirect_vreg.gather [hbm4b:s10+s3], $0x80, v16, vm0, $0xb8;
	[tilespmem:$0x1C300] =	vst v63  }
0x4e: {  	v16 =	vld [tilespmem:$0x210];
	_ =	sdelay $0x4  }
0x4f: {  	v17 =	vshll.u32 v16, $0x3  }
0x50: {  	v16 =	vand.u32 $0x7, v16;
	v17 =	vand.u32 $0xFFFFFFC0, v17  }
0x51: {  	v16 =	vor.u32 v16, v17  }
0x52: {  	v17 =	vperm.xlane v16, v10;
	_ =	sdelay $0x1  }
0x53: {  	v17 =	vadd.s32 v11, v17;
	_ =	sdelay $0x3  }
0x54: {  	s0 =	simm.s32 $0x8300  }
0x55: {  	[tilespmem:s0], [sflag:$0x1] =	stream.indirect_vreg.gather [hbm4b:s2+s3], $0x80, v17, vm0, $0xb8;
	[tilespmem:$0x1C300] =	vst v63  }
0x56: {  	s11 =	simm.s32 $0x8B00;
	v16 =	vperm.xlane v16, v12  }
0x57: {  	[tilespmem:s11], [sflag:$0x1] =	stream.indirect_vreg.gather [hbm4b:s8+s3], $0x80, v17, vm0, $0xb8;
	[tilespmem:$0x1C300] =	vst v63  }
0x58: {  	v16 =	vadd.s32 v11, v16  }
0x59: {  	[tilespmem:s15], [sflag:$0x1] =	stream.indirect_vreg.gather [hbm4b:s9+s3], $0x80, v17, vm0, $0xb8;
	[tilespmem:$0x1C300] =	vst v63  }
0x5a: {  	s24 =	simm.s32 $0x9B00  }
0x5b: {  	[tilespmem:s24], [sflag:$0x1] =	stream.indirect_vreg.gather [hbm4b:s10+s3], $0x80, v17, vm0, $0xb8;
	[tilespmem:$0x1C300] =	vst v63  }
0x5c: {  	_ = 	snop  }
0x5d: {  	[tilespmem:s14], [sflag:$0x1] =	stream.indirect_vreg.gather [hbm4b:s2+s3], $0x80, v16, vm0, $0xb8;
	[tilespmem:$0x1C300] =	vst v63  }
0x5e: {  	_ = 	snop  }
0x5f: {  	[tilespmem:s26], [sflag:$0x1] =	stream.indirect_vreg.gather [hbm4b:s8+s3], $0x80, v16, vm0, $0xb8;
	[tilespmem:$0x1C300] =	vst v63  }
0x60: {  	_ = 	snop  }
0x61: {  	[tilespmem:s5], [sflag:$0x1] =	stream.indirect_vreg.gather [hbm4b:s9+s3], $0x80, v16, vm0, $0xb8;
	[tilespmem:$0x1C300] =	vst v63  }
0x62: {  	_ = 	snop  }
0x63: {  	[tilespmem:s17], [sflag:$0x1] =	stream.indirect_vreg.gather [hbm4b:s10+s3], $0x80, v16, vm0, $0xb8;
	[tilespmem:$0x1C300] =	vst v63  }
0x64: {  	v16 =	vld [tilespmem:$0x220];
	_ =	sdelay $0x4  }
0x65: {  	v17 =	vshll.u32 v16, $0x3  }
0x66: {  	v16 =	vand.u32 $0x7, v16;
	v17 =	vand.u32 $0xFFFFFFC0, v17  }
0x67: {  	v16 =	vor.u32 v16, v17  }
0x68: {  	v17 =	vperm.xlane v16, v10;
	_ =	sdelay $0x1  }
0x69: {  	v17 =	vadd.s32 v11, v17;
	_ =	sdelay $0x3  }
0x6a: {  	s24 =	simm.s32 $0xC300  }
0x6b: {  	[tilespmem:s24], [sflag:$0x1] =	stream.indirect_vreg.gather [hbm4b:s2+s3], $0x80, v17, vm0, $0xb8;
	[tilespmem:$0x1C300] =	vst v63  }
0x6c: {  	s0 =	simm.s32 $0xCB00;
	v16 =	vperm.xlane v16, v12  }
0x6d: {  	[tilespmem:s0], [sflag:$0x1] =	stream.indirect_vreg.gather [hbm4b:s8+s3], $0x80, v17, vm0, $0xb8;
	[tilespmem:$0x1C300] =	vst v63  }
0x6e: {  	s1 =	simm.s32 $0xD300;
	v16 =	vadd.s32 v11, v16  }
0x6f: {  	[tilespmem:s1], [sflag:$0x1] =	stream.indirect_vreg.gather [hbm4b:s9+s3], $0x80, v17, vm0, $0xb8;
	[tilespmem:$0x1C300] =	vst v63  }
0x70: {  	s0 =	simm.s32 $0xDB00  }
0x71: {  	[tilespmem:s0], [sflag:$0x1] =	stream.indirect_vreg.gather [hbm4b:s10+s3], $0x80, v17, vm0, $0xb8;
	[tilespmem:$0x1C300] =	vst v63  }
0x72: {  	s1 =	simm.s32 $0xE300  }
0x73: {  	[tilespmem:s1], [sflag:$0x1] =	stream.indirect_vreg.gather [hbm4b:s2+s3], $0x80, v16, vm0, $0xb8;
	[tilespmem:$0x1C300] =	vst v63  }
0x74: {  	s0 =	simm.s32 $0xEB00  }
0x75: {  	[tilespmem:s0], [sflag:$0x1] =	stream.indirect_vreg.gather [hbm4b:s8+s3], $0x80, v16, vm0, $0xb8;
	[tilespmem:$0x1C300] =	vst v63  }
0x76: {  	s1 =	simm.s32 $0xF300  }
0x77: {  	[tilespmem:s1], [sflag:$0x1] =	stream.indirect_vreg.gather [hbm4b:s9+s3], $0x80, v16, vm0, $0xb8;
	[tilespmem:$0x1C300] =	vst v63  }
0x78: {  	s0 =	simm.s32 $0xFB00  }
0x79: {  	[tilespmem:s0], [sflag:$0x1] =	stream.indirect_vreg.gather [hbm4b:s10+s3], $0x80, v16, vm0, $0xb8;
	[tilespmem:$0x1C300] =	vst v63  }
0x7a: {  	v16 =	vld [tilespmem:$0x230];
	_ =	sdelay $0x4  }
0x7b: {  	v17 =	vshll.u32 v16, $0x3  }
0x7c: {  	v16 =	vand.u32 $0x7, v16;
	v17 =	vand.u32 $0xFFFFFFC0, v17  }
0x7d: {  	v16 =	vor.u32 v16, v17  }
0x7e: {  	v17 =	vperm.xlane v16, v10;
	_ =	sdelay $0x1  }
0x7f: {  	v17 =	vadd.s32 v11, v17;
	_ =	sdelay $0x3  }
0x80: {  	s24 =	simm.s32 $0x10300  }
0x81: {  	[tilespmem:s24], [sflag:$0x1] =	stream.indirect_vreg.gather [hbm4b:s2+s3], $0x80, v17, vm0, $0xb8;
	[tilespmem:$0x1C300] =	vst v63  }
0x82: {  	s1 =	simm.s32 $0x10B00;
	v16 =	vperm.xlane v16, v12  }
0x83: {  	[tilespmem:s1], [sflag:$0x1] =	stream.indirect_vreg.gather [hbm4b:s8+s3], $0x80, v17, vm0, $0xb8;
	[tilespmem:$0x1C300] =	vst v63  }
0x84: {  	v16 =	vadd.s32 v11, v16;
	s1 =	simm.s32 $0x11300  }
0x85: {  	[tilespmem:s1], [sflag:$0x1] =	stream.indirect_vreg.gather [hbm4b:s9+s3], $0x80, v17, vm0, $0xb8;
	[tilespmem:$0x1C300] =	vst v63  }
0x86: {  	s1 =	simm.s32 $0x11B00  }
0x87: {  	[tilespmem:s1], [sflag:$0x1] =	stream.indirect_vreg.gather [hbm4b:s10+s3], $0x80, v17, vm0, $0xb8;
	[tilespmem:$0x1C300] =	vst v63  }
0x88: {  	s1 =	simm.s32 $0x12300  }
0x89: {  	[tilespmem:s1], [sflag:$0x1] =	stream.indirect_vreg.gather [hbm4b:s2+s3], $0x80, v16, vm0, $0xb8;
	[tilespmem:$0x1C300] =	vst v63  }
0x8a: {  	s1 =	simm.s32 $0x12B00  }
0x8b: {  	[tilespmem:s1], [sflag:$0x1] =	stream.indirect_vreg.gather [hbm4b:s8+s3], $0x80, v16, vm0, $0xb8;
	[tilespmem:$0x1C300] =	vst v63  }
0x8c: {  	s1 =	simm.s32 $0x13300  }
0x8d: {  	[tilespmem:s1], [sflag:$0x1] =	stream.indirect_vreg.gather [hbm4b:s9+s3], $0x80, v16, vm0, $0xb8;
	[tilespmem:$0x1C300] =	vst v63  }
0x8e: {  	s1 =	simm.s32 $0x13B00  }
0x8f: {  	[tilespmem:s1], [sflag:$0x1] =	stream.indirect_vreg.gather [hbm4b:s10+s3], $0x80, v16, vm0, $0xb8;
	[tilespmem:$0x1C300] =	vst v63  }
0x90: {  	v16 =	vld [tilespmem:$0x240];
	_ =	sdelay $0x4  }
0x91: {  	v17 =	vshll.u32 v16, $0x3  }
0x92: {  	v16 =	vand.u32 $0x7, v16;
	v17 =	vand.u32 $0xFFFFFFC0, v17  }
0x93: {  	v16 =	vor.u32 v16, v17  }
0x94: {  	v17 =	vperm.xlane v16, v10;
	_ =	sdelay $0x1  }
0x95: {  	v17 =	vadd.s32 v11, v17;
	_ =	sdelay $0x3  }
0x96: {  	s1 =	simm.s32 $0x14300  }
0x97: {  	[tilespmem:s1], [sflag:$0x1] =	stream.indirect_vreg.gather [hbm4b:s2+s3], $0x80, v17, vm0, $0xb8;
	[tilespmem:$0x1C300] =	vst v63  }
0x98: {  	v16 =	vperm.xlane v16, v12;
	s1 =	simm.s32 $0x14B00  }
0x99: {  	[tilespmem:s1], [sflag:$0x1] =	stream.indirect_vreg.gather [hbm4b:s8+s3], $0x80, v17, vm0, $0xb8;
	[tilespmem:$0x1C300] =	vst v63  }
0x9a: {  	v16 =	vadd.s32 v11, v16;
	s1 =	simm.s32 $0x15300  }
0x9b: {  	[tilespmem:s1], [sflag:$0x1] =	stream.indirect_vreg.gather [hbm4b:s9+s3], $0x80, v17, vm0, $0xb8;
	[tilespmem:$0x1C300] =	vst v63  }
0x9c: {  	s1 =	simm.s32 $0x15B00  }
0x9d: {  	[tilespmem:s1], [sflag:$0x1] =	stream.indirect_vreg.gather [hbm4b:s10+s3], $0x80, v17, vm0, $0xb8;
	[tilespmem:$0x1C300] =	vst v63  }
0x9e: {  	s1 =	simm.s32 $0x16300  }
0x9f: {  	[tilespmem:s1], [sflag:$0x1] =	stream.indirect_vreg.gather [hbm4b:s2+s3], $0x80, v16, vm0, $0xb8;
	[tilespmem:$0x1C300] =	vst v63  }
0xa0: {  	s1 =	simm.s32 $0x16B00  }
0xa1: {  	[tilespmem:s1], [sflag:$0x1] =	stream.indirect_vreg.gather [hbm4b:s8+s3], $0x80, v16, vm0, $0xb8;
	[tilespmem:$0x1C300] =	vst v63  }
0xa2: {  	s1 =	simm.s32 $0x17300  }
0xa3: {  	[tilespmem:s1], [sflag:$0x1] =	stream.indirect_vreg.gather [hbm4b:s9+s3], $0x80, v16, vm0, $0xb8;
	[tilespmem:$0x1C300] =	vst v63  }
0xa4: {  	s1 =	simm.s32 $0x17B00  }
0xa5: {  	[tilespmem:s1], [sflag:$0x1] =	stream.indirect_vreg.gather [hbm4b:s10+s3], $0x80, v16, vm0, $0xb8;
	[tilespmem:$0x1C300] =	vst v63  }
0xa6: {  	v16 =	vld [tilespmem:$0x250];
	_ =	sdelay $0x4  }
0xa7: {  	v17 =	vshll.u32 v16, $0x3  }
0xa8: {  	v16 =	vand.u32 $0x7, v16;
	v17 =	vand.u32 $0xFFFFFFC0, v17  }
0xa9: {  	v16 =	vor.u32 v16, v17  }
0xaa: {  	v17 =	vperm.xlane v16, v10;
	_ =	sdelay $0x1  }
0xab: {  	v17 =	vadd.s32 v11, v17;
	_ =	sdelay $0x3  }
0xac: {  	s1 =	simm.s32 $0x18300  }
0xad: {  	[tilespmem:s1], [sflag:$0x1] =	stream.indirect_vreg.gather [hbm4b:s2+s3], $0x80, v17, vm0, $0xb8;
	[tilespmem:$0x1C300] =	vst v63  }
0xae: {  	v16 =	vperm.xlane v16, v12;
	s1 =	simm.s32 $0x18B00  }
0xaf: {  	[tilespmem:s1], [sflag:$0x1] =	stream.indirect_vreg.gather [hbm4b:s8+s3], $0x80, v17, vm0, $0xb8;
	[tilespmem:$0x1C300] =	vst v63  }
0xb0: {  	v16 =	vadd.s32 v11, v16;
	s1 =	simm.s32 $0x19300  }
0xb1: {  	[tilespmem:s1], [sflag:$0x1] =	stream.indirect_vreg.gather [hbm4b:s9+s3], $0x80, v17, vm0, $0xb8;
	[tilespmem:$0x1C300] =	vst v63  }
0xb2: {  	s1 =	simm.s32 $0x19B00  }
0xb3: {  	[tilespmem:s1], [sflag:$0x1] =	stream.indirect_vreg.gather [hbm4b:s10+s3], $0x80, v17, vm0, $0xb8;
	[tilespmem:$0x1C300] =	vst v63  }
0xb4: {  	s1 =	simm.s32 $0x1A300  }
0xb5: {  	[tilespmem:s1], [sflag:$0x1] =	stream.indirect_vreg.gather [hbm4b:s2+s3], $0x80, v16, vm0, $0xb8;
	[tilespmem:$0x1C300] =	vst v63  }
0xb6: {  	s1 =	simm.s32 $0x1AB00  }
0xb7: {  	[tilespmem:s1], [sflag:$0x1] =	stream.indirect_vreg.gather [hbm4b:s8+s3], $0x80, v16, vm0, $0xb8;
	[tilespmem:$0x1C300] =	vst v63  }
0xb8: {  	s1 =	simm.s32 $0x1B300  }
0xb9: {  	[tilespmem:s1], [sflag:$0x1] =	stream.indirect_vreg.gather [hbm4b:s9+s3], $0x80, v16, vm0, $0xb8;
	[tilespmem:$0x1C300] =	vst v63  }
0xba: {  	s0 =	simm.s32 $0x1;
	s1 =	simm.s32 $0x1BB00  }
0xbb: {  	[tilespmem:s1], [sflag:$0x1] =	stream.indirect_vreg.gather [hbm4b:s10+s3], $0x80, v16, vm0, $0xb8;
	[tilespmem:$0x1C300] =	vst v63  }
0xbc: {  	_ =	swait.ge [sflag:s0], $0xC000  }
0xbd: {  	[sflag:s0] =	ssyncset.done $0x0  }
0xbe: {  	[sflag:s0] =	ssyncadd.s32 $0xFFFF4000  }
0xbf: {  	[hbm4b:s13+s3] =	stream.linear.scatter [tilespmem:s25], [sflag:$0x2], $0xC000, $0x38;
	[tilespmem:$0x1C300] =	vst v63  }
0xc0: {  	s1 =	smov.u32 s13;
	s13 =	rddreg [dreg:$0x1c]  }
0xc1: {  	[hbm4b:s13+s3] =	stream.linear.scatter [tilespmem:s25], [sflag:$0x2], $0xC000, $0x38;
	[tilespmem:$0x1C300] =	vst v63  }
0xc2: {  	s13 =	rddreg [dreg:$0x1d]  }
0xc3: {  	[hbm4b:s13+s3] =	stream.linear.scatter [tilespmem:s25], [sflag:$0x2], $0xC000, $0x38;
	[tilespmem:$0x1C300] =	vst v63  }
0xc4: {  	s13 =	rddreg [dreg:$0x1e]  }
0xc5: {  	[hbm4b:s13+s3] =	stream.linear.scatter [tilespmem:s25], [sflag:$0x2], $0xC000, $0x38;
	[tilespmem:$0x1C300] =	vst v63  }
0xc6: {  	s13 =	simm.s32 $0x2  }
0xc7: {  	_ =	swait.ge [sflag:s13], $0xC000  }
0xc8: {  	[sflag:s13] =	ssyncset.done $0x0  }
0xc9: {  	[sflag:s13] =	ssyncadd.s32 $0xFFFF4000  }
0xca: {  	_ =	swait.ge [sflag:s13], $0xC000  }
0xcb: {  	[sflag:s13] =	ssyncset.done $0x0  }
0xcc: {  	[sflag:s13] =	ssyncadd.s32 $0xFFFF4000  }
0xcd: {  	_ =	swait.ge [sflag:s13], $0xC000  }
0xce: {  	[sflag:s13] =	ssyncset.done $0x0  }
0xcf: {  	[sflag:s13] =	ssyncadd.s32 $0xFFFF4000  }
0xd0: {  	_ =	swait.ge [sflag:s13], $0xC000  }
0xd1: {  	[sflag:s13] =	ssyncset.done $0x0  }
0xd2: {  	[sflag:s13] =	ssyncadd.s32 $0xFFFF4000  }
0xd3: {  	v16 =	vld [tilespmem:$0x260];
	_ =	sdelay $0x4  }
0xd4: {  	v17 =	vshll.u32 v16, $0x3  }
0xd5: {  	v16 =	vand.u32 $0x7, v16;
	v17 =	vand.u32 $0xFFFFFFC0, v17  }
0xd6: {  	v16 =	vor.u32 v16, v17  }
0xd7: {  	v17 =	vperm.xlane v16, v10;
	_ =	sdelay $0x1  }
0xd8: {  	v17 =	vadd.s32 v11, v17;
	_ =	sdelay $0x4  }
0xd9: {  	[tilespmem:s25], [sflag:$0x1] =	stream.indirect_vreg.gather [hbm4b:s2+s3], $0x80, v17, vm0, $0xb8;
	[tilespmem:$0x1C300] =	vst v63  }
0xda: {  	v16 =	vperm.xlane v16, v12  }
0xdb: {  	[tilespmem:s6], [sflag:$0x1] =	stream.indirect_vreg.gather [hbm4b:s8+s3], $0x80, v17, vm0, $0xb8;
	[tilespmem:$0x1C300] =	vst v63  }
0xdc: {  	v16 =	vadd.s32 v11, v16  }
0xdd: {  	[tilespmem:s7], [sflag:$0x1] =	stream.indirect_vreg.gather [hbm4b:s9+s3], $0x80, v17, vm0, $0xb8;
	[tilespmem:$0x1C300] =	vst v63  }
0xde: {  	_ = 	snop  }
0xdf: {  	[tilespmem:s28], [sflag:$0x1] =	stream.indirect_vreg.gather [hbm4b:s10+s3], $0x80, v17, vm0, $0xb8;
	[tilespmem:$0x1C300] =	vst v63  }
0xe0: {  	_ = 	snop  }
0xe1: {  	[tilespmem:s29], [sflag:$0x1] =	stream.indirect_vreg.gather [hbm4b:s2+s3], $0x80, v16, vm0, $0xb8;
	[tilespmem:$0x1C300] =	vst v63  }
0xe2: {  	_ = 	snop  }
0xe3: {  	[tilespmem:s30], [sflag:$0x1] =	stream.indirect_vreg.gather [hbm4b:s8+s3], $0x80, v16, vm0, $0xb8;
	[tilespmem:$0x1C300] =	vst v63  }
0xe4: {  	_ = 	snop  }
0xe5: {  	[tilespmem:s31], [sflag:$0x1] =	stream.indirect_vreg.gather [hbm4b:s9+s3], $0x80, v16, vm0, $0xb8;
	[tilespmem:$0x1C300] =	vst v63  }
0xe6: {  	_ = 	snop  }
0xe7: {  	[tilespmem:s4], [sflag:$0x1] =	stream.indirect_vreg.gather [hbm4b:s10+s3], $0x80, v16, vm0, $0xb8;
	[tilespmem:$0x1C300] =	vst v63  }
0xe8: {  	v16 =	vld [tilespmem:$0x270];
	_ =	sdelay $0x4  }
0xe9: {  	v17 =	vshll.u32 v16, $0x3  }
0xea: {  	v16 =	vand.u32 $0x7, v16;
	v17 =	vand.u32 $0xFFFFFFC0, v17  }
0xeb: {  	v16 =	vor.u32 v16, v17  }
0xec: {  	v17 =	vperm.xlane v16, v10;
	_ =	sdelay $0x1  }
0xed: {  	v17 =	vadd.s32 v11, v17;
	_ =	sdelay $0x3  }
0xee: {  	s7 =	simm.s32 $0x8300  }
0xef: {  	[tilespmem:s7], [sflag:$0x1] =	stream.indirect_vreg.gather [hbm4b:s2+s3], $0x80, v17, vm0, $0xb8;
	[tilespmem:$0x1C300] =	vst v63  }
0xf0: {  	v16 =	vperm.xlane v16, v12  }
0xf1: {  	[tilespmem:s11], [sflag:$0x1] =	stream.indirect_vreg.gather [hbm4b:s8+s3], $0x80, v17, vm0, $0xb8;
	[tilespmem:$0x1C300] =	vst v63  }
0xf2: {  	v16 =	vadd.s32 v11, v16  }
0xf3: {  	[tilespmem:s15], [sflag:$0x1] =	stream.indirect_vreg.gather [hbm4b:s9+s3], $0x80, v17, vm0, $0xb8;
	[tilespmem:$0x1C300] =	vst v63  }
0xf4: {  	s11 =	simm.s32 $0x9B00  }
0xf5: {  	[tilespmem:s11], [sflag:$0x1] =	stream.indirect_vreg.gather [hbm4b:s10+s3], $0x80, v17, vm0, $0xb8;
	[tilespmem:$0x1C300] =	vst v63  }
0xf6: {  	_ = 	snop  }
0xf7: {  	[tilespmem:s14], [sflag:$0x1] =	stream.indirect_vreg.gather [hbm4b:s2+s3], $0x80, v16, vm0, $0xb8;
	[tilespmem:$0x1C300] =	vst v63  }
0xf8: {  	_ = 	snop  }
0xf9: {  	[tilespmem:s26], [sflag:$0x1] =	stream.indirect_vreg.gather [hbm4b:s8+s3], $0x80, v16, vm0, $0xb8;
	[tilespmem:$0x1C300] =	vst v63  }
0xfa: {  	_ = 	snop  }
0xfb: {  	[tilespmem:s5], [sflag:$0x1] =	stream.indirect_vreg.gather [hbm4b:s9+s3], $0x80, v16, vm0, $0xb8;
	[tilespmem:$0x1C300] =	vst v63  }
0xfc: {  	_ = 	snop  }
0xfd: {  	[tilespmem:s17], [sflag:$0x1] =	stream.indirect_vreg.gather [hbm4b:s10+s3], $0x80, v16, vm0, $0xb8;
	[tilespmem:$0x1C300] =	vst v63  }
0xfe: {  	_ =	swait.ge [sflag:s0], $0xC000  }
0xff: {  	[sflag:s0] =	ssyncset.done $0x0  }
0x100: {  	s4 =	smov.u32 s16;
	[sflag:s0] =	ssyncadd.s32 $0xFFFF4000  }
0x101: {  	[hbm4b:s4+s3] =	stream.linear.scatter [tilespmem:s24], [sflag:$0x3], $0xC000, $0x38;
	[tilespmem:$0x1C300] =	vst v63  }
0x102: {  	s16 =	smov.u32 s19  }
0x103: {  	[hbm4b:s16+s3] =	stream.linear.scatter [tilespmem:s24], [sflag:$0x3], $0xC000, $0x38;
	[tilespmem:$0x1C300] =	vst v63  }
0x104: {  	_ = 	snop  }
0x105: {  	[hbm4b:s12+s3] =	stream.linear.scatter [tilespmem:s24], [sflag:$0x3], $0xC000, $0x38;
	[tilespmem:$0x1C300] =	vst v63  }
0x106: {  	_ = 	snop  }
0x107: {  	[hbm4b:s18+s3] =	stream.linear.scatter [tilespmem:s24], [sflag:$0x3], $0xC000, $0x38;
	[tilespmem:$0x1C300] =	vst v63  }
0x108: {  	_ =	swait.ge [sflag:s0], $0x8000  }
0x109: {  	[sflag:s0] =	ssyncset.done $0x0  }
0x10a: {  	[sflag:s0] =	ssyncadd.s32 $0xFFFF8000  }
0x10b: {  	[hbm4b:s21+s3] =	stream.linear.scatter [tilespmem:s25], [sflag:$0x2], $0x8000, $0x38;
	[tilespmem:$0x1C300] =	vst v63  }
0x10c: {  	_ = 	snop  }
0x10d: {  	[hbm4b:s20+s3] =	stream.linear.scatter [tilespmem:s25], [sflag:$0x2], $0x8000, $0x38;
	[tilespmem:$0x1C300] =	vst v63  }
0x10e: {  	_ = 	snop  }
0x10f: {  	[hbm4b:s23+s3] =	stream.linear.scatter [tilespmem:s25], [sflag:$0x2], $0x8000, $0x38;
	[tilespmem:$0x1C300] =	vst v63  }
0x110: {  	s28 =	simm.s32 $0x3  }
0x111: {  	[hbm4b:s22+s3] =	stream.linear.scatter [tilespmem:s25], [sflag:$0x2], $0x8000, $0x38;
	[tilespmem:$0x1C300] =	vst v63  }
0x112: {  	_ =	swait.ge [sflag:s28], $0xC000  }
0x113: {  	[sflag:s28] =	ssyncset.done $0x0  }
0x114: {  	[sflag:s28] =	ssyncadd.s32 $0xFFFF4000  }
0x115: {  	_ =	swait.ge [sflag:s28], $0xC000  }
0x116: {  	[sflag:s28] =	ssyncset.done $0x0  }
0x117: {  	[sflag:s28] =	ssyncadd.s32 $0xFFFF4000  }
0x118: {  	_ =	swait.ge [sflag:s28], $0xC000  }
0x119: {  	[sflag:s28] =	ssyncset.done $0x0  }
0x11a: {  	[sflag:s28] =	ssyncadd.s32 $0xFFFF4000  }
0x11b: {  	_ =	swait.ge [sflag:s28], $0xC000  }
0x11c: {  	[sflag:s28] =	ssyncset.done $0x0  }
0x11d: {  	[sflag:s28] =	ssyncadd.s32 $0xFFFF4000  }
0x11e: {  	_ =	swait.ge [sflag:s13], $0x8000  }
0x11f: {  	[sflag:s13] =	ssyncset.done $0x0  }
0x120: {  	[sflag:s13] =	ssyncadd.s32 $0xFFFF8000  }
0x121: {  	_ =	swait.ge [sflag:s13], $0x8000  }
0x122: {  	[sflag:s13] =	ssyncset.done $0x0  }
0x123: {  	[sflag:s13] =	ssyncadd.s32 $0xFFFF8000  }
0x124: {  	_ =	swait.ge [sflag:s13], $0x8000  }
0x125: {  	[sflag:s13] =	ssyncset.done $0x0  }
0x126: {  	[sflag:s13] =	ssyncadd.s32 $0xFFFF8000  }
0x127: {  	_ =	swait.ge [sflag:s13], $0x8000  }
0x128: {  	[sflag:s13] =	ssyncset.done $0x0  }
0x129: {  	s29 =	simm.s32 $0x4;
	[sflag:s13] =	ssyncadd.s32 $0xFFFF8000  }
0x12a: {  	_ =	swait.ge [sflag:s29], $0x80  }
0x12b: {  	[sflag:s29] =	ssyncset.done $0x0  }
0x12c: {  	[sflag:s29] =	ssyncadd.s32 $0xFFFFFF80  }
0x12d: {  	_ =	swait.ge [sflag:s29], $0x80  }
0x12e: {  	[sflag:s29] =	ssyncset.done $0x0  }
0x12f: {  	[sflag:s29] =	ssyncadd.s32 $0xFFFFFF80  }
0x130: {  	_ =	swait.ge [sflag:s29], $0x80  }
0x131: {  	[sflag:s29] =	ssyncset.done $0x0  }
0x132: {  	[sflag:s29] =	ssyncadd.s32 $0xFFFFFF80  }
0x133: {  	_ =	swait.ge [sflag:s29], $0x80  }
0x134: {  	[sflag:s29] =	ssyncset.done $0x0  }
0x135: {  	[sflag:s29] =	ssyncadd.s32 $0xFFFFFF80  }
0x136: {  	v16 =	vld [tilespmem:$0x0]  }
0x137: {  	v17 =	vld [tilespmem:$0x10]  }
0x138: {  	v18 =	vld [tilespmem:$0x20]  }
0x139: {  	v19 =	vld [tilespmem:$0x30]  }
0x13a: {  	v20 =	vld [tilespmem:$0x40]  }
0x13b: {  	v21 =	vld [tilespmem:$0x50]  }
0x13c: {  	vm1 =	veq.s32 v16, $0x0;
	vm2 =	veq.s32 v17, $0x0;
	v17 =	vld [tilespmem:$0x60]  }
0x13d: {  	v22 =	vsel vm1, $0x1, v14;
	v23 =	vsel vm2, $0x2, v14;
	vm1 =	veq.s32 v18, $0x0;
	v18 =	vld [tilespmem:$0x70]  }
0x13e: {  	v22 =	vor.u32 v22, v23;
	v28 =	vsel vm1, $0x4, v14;
	vm1 =	veq.s32 v19, $0x0;
	v19 =	vld [tilespmem:$0x80]  }
0x13f: {  	v30 =	vld [tilespmem:$0x90];
	v22 =	vor.u32 v28, v22;
	v29 =	vsel vm1, $0x8, v14;
	vm1 =	veq.s32 v20, $0x0  }
0x140: {  	v32 =	vld [tilespmem:$0xA0];
	v22 =	vor.u32 v29, v22;
	v31 =	vsel vm1, $0x10, v14;
	vm1 =	veq.s32 v21, $0x0  }
0x141: {  	v22 =	vor.u32 v31, v22;
	v33 =	vsel vm1, $0x20, v14;
	vm1 =	veq.s32 v17, $0x0;
	v17 =	vld [tilespmem:$0xB0]  }
0x142: {  	v22 =	vor.u32 v33, v22;
	v34 =	vsel vm1, $0x40, v14;
	vm1 =	veq.s32 v18, $0x0;
	v18 =	vld [tilespmem:$0xC0]  }
0x143: {  	v22 =	vor.u32 v34, v22;
	v35 =	vsel vm1, $0x80, v14;
	vm1 =	veq.s32 v19, $0x0;
	v19 =	vld [tilespmem:$0xD0]  }
0x144: {  	v37 =	vld [tilespmem:$0xE0];
	v22 =	vor.u32 v35, v22;
	v36 =	vsel vm1, $0x100, v14;
	vm1 =	veq.s32 v30, $0x0  }
0x145: {  	v39 =	vld [tilespmem:$0xF0];
	v22 =	vor.u32 v36, v22;
	v38 =	vsel vm1, $0x200, v14;
	vm1 =	veq.s32 v32, $0x0  }
0x146: {  	v22 =	vor.u32 v38, v22;
	v40 =	vsel vm1, $0x400, v14;
	vm1 =	veq.s32 v17, $0x0;
	v17 =	vld [tilespmem:$0x100]  }
0x147: {  	v22 =	vor.u32 v40, v22;
	v41 =	vsel vm1, $0x800, v14;
	vm1 =	veq.s32 v18, $0x0;
	v18 =	vld [tilespmem:$0x110]  }
0x148: {  	v22 =	vor.u32 v41, v22;
	v42 =	vsel vm1, $0x1000, v14;
	vm1 =	veq.s32 v19, $0x0;
	v19 =	vld [tilespmem:$0x120]  }
0x149: {  	v44 =	vld [tilespmem:$0x130];
	v22 =	vor.u32 v42, v22;
	v43 =	vsel vm1, $0x2000, v14;
	vm1 =	veq.s32 v37, $0x0  }
0x14a: {  	v46 =	vld [tilespmem:$0x140];
	v22 =	vor.u32 v43, v22;
	v45 =	vsel vm1, $0x4000, v14;
	vm1 =	veq.s32 v39, $0x0  }
0x14b: {  	v22 =	vor.u32 v45, v22;
	v47 =	vsel vm1, $0x8000, v14;
	vm1 =	veq.s32 v17, $0x0;
	v17 =	vld [tilespmem:$0x150]  }
0x14c: {  	v22 =	vor.u32 v47, v22;
	v48 =	vsel vm1, $0x10000, v14;
	vm1 =	veq.s32 v18, $0x0;
	v18 =	vld [tilespmem:$0x160]  }
0x14d: {  	v22 =	vor.u32 v48, v22;
	v49 =	vsel vm1, $0x20000, v14;
	vm1 =	veq.s32 v19, $0x0;
	v19 =	vld [tilespmem:$0x170]  }
0x14e: {  	v51 =	vld [tilespmem:$0x180];
	v22 =	vor.u32 v49, v22;
	v50 =	vsel vm1, $0x40000, v14;
	vm1 =	veq.s32 v44, $0x0  }
0x14f: {  	v53 =	vld [tilespmem:$0x190];
	v22 =	vor.u32 v50, v22;
	v52 =	vsel vm1, $0x80000, v14;
	vm1 =	veq.s32 v46, $0x0  }
0x150: {  	v22 =	vor.u32 v52, v22;
	v54 =	vsel vm1, $0x100000, v14;
	vm1 =	veq.s32 v17, $0x0;
	v17 =	vld [tilespmem:$0x1A0]  }
0x151: {  	v22 =	vor.u32 v54, v22;
	v55 =	vsel vm1, $0x200000, v14;
	vm1 =	veq.s32 v18, $0x0;
	v18 =	vld [tilespmem:$0x1B0]  }
0x152: {  	v22 =	vor.u32 v55, v22;
	v56 =	vsel vm1, $0x400000, v14;
	vm1 =	veq.s32 v19, $0x0;
	v19 =	vld [tilespmem:$0x1C0]  }
0x153: {  	v58 =	vld [tilespmem:$0x1D0];
	v22 =	vor.u32 v56, v22;
	v57 =	vsel vm1, $0x800000, v14;
	vm1 =	veq.s32 v51, $0x0  }
0x154: {  	v60 =	vld [tilespmem:$0x1E0];
	v22 =	vor.u32 v57, v22;
	v59 =	vsel vm1, $0x1000000, v14;
	vm1 =	veq.s32 v53, $0x0  }
0x155: {  	v22 =	vor.u32 v59, v22;
	v61 =	vsel vm1, $0x2000000, v14;
	vm1 =	veq.s32 v17, $0x0;
	v17 =	vld [tilespmem:$0x1F0]  }
0x156: {  	v22 =	vor.u32 v61, v22;
	v62 =	vsel vm1, $0x4000000, v14;
	vm1 =	veq.s32 v18, $0x0  }
0x157: {  	v18 =	vor.u32 v62, v22;
	v63 =	vsel vm1, $0x8000000, v14;
	vm1 =	veq.s32 v19, $0x0  }
0x158: {  	v18 =	vor.u32 v63, v18;
	v19 =	vsel vm1, $0x10000000, v14;
	vm1 =	veq.s32 v58, $0x0  }
0x159: {  	v18 =	vor.u32 v19, v18;
	v19 =	vsel vm1, $0x20000000, v14;
	vm1 =	veq.s32 v60, $0x0  }
0x15a: {  	v18 =	vor.u32 v19, v18;
	v19 =	vsel vm1, $0x40000000, v14;
	vm1 =	veq.s32 v17, $0x0  }
0x15b: {  	v17 =	vor.u32 v19, v18;
	v18 =	vsel vm1, $0x80000000, v14  }
0x15c: {  	v17 =	vor.u32 v18, v17  }
0x15d: {  	v18 =	vperm.xlane v17, v8;
	_ =	sdelay $0x1  }
0x15e: {  	v17 =	vor.u32 v18, v17  }
0x15f: {  	v18 =	vperm.xlane v17, v9;
	_ =	sdelay $0x1  }
0x160: {  	v17 =	vor.u32 v18, v17  }
0x161: {  	v18 =	vperm.xlane v17, v13;
	_ =	sdelay $0x1  }
0x162: {  	v17 =	vor.u32 v18, v17  }
0x163: {  	v18 =	vperm.xlane v17, v15;
	_ =	sdelay $0x1  }
0x164: {  	v17 =	vor.u32 v18, v17  }
0x165: {  	(v2sf) =	vpush v17, $0x0;
	_ =	sdelay $0xe  }
0x166: {  	s6 =	spop (v2sf)  }
0x167: {  	p0 =	seq.s32 s6, $0x0  }
.Ltmp2:
0x168: {  	_ = 	snop;
	(pc) =	sbr.rel @p0 .LBB2_3-.Ltmp2, $2  }
0x169: {  	_ =	sdelay $0x2  }
0x16a: {  	s19 =	smov.u32 s21  }
0x16b: {  	s7 =	sand.u32 $0x1, s6  }
0x16c: {  	p0 =	seq.s32 s7, $0x0  }
0x16d: {  	vm1 =	veq.s32 @!p0 v16, $0x0  }
0x16e: {  	v16 =	vsel @!p0 vm1, $0x0, v0  }
0x16f: {  	v17 =	vshll.u32 @!p0 v16, $0x3  }
0x170: {  	v19 =	vlaneseq.u32 @!p0;
	v18 =	vand.u32 @!p0 $0x7, v16;
	v17 =	vand.u32 @!p0 $0xFFFFFFC0, v17  }
0x171: {  	v20 =	vshrl.u32 @!p0 v19, $0x3;
	v17 =	vor.u32 @!p0 v18, v17;
	v18 =	vand.u32 @!p0 $0x7, v19  }
0x172: {  	v20 =	vmul.u32 @!p0 $0x8, v20;
	v18 =	vperm.xlane @!p0 v17, v18;
	_ =	sdelay $0x1  }
0x173: {  	v18 =	vadd.s32 @!p0 v20, v18;
	_ =	sdelay $0x3  }
0x174: {  	s7 =	simm.s32 @!p0 $0x0;
	s28 =	simm.s32 @!p0 $0x300;
	vm1 =	vmmov @!p0 $0xffff;
	[tilespmem:$0x280] =	vst @!p0 v16  }
0x175: {  	v16 =	vor.u32 @!p0 $0x8, v19;
	[tilespmem:s28], [sflag:$0x4] =	stream.indirect_vreg.gather @!p0 [hbm4b:s2+s7], $0x80, v18, vm1, $0xb8;
	[tilespmem:$0x1C300] =	vst v63  }
0x176: {  	s29 =	simm.s32 @!p0 $0xB00;
	v16 =	vperm.xlane @!p0 v17, v16  }
0x177: {  	[tilespmem:s29], [sflag:$0x4] =	stream.indirect_vreg.gather @!p0 [hbm4b:s8+s7], $0x80, v18, vm1, $0xb8;
	[tilespmem:$0x1C300] =	vst v63  }
0x178: {  	v16 =	vadd.s32 @!p0 v20, v16;
	s29 =	simm.s32 @!p0 $0x1300  }
0x179: {  	[tilespmem:s29], [sflag:$0x4] =	stream.indirect_vreg.gather @!p0 [hbm4b:s9+s7], $0x80, v18, vm1, $0xb8;
	[tilespmem:$0x1C300] =	vst v63  }
0x17a: {  	s29 =	simm.s32 @!p0 $0x1B00  }
0x17b: {  	[tilespmem:s29], [sflag:$0x4] =	stream.indirect_vreg.gather @!p0 [hbm4b:s10+s7], $0x80, v18, vm1, $0xb8;
	[tilespmem:$0x1C300] =	vst v63  }
0x17c: {  	s29 =	simm.s32 @!p0 $0x2300  }
0x17d: {  	[tilespmem:s29], [sflag:$0x4] =	stream.indirect_vreg.gather @!p0 [hbm4b:s2+s7], $0x80, v16, vm1, $0xb8;
	[tilespmem:$0x1C300] =	vst v63  }
0x17e: {  	s29 =	simm.s32 @!p0 $0x2B00  }
0x17f: {  	[tilespmem:s29], [sflag:$0x4] =	stream.indirect_vreg.gather @!p0 [hbm4b:s8+s7], $0x80, v16, vm1, $0xb8;
	[tilespmem:$0x1C300] =	vst v63  }
0x180: {  	s29 =	simm.s32 @!p0 $0x3300  }
0x181: {  	[tilespmem:s29], [sflag:$0x4] =	stream.indirect_vreg.gather @!p0 [hbm4b:s9+s7], $0x80, v16, vm1, $0xb8;
	[tilespmem:$0x1C300] =	vst v63  }
0x182: {  	s29 =	simm.s32 @!p0 $0x3B00  }
0x183: {  	[tilespmem:s29], [sflag:$0x4] =	stream.indirect_vreg.gather @!p0 [hbm4b:s10+s7], $0x80, v16, vm1, $0xb8;
	[tilespmem:$0x1C300] =	vst v63  }
0x184: {  	s29 =	simm.s32 @!p0 $0x4  }
0x185: {  	_ =	swait.ge @!p0 [sflag:s29], $0x4000  }
0x186: {  	[sflag:s29] =	ssyncset.done @!p0 $0x0  }
0x187: {  	[sflag:s29] =	ssyncadd.s32 @!p0 $0xFFFFC000  }
0x188: {  	[hbm4b:s1+s7] =	stream.linear.scatter @!p0 [tilespmem:s28], [sflag:$0x5], $0x4000, $0x38;
	[tilespmem:$0x1C300] =	vst v63  }
0x189: {  	s7 =	simm.s32 @!p0 $0x5  }
0x18a: {  	_ =	swait.ge @!p0 [sflag:s7], $0x4000  }
0x18b: {  	s0 =	sand.u32 $0x2, s6;
	[sflag:s7] =	ssyncset.done @!p0 $0x0  }
0x18c: {  	[sflag:s7] =	ssyncadd.s32 @!p0 $0xFFFFC000;
	p0 =	seq.s32 s0, $0x0  }
0x18d: {  	v16 =	vld @!p0 [tilespmem:$0x10];
	_ =	sdelay $0x4  }
0x18e: {  	vm1 =	veq.s32 @!p0 v16, $0x0  }
0x18f: {  	v16 =	vsel @!p0 vm1, $0x0, v1  }
0x190: {  	v17 =	vshll.u32 @!p0 v16, $0x3  }
0x191: {  	v19 =	vlaneseq.u32 @!p0;
	v18 =	vand.u32 @!p0 $0x7, v16;
	v17 =	vand.u32 @!p0 $0xFFFFFFC0, v17  }
0x192: {  	v20 =	vshrl.u32 @!p0 v19, $0x3;
	v17 =	vor.u32 @!p0 v18, v17;
	v18 =	vand.u32 @!p0 $0x7, v19  }
0x193: {  	v20 =	vmul.u32 @!p0 $0x8, v20;
	v18 =	vperm.xlane @!p0 v17, v18;
	_ =	sdelay $0x1  }
0x194: {  	v18 =	vadd.s32 @!p0 v20, v18;
	_ =	sdelay $0x3  }
0x195: {  	s7 =	simm.s32 @!p0 $0x0;
	s28 =	simm.s32 @!p0 $0x300;
	vm1 =	vmmov @!p0 $0xffff;
	[tilespmem:$0x280] =	vst @!p0 v16  }
0x196: {  	v16 =	vor.u32 @!p0 $0x8, v19;
	[tilespmem:s28], [sflag:$0x4] =	stream.indirect_vreg.gather @!p0 [hbm4b:s2+s7], $0x80, v18, vm1, $0xb8;
	[tilespmem:$0x1C300] =	vst v63  }
0x197: {  	s29 =	simm.s32 @!p0 $0xB00;
	v16 =	vperm.xlane @!p0 v17, v16  }
0x198: {  	[tilespmem:s29], [sflag:$0x4] =	stream.indirect_vreg.gather @!p0 [hbm4b:s8+s7], $0x80, v18, vm1, $0xb8;
	[tilespmem:$0x1C300] =	vst v63  }
0x199: {  	v16 =	vadd.s32 @!p0 v20, v16;
	s29 =	simm.s32 @!p0 $0x1300  }
0x19a: {  	[tilespmem:s29], [sflag:$0x4] =	stream.indirect_vreg.gather @!p0 [hbm4b:s9+s7], $0x80, v18, vm1, $0xb8;
	[tilespmem:$0x1C300] =	vst v63  }
0x19b: {  	s29 =	simm.s32 @!p0 $0x1B00  }
0x19c: {  	[tilespmem:s29], [sflag:$0x4] =	stream.indirect_vreg.gather @!p0 [hbm4b:s10+s7], $0x80, v18, vm1, $0xb8;
	[tilespmem:$0x1C300] =	vst v63  }
0x19d: {  	s29 =	simm.s32 @!p0 $0x2300  }
0x19e: {  	[tilespmem:s29], [sflag:$0x4] =	stream.indirect_vreg.gather @!p0 [hbm4b:s2+s7], $0x80, v16, vm1, $0xb8;
	[tilespmem:$0x1C300] =	vst v63  }
0x19f: {  	s29 =	simm.s32 @!p0 $0x2B00  }
0x1a0: {  	[tilespmem:s29], [sflag:$0x4] =	stream.indirect_vreg.gather @!p0 [hbm4b:s8+s7], $0x80, v16, vm1, $0xb8;
	[tilespmem:$0x1C300] =	vst v63  }
0x1a1: {  	s29 =	simm.s32 @!p0 $0x3300  }
0x1a2: {  	[tilespmem:s29], [sflag:$0x4] =	stream.indirect_vreg.gather @!p0 [hbm4b:s9+s7], $0x80, v16, vm1, $0xb8;
	[tilespmem:$0x1C300] =	vst v63  }
0x1a3: {  	s29 =	simm.s32 @!p0 $0x3B00  }
0x1a4: {  	[tilespmem:s29], [sflag:$0x4] =	stream.indirect_vreg.gather @!p0 [hbm4b:s10+s7], $0x80, v16, vm1, $0xb8;
	[tilespmem:$0x1C300] =	vst v63  }
0x1a5: {  	s29 =	simm.s32 @!p0 $0x4  }
0x1a6: {  	_ =	swait.ge @!p0 [sflag:s29], $0x4000  }
0x1a7: {  	[sflag:s29] =	ssyncset.done @!p0 $0x0  }
0x1a8: {  	[sflag:s29] =	ssyncadd.s32 @!p0 $0xFFFFC000;
	s29 =	rddreg [dreg:$0x7]  }
0x1a9: {  	[hbm4b:s29+s7] =	stream.linear.scatter @!p0 [tilespmem:s28], [sflag:$0x5], $0x4000, $0x38;
	[tilespmem:$0x1C300] =	vst v63  }
0x1aa: {  	s7 =	simm.s32 @!p0 $0x5  }
0x1ab: {  	_ =	swait.ge @!p0 [sflag:s7], $0x4000  }
0x1ac: {  	s11 =	sand.u32 $0x4, s6;
	[sflag:s7] =	ssyncset.done @!p0 $0x0  }
0x1ad: {  	[sflag:s7] =	ssyncadd.s32 @!p0 $0xFFFFC000;
	p0 =	seq.s32 s11, $0x0  }
0x1ae: {  	v16 =	vld @!p0 [tilespmem:$0x20];
	_ =	sdelay $0x4  }
0x1af: {  	vm1 =	veq.s32 @!p0 v16, $0x0  }
0x1b0: {  	v16 =	vsel @!p0 vm1, $0x0, v2  }
0x1b1: {  	v17 =	vshll.u32 @!p0 v16, $0x3  }
0x1b2: {  	v19 =	vlaneseq.u32 @!p0;
	v18 =	vand.u32 @!p0 $0x7, v16;
	v17 =	vand.u32 @!p0 $0xFFFFFFC0, v17  }
0x1b3: {  	v20 =	vshrl.u32 @!p0 v19, $0x3;
	v17 =	vor.u32 @!p0 v18, v17;
	v18 =	vand.u32 @!p0 $0x7, v19  }
0x1b4: {  	v20 =	vmul.u32 @!p0 $0x8, v20;
	v18 =	vperm.xlane @!p0 v17, v18;
	_ =	sdelay $0x1  }
0x1b5: {  	v18 =	vadd.s32 @!p0 v20, v18;
	_ =	sdelay $0x3  }
0x1b6: {  	s7 =	simm.s32 @!p0 $0x0;
	s28 =	simm.s32 @!p0 $0x300;
	vm1 =	vmmov @!p0 $0xffff;
	[tilespmem:$0x280] =	vst @!p0 v16  }
0x1b7: {  	v16 =	vor.u32 @!p0 $0x8, v19;
	[tilespmem:s28], [sflag:$0x4] =	stream.indirect_vreg.gather @!p0 [hbm4b:s2+s7], $0x80, v18, vm1, $0xb8;
	[tilespmem:$0x1C300] =	vst v63  }
0x1b8: {  	s29 =	simm.s32 @!p0 $0xB00;
	v16 =	vperm.xlane @!p0 v17, v16  }
0x1b9: {  	[tilespmem:s29], [sflag:$0x4] =	stream.indirect_vreg.gather @!p0 [hbm4b:s8+s7], $0x80, v18, vm1, $0xb8;
	[tilespmem:$0x1C300] =	vst v63  }
0x1ba: {  	v16 =	vadd.s32 @!p0 v20, v16;
	s29 =	simm.s32 @!p0 $0x1300  }
0x1bb: {  	[tilespmem:s29], [sflag:$0x4] =	stream.indirect_vreg.gather @!p0 [hbm4b:s9+s7], $0x80, v18, vm1, $0xb8;
	[tilespmem:$0x1C300] =	vst v63  }
0x1bc: {  	s29 =	simm.s32 @!p0 $0x1B00  }
0x1bd: {  	[tilespmem:s29], [sflag:$0x4] =	stream.indirect_vreg.gather @!p0 [hbm4b:s10+s7], $0x80, v18, vm1, $0xb8;
	[tilespmem:$0x1C300] =	vst v63  }
0x1be: {  	s29 =	simm.s32 @!p0 $0x2300  }
0x1bf: {  	[tilespmem:s29], [sflag:$0x4] =	stream.indirect_vreg.gather @!p0 [hbm4b:s2+s7], $0x80, v16, vm1, $0xb8;
	[tilespmem:$0x1C300] =	vst v63  }
0x1c0: {  	s29 =	simm.s32 @!p0 $0x2B00  }
0x1c1: {  	[tilespmem:s29], [sflag:$0x4] =	stream.indirect_vreg.gather @!p0 [hbm4b:s8+s7], $0x80, v16, vm1, $0xb8;
	[tilespmem:$0x1C300] =	vst v63  }
0x1c2: {  	s29 =	simm.s32 @!p0 $0x3300  }
0x1c3: {  	[tilespmem:s29], [sflag:$0x4] =	stream.indirect_vreg.gather @!p0 [hbm4b:s9+s7], $0x80, v16, vm1, $0xb8;
	[tilespmem:$0x1C300] =	vst v63  }
0x1c4: {  	s29 =	simm.s32 @!p0 $0x3B00  }
0x1c5: {  	[tilespmem:s29], [sflag:$0x4] =	stream.indirect_vreg.gather @!p0 [hbm4b:s10+s7], $0x80, v16, vm1, $0xb8;
	[tilespmem:$0x1C300] =	vst v63  }
0x1c6: {  	s29 =	simm.s32 @!p0 $0x4  }
0x1c7: {  	_ =	swait.ge @!p0 [sflag:s29], $0x4000  }
0x1c8: {  	[sflag:s29] =	ssyncset.done @!p0 $0x0  }
0x1c9: {  	[sflag:s29] =	ssyncadd.s32 @!p0 $0xFFFFC000;
	s29 =	rddreg [dreg:$0x8]  }
0x1ca: {  	[hbm4b:s29+s7] =	stream.linear.scatter @!p0 [tilespmem:s28], [sflag:$0x5], $0x4000, $0x38;
	[tilespmem:$0x1C300] =	vst v63  }
0x1cb: {  	s7 =	simm.s32 @!p0 $0x5  }
0x1cc: {  	_ =	swait.ge @!p0 [sflag:s7], $0x4000  }
0x1cd: {  	s13 =	sand.u32 $0x8, s6;
	[sflag:s7] =	ssyncset.done @!p0 $0x0  }
0x1ce: {  	[sflag:s7] =	ssyncadd.s32 @!p0 $0xFFFFC000;
	p0 =	seq.s32 s13, $0x0  }
0x1cf: {  	v16 =	vld @!p0 [tilespmem:$0x30];
	_ =	sdelay $0x4  }
0x1d0: {  	vm1 =	veq.s32 @!p0 v16, $0x0  }
0x1d1: {  	v16 =	vsel @!p0 vm1, $0x0, v3  }
0x1d2: {  	v17 =	vshll.u32 @!p0 v16, $0x3  }
0x1d3: {  	v19 =	vlaneseq.u32 @!p0;
	v18 =	vand.u32 @!p0 $0x7, v16;
	v17 =	vand.u32 @!p0 $0xFFFFFFC0, v17  }
0x1d4: {  	v20 =	vshrl.u32 @!p0 v19, $0x3;
	v17 =	vor.u32 @!p0 v18, v17;
	v18 =	vand.u32 @!p0 $0x7, v19  }
0x1d5: {  	v20 =	vmul.u32 @!p0 $0x8, v20;
	v18 =	vperm.xlane @!p0 v17, v18;
	_ =	sdelay $0x1  }
0x1d6: {  	v18 =	vadd.s32 @!p0 v20, v18;
	_ =	sdelay $0x3  }
0x1d7: {  	s7 =	simm.s32 @!p0 $0x0;
	s28 =	simm.s32 @!p0 $0x300;
	vm1 =	vmmov @!p0 $0xffff;
	[tilespmem:$0x280] =	vst @!p0 v16  }
0x1d8: {  	v16 =	vor.u32 @!p0 $0x8, v19;
	[tilespmem:s28], [sflag:$0x4] =	stream.indirect_vreg.gather @!p0 [hbm4b:s2+s7], $0x80, v18, vm1, $0xb8;
	[tilespmem:$0x1C300] =	vst v63  }
0x1d9: {  	s29 =	simm.s32 @!p0 $0xB00;
	v16 =	vperm.xlane @!p0 v17, v16  }
0x1da: {  	[tilespmem:s29], [sflag:$0x4] =	stream.indirect_vreg.gather @!p0 [hbm4b:s8+s7], $0x80, v18, vm1, $0xb8;
	[tilespmem:$0x1C300] =	vst v63  }
0x1db: {  	v16 =	vadd.s32 @!p0 v20, v16;
	s29 =	simm.s32 @!p0 $0x1300  }
0x1dc: {  	[tilespmem:s29], [sflag:$0x4] =	stream.indirect_vreg.gather @!p0 [hbm4b:s9+s7], $0x80, v18, vm1, $0xb8;
	[tilespmem:$0x1C300] =	vst v63  }
0x1dd: {  	s29 =	simm.s32 @!p0 $0x1B00  }
0x1de: {  	[tilespmem:s29], [sflag:$0x4] =	stream.indirect_vreg.gather @!p0 [hbm4b:s10+s7], $0x80, v18, vm1, $0xb8;
	[tilespmem:$0x1C300] =	vst v63  }
0x1df: {  	s29 =	simm.s32 @!p0 $0x2300  }
0x1e0: {  	[tilespmem:s29], [sflag:$0x4] =	stream.indirect_vreg.gather @!p0 [hbm4b:s2+s7], $0x80, v16, vm1, $0xb8;
	[tilespmem:$0x1C300] =	vst v63  }
0x1e1: {  	s29 =	simm.s32 @!p0 $0x2B00  }
0x1e2: {  	[tilespmem:s29], [sflag:$0x4] =	stream.indirect_vreg.gather @!p0 [hbm4b:s8+s7], $0x80, v16, vm1, $0xb8;
	[tilespmem:$0x1C300] =	vst v63  }
0x1e3: {  	s29 =	simm.s32 @!p0 $0x3300  }
0x1e4: {  	[tilespmem:s29], [sflag:$0x4] =	stream.indirect_vreg.gather @!p0 [hbm4b:s9+s7], $0x80, v16, vm1, $0xb8;
	[tilespmem:$0x1C300] =	vst v63  }
0x1e5: {  	s29 =	simm.s32 @!p0 $0x3B00  }
0x1e6: {  	[tilespmem:s29], [sflag:$0x4] =	stream.indirect_vreg.gather @!p0 [hbm4b:s10+s7], $0x80, v16, vm1, $0xb8;
	[tilespmem:$0x1C300] =	vst v63  }
0x1e7: {  	s29 =	simm.s32 @!p0 $0x4  }
0x1e8: {  	_ =	swait.ge @!p0 [sflag:s29], $0x4000  }
0x1e9: {  	[sflag:s29] =	ssyncset.done @!p0 $0x0  }
0x1ea: {  	[sflag:s29] =	ssyncadd.s32 @!p0 $0xFFFFC000  }
0x1eb: {  	[hbm4b:s4+s7] =	stream.linear.scatter @!p0 [tilespmem:s28], [sflag:$0x5], $0x4000, $0x38;
	[tilespmem:$0x1C300] =	vst v63  }
0x1ec: {  	s7 =	simm.s32 @!p0 $0x5  }
0x1ed: {  	_ =	swait.ge @!p0 [sflag:s7], $0x4000  }
0x1ee: {  	s21 =	sand.u32 $0x10, s6;
	[sflag:s7] =	ssyncset.done @!p0 $0x0  }
0x1ef: {  	[sflag:s7] =	ssyncadd.s32 @!p0 $0xFFFFC000;
	p0 =	seq.s32 s21, $0x0  }
0x1f0: {  	v16 =	vld @!p0 [tilespmem:$0x40];
	_ =	sdelay $0x4  }
0x1f1: {  	vm1 =	veq.s32 @!p0 v16, $0x0  }
0x1f2: {  	v16 =	vsel @!p0 vm1, $0x0, v4  }
0x1f3: {  	v17 =	vshll.u32 @!p0 v16, $0x3  }
0x1f4: {  	v19 =	vlaneseq.u32 @!p0;
	v18 =	vand.u32 @!p0 $0x7, v16;
	v17 =	vand.u32 @!p0 $0xFFFFFFC0, v17  }
0x1f5: {  	v20 =	vshrl.u32 @!p0 v19, $0x3;
	v17 =	vor.u32 @!p0 v18, v17;
	v18 =	vand.u32 @!p0 $0x7, v19  }
0x1f6: {  	v20 =	vmul.u32 @!p0 $0x8, v20;
	v18 =	vperm.xlane @!p0 v17, v18;
	_ =	sdelay $0x1  }
0x1f7: {  	v18 =	vadd.s32 @!p0 v20, v18;
	_ =	sdelay $0x3  }
0x1f8: {  	s7 =	simm.s32 @!p0 $0x0;
	s28 =	simm.s32 @!p0 $0x300;
	vm1 =	vmmov @!p0 $0xffff;
	[tilespmem:$0x280] =	vst @!p0 v16  }
0x1f9: {  	v16 =	vor.u32 @!p0 $0x8, v19;
	[tilespmem:s28], [sflag:$0x4] =	stream.indirect_vreg.gather @!p0 [hbm4b:s2+s7], $0x80, v18, vm1, $0xb8;
	[tilespmem:$0x1C300] =	vst v63  }
0x1fa: {  	s29 =	simm.s32 @!p0 $0xB00;
	v16 =	vperm.xlane @!p0 v17, v16  }
0x1fb: {  	[tilespmem:s29], [sflag:$0x4] =	stream.indirect_vreg.gather @!p0 [hbm4b:s8+s7], $0x80, v18, vm1, $0xb8;
	[tilespmem:$0x1C300] =	vst v63  }
0x1fc: {  	v16 =	vadd.s32 @!p0 v20, v16;
	s29 =	simm.s32 @!p0 $0x1300  }
0x1fd: {  	[tilespmem:s29], [sflag:$0x4] =	stream.indirect_vreg.gather @!p0 [hbm4b:s9+s7], $0x80, v18, vm1, $0xb8;
	[tilespmem:$0x1C300] =	vst v63  }
0x1fe: {  	s29 =	simm.s32 @!p0 $0x1B00  }
0x1ff: {  	[tilespmem:s29], [sflag:$0x4] =	stream.indirect_vreg.gather @!p0 [hbm4b:s10+s7], $0x80, v18, vm1, $0xb8;
	[tilespmem:$0x1C300] =	vst v63  }
0x200: {  	s29 =	simm.s32 @!p0 $0x2300  }
0x201: {  	[tilespmem:s29], [sflag:$0x4] =	stream.indirect_vreg.gather @!p0 [hbm4b:s2+s7], $0x80, v16, vm1, $0xb8;
	[tilespmem:$0x1C300] =	vst v63  }
0x202: {  	s29 =	simm.s32 @!p0 $0x2B00  }
0x203: {  	[tilespmem:s29], [sflag:$0x4] =	stream.indirect_vreg.gather @!p0 [hbm4b:s8+s7], $0x80, v16, vm1, $0xb8;
	[tilespmem:$0x1C300] =	vst v63  }
0x204: {  	s29 =	simm.s32 @!p0 $0x3300  }
0x205: {  	[tilespmem:s29], [sflag:$0x4] =	stream.indirect_vreg.gather @!p0 [hbm4b:s9+s7], $0x80, v16, vm1, $0xb8;
	[tilespmem:$0x1C300] =	vst v63  }
0x206: {  	s29 =	simm.s32 @!p0 $0x3B00  }
0x207: {  	[tilespmem:s29], [sflag:$0x4] =	stream.indirect_vreg.gather @!p0 [hbm4b:s10+s7], $0x80, v16, vm1, $0xb8;
	[tilespmem:$0x1C300] =	vst v63  }
0x208: {  	s29 =	simm.s32 @!p0 $0x4  }
0x209: {  	_ =	swait.ge @!p0 [sflag:s29], $0x4000  }
0x20a: {  	[sflag:s29] =	ssyncset.done @!p0 $0x0  }
0x20b: {  	[sflag:s29] =	ssyncadd.s32 @!p0 $0xFFFFC000;
	s29 =	rddreg [dreg:$0x9]  }
0x20c: {  	[hbm4b:s29+s7] =	stream.linear.scatter @!p0 [tilespmem:s28], [sflag:$0x5], $0x4000, $0x38;
	[tilespmem:$0x1C300] =	vst v63  }
0x20d: {  	s7 =	simm.s32 @!p0 $0x5  }
0x20e: {  	_ =	swait.ge @!p0 [sflag:s7], $0x4000  }
0x20f: {  	s24 =	sand.u32 $0x20, s6;
	[sflag:s7] =	ssyncset.done @!p0 $0x0  }
0x210: {  	[sflag:s7] =	ssyncadd.s32 @!p0 $0xFFFFC000;
	p0 =	seq.s32 s24, $0x0  }
0x211: {  	v16 =	vld @!p0 [tilespmem:$0x50];
	_ =	sdelay $0x4  }
0x212: {  	vm1 =	veq.s32 @!p0 v16, $0x0  }
0x213: {  	v16 =	vsel @!p0 vm1, $0x0, v5  }
0x214: {  	v17 =	vshll.u32 @!p0 v16, $0x3  }
0x215: {  	v19 =	vlaneseq.u32 @!p0;
	v18 =	vand.u32 @!p0 $0x7, v16;
	v17 =	vand.u32 @!p0 $0xFFFFFFC0, v17  }
0x216: {  	v20 =	vshrl.u32 @!p0 v19, $0x3;
	v17 =	vor.u32 @!p0 v18, v17;
	v18 =	vand.u32 @!p0 $0x7, v19  }
0x217: {  	v20 =	vmul.u32 @!p0 $0x8, v20;
	v18 =	vperm.xlane @!p0 v17, v18;
	_ =	sdelay $0x1  }
0x218: {  	v18 =	vadd.s32 @!p0 v20, v18;
	_ =	sdelay $0x3  }
0x219: {  	s7 =	simm.s32 @!p0 $0x0;
	s28 =	simm.s32 @!p0 $0x300;
	vm1 =	vmmov @!p0 $0xffff;
	[tilespmem:$0x280] =	vst @!p0 v16  }
0x21a: {  	v16 =	vor.u32 @!p0 $0x8, v19;
	[tilespmem:s28], [sflag:$0x4] =	stream.indirect_vreg.gather @!p0 [hbm4b:s2+s7], $0x80, v18, vm1, $0xb8;
	[tilespmem:$0x1C300] =	vst v63  }
0x21b: {  	s29 =	simm.s32 @!p0 $0xB00;
	v16 =	vperm.xlane @!p0 v17, v16  }
0x21c: {  	[tilespmem:s29], [sflag:$0x4] =	stream.indirect_vreg.gather @!p0 [hbm4b:s8+s7], $0x80, v18, vm1, $0xb8;
	[tilespmem:$0x1C300] =	vst v63  }
0x21d: {  	v16 =	vadd.s32 @!p0 v20, v16;
	s29 =	simm.s32 @!p0 $0x1300  }
0x21e: {  	[tilespmem:s29], [sflag:$0x4] =	stream.indirect_vreg.gather @!p0 [hbm4b:s9+s7], $0x80, v18, vm1, $0xb8;
	[tilespmem:$0x1C300] =	vst v63  }
0x21f: {  	s29 =	simm.s32 @!p0 $0x1B00  }
0x220: {  	[tilespmem:s29], [sflag:$0x4] =	stream.indirect_vreg.gather @!p0 [hbm4b:s10+s7], $0x80, v18, vm1, $0xb8;
	[tilespmem:$0x1C300] =	vst v63  }
0x221: {  	s29 =	simm.s32 @!p0 $0x2300  }
0x222: {  	[tilespmem:s29], [sflag:$0x4] =	stream.indirect_vreg.gather @!p0 [hbm4b:s2+s7], $0x80, v16, vm1, $0xb8;
	[tilespmem:$0x1C300] =	vst v63  }
0x223: {  	s29 =	simm.s32 @!p0 $0x2B00  }
0x224: {  	[tilespmem:s29], [sflag:$0x4] =	stream.indirect_vreg.gather @!p0 [hbm4b:s8+s7], $0x80, v16, vm1, $0xb8;
	[tilespmem:$0x1C300] =	vst v63  }
0x225: {  	s29 =	simm.s32 @!p0 $0x3300  }
0x226: {  	[tilespmem:s29], [sflag:$0x4] =	stream.indirect_vreg.gather @!p0 [hbm4b:s9+s7], $0x80, v16, vm1, $0xb8;
	[tilespmem:$0x1C300] =	vst v63  }
0x227: {  	s29 =	simm.s32 @!p0 $0x3B00  }
0x228: {  	[tilespmem:s29], [sflag:$0x4] =	stream.indirect_vreg.gather @!p0 [hbm4b:s10+s7], $0x80, v16, vm1, $0xb8;
	[tilespmem:$0x1C300] =	vst v63  }
0x229: {  	s29 =	simm.s32 @!p0 $0x4  }
0x22a: {  	_ =	swait.ge @!p0 [sflag:s29], $0x4000  }
0x22b: {  	[sflag:s29] =	ssyncset.done @!p0 $0x0  }
0x22c: {  	[sflag:s29] =	ssyncadd.s32 @!p0 $0xFFFFC000;
	s29 =	rddreg [dreg:$0xa]  }
0x22d: {  	[hbm4b:s29+s7] =	stream.linear.scatter @!p0 [tilespmem:s28], [sflag:$0x5], $0x4000, $0x38;
	[tilespmem:$0x1C300] =	vst v63  }
0x22e: {  	s7 =	simm.s32 @!p0 $0x5  }
0x22f: {  	_ =	swait.ge @!p0 [sflag:s7], $0x4000  }
0x230: {  	s29 =	sand.u32 $0x40, s6;
	[sflag:s7] =	ssyncset.done @!p0 $0x0  }
0x231: {  	[sflag:s7] =	ssyncadd.s32 @!p0 $0xFFFFC000;
	p0 =	seq.s32 s29, $0x0  }
0x232: {  	v16 =	vld @!p0 [tilespmem:$0x60];
	_ =	sdelay $0x4  }
0x233: {  	vm1 =	veq.s32 @!p0 v16, $0x0  }
0x234: {  	v16 =	vsel @!p0 vm1, $0x0, v6  }
0x235: {  	v17 =	vshll.u32 @!p0 v16, $0x3  }
0x236: {  	v19 =	vlaneseq.u32 @!p0;
	v18 =	vand.u32 @!p0 $0x7, v16;
	v17 =	vand.u32 @!p0 $0xFFFFFFC0, v17  }
0x237: {  	v20 =	vshrl.u32 @!p0 v19, $0x3;
	v17 =	vor.u32 @!p0 v18, v17;
	v18 =	vand.u32 @!p0 $0x7, v19  }
0x238: {  	v20 =	vmul.u32 @!p0 $0x8, v20;
	v18 =	vperm.xlane @!p0 v17, v18;
	_ =	sdelay $0x1  }
0x239: {  	v18 =	vadd.s32 @!p0 v20, v18;
	_ =	sdelay $0x3  }
0x23a: {  	s7 =	simm.s32 @!p0 $0x0;
	s28 =	simm.s32 @!p0 $0x300;
	vm1 =	vmmov @!p0 $0xffff;
	[tilespmem:$0x280] =	vst @!p0 v16  }
0x23b: {  	v16 =	vor.u32 @!p0 $0x8, v19;
	[tilespmem:s28], [sflag:$0x4] =	stream.indirect_vreg.gather @!p0 [hbm4b:s2+s7], $0x80, v18, vm1, $0xb8;
	[tilespmem:$0x1C300] =	vst v63  }
0x23c: {  	s29 =	simm.s32 @!p0 $0xB00;
	v16 =	vperm.xlane @!p0 v17, v16  }
0x23d: {  	[tilespmem:s29], [sflag:$0x4] =	stream.indirect_vreg.gather @!p0 [hbm4b:s8+s7], $0x80, v18, vm1, $0xb8;
	[tilespmem:$0x1C300] =	vst v63  }
0x23e: {  	v16 =	vadd.s32 @!p0 v20, v16;
	s29 =	simm.s32 @!p0 $0x1300  }
0x23f: {  	[tilespmem:s29], [sflag:$0x4] =	stream.indirect_vreg.gather @!p0 [hbm4b:s9+s7], $0x80, v18, vm1, $0xb8;
	[tilespmem:$0x1C300] =	vst v63  }
0x240: {  	s29 =	simm.s32 @!p0 $0x1B00  }
0x241: {  	[tilespmem:s29], [sflag:$0x4] =	stream.indirect_vreg.gather @!p0 [hbm4b:s10+s7], $0x80, v18, vm1, $0xb8;
	[tilespmem:$0x1C300] =	vst v63  }
0x242: {  	s29 =	simm.s32 @!p0 $0x2300  }
0x243: {  	[tilespmem:s29], [sflag:$0x4] =	stream.indirect_vreg.gather @!p0 [hbm4b:s2+s7], $0x80, v16, vm1, $0xb8;
	[tilespmem:$0x1C300] =	vst v63  }
0x244: {  	s29 =	simm.s32 @!p0 $0x2B00  }
0x245: {  	[tilespmem:s29], [sflag:$0x4] =	stream.indirect_vreg.gather @!p0 [hbm4b:s8+s7], $0x80, v16, vm1, $0xb8;
	[tilespmem:$0x1C300] =	vst v63  }
0x246: {  	s29 =	simm.s32 @!p0 $0x3300  }
0x247: {  	[tilespmem:s29], [sflag:$0x4] =	stream.indirect_vreg.gather @!p0 [hbm4b:s9+s7], $0x80, v16, vm1, $0xb8;
	[tilespmem:$0x1C300] =	vst v63  }
0x248: {  	s29 =	simm.s32 @!p0 $0x3B00  }
0x249: {  	[tilespmem:s29], [sflag:$0x4] =	stream.indirect_vreg.gather @!p0 [hbm4b:s10+s7], $0x80, v16, vm1, $0xb8;
	[tilespmem:$0x1C300] =	vst v63  }
0x24a: {  	s29 =	simm.s32 @!p0 $0x4  }
0x24b: {  	_ =	swait.ge @!p0 [sflag:s29], $0x4000  }
0x24c: {  	[sflag:s29] =	ssyncset.done @!p0 $0x0  }
0x24d: {  	[sflag:s29] =	ssyncadd.s32 @!p0 $0xFFFFC000  }
0x24e: {  	[hbm4b:s19+s7] =	stream.linear.scatter @!p0 [tilespmem:s28], [sflag:$0x5], $0x4000, $0x38;
	[tilespmem:$0x1C300] =	vst v63  }
0x24f: {  	s7 =	simm.s32 @!p0 $0x5  }
0x250: {  	_ =	swait.ge @!p0 [sflag:s7], $0x4000  }
0x251: {  	s0 =	sand.u32 $0x80, s6;
	[sflag:s7] =	ssyncset.done @!p0 $0x0  }
0x252: {  	[sflag:s7] =	ssyncadd.s32 @!p0 $0xFFFFC000;
	p0 =	seq.s32 s0, $0x0  }
0x253: {  	v16 =	vld @!p0 [tilespmem:$0x70];
	_ =	sdelay $0x4  }
0x254: {  	vm1 =	veq.s32 @!p0 v16, $0x0  }
0x255: {  	v16 =	vsel @!p0 vm1, $0x0, v7  }
0x256: {  	v17 =	vshll.u32 @!p0 v16, $0x3  }
0x257: {  	v19 =	vlaneseq.u32 @!p0;
	v18 =	vand.u32 @!p0 $0x7, v16;
	v17 =	vand.u32 @!p0 $0xFFFFFFC0, v17  }
0x258: {  	v20 =	vshrl.u32 @!p0 v19, $0x3;
	v17 =	vor.u32 @!p0 v18, v17;
	v18 =	vand.u32 @!p0 $0x7, v19  }
0x259: {  	v20 =	vmul.u32 @!p0 $0x8, v20;
	v18 =	vperm.xlane @!p0 v17, v18;
	_ =	sdelay $0x1  }
0x25a: {  	v18 =	vadd.s32 @!p0 v20, v18;
	_ =	sdelay $0x3  }
0x25b: {  	s7 =	simm.s32 @!p0 $0x0;
	s28 =	simm.s32 @!p0 $0x300;
	vm1 =	vmmov @!p0 $0xffff;
	[tilespmem:$0x280] =	vst @!p0 v16  }
0x25c: {  	v16 =	vor.u32 @!p0 $0x8, v19;
	[tilespmem:s28], [sflag:$0x4] =	stream.indirect_vreg.gather @!p0 [hbm4b:s2+s7], $0x80, v18, vm1, $0xb8;
	[tilespmem:$0x1C300] =	vst v63  }
0x25d: {  	s29 =	simm.s32 @!p0 $0xB00;
	v16 =	vperm.xlane @!p0 v17, v16  }
0x25e: {  	[tilespmem:s29], [sflag:$0x4] =	stream.indirect_vreg.gather @!p0 [hbm4b:s8+s7], $0x80, v18, vm1, $0xb8;
	[tilespmem:$0x1C300] =	vst v63  }
0x25f: {  	v16 =	vadd.s32 @!p0 v20, v16;
	s29 =	simm.s32 @!p0 $0x1300  }
0x260: {  	[tilespmem:s29], [sflag:$0x4] =	stream.indirect_vreg.gather @!p0 [hbm4b:s9+s7], $0x80, v18, vm1, $0xb8;
	[tilespmem:$0x1C300] =	vst v63  }
0x261: {  	s29 =	simm.s32 @!p0 $0x1B00  }
0x262: {  	[tilespmem:s29], [sflag:$0x4] =	stream.indirect_vreg.gather @!p0 [hbm4b:s10+s7], $0x80, v18, vm1, $0xb8;
	[tilespmem:$0x1C300] =	vst v63  }
0x263: {  	s29 =	simm.s32 @!p0 $0x2300  }
0x264: {  	[tilespmem:s29], [sflag:$0x4] =	stream.indirect_vreg.gather @!p0 [hbm4b:s2+s7], $0x80, v16, vm1, $0xb8;
	[tilespmem:$0x1C300] =	vst v63  }
0x265: {  	s29 =	simm.s32 @!p0 $0x2B00  }
0x266: {  	[tilespmem:s29], [sflag:$0x4] =	stream.indirect_vreg.gather @!p0 [hbm4b:s8+s7], $0x80, v16, vm1, $0xb8;
	[tilespmem:$0x1C300] =	vst v63  }
0x267: {  	s29 =	simm.s32 @!p0 $0x3300  }
0x268: {  	[tilespmem:s29], [sflag:$0x4] =	stream.indirect_vreg.gather @!p0 [hbm4b:s9+s7], $0x80, v16, vm1, $0xb8;
	[tilespmem:$0x1C300] =	vst v63  }
0x269: {  	s29 =	simm.s32 @!p0 $0x3B00  }
0x26a: {  	[tilespmem:s29], [sflag:$0x4] =	stream.indirect_vreg.gather @!p0 [hbm4b:s10+s7], $0x80, v16, vm1, $0xb8;
	[tilespmem:$0x1C300] =	vst v63  }
0x26b: {  	s29 =	simm.s32 @!p0 $0x4  }
0x26c: {  	_ =	swait.ge @!p0 [sflag:s29], $0x4000  }
0x26d: {  	[sflag:s29] =	ssyncset.done @!p0 $0x0  }
0x26e: {  	[sflag:s29] =	ssyncadd.s32 @!p0 $0xFFFFC000;
	s29 =	rddreg [dreg:$0x13]  }
0x26f: {  	[hbm4b:s29+s7] =	stream.linear.scatter @!p0 [tilespmem:s28], [sflag:$0x5], $0x4000, $0x38;
	[tilespmem:$0x1C300] =	vst v63  }
0x270: {  	s7 =	simm.s32 @!p0 $0x5  }
0x271: {  	_ =	swait.ge @!p0 [sflag:s7], $0x4000  }
0x272: {  	s11 =	sand.u32 $0x100, s6;
	[sflag:s7] =	ssyncset.done @!p0 $0x0  }
0x273: {  	[sflag:s7] =	ssyncadd.s32 @!p0 $0xFFFFC000;
	p0 =	seq.s32 s11, $0x0  }
0x274: {  	v16 =	vld @!p0 [tilespmem:$0x80];
	_ =	sdelay $0x4  }
0x275: {  	vm1 =	veq.s32 @!p0 v16, $0x0  }
0x276: {  	v16 =	vsel @!p0 vm1, $0x0, v0  }
0x277: {  	v17 =	vshll.u32 @!p0 v16, $0x3  }
0x278: {  	v19 =	vlaneseq.u32 @!p0;
	v18 =	vand.u32 @!p0 $0x7, v16;
	v17 =	vand.u32 @!p0 $0xFFFFFFC0, v17  }
0x279: {  	v20 =	vshrl.u32 @!p0 v19, $0x3;
	v17 =	vor.u32 @!p0 v18, v17;
	v18 =	vand.u32 @!p0 $0x7, v19  }
0x27a: {  	v20 =	vmul.u32 @!p0 $0x8, v20;
	v18 =	vperm.xlane @!p0 v17, v18;
	_ =	sdelay $0x1  }
0x27b: {  	v18 =	vadd.s32 @!p0 v20, v18;
	_ =	sdelay $0x3  }
0x27c: {  	s7 =	simm.s32 @!p0 $0x0;
	s28 =	simm.s32 @!p0 $0x300;
	vm1 =	vmmov @!p0 $0xffff;
	[tilespmem:$0x280] =	vst @!p0 v16  }
0x27d: {  	v16 =	vor.u32 @!p0 $0x8, v19;
	[tilespmem:s28], [sflag:$0x4] =	stream.indirect_vreg.gather @!p0 [hbm4b:s2+s7], $0x80, v18, vm1, $0xb8;
	[tilespmem:$0x1C300] =	vst v63  }
0x27e: {  	s29 =	simm.s32 @!p0 $0xB00;
	v16 =	vperm.xlane @!p0 v17, v16  }
0x27f: {  	[tilespmem:s29], [sflag:$0x4] =	stream.indirect_vreg.gather @!p0 [hbm4b:s8+s7], $0x80, v18, vm1, $0xb8;
	[tilespmem:$0x1C300] =	vst v63  }
0x280: {  	v16 =	vadd.s32 @!p0 v20, v16;
	s29 =	simm.s32 @!p0 $0x1300  }
0x281: {  	[tilespmem:s29], [sflag:$0x4] =	stream.indirect_vreg.gather @!p0 [hbm4b:s9+s7], $0x80, v18, vm1, $0xb8;
	[tilespmem:$0x1C300] =	vst v63  }
0x282: {  	s29 =	simm.s32 @!p0 $0x1B00  }
0x283: {  	[tilespmem:s29], [sflag:$0x4] =	stream.indirect_vreg.gather @!p0 [hbm4b:s10+s7], $0x80, v18, vm1, $0xb8;
	[tilespmem:$0x1C300] =	vst v63  }
0x284: {  	s29 =	simm.s32 @!p0 $0x2300  }
0x285: {  	[tilespmem:s29], [sflag:$0x4] =	stream.indirect_vreg.gather @!p0 [hbm4b:s2+s7], $0x80, v16, vm1, $0xb8;
	[tilespmem:$0x1C300] =	vst v63  }
0x286: {  	s29 =	simm.s32 @!p0 $0x2B00  }
0x287: {  	[tilespmem:s29], [sflag:$0x4] =	stream.indirect_vreg.gather @!p0 [hbm4b:s8+s7], $0x80, v16, vm1, $0xb8;
	[tilespmem:$0x1C300] =	vst v63  }
0x288: {  	s29 =	simm.s32 @!p0 $0x3300  }
0x289: {  	[tilespmem:s29], [sflag:$0x4] =	stream.indirect_vreg.gather @!p0 [hbm4b:s9+s7], $0x80, v16, vm1, $0xb8;
	[tilespmem:$0x1C300] =	vst v63  }
0x28a: {  	s29 =	simm.s32 @!p0 $0x3B00  }
0x28b: {  	[tilespmem:s29], [sflag:$0x4] =	stream.indirect_vreg.gather @!p0 [hbm4b:s10+s7], $0x80, v16, vm1, $0xb8;
	[tilespmem:$0x1C300] =	vst v63  }
0x28c: {  	s29 =	simm.s32 @!p0 $0x4  }
0x28d: {  	_ =	swait.ge @!p0 [sflag:s29], $0x4000  }
0x28e: {  	[sflag:s29] =	ssyncset.done @!p0 $0x0  }
0x28f: {  	s0 =	rddreg [dreg:$0x1c];
	[sflag:s29] =	ssyncadd.s32 @!p0 $0xFFFFC000  }
0x290: {  	[hbm4b:s0+s7] =	stream.linear.scatter @!p0 [tilespmem:s28], [sflag:$0x5], $0x4000, $0x38;
	[tilespmem:$0x1C300] =	vst v63  }
0x291: {  	s7 =	simm.s32 @!p0 $0x5  }
0x292: {  	_ =	swait.ge @!p0 [sflag:s7], $0x4000  }
0x293: {  	s13 =	sand.u32 $0x200, s6;
	[sflag:s7] =	ssyncset.done @!p0 $0x0  }
0x294: {  	[sflag:s7] =	ssyncadd.s32 @!p0 $0xFFFFC000;
	p0 =	seq.s32 s13, $0x0  }
0x295: {  	v16 =	vld @!p0 [tilespmem:$0x90];
	_ =	sdelay $0x4  }
0x296: {  	vm1 =	veq.s32 @!p0 v16, $0x0  }
0x297: {  	v16 =	vsel @!p0 vm1, $0x0, v1  }
0x298: {  	v17 =	vshll.u32 @!p0 v16, $0x3  }
0x299: {  	v19 =	vlaneseq.u32 @!p0;
	v18 =	vand.u32 @!p0 $0x7, v16;
	v17 =	vand.u32 @!p0 $0xFFFFFFC0, v17  }
0x29a: {  	v20 =	vshrl.u32 @!p0 v19, $0x3;
	v17 =	vor.u32 @!p0 v18, v17;
	v18 =	vand.u32 @!p0 $0x7, v19  }
0x29b: {  	v20 =	vmul.u32 @!p0 $0x8, v20;
	v18 =	vperm.xlane @!p0 v17, v18;
	_ =	sdelay $0x1  }
0x29c: {  	v18 =	vadd.s32 @!p0 v20, v18;
	_ =	sdelay $0x3  }
0x29d: {  	s7 =	simm.s32 @!p0 $0x0;
	s28 =	simm.s32 @!p0 $0x300;
	vm1 =	vmmov @!p0 $0xffff;
	[tilespmem:$0x280] =	vst @!p0 v16  }
0x29e: {  	v16 =	vor.u32 @!p0 $0x8, v19;
	[tilespmem:s28], [sflag:$0x4] =	stream.indirect_vreg.gather @!p0 [hbm4b:s2+s7], $0x80, v18, vm1, $0xb8;
	[tilespmem:$0x1C300] =	vst v63  }
0x29f: {  	s29 =	simm.s32 @!p0 $0xB00;
	v16 =	vperm.xlane @!p0 v17, v16  }
0x2a0: {  	[tilespmem:s29], [sflag:$0x4] =	stream.indirect_vreg.gather @!p0 [hbm4b:s8+s7], $0x80, v18, vm1, $0xb8;
	[tilespmem:$0x1C300] =	vst v63  }
0x2a1: {  	v16 =	vadd.s32 @!p0 v20, v16;
	s29 =	simm.s32 @!p0 $0x1300  }
0x2a2: {  	[tilespmem:s29], [sflag:$0x4] =	stream.indirect_vreg.gather @!p0 [hbm4b:s9+s7], $0x80, v18, vm1, $0xb8;
	[tilespmem:$0x1C300] =	vst v63  }
0x2a3: {  	s29 =	simm.s32 @!p0 $0x1B00  }
0x2a4: {  	[tilespmem:s29], [sflag:$0x4] =	stream.indirect_vreg.gather @!p0 [hbm4b:s10+s7], $0x80, v18, vm1, $0xb8;
	[tilespmem:$0x1C300] =	vst v63  }
0x2a5: {  	s29 =	simm.s32 @!p0 $0x2300  }
0x2a6: {  	[tilespmem:s29], [sflag:$0x4] =	stream.indirect_vreg.gather @!p0 [hbm4b:s2+s7], $0x80, v16, vm1, $0xb8;
	[tilespmem:$0x1C300] =	vst v63  }
0x2a7: {  	s29 =	simm.s32 @!p0 $0x2B00  }
0x2a8: {  	[tilespmem:s29], [sflag:$0x4] =	stream.indirect_vreg.gather @!p0 [hbm4b:s8+s7], $0x80, v16, vm1, $0xb8;
	[tilespmem:$0x1C300] =	vst v63  }
0x2a9: {  	s29 =	simm.s32 @!p0 $0x3300  }
0x2aa: {  	[tilespmem:s29], [sflag:$0x4] =	stream.indirect_vreg.gather @!p0 [hbm4b:s9+s7], $0x80, v16, vm1, $0xb8;
	[tilespmem:$0x1C300] =	vst v63  }
0x2ab: {  	s29 =	simm.s32 @!p0 $0x3B00  }
0x2ac: {  	[tilespmem:s29], [sflag:$0x4] =	stream.indirect_vreg.gather @!p0 [hbm4b:s10+s7], $0x80, v16, vm1, $0xb8;
	[tilespmem:$0x1C300] =	vst v63  }
0x2ad: {  	s29 =	simm.s32 @!p0 $0x4  }
0x2ae: {  	_ =	swait.ge @!p0 [sflag:s29], $0x4000  }
0x2af: {  	[sflag:s29] =	ssyncset.done @!p0 $0x0  }
0x2b0: {  	[sflag:s29] =	ssyncadd.s32 @!p0 $0xFFFFC000;
	s29 =	rddreg [dreg:$0xb]  }
0x2b1: {  	[hbm4b:s29+s7] =	stream.linear.scatter @!p0 [tilespmem:s28], [sflag:$0x5], $0x4000, $0x38;
	[tilespmem:$0x1C300] =	vst v63  }
0x2b2: {  	s7 =	simm.s32 @!p0 $0x5  }
0x2b3: {  	_ =	swait.ge @!p0 [sflag:s7], $0x4000  }
0x2b4: {  	s21 =	sand.u32 $0x400, s6;
	[sflag:s7] =	ssyncset.done @!p0 $0x0  }
0x2b5: {  	[sflag:s7] =	ssyncadd.s32 @!p0 $0xFFFFC000;
	p0 =	seq.s32 s21, $0x0  }
0x2b6: {  	v16 =	vld @!p0 [tilespmem:$0xA0];
	_ =	sdelay $0x4  }
0x2b7: {  	vm1 =	veq.s32 @!p0 v16, $0x0  }
0x2b8: {  	v16 =	vsel @!p0 vm1, $0x0, v2  }
0x2b9: {  	v17 =	vshll.u32 @!p0 v16, $0x3  }
0x2ba: {  	v19 =	vlaneseq.u32 @!p0;
	v18 =	vand.u32 @!p0 $0x7, v16;
	v17 =	vand.u32 @!p0 $0xFFFFFFC0, v17  }
0x2bb: {  	v20 =	vshrl.u32 @!p0 v19, $0x3;
	v17 =	vor.u32 @!p0 v18, v17;
	v18 =	vand.u32 @!p0 $0x7, v19  }
0x2bc: {  	v20 =	vmul.u32 @!p0 $0x8, v20;
	v18 =	vperm.xlane @!p0 v17, v18;
	_ =	sdelay $0x1  }
0x2bd: {  	v18 =	vadd.s32 @!p0 v20, v18;
	_ =	sdelay $0x3  }
0x2be: {  	s7 =	simm.s32 @!p0 $0x0;
	s28 =	simm.s32 @!p0 $0x300;
	vm1 =	vmmov @!p0 $0xffff;
	[tilespmem:$0x280] =	vst @!p0 v16  }
0x2bf: {  	v16 =	vor.u32 @!p0 $0x8, v19;
	[tilespmem:s28], [sflag:$0x4] =	stream.indirect_vreg.gather @!p0 [hbm4b:s2+s7], $0x80, v18, vm1, $0xb8;
	[tilespmem:$0x1C300] =	vst v63  }
0x2c0: {  	s29 =	simm.s32 @!p0 $0xB00;
	v16 =	vperm.xlane @!p0 v17, v16  }
0x2c1: {  	[tilespmem:s29], [sflag:$0x4] =	stream.indirect_vreg.gather @!p0 [hbm4b:s8+s7], $0x80, v18, vm1, $0xb8;
	[tilespmem:$0x1C300] =	vst v63  }
0x2c2: {  	v16 =	vadd.s32 @!p0 v20, v16;
	s29 =	simm.s32 @!p0 $0x1300  }
0x2c3: {  	[tilespmem:s29], [sflag:$0x4] =	stream.indirect_vreg.gather @!p0 [hbm4b:s9+s7], $0x80, v18, vm1, $0xb8;
	[tilespmem:$0x1C300] =	vst v63  }
0x2c4: {  	s29 =	simm.s32 @!p0 $0x1B00  }
0x2c5: {  	[tilespmem:s29], [sflag:$0x4] =	stream.indirect_vreg.gather @!p0 [hbm4b:s10+s7], $0x80, v18, vm1, $0xb8;
	[tilespmem:$0x1C300] =	vst v63  }
0x2c6: {  	s29 =	simm.s32 @!p0 $0x2300  }
0x2c7: {  	[tilespmem:s29], [sflag:$0x4] =	stream.indirect_vreg.gather @!p0 [hbm4b:s2+s7], $0x80, v16, vm1, $0xb8;
	[tilespmem:$0x1C300] =	vst v63  }
0x2c8: {  	s29 =	simm.s32 @!p0 $0x2B00  }
0x2c9: {  	[tilespmem:s29], [sflag:$0x4] =	stream.indirect_vreg.gather @!p0 [hbm4b:s8+s7], $0x80, v16, vm1, $0xb8;
	[tilespmem:$0x1C300] =	vst v63  }
0x2ca: {  	s29 =	simm.s32 @!p0 $0x3300  }
0x2cb: {  	[tilespmem:s29], [sflag:$0x4] =	stream.indirect_vreg.gather @!p0 [hbm4b:s9+s7], $0x80, v16, vm1, $0xb8;
	[tilespmem:$0x1C300] =	vst v63  }
0x2cc: {  	s29 =	simm.s32 @!p0 $0x3B00  }
0x2cd: {  	[tilespmem:s29], [sflag:$0x4] =	stream.indirect_vreg.gather @!p0 [hbm4b:s10+s7], $0x80, v16, vm1, $0xb8;
	[tilespmem:$0x1C300] =	vst v63  }
0x2ce: {  	s29 =	simm.s32 @!p0 $0x4  }
0x2cf: {  	_ =	swait.ge @!p0 [sflag:s29], $0x4000  }
0x2d0: {  	[sflag:s29] =	ssyncset.done @!p0 $0x0  }
0x2d1: {  	[sflag:s29] =	ssyncadd.s32 @!p0 $0xFFFFC000;
	s29 =	rddreg [dreg:$0xc]  }
0x2d2: {  	[hbm4b:s29+s7] =	stream.linear.scatter @!p0 [tilespmem:s28], [sflag:$0x5], $0x4000, $0x38;
	[tilespmem:$0x1C300] =	vst v63  }
0x2d3: {  	s7 =	simm.s32 @!p0 $0x5  }
0x2d4: {  	_ =	swait.ge @!p0 [sflag:s7], $0x4000  }
0x2d5: {  	s24 =	sand.u32 $0x800, s6;
	[sflag:s7] =	ssyncset.done @!p0 $0x0  }
0x2d6: {  	[sflag:s7] =	ssyncadd.s32 @!p0 $0xFFFFC000;
	p0 =	seq.s32 s24, $0x0  }
0x2d7: {  	v16 =	vld @!p0 [tilespmem:$0xB0];
	_ =	sdelay $0x4  }
0x2d8: {  	vm1 =	veq.s32 @!p0 v16, $0x0  }
0x2d9: {  	v16 =	vsel @!p0 vm1, $0x0, v3  }
0x2da: {  	v17 =	vshll.u32 @!p0 v16, $0x3  }
0x2db: {  	v19 =	vlaneseq.u32 @!p0;
	v18 =	vand.u32 @!p0 $0x7, v16;
	v17 =	vand.u32 @!p0 $0xFFFFFFC0, v17  }
0x2dc: {  	v20 =	vshrl.u32 @!p0 v19, $0x3;
	v17 =	vor.u32 @!p0 v18, v17;
	v18 =	vand.u32 @!p0 $0x7, v19  }
0x2dd: {  	v20 =	vmul.u32 @!p0 $0x8, v20;
	v18 =	vperm.xlane @!p0 v17, v18;
	_ =	sdelay $0x1  }
0x2de: {  	v18 =	vadd.s32 @!p0 v20, v18;
	_ =	sdelay $0x3  }
0x2df: {  	s7 =	simm.s32 @!p0 $0x0;
	s28 =	simm.s32 @!p0 $0x300;
	vm1 =	vmmov @!p0 $0xffff;
	[tilespmem:$0x280] =	vst @!p0 v16  }
0x2e0: {  	v16 =	vor.u32 @!p0 $0x8, v19;
	[tilespmem:s28], [sflag:$0x4] =	stream.indirect_vreg.gather @!p0 [hbm4b:s2+s7], $0x80, v18, vm1, $0xb8;
	[tilespmem:$0x1C300] =	vst v63  }
0x2e1: {  	s29 =	simm.s32 @!p0 $0xB00;
	v16 =	vperm.xlane @!p0 v17, v16  }
0x2e2: {  	[tilespmem:s29], [sflag:$0x4] =	stream.indirect_vreg.gather @!p0 [hbm4b:s8+s7], $0x80, v18, vm1, $0xb8;
	[tilespmem:$0x1C300] =	vst v63  }
0x2e3: {  	v16 =	vadd.s32 @!p0 v20, v16;
	s29 =	simm.s32 @!p0 $0x1300  }
0x2e4: {  	[tilespmem:s29], [sflag:$0x4] =	stream.indirect_vreg.gather @!p0 [hbm4b:s9+s7], $0x80, v18, vm1, $0xb8;
	[tilespmem:$0x1C300] =	vst v63  }
0x2e5: {  	s29 =	simm.s32 @!p0 $0x1B00  }
0x2e6: {  	[tilespmem:s29], [sflag:$0x4] =	stream.indirect_vreg.gather @!p0 [hbm4b:s10+s7], $0x80, v18, vm1, $0xb8;
	[tilespmem:$0x1C300] =	vst v63  }
0x2e7: {  	s29 =	simm.s32 @!p0 $0x2300  }
0x2e8: {  	[tilespmem:s29], [sflag:$0x4] =	stream.indirect_vreg.gather @!p0 [hbm4b:s2+s7], $0x80, v16, vm1, $0xb8;
	[tilespmem:$0x1C300] =	vst v63  }
0x2e9: {  	s29 =	simm.s32 @!p0 $0x2B00  }
0x2ea: {  	[tilespmem:s29], [sflag:$0x4] =	stream.indirect_vreg.gather @!p0 [hbm4b:s8+s7], $0x80, v16, vm1, $0xb8;
	[tilespmem:$0x1C300] =	vst v63  }
0x2eb: {  	s29 =	simm.s32 @!p0 $0x3300  }
0x2ec: {  	[tilespmem:s29], [sflag:$0x4] =	stream.indirect_vreg.gather @!p0 [hbm4b:s9+s7], $0x80, v16, vm1, $0xb8;
	[tilespmem:$0x1C300] =	vst v63  }
0x2ed: {  	s29 =	simm.s32 @!p0 $0x3B00  }
0x2ee: {  	[tilespmem:s29], [sflag:$0x4] =	stream.indirect_vreg.gather @!p0 [hbm4b:s10+s7], $0x80, v16, vm1, $0xb8;
	[tilespmem:$0x1C300] =	vst v63  }
0x2ef: {  	s29 =	simm.s32 @!p0 $0x4  }
0x2f0: {  	_ =	swait.ge @!p0 [sflag:s29], $0x4000  }
0x2f1: {  	[sflag:s29] =	ssyncset.done @!p0 $0x0  }
0x2f2: {  	[sflag:s29] =	ssyncadd.s32 @!p0 $0xFFFFC000  }
0x2f3: {  	[hbm4b:s16+s7] =	stream.linear.scatter @!p0 [tilespmem:s28], [sflag:$0x5], $0x4000, $0x38;
	[tilespmem:$0x1C300] =	vst v63  }
0x2f4: {  	s7 =	simm.s32 @!p0 $0x5  }
0x2f5: {  	_ =	swait.ge @!p0 [sflag:s7], $0x4000  }
0x2f6: {  	s29 =	sand.u32 $0x1000, s6;
	[sflag:s7] =	ssyncset.done @!p0 $0x0  }
0x2f7: {  	[sflag:s7] =	ssyncadd.s32 @!p0 $0xFFFFC000;
	p0 =	seq.s32 s29, $0x0  }
0x2f8: {  	v16 =	vld @!p0 [tilespmem:$0xC0];
	_ =	sdelay $0x4  }
0x2f9: {  	vm1 =	veq.s32 @!p0 v16, $0x0  }
0x2fa: {  	v16 =	vsel @!p0 vm1, $0x0, v4  }
0x2fb: {  	v17 =	vshll.u32 @!p0 v16, $0x3  }
0x2fc: {  	v19 =	vlaneseq.u32 @!p0;
	v18 =	vand.u32 @!p0 $0x7, v16;
	v17 =	vand.u32 @!p0 $0xFFFFFFC0, v17  }
0x2fd: {  	v20 =	vshrl.u32 @!p0 v19, $0x3;
	v17 =	vor.u32 @!p0 v18, v17;
	v18 =	vand.u32 @!p0 $0x7, v19  }
0x2fe: {  	v20 =	vmul.u32 @!p0 $0x8, v20;
	v18 =	vperm.xlane @!p0 v17, v18;
	_ =	sdelay $0x1  }
0x2ff: {  	v18 =	vadd.s32 @!p0 v20, v18;
	_ =	sdelay $0x3  }
0x300: {  	s7 =	simm.s32 @!p0 $0x0;
	s28 =	simm.s32 @!p0 $0x300;
	vm1 =	vmmov @!p0 $0xffff;
	[tilespmem:$0x280] =	vst @!p0 v16  }
0x301: {  	v16 =	vor.u32 @!p0 $0x8, v19;
	[tilespmem:s28], [sflag:$0x4] =	stream.indirect_vreg.gather @!p0 [hbm4b:s2+s7], $0x80, v18, vm1, $0xb8;
	[tilespmem:$0x1C300] =	vst v63  }
0x302: {  	s29 =	simm.s32 @!p0 $0xB00;
	v16 =	vperm.xlane @!p0 v17, v16  }
0x303: {  	[tilespmem:s29], [sflag:$0x4] =	stream.indirect_vreg.gather @!p0 [hbm4b:s8+s7], $0x80, v18, vm1, $0xb8;
	[tilespmem:$0x1C300] =	vst v63  }
0x304: {  	v16 =	vadd.s32 @!p0 v20, v16;
	s29 =	simm.s32 @!p0 $0x1300  }
0x305: {  	[tilespmem:s29], [sflag:$0x4] =	stream.indirect_vreg.gather @!p0 [hbm4b:s9+s7], $0x80, v18, vm1, $0xb8;
	[tilespmem:$0x1C300] =	vst v63  }
0x306: {  	s29 =	simm.s32 @!p0 $0x1B00  }
0x307: {  	[tilespmem:s29], [sflag:$0x4] =	stream.indirect_vreg.gather @!p0 [hbm4b:s10+s7], $0x80, v18, vm1, $0xb8;
	[tilespmem:$0x1C300] =	vst v63  }
0x308: {  	s29 =	simm.s32 @!p0 $0x2300  }
0x309: {  	[tilespmem:s29], [sflag:$0x4] =	stream.indirect_vreg.gather @!p0 [hbm4b:s2+s7], $0x80, v16, vm1, $0xb8;
	[tilespmem:$0x1C300] =	vst v63  }
0x30a: {  	s29 =	simm.s32 @!p0 $0x2B00  }
0x30b: {  	[tilespmem:s29], [sflag:$0x4] =	stream.indirect_vreg.gather @!p0 [hbm4b:s8+s7], $0x80, v16, vm1, $0xb8;
	[tilespmem:$0x1C300] =	vst v63  }
0x30c: {  	s29 =	simm.s32 @!p0 $0x3300  }
0x30d: {  	[tilespmem:s29], [sflag:$0x4] =	stream.indirect_vreg.gather @!p0 [hbm4b:s9+s7], $0x80, v16, vm1, $0xb8;
	[tilespmem:$0x1C300] =	vst v63  }
0x30e: {  	s29 =	simm.s32 @!p0 $0x3B00  }
0x30f: {  	[tilespmem:s29], [sflag:$0x4] =	stream.indirect_vreg.gather @!p0 [hbm4b:s10+s7], $0x80, v16, vm1, $0xb8;
	[tilespmem:$0x1C300] =	vst v63  }
0x310: {  	s29 =	simm.s32 @!p0 $0x4  }
0x311: {  	_ =	swait.ge @!p0 [sflag:s29], $0x4000  }
0x312: {  	[sflag:s29] =	ssyncset.done @!p0 $0x0  }
0x313: {  	[sflag:s29] =	ssyncadd.s32 @!p0 $0xFFFFC000;
	s29 =	rddreg [dreg:$0xd]  }
0x314: {  	[hbm4b:s29+s7] =	stream.linear.scatter @!p0 [tilespmem:s28], [sflag:$0x5], $0x4000, $0x38;
	[tilespmem:$0x1C300] =	vst v63  }
0x315: {  	s7 =	simm.s32 @!p0 $0x5  }
0x316: {  	_ =	swait.ge @!p0 [sflag:s7], $0x4000  }
0x317: {  	s0 =	sand.u32 $0x2000, s6;
	[sflag:s7] =	ssyncset.done @!p0 $0x0  }
0x318: {  	[sflag:s7] =	ssyncadd.s32 @!p0 $0xFFFFC000;
	p0 =	seq.s32 s0, $0x0  }
0x319: {  	v16 =	vld @!p0 [tilespmem:$0xD0];
	_ =	sdelay $0x4  }
0x31a: {  	vm1 =	veq.s32 @!p0 v16, $0x0  }
0x31b: {  	v16 =	vsel @!p0 vm1, $0x0, v5  }
0x31c: {  	v17 =	vshll.u32 @!p0 v16, $0x3  }
0x31d: {  	v19 =	vlaneseq.u32 @!p0;
	v18 =	vand.u32 @!p0 $0x7, v16;
	v17 =	vand.u32 @!p0 $0xFFFFFFC0, v17  }
0x31e: {  	v20 =	vshrl.u32 @!p0 v19, $0x3;
	v17 =	vor.u32 @!p0 v18, v17;
	v18 =	vand.u32 @!p0 $0x7, v19  }
0x31f: {  	v20 =	vmul.u32 @!p0 $0x8, v20;
	v18 =	vperm.xlane @!p0 v17, v18;
	_ =	sdelay $0x1  }
0x320: {  	v18 =	vadd.s32 @!p0 v20, v18;
	_ =	sdelay $0x3  }
0x321: {  	s7 =	simm.s32 @!p0 $0x0;
	s28 =	simm.s32 @!p0 $0x300;
	vm1 =	vmmov @!p0 $0xffff;
	[tilespmem:$0x280] =	vst @!p0 v16  }
0x322: {  	v16 =	vor.u32 @!p0 $0x8, v19;
	[tilespmem:s28], [sflag:$0x4] =	stream.indirect_vreg.gather @!p0 [hbm4b:s2+s7], $0x80, v18, vm1, $0xb8;
	[tilespmem:$0x1C300] =	vst v63  }
0x323: {  	s29 =	simm.s32 @!p0 $0xB00;
	v16 =	vperm.xlane @!p0 v17, v16  }
0x324: {  	[tilespmem:s29], [sflag:$0x4] =	stream.indirect_vreg.gather @!p0 [hbm4b:s8+s7], $0x80, v18, vm1, $0xb8;
	[tilespmem:$0x1C300] =	vst v63  }
0x325: {  	v16 =	vadd.s32 @!p0 v20, v16;
	s29 =	simm.s32 @!p0 $0x1300  }
0x326: {  	[tilespmem:s29], [sflag:$0x4] =	stream.indirect_vreg.gather @!p0 [hbm4b:s9+s7], $0x80, v18, vm1, $0xb8;
	[tilespmem:$0x1C300] =	vst v63  }
0x327: {  	s29 =	simm.s32 @!p0 $0x1B00  }
0x328: {  	[tilespmem:s29], [sflag:$0x4] =	stream.indirect_vreg.gather @!p0 [hbm4b:s10+s7], $0x80, v18, vm1, $0xb8;
	[tilespmem:$0x1C300] =	vst v63  }
0x329: {  	s29 =	simm.s32 @!p0 $0x2300  }
0x32a: {  	[tilespmem:s29], [sflag:$0x4] =	stream.indirect_vreg.gather @!p0 [hbm4b:s2+s7], $0x80, v16, vm1, $0xb8;
	[tilespmem:$0x1C300] =	vst v63  }
0x32b: {  	s29 =	simm.s32 @!p0 $0x2B00  }
0x32c: {  	[tilespmem:s29], [sflag:$0x4] =	stream.indirect_vreg.gather @!p0 [hbm4b:s8+s7], $0x80, v16, vm1, $0xb8;
	[tilespmem:$0x1C300] =	vst v63  }
0x32d: {  	s29 =	simm.s32 @!p0 $0x3300  }
0x32e: {  	[tilespmem:s29], [sflag:$0x4] =	stream.indirect_vreg.gather @!p0 [hbm4b:s9+s7], $0x80, v16, vm1, $0xb8;
	[tilespmem:$0x1C300] =	vst v63  }
0x32f: {  	s29 =	simm.s32 @!p0 $0x3B00  }
0x330: {  	[tilespmem:s29], [sflag:$0x4] =	stream.indirect_vreg.gather @!p0 [hbm4b:s10+s7], $0x80, v16, vm1, $0xb8;
	[tilespmem:$0x1C300] =	vst v63  }
0x331: {  	s29 =	simm.s32 @!p0 $0x4  }
0x332: {  	_ =	swait.ge @!p0 [sflag:s29], $0x4000  }
0x333: {  	[sflag:s29] =	ssyncset.done @!p0 $0x0  }
0x334: {  	[sflag:s29] =	ssyncadd.s32 @!p0 $0xFFFFC000;
	s29 =	rddreg [dreg:$0xe]  }
0x335: {  	[hbm4b:s29+s7] =	stream.linear.scatter @!p0 [tilespmem:s28], [sflag:$0x5], $0x4000, $0x38;
	[tilespmem:$0x1C300] =	vst v63  }
0x336: {  	s7 =	simm.s32 @!p0 $0x5  }
0x337: {  	_ =	swait.ge @!p0 [sflag:s7], $0x4000  }
0x338: {  	s11 =	sand.u32 $0x4000, s6;
	[sflag:s7] =	ssyncset.done @!p0 $0x0  }
0x339: {  	[sflag:s7] =	ssyncadd.s32 @!p0 $0xFFFFC000;
	p0 =	seq.s32 s11, $0x0  }
0x33a: {  	v16 =	vld @!p0 [tilespmem:$0xE0];
	_ =	sdelay $0x4  }
0x33b: {  	vm1 =	veq.s32 @!p0 v16, $0x0  }
0x33c: {  	v16 =	vsel @!p0 vm1, $0x0, v6  }
0x33d: {  	v17 =	vshll.u32 @!p0 v16, $0x3  }
0x33e: {  	v19 =	vlaneseq.u32 @!p0;
	v18 =	vand.u32 @!p0 $0x7, v16;
	v17 =	vand.u32 @!p0 $0xFFFFFFC0, v17  }
0x33f: {  	v20 =	vshrl.u32 @!p0 v19, $0x3;
	v17 =	vor.u32 @!p0 v18, v17;
	v18 =	vand.u32 @!p0 $0x7, v19  }
0x340: {  	v20 =	vmul.u32 @!p0 $0x8, v20;
	v18 =	vperm.xlane @!p0 v17, v18;
	_ =	sdelay $0x1  }
0x341: {  	v18 =	vadd.s32 @!p0 v20, v18;
	_ =	sdelay $0x3  }
0x342: {  	s7 =	simm.s32 @!p0 $0x0;
	s28 =	simm.s32 @!p0 $0x300;
	vm1 =	vmmov @!p0 $0xffff;
	[tilespmem:$0x280] =	vst @!p0 v16  }
0x343: {  	v16 =	vor.u32 @!p0 $0x8, v19;
	[tilespmem:s28], [sflag:$0x4] =	stream.indirect_vreg.gather @!p0 [hbm4b:s2+s7], $0x80, v18, vm1, $0xb8;
	[tilespmem:$0x1C300] =	vst v63  }
0x344: {  	s29 =	simm.s32 @!p0 $0xB00;
	v16 =	vperm.xlane @!p0 v17, v16  }
0x345: {  	[tilespmem:s29], [sflag:$0x4] =	stream.indirect_vreg.gather @!p0 [hbm4b:s8+s7], $0x80, v18, vm1, $0xb8;
	[tilespmem:$0x1C300] =	vst v63  }
0x346: {  	v16 =	vadd.s32 @!p0 v20, v16;
	s29 =	simm.s32 @!p0 $0x1300  }
0x347: {  	[tilespmem:s29], [sflag:$0x4] =	stream.indirect_vreg.gather @!p0 [hbm4b:s9+s7], $0x80, v18, vm1, $0xb8;
	[tilespmem:$0x1C300] =	vst v63  }
0x348: {  	s29 =	simm.s32 @!p0 $0x1B00  }
0x349: {  	[tilespmem:s29], [sflag:$0x4] =	stream.indirect_vreg.gather @!p0 [hbm4b:s10+s7], $0x80, v18, vm1, $0xb8;
	[tilespmem:$0x1C300] =	vst v63  }
0x34a: {  	s29 =	simm.s32 @!p0 $0x2300  }
0x34b: {  	[tilespmem:s29], [sflag:$0x4] =	stream.indirect_vreg.gather @!p0 [hbm4b:s2+s7], $0x80, v16, vm1, $0xb8;
	[tilespmem:$0x1C300] =	vst v63  }
0x34c: {  	s29 =	simm.s32 @!p0 $0x2B00  }
0x34d: {  	[tilespmem:s29], [sflag:$0x4] =	stream.indirect_vreg.gather @!p0 [hbm4b:s8+s7], $0x80, v16, vm1, $0xb8;
	[tilespmem:$0x1C300] =	vst v63  }
0x34e: {  	s29 =	simm.s32 @!p0 $0x3300  }
0x34f: {  	[tilespmem:s29], [sflag:$0x4] =	stream.indirect_vreg.gather @!p0 [hbm4b:s9+s7], $0x80, v16, vm1, $0xb8;
	[tilespmem:$0x1C300] =	vst v63  }
0x350: {  	s29 =	simm.s32 @!p0 $0x3B00  }
0x351: {  	[tilespmem:s29], [sflag:$0x4] =	stream.indirect_vreg.gather @!p0 [hbm4b:s10+s7], $0x80, v16, vm1, $0xb8;
	[tilespmem:$0x1C300] =	vst v63  }
0x352: {  	s29 =	simm.s32 @!p0 $0x4  }
0x353: {  	_ =	swait.ge @!p0 [sflag:s29], $0x4000  }
0x354: {  	[sflag:s29] =	ssyncset.done @!p0 $0x0  }
0x355: {  	[sflag:s29] =	ssyncadd.s32 @!p0 $0xFFFFC000  }
0x356: {  	[hbm4b:s20+s7] =	stream.linear.scatter @!p0 [tilespmem:s28], [sflag:$0x5], $0x4000, $0x38;
	[tilespmem:$0x1C300] =	vst v63  }
0x357: {  	s7 =	simm.s32 @!p0 $0x5  }
0x358: {  	_ =	swait.ge @!p0 [sflag:s7], $0x4000  }
0x359: {  	s13 =	sand.u32 $0x8000, s6;
	[sflag:s7] =	ssyncset.done @!p0 $0x0  }
0x35a: {  	[sflag:s7] =	ssyncadd.s32 @!p0 $0xFFFFC000;
	p0 =	seq.s32 s13, $0x0  }
0x35b: {  	v16 =	vld @!p0 [tilespmem:$0xF0];
	_ =	sdelay $0x4  }
0x35c: {  	vm1 =	veq.s32 @!p0 v16, $0x0  }
0x35d: {  	v16 =	vsel @!p0 vm1, $0x0, v7  }
0x35e: {  	v17 =	vshll.u32 @!p0 v16, $0x3  }
0x35f: {  	v19 =	vlaneseq.u32 @!p0;
	v18 =	vand.u32 @!p0 $0x7, v16;
	v17 =	vand.u32 @!p0 $0xFFFFFFC0, v17  }
0x360: {  	v20 =	vshrl.u32 @!p0 v19, $0x3;
	v17 =	vor.u32 @!p0 v18, v17;
	v18 =	vand.u32 @!p0 $0x7, v19  }
0x361: {  	v20 =	vmul.u32 @!p0 $0x8, v20;
	v18 =	vperm.xlane @!p0 v17, v18;
	_ =	sdelay $0x1  }
0x362: {  	v18 =	vadd.s32 @!p0 v20, v18;
	_ =	sdelay $0x3  }
0x363: {  	s7 =	simm.s32 @!p0 $0x0;
	s28 =	simm.s32 @!p0 $0x300;
	vm1 =	vmmov @!p0 $0xffff;
	[tilespmem:$0x280] =	vst @!p0 v16  }
0x364: {  	v16 =	vor.u32 @!p0 $0x8, v19;
	[tilespmem:s28], [sflag:$0x4] =	stream.indirect_vreg.gather @!p0 [hbm4b:s2+s7], $0x80, v18, vm1, $0xb8;
	[tilespmem:$0x1C300] =	vst v63  }
0x365: {  	s29 =	simm.s32 @!p0 $0xB00;
	v16 =	vperm.xlane @!p0 v17, v16  }
0x366: {  	[tilespmem:s29], [sflag:$0x4] =	stream.indirect_vreg.gather @!p0 [hbm4b:s8+s7], $0x80, v18, vm1, $0xb8;
	[tilespmem:$0x1C300] =	vst v63  }
0x367: {  	v16 =	vadd.s32 @!p0 v20, v16;
	s29 =	simm.s32 @!p0 $0x1300  }
0x368: {  	[tilespmem:s29], [sflag:$0x4] =	stream.indirect_vreg.gather @!p0 [hbm4b:s9+s7], $0x80, v18, vm1, $0xb8;
	[tilespmem:$0x1C300] =	vst v63  }
0x369: {  	s29 =	simm.s32 @!p0 $0x1B00  }
0x36a: {  	[tilespmem:s29], [sflag:$0x4] =	stream.indirect_vreg.gather @!p0 [hbm4b:s10+s7], $0x80, v18, vm1, $0xb8;
	[tilespmem:$0x1C300] =	vst v63  }
0x36b: {  	s29 =	simm.s32 @!p0 $0x2300  }
0x36c: {  	[tilespmem:s29], [sflag:$0x4] =	stream.indirect_vreg.gather @!p0 [hbm4b:s2+s7], $0x80, v16, vm1, $0xb8;
	[tilespmem:$0x1C300] =	vst v63  }
0x36d: {  	s29 =	simm.s32 @!p0 $0x2B00  }
0x36e: {  	[tilespmem:s29], [sflag:$0x4] =	stream.indirect_vreg.gather @!p0 [hbm4b:s8+s7], $0x80, v16, vm1, $0xb8;
	[tilespmem:$0x1C300] =	vst v63  }
0x36f: {  	s29 =	simm.s32 @!p0 $0x3300  }
0x370: {  	[tilespmem:s29], [sflag:$0x4] =	stream.indirect_vreg.gather @!p0 [hbm4b:s9+s7], $0x80, v16, vm1, $0xb8;
	[tilespmem:$0x1C300] =	vst v63  }
0x371: {  	s29 =	simm.s32 @!p0 $0x3B00  }
0x372: {  	[tilespmem:s29], [sflag:$0x4] =	stream.indirect_vreg.gather @!p0 [hbm4b:s10+s7], $0x80, v16, vm1, $0xb8;
	[tilespmem:$0x1C300] =	vst v63  }
0x373: {  	s29 =	simm.s32 @!p0 $0x4  }
0x374: {  	_ =	swait.ge @!p0 [sflag:s29], $0x4000  }
0x375: {  	[sflag:s29] =	ssyncset.done @!p0 $0x0  }
0x376: {  	[sflag:s29] =	ssyncadd.s32 @!p0 $0xFFFFC000;
	s29 =	rddreg [dreg:$0xf]  }
0x377: {  	[hbm4b:s29+s7] =	stream.linear.scatter @!p0 [tilespmem:s28], [sflag:$0x5], $0x4000, $0x38;
	[tilespmem:$0x1C300] =	vst v63  }
0x378: {  	s7 =	simm.s32 @!p0 $0x5  }
0x379: {  	_ =	swait.ge @!p0 [sflag:s7], $0x4000  }
0x37a: {  	s21 =	sand.u32 $0x10000, s6;
	[sflag:s7] =	ssyncset.done @!p0 $0x0  }
0x37b: {  	[sflag:s7] =	ssyncadd.s32 @!p0 $0xFFFFC000;
	p0 =	seq.s32 s21, $0x0  }
0x37c: {  	v16 =	vld @!p0 [tilespmem:$0x100];
	_ =	sdelay $0x4  }
0x37d: {  	vm1 =	veq.s32 @!p0 v16, $0x0  }
0x37e: {  	v16 =	vsel @!p0 vm1, $0x0, v0  }
0x37f: {  	v17 =	vshll.u32 @!p0 v16, $0x3  }
0x380: {  	v19 =	vlaneseq.u32 @!p0;
	v18 =	vand.u32 @!p0 $0x7, v16;
	v17 =	vand.u32 @!p0 $0xFFFFFFC0, v17  }
0x381: {  	v20 =	vshrl.u32 @!p0 v19, $0x3;
	v17 =	vor.u32 @!p0 v18, v17;
	v18 =	vand.u32 @!p0 $0x7, v19  }
0x382: {  	v20 =	vmul.u32 @!p0 $0x8, v20;
	v18 =	vperm.xlane @!p0 v17, v18;
	_ =	sdelay $0x1  }
0x383: {  	v18 =	vadd.s32 @!p0 v20, v18;
	_ =	sdelay $0x3  }
0x384: {  	s7 =	simm.s32 @!p0 $0x0;
	s28 =	simm.s32 @!p0 $0x300;
	vm1 =	vmmov @!p0 $0xffff;
	[tilespmem:$0x280] =	vst @!p0 v16  }
0x385: {  	v16 =	vor.u32 @!p0 $0x8, v19;
	[tilespmem:s28], [sflag:$0x4] =	stream.indirect_vreg.gather @!p0 [hbm4b:s2+s7], $0x80, v18, vm1, $0xb8;
	[tilespmem:$0x1C300] =	vst v63  }
0x386: {  	s29 =	simm.s32 @!p0 $0xB00;
	v16 =	vperm.xlane @!p0 v17, v16  }
0x387: {  	[tilespmem:s29], [sflag:$0x4] =	stream.indirect_vreg.gather @!p0 [hbm4b:s8+s7], $0x80, v18, vm1, $0xb8;
	[tilespmem:$0x1C300] =	vst v63  }
0x388: {  	v16 =	vadd.s32 @!p0 v20, v16;
	s29 =	simm.s32 @!p0 $0x1300  }
0x389: {  	[tilespmem:s29], [sflag:$0x4] =	stream.indirect_vreg.gather @!p0 [hbm4b:s9+s7], $0x80, v18, vm1, $0xb8;
	[tilespmem:$0x1C300] =	vst v63  }
0x38a: {  	s29 =	simm.s32 @!p0 $0x1B00  }
0x38b: {  	[tilespmem:s29], [sflag:$0x4] =	stream.indirect_vreg.gather @!p0 [hbm4b:s10+s7], $0x80, v18, vm1, $0xb8;
	[tilespmem:$0x1C300] =	vst v63  }
0x38c: {  	s29 =	simm.s32 @!p0 $0x2300  }
0x38d: {  	[tilespmem:s29], [sflag:$0x4] =	stream.indirect_vreg.gather @!p0 [hbm4b:s2+s7], $0x80, v16, vm1, $0xb8;
	[tilespmem:$0x1C300] =	vst v63  }
0x38e: {  	s29 =	simm.s32 @!p0 $0x2B00  }
0x38f: {  	[tilespmem:s29], [sflag:$0x4] =	stream.indirect_vreg.gather @!p0 [hbm4b:s8+s7], $0x80, v16, vm1, $0xb8;
	[tilespmem:$0x1C300] =	vst v63  }
0x390: {  	s29 =	simm.s32 @!p0 $0x3300  }
0x391: {  	[tilespmem:s29], [sflag:$0x4] =	stream.indirect_vreg.gather @!p0 [hbm4b:s9+s7], $0x80, v16, vm1, $0xb8;
	[tilespmem:$0x1C300] =	vst v63  }
0x392: {  	s29 =	simm.s32 @!p0 $0x3B00  }
0x393: {  	[tilespmem:s29], [sflag:$0x4] =	stream.indirect_vreg.gather @!p0 [hbm4b:s10+s7], $0x80, v16, vm1, $0xb8;
	[tilespmem:$0x1C300] =	vst v63  }
0x394: {  	s29 =	simm.s32 @!p0 $0x4  }
0x395: {  	_ =	swait.ge @!p0 [sflag:s29], $0x4000  }
0x396: {  	[sflag:s29] =	ssyncset.done @!p0 $0x0  }
0x397: {  	s0 =	rddreg [dreg:$0x1d];
	[sflag:s29] =	ssyncadd.s32 @!p0 $0xFFFFC000  }
0x398: {  	[hbm4b:s0+s7] =	stream.linear.scatter @!p0 [tilespmem:s28], [sflag:$0x5], $0x4000, $0x38;
	[tilespmem:$0x1C300] =	vst v63  }
0x399: {  	s7 =	simm.s32 @!p0 $0x5  }
0x39a: {  	_ =	swait.ge @!p0 [sflag:s7], $0x4000  }
0x39b: {  	s24 =	sand.u32 $0x20000, s6;
	[sflag:s7] =	ssyncset.done @!p0 $0x0  }
0x39c: {  	[sflag:s7] =	ssyncadd.s32 @!p0 $0xFFFFC000;
	p0 =	seq.s32 s24, $0x0  }
0x39d: {  	v16 =	vld @!p0 [tilespmem:$0x110];
	_ =	sdelay $0x4  }
0x39e: {  	vm1 =	veq.s32 @!p0 v16, $0x0  }
0x39f: {  	v16 =	vsel @!p0 vm1, $0x0, v1  }
0x3a0: {  	v17 =	vshll.u32 @!p0 v16, $0x3  }
0x3a1: {  	v19 =	vlaneseq.u32 @!p0;
	v18 =	vand.u32 @!p0 $0x7, v16;
	v17 =	vand.u32 @!p0 $0xFFFFFFC0, v17  }
0x3a2: {  	v20 =	vshrl.u32 @!p0 v19, $0x3;
	v17 =	vor.u32 @!p0 v18, v17;
	v18 =	vand.u32 @!p0 $0x7, v19  }
0x3a3: {  	v20 =	vmul.u32 @!p0 $0x8, v20;
	v18 =	vperm.xlane @!p0 v17, v18;
	_ =	sdelay $0x1  }
0x3a4: {  	v18 =	vadd.s32 @!p0 v20, v18;
	_ =	sdelay $0x3  }
0x3a5: {  	s7 =	simm.s32 @!p0 $0x0;
	s28 =	simm.s32 @!p0 $0x300;
	vm1 =	vmmov @!p0 $0xffff;
	[tilespmem:$0x280] =	vst @!p0 v16  }
0x3a6: {  	v16 =	vor.u32 @!p0 $0x8, v19;
	[tilespmem:s28], [sflag:$0x4] =	stream.indirect_vreg.gather @!p0 [hbm4b:s2+s7], $0x80, v18, vm1, $0xb8;
	[tilespmem:$0x1C300] =	vst v63  }
0x3a7: {  	s29 =	simm.s32 @!p0 $0xB00;
	v16 =	vperm.xlane @!p0 v17, v16  }
0x3a8: {  	[tilespmem:s29], [sflag:$0x4] =	stream.indirect_vreg.gather @!p0 [hbm4b:s8+s7], $0x80, v18, vm1, $0xb8;
	[tilespmem:$0x1C300] =	vst v63  }
0x3a9: {  	v16 =	vadd.s32 @!p0 v20, v16;
	s29 =	simm.s32 @!p0 $0x1300  }
0x3aa: {  	[tilespmem:s29], [sflag:$0x4] =	stream.indirect_vreg.gather @!p0 [hbm4b:s9+s7], $0x80, v18, vm1, $0xb8;
	[tilespmem:$0x1C300] =	vst v63  }
0x3ab: {  	s29 =	simm.s32 @!p0 $0x1B00  }
0x3ac: {  	[tilespmem:s29], [sflag:$0x4] =	stream.indirect_vreg.gather @!p0 [hbm4b:s10+s7], $0x80, v18, vm1, $0xb8;
	[tilespmem:$0x1C300] =	vst v63  }
0x3ad: {  	s29 =	simm.s32 @!p0 $0x2300  }
0x3ae: {  	[tilespmem:s29], [sflag:$0x4] =	stream.indirect_vreg.gather @!p0 [hbm4b:s2+s7], $0x80, v16, vm1, $0xb8;
	[tilespmem:$0x1C300] =	vst v63  }
0x3af: {  	s29 =	simm.s32 @!p0 $0x2B00  }
0x3b0: {  	[tilespmem:s29], [sflag:$0x4] =	stream.indirect_vreg.gather @!p0 [hbm4b:s8+s7], $0x80, v16, vm1, $0xb8;
	[tilespmem:$0x1C300] =	vst v63  }
0x3b1: {  	s29 =	simm.s32 @!p0 $0x3300  }
0x3b2: {  	[tilespmem:s29], [sflag:$0x4] =	stream.indirect_vreg.gather @!p0 [hbm4b:s9+s7], $0x80, v16, vm1, $0xb8;
	[tilespmem:$0x1C300] =	vst v63  }
0x3b3: {  	s29 =	simm.s32 @!p0 $0x3B00  }
0x3b4: {  	[tilespmem:s29], [sflag:$0x4] =	stream.indirect_vreg.gather @!p0 [hbm4b:s10+s7], $0x80, v16, vm1, $0xb8;
	[tilespmem:$0x1C300] =	vst v63  }
0x3b5: {  	s29 =	simm.s32 @!p0 $0x4  }
0x3b6: {  	_ =	swait.ge @!p0 [sflag:s29], $0x4000  }
0x3b7: {  	[sflag:s29] =	ssyncset.done @!p0 $0x0  }
0x3b8: {  	[sflag:s29] =	ssyncadd.s32 @!p0 $0xFFFFC000;
	s29 =	rddreg [dreg:$0x10]  }
0x3b9: {  	[hbm4b:s29+s7] =	stream.linear.scatter @!p0 [tilespmem:s28], [sflag:$0x5], $0x4000, $0x38;
	[tilespmem:$0x1C300] =	vst v63  }
0x3ba: {  	s7 =	simm.s32 @!p0 $0x5  }
0x3bb: {  	_ =	swait.ge @!p0 [sflag:s7], $0x4000  }
0x3bc: {  	s29 =	sand.u32 $0x40000, s6;
	[sflag:s7] =	ssyncset.done @!p0 $0x0  }
0x3bd: {  	[sflag:s7] =	ssyncadd.s32 @!p0 $0xFFFFC000;
	p0 =	seq.s32 s29, $0x0  }
0x3be: {  	v16 =	vld @!p0 [tilespmem:$0x120];
	_ =	sdelay $0x4  }
0x3bf: {  	vm1 =	veq.s32 @!p0 v16, $0x0  }
0x3c0: {  	v16 =	vsel @!p0 vm1, $0x0, v2  }
0x3c1: {  	v17 =	vshll.u32 @!p0 v16, $0x3  }
0x3c2: {  	v19 =	vlaneseq.u32 @!p0;
	v18 =	vand.u32 @!p0 $0x7, v16;
	v17 =	vand.u32 @!p0 $0xFFFFFFC0, v17  }
0x3c3: {  	v20 =	vshrl.u32 @!p0 v19, $0x3;
	v17 =	vor.u32 @!p0 v18, v17;
	v18 =	vand.u32 @!p0 $0x7, v19  }
0x3c4: {  	v20 =	vmul.u32 @!p0 $0x8, v20;
	v18 =	vperm.xlane @!p0 v17, v18;
	_ =	sdelay $0x1  }
0x3c5: {  	v18 =	vadd.s32 @!p0 v20, v18;
	_ =	sdelay $0x3  }
0x3c6: {  	s7 =	simm.s32 @!p0 $0x0;
	s28 =	simm.s32 @!p0 $0x300;
	vm1 =	vmmov @!p0 $0xffff;
	[tilespmem:$0x280] =	vst @!p0 v16  }
0x3c7: {  	v16 =	vor.u32 @!p0 $0x8, v19;
	[tilespmem:s28], [sflag:$0x4] =	stream.indirect_vreg.gather @!p0 [hbm4b:s2+s7], $0x80, v18, vm1, $0xb8;
	[tilespmem:$0x1C300] =	vst v63  }
0x3c8: {  	s29 =	simm.s32 @!p0 $0xB00;
	v16 =	vperm.xlane @!p0 v17, v16  }
0x3c9: {  	[tilespmem:s29], [sflag:$0x4] =	stream.indirect_vreg.gather @!p0 [hbm4b:s8+s7], $0x80, v18, vm1, $0xb8;
	[tilespmem:$0x1C300] =	vst v63  }
0x3ca: {  	v16 =	vadd.s32 @!p0 v20, v16;
	s29 =	simm.s32 @!p0 $0x1300  }
0x3cb: {  	[tilespmem:s29], [sflag:$0x4] =	stream.indirect_vreg.gather @!p0 [hbm4b:s9+s7], $0x80, v18, vm1, $0xb8;
	[tilespmem:$0x1C300] =	vst v63  }
0x3cc: {  	s29 =	simm.s32 @!p0 $0x1B00  }
0x3cd: {  	[tilespmem:s29], [sflag:$0x4] =	stream.indirect_vreg.gather @!p0 [hbm4b:s10+s7], $0x80, v18, vm1, $0xb8;
	[tilespmem:$0x1C300] =	vst v63  }
0x3ce: {  	s29 =	simm.s32 @!p0 $0x2300  }
0x3cf: {  	[tilespmem:s29], [sflag:$0x4] =	stream.indirect_vreg.gather @!p0 [hbm4b:s2+s7], $0x80, v16, vm1, $0xb8;
	[tilespmem:$0x1C300] =	vst v63  }
0x3d0: {  	s29 =	simm.s32 @!p0 $0x2B00  }
0x3d1: {  	[tilespmem:s29], [sflag:$0x4] =	stream.indirect_vreg.gather @!p0 [hbm4b:s8+s7], $0x80, v16, vm1, $0xb8;
	[tilespmem:$0x1C300] =	vst v63  }
0x3d2: {  	s29 =	simm.s32 @!p0 $0x3300  }
0x3d3: {  	[tilespmem:s29], [sflag:$0x4] =	stream.indirect_vreg.gather @!p0 [hbm4b:s9+s7], $0x80, v16, vm1, $0xb8;
	[tilespmem:$0x1C300] =	vst v63  }
0x3d4: {  	s29 =	simm.s32 @!p0 $0x3B00  }
0x3d5: {  	[tilespmem:s29], [sflag:$0x4] =	stream.indirect_vreg.gather @!p0 [hbm4b:s10+s7], $0x80, v16, vm1, $0xb8;
	[tilespmem:$0x1C300] =	vst v63  }
0x3d6: {  	s29 =	simm.s32 @!p0 $0x4  }
0x3d7: {  	_ =	swait.ge @!p0 [sflag:s29], $0x4000  }
0x3d8: {  	[sflag:s29] =	ssyncset.done @!p0 $0x0  }
0x3d9: {  	[sflag:s29] =	ssyncadd.s32 @!p0 $0xFFFFC000;
	s29 =	rddreg [dreg:$0x11]  }
0x3da: {  	[hbm4b:s29+s7] =	stream.linear.scatter @!p0 [tilespmem:s28], [sflag:$0x5], $0x4000, $0x38;
	[tilespmem:$0x1C300] =	vst v63  }
0x3db: {  	s7 =	simm.s32 @!p0 $0x5  }
0x3dc: {  	_ =	swait.ge @!p0 [sflag:s7], $0x4000  }
0x3dd: {  	s0 =	sand.u32 $0x80000, s6;
	[sflag:s7] =	ssyncset.done @!p0 $0x0  }
0x3de: {  	[sflag:s7] =	ssyncadd.s32 @!p0 $0xFFFFC000;
	p0 =	seq.s32 s0, $0x0  }
0x3df: {  	v16 =	vld @!p0 [tilespmem:$0x130];
	_ =	sdelay $0x4  }
0x3e0: {  	vm1 =	veq.s32 @!p0 v16, $0x0  }
0x3e1: {  	v16 =	vsel @!p0 vm1, $0x0, v3  }
0x3e2: {  	v17 =	vshll.u32 @!p0 v16, $0x3  }
0x3e3: {  	v19 =	vlaneseq.u32 @!p0;
	v18 =	vand.u32 @!p0 $0x7, v16;
	v17 =	vand.u32 @!p0 $0xFFFFFFC0, v17  }
0x3e4: {  	v20 =	vshrl.u32 @!p0 v19, $0x3;
	v17 =	vor.u32 @!p0 v18, v17;
	v18 =	vand.u32 @!p0 $0x7, v19  }
0x3e5: {  	v20 =	vmul.u32 @!p0 $0x8, v20;
	v18 =	vperm.xlane @!p0 v17, v18;
	_ =	sdelay $0x1  }
0x3e6: {  	v18 =	vadd.s32 @!p0 v20, v18;
	_ =	sdelay $0x3  }
0x3e7: {  	s7 =	simm.s32 @!p0 $0x0;
	s28 =	simm.s32 @!p0 $0x300;
	vm1 =	vmmov @!p0 $0xffff;
	[tilespmem:$0x280] =	vst @!p0 v16  }
0x3e8: {  	v16 =	vor.u32 @!p0 $0x8, v19;
	[tilespmem:s28], [sflag:$0x4] =	stream.indirect_vreg.gather @!p0 [hbm4b:s2+s7], $0x80, v18, vm1, $0xb8;
	[tilespmem:$0x1C300] =	vst v63  }
0x3e9: {  	s29 =	simm.s32 @!p0 $0xB00;
	v16 =	vperm.xlane @!p0 v17, v16  }
0x3ea: {  	[tilespmem:s29], [sflag:$0x4] =	stream.indirect_vreg.gather @!p0 [hbm4b:s8+s7], $0x80, v18, vm1, $0xb8;
	[tilespmem:$0x1C300] =	vst v63  }
0x3eb: {  	v16 =	vadd.s32 @!p0 v20, v16;
	s29 =	simm.s32 @!p0 $0x1300  }
0x3ec: {  	[tilespmem:s29], [sflag:$0x4] =	stream.indirect_vreg.gather @!p0 [hbm4b:s9+s7], $0x80, v18, vm1, $0xb8;
	[tilespmem:$0x1C300] =	vst v63  }
0x3ed: {  	s29 =	simm.s32 @!p0 $0x1B00  }
0x3ee: {  	[tilespmem:s29], [sflag:$0x4] =	stream.indirect_vreg.gather @!p0 [hbm4b:s10+s7], $0x80, v18, vm1, $0xb8;
	[tilespmem:$0x1C300] =	vst v63  }
0x3ef: {  	s29 =	simm.s32 @!p0 $0x2300  }
0x3f0: {  	[tilespmem:s29], [sflag:$0x4] =	stream.indirect_vreg.gather @!p0 [hbm4b:s2+s7], $0x80, v16, vm1, $0xb8;
	[tilespmem:$0x1C300] =	vst v63  }
0x3f1: {  	s29 =	simm.s32 @!p0 $0x2B00  }
0x3f2: {  	[tilespmem:s29], [sflag:$0x4] =	stream.indirect_vreg.gather @!p0 [hbm4b:s8+s7], $0x80, v16, vm1, $0xb8;
	[tilespmem:$0x1C300] =	vst v63  }
0x3f3: {  	s29 =	simm.s32 @!p0 $0x3300  }
0x3f4: {  	[tilespmem:s29], [sflag:$0x4] =	stream.indirect_vreg.gather @!p0 [hbm4b:s9+s7], $0x80, v16, vm1, $0xb8;
	[tilespmem:$0x1C300] =	vst v63  }
0x3f5: {  	s29 =	simm.s32 @!p0 $0x3B00  }
0x3f6: {  	[tilespmem:s29], [sflag:$0x4] =	stream.indirect_vreg.gather @!p0 [hbm4b:s10+s7], $0x80, v16, vm1, $0xb8;
	[tilespmem:$0x1C300] =	vst v63  }
0x3f7: {  	s29 =	simm.s32 @!p0 $0x4  }
0x3f8: {  	_ =	swait.ge @!p0 [sflag:s29], $0x4000  }
0x3f9: {  	[sflag:s29] =	ssyncset.done @!p0 $0x0  }
0x3fa: {  	[sflag:s29] =	ssyncadd.s32 @!p0 $0xFFFFC000  }
0x3fb: {  	[hbm4b:s12+s7] =	stream.linear.scatter @!p0 [tilespmem:s28], [sflag:$0x5], $0x4000, $0x38;
	[tilespmem:$0x1C300] =	vst v63  }
0x3fc: {  	s7 =	simm.s32 @!p0 $0x5  }
0x3fd: {  	_ =	swait.ge @!p0 [sflag:s7], $0x4000  }
0x3fe: {  	s11 =	sand.u32 $0x100000, s6;
	[sflag:s7] =	ssyncset.done @!p0 $0x0  }
0x3ff: {  	[sflag:s7] =	ssyncadd.s32 @!p0 $0xFFFFC000;
	p0 =	seq.s32 s11, $0x0  }
0x400: {  	v16 =	vld @!p0 [tilespmem:$0x140];
	_ =	sdelay $0x4  }
0x401: {  	vm1 =	veq.s32 @!p0 v16, $0x0  }
0x402: {  	v16 =	vsel @!p0 vm1, $0x0, v4  }
0x403: {  	v17 =	vshll.u32 @!p0 v16, $0x3  }
0x404: {  	v19 =	vlaneseq.u32 @!p0;
	v18 =	vand.u32 @!p0 $0x7, v16;
	v17 =	vand.u32 @!p0 $0xFFFFFFC0, v17  }
0x405: {  	v20 =	vshrl.u32 @!p0 v19, $0x3;
	v17 =	vor.u32 @!p0 v18, v17;
	v18 =	vand.u32 @!p0 $0x7, v19  }
0x406: {  	v20 =	vmul.u32 @!p0 $0x8, v20;
	v18 =	vperm.xlane @!p0 v17, v18;
	_ =	sdelay $0x1  }
0x407: {  	v18 =	vadd.s32 @!p0 v20, v18;
	_ =	sdelay $0x3  }
0x408: {  	s7 =	simm.s32 @!p0 $0x0;
	s28 =	simm.s32 @!p0 $0x300;
	vm1 =	vmmov @!p0 $0xffff;
	[tilespmem:$0x280] =	vst @!p0 v16  }
0x409: {  	v16 =	vor.u32 @!p0 $0x8, v19;
	[tilespmem:s28], [sflag:$0x4] =	stream.indirect_vreg.gather @!p0 [hbm4b:s2+s7], $0x80, v18, vm1, $0xb8;
	[tilespmem:$0x1C300] =	vst v63  }
0x40a: {  	s29 =	simm.s32 @!p0 $0xB00;
	v16 =	vperm.xlane @!p0 v17, v16  }
0x40b: {  	[tilespmem:s29], [sflag:$0x4] =	stream.indirect_vreg.gather @!p0 [hbm4b:s8+s7], $0x80, v18, vm1, $0xb8;
	[tilespmem:$0x1C300] =	vst v63  }
0x40c: {  	v16 =	vadd.s32 @!p0 v20, v16;
	s29 =	simm.s32 @!p0 $0x1300  }
0x40d: {  	[tilespmem:s29], [sflag:$0x4] =	stream.indirect_vreg.gather @!p0 [hbm4b:s9+s7], $0x80, v18, vm1, $0xb8;
	[tilespmem:$0x1C300] =	vst v63  }
0x40e: {  	s29 =	simm.s32 @!p0 $0x1B00  }
0x40f: {  	[tilespmem:s29], [sflag:$0x4] =	stream.indirect_vreg.gather @!p0 [hbm4b:s10+s7], $0x80, v18, vm1, $0xb8;
	[tilespmem:$0x1C300] =	vst v63  }
0x410: {  	s29 =	simm.s32 @!p0 $0x2300  }
0x411: {  	[tilespmem:s29], [sflag:$0x4] =	stream.indirect_vreg.gather @!p0 [hbm4b:s2+s7], $0x80, v16, vm1, $0xb8;
	[tilespmem:$0x1C300] =	vst v63  }
0x412: {  	s29 =	simm.s32 @!p0 $0x2B00  }
0x413: {  	[tilespmem:s29], [sflag:$0x4] =	stream.indirect_vreg.gather @!p0 [hbm4b:s8+s7], $0x80, v16, vm1, $0xb8;
	[tilespmem:$0x1C300] =	vst v63  }
0x414: {  	s29 =	simm.s32 @!p0 $0x3300  }
0x415: {  	[tilespmem:s29], [sflag:$0x4] =	stream.indirect_vreg.gather @!p0 [hbm4b:s9+s7], $0x80, v16, vm1, $0xb8;
	[tilespmem:$0x1C300] =	vst v63  }
0x416: {  	s29 =	simm.s32 @!p0 $0x3B00  }
0x417: {  	[tilespmem:s29], [sflag:$0x4] =	stream.indirect_vreg.gather @!p0 [hbm4b:s10+s7], $0x80, v16, vm1, $0xb8;
	[tilespmem:$0x1C300] =	vst v63  }
0x418: {  	s29 =	simm.s32 @!p0 $0x4  }
0x419: {  	_ =	swait.ge @!p0 [sflag:s29], $0x4000  }
0x41a: {  	[sflag:s29] =	ssyncset.done @!p0 $0x0  }
0x41b: {  	[sflag:s29] =	ssyncadd.s32 @!p0 $0xFFFFC000;
	s29 =	rddreg [dreg:$0x12]  }
0x41c: {  	[hbm4b:s29+s7] =	stream.linear.scatter @!p0 [tilespmem:s28], [sflag:$0x5], $0x4000, $0x38;
	[tilespmem:$0x1C300] =	vst v63  }
0x41d: {  	s7 =	simm.s32 @!p0 $0x5  }
0x41e: {  	_ =	swait.ge @!p0 [sflag:s7], $0x4000  }
0x41f: {  	s13 =	sand.u32 $0x200000, s6;
	[sflag:s7] =	ssyncset.done @!p0 $0x0  }
0x420: {  	[sflag:s7] =	ssyncadd.s32 @!p0 $0xFFFFC000;
	p0 =	seq.s32 s13, $0x0  }
0x421: {  	v16 =	vld @!p0 [tilespmem:$0x150];
	_ =	sdelay $0x4  }
0x422: {  	vm1 =	veq.s32 @!p0 v16, $0x0  }
0x423: {  	v16 =	vsel @!p0 vm1, $0x0, v5  }
0x424: {  	v17 =	vshll.u32 @!p0 v16, $0x3  }
0x425: {  	v19 =	vlaneseq.u32 @!p0;
	v18 =	vand.u32 @!p0 $0x7, v16;
	v17 =	vand.u32 @!p0 $0xFFFFFFC0, v17  }
0x426: {  	v20 =	vshrl.u32 @!p0 v19, $0x3;
	v17 =	vor.u32 @!p0 v18, v17;
	v18 =	vand.u32 @!p0 $0x7, v19  }
0x427: {  	v20 =	vmul.u32 @!p0 $0x8, v20;
	v18 =	vperm.xlane @!p0 v17, v18;
	_ =	sdelay $0x1  }
0x428: {  	v18 =	vadd.s32 @!p0 v20, v18;
	_ =	sdelay $0x3  }
0x429: {  	s7 =	simm.s32 @!p0 $0x0;
	s28 =	simm.s32 @!p0 $0x300;
	vm1 =	vmmov @!p0 $0xffff;
	[tilespmem:$0x280] =	vst @!p0 v16  }
0x42a: {  	v16 =	vor.u32 @!p0 $0x8, v19;
	[tilespmem:s28], [sflag:$0x4] =	stream.indirect_vreg.gather @!p0 [hbm4b:s2+s7], $0x80, v18, vm1, $0xb8;
	[tilespmem:$0x1C300] =	vst v63  }
0x42b: {  	s29 =	simm.s32 @!p0 $0xB00;
	v16 =	vperm.xlane @!p0 v17, v16  }
0x42c: {  	[tilespmem:s29], [sflag:$0x4] =	stream.indirect_vreg.gather @!p0 [hbm4b:s8+s7], $0x80, v18, vm1, $0xb8;
	[tilespmem:$0x1C300] =	vst v63  }
0x42d: {  	v16 =	vadd.s32 @!p0 v20, v16;
	s29 =	simm.s32 @!p0 $0x1300  }
0x42e: {  	[tilespmem:s29], [sflag:$0x4] =	stream.indirect_vreg.gather @!p0 [hbm4b:s9+s7], $0x80, v18, vm1, $0xb8;
	[tilespmem:$0x1C300] =	vst v63  }
0x42f: {  	s29 =	simm.s32 @!p0 $0x1B00  }
0x430: {  	[tilespmem:s29], [sflag:$0x4] =	stream.indirect_vreg.gather @!p0 [hbm4b:s10+s7], $0x80, v18, vm1, $0xb8;
	[tilespmem:$0x1C300] =	vst v63  }
0x431: {  	s29 =	simm.s32 @!p0 $0x2300  }
0x432: {  	[tilespmem:s29], [sflag:$0x4] =	stream.indirect_vreg.gather @!p0 [hbm4b:s2+s7], $0x80, v16, vm1, $0xb8;
	[tilespmem:$0x1C300] =	vst v63  }
0x433: {  	s29 =	simm.s32 @!p0 $0x2B00  }
0x434: {  	[tilespmem:s29], [sflag:$0x4] =	stream.indirect_vreg.gather @!p0 [hbm4b:s8+s7], $0x80, v16, vm1, $0xb8;
	[tilespmem:$0x1C300] =	vst v63  }
0x435: {  	s29 =	simm.s32 @!p0 $0x3300  }
0x436: {  	[tilespmem:s29], [sflag:$0x4] =	stream.indirect_vreg.gather @!p0 [hbm4b:s9+s7], $0x80, v16, vm1, $0xb8;
	[tilespmem:$0x1C300] =	vst v63  }
0x437: {  	s29 =	simm.s32 @!p0 $0x3B00  }
0x438: {  	[tilespmem:s29], [sflag:$0x4] =	stream.indirect_vreg.gather @!p0 [hbm4b:s10+s7], $0x80, v16, vm1, $0xb8;
	[tilespmem:$0x1C300] =	vst v63  }
0x439: {  	s29 =	simm.s32 @!p0 $0x4  }
0x43a: {  	_ =	swait.ge @!p0 [sflag:s29], $0x4000  }
0x43b: {  	[sflag:s29] =	ssyncset.done @!p0 $0x0  }
0x43c: {  	[sflag:s29] =	ssyncadd.s32 @!p0 $0xFFFFC000;
	s29 =	rddreg [dreg:$0x14]  }
0x43d: {  	[hbm4b:s29+s7] =	stream.linear.scatter @!p0 [tilespmem:s28], [sflag:$0x5], $0x4000, $0x38;
	[tilespmem:$0x1C300] =	vst v63  }
0x43e: {  	s7 =	simm.s32 @!p0 $0x5  }
0x43f: {  	_ =	swait.ge @!p0 [sflag:s7], $0x4000  }
0x440: {  	s21 =	sand.u32 $0x400000, s6;
	[sflag:s7] =	ssyncset.done @!p0 $0x0  }
0x441: {  	[sflag:s7] =	ssyncadd.s32 @!p0 $0xFFFFC000;
	p0 =	seq.s32 s21, $0x0  }
0x442: {  	v16 =	vld @!p0 [tilespmem:$0x160];
	_ =	sdelay $0x4  }
0x443: {  	vm1 =	veq.s32 @!p0 v16, $0x0  }
0x444: {  	v16 =	vsel @!p0 vm1, $0x0, v6  }
0x445: {  	v17 =	vshll.u32 @!p0 v16, $0x3  }
0x446: {  	v19 =	vlaneseq.u32 @!p0;
	v18 =	vand.u32 @!p0 $0x7, v16;
	v17 =	vand.u32 @!p0 $0xFFFFFFC0, v17  }
0x447: {  	v20 =	vshrl.u32 @!p0 v19, $0x3;
	v17 =	vor.u32 @!p0 v18, v17;
	v18 =	vand.u32 @!p0 $0x7, v19  }
0x448: {  	v20 =	vmul.u32 @!p0 $0x8, v20;
	v18 =	vperm.xlane @!p0 v17, v18;
	_ =	sdelay $0x1  }
0x449: {  	v18 =	vadd.s32 @!p0 v20, v18;
	_ =	sdelay $0x3  }
0x44a: {  	s7 =	simm.s32 @!p0 $0x0;
	s28 =	simm.s32 @!p0 $0x300;
	vm1 =	vmmov @!p0 $0xffff;
	[tilespmem:$0x280] =	vst @!p0 v16  }
0x44b: {  	v16 =	vor.u32 @!p0 $0x8, v19;
	[tilespmem:s28], [sflag:$0x4] =	stream.indirect_vreg.gather @!p0 [hbm4b:s2+s7], $0x80, v18, vm1, $0xb8;
	[tilespmem:$0x1C300] =	vst v63  }
0x44c: {  	s29 =	simm.s32 @!p0 $0xB00;
	v16 =	vperm.xlane @!p0 v17, v16  }
0x44d: {  	[tilespmem:s29], [sflag:$0x4] =	stream.indirect_vreg.gather @!p0 [hbm4b:s8+s7], $0x80, v18, vm1, $0xb8;
	[tilespmem:$0x1C300] =	vst v63  }
0x44e: {  	v16 =	vadd.s32 @!p0 v20, v16;
	s29 =	simm.s32 @!p0 $0x1300  }
0x44f: {  	[tilespmem:s29], [sflag:$0x4] =	stream.indirect_vreg.gather @!p0 [hbm4b:s9+s7], $0x80, v18, vm1, $0xb8;
	[tilespmem:$0x1C300] =	vst v63  }
0x450: {  	s29 =	simm.s32 @!p0 $0x1B00  }
0x451: {  	[tilespmem:s29], [sflag:$0x4] =	stream.indirect_vreg.gather @!p0 [hbm4b:s10+s7], $0x80, v18, vm1, $0xb8;
	[tilespmem:$0x1C300] =	vst v63  }
0x452: {  	s29 =	simm.s32 @!p0 $0x2300  }
0x453: {  	[tilespmem:s29], [sflag:$0x4] =	stream.indirect_vreg.gather @!p0 [hbm4b:s2+s7], $0x80, v16, vm1, $0xb8;
	[tilespmem:$0x1C300] =	vst v63  }
0x454: {  	s29 =	simm.s32 @!p0 $0x2B00  }
0x455: {  	[tilespmem:s29], [sflag:$0x4] =	stream.indirect_vreg.gather @!p0 [hbm4b:s8+s7], $0x80, v16, vm1, $0xb8;
	[tilespmem:$0x1C300] =	vst v63  }
0x456: {  	s29 =	simm.s32 @!p0 $0x3300  }
0x457: {  	[tilespmem:s29], [sflag:$0x4] =	stream.indirect_vreg.gather @!p0 [hbm4b:s9+s7], $0x80, v16, vm1, $0xb8;
	[tilespmem:$0x1C300] =	vst v63  }
0x458: {  	s29 =	simm.s32 @!p0 $0x3B00  }
0x459: {  	[tilespmem:s29], [sflag:$0x4] =	stream.indirect_vreg.gather @!p0 [hbm4b:s10+s7], $0x80, v16, vm1, $0xb8;
	[tilespmem:$0x1C300] =	vst v63  }
0x45a: {  	s29 =	simm.s32 @!p0 $0x4  }
0x45b: {  	_ =	swait.ge @!p0 [sflag:s29], $0x4000  }
0x45c: {  	[sflag:s29] =	ssyncset.done @!p0 $0x0  }
0x45d: {  	[sflag:s29] =	ssyncadd.s32 @!p0 $0xFFFFC000  }
0x45e: {  	[hbm4b:s23+s7] =	stream.linear.scatter @!p0 [tilespmem:s28], [sflag:$0x5], $0x4000, $0x38;
	[tilespmem:$0x1C300] =	vst v63  }
0x45f: {  	s7 =	simm.s32 @!p0 $0x5  }
0x460: {  	_ =	swait.ge @!p0 [sflag:s7], $0x4000  }
0x461: {  	s24 =	sand.u32 $0x800000, s6;
	[sflag:s7] =	ssyncset.done @!p0 $0x0  }
0x462: {  	[sflag:s7] =	ssyncadd.s32 @!p0 $0xFFFFC000;
	p0 =	seq.s32 s24, $0x0  }
0x463: {  	v16 =	vld @!p0 [tilespmem:$0x170];
	_ =	sdelay $0x4  }
0x464: {  	vm1 =	veq.s32 @!p0 v16, $0x0  }
0x465: {  	v16 =	vsel @!p0 vm1, $0x0, v7  }
0x466: {  	v17 =	vshll.u32 @!p0 v16, $0x3  }
0x467: {  	v19 =	vlaneseq.u32 @!p0;
	v18 =	vand.u32 @!p0 $0x7, v16;
	v17 =	vand.u32 @!p0 $0xFFFFFFC0, v17  }
0x468: {  	v20 =	vshrl.u32 @!p0 v19, $0x3;
	v17 =	vor.u32 @!p0 v18, v17;
	v18 =	vand.u32 @!p0 $0x7, v19  }
0x469: {  	v20 =	vmul.u32 @!p0 $0x8, v20;
	v18 =	vperm.xlane @!p0 v17, v18;
	_ =	sdelay $0x1  }
0x46a: {  	v18 =	vadd.s32 @!p0 v20, v18;
	_ =	sdelay $0x3  }
0x46b: {  	s7 =	simm.s32 @!p0 $0x0;
	s28 =	simm.s32 @!p0 $0x300;
	vm1 =	vmmov @!p0 $0xffff;
	[tilespmem:$0x280] =	vst @!p0 v16  }
0x46c: {  	v16 =	vor.u32 @!p0 $0x8, v19;
	[tilespmem:s28], [sflag:$0x4] =	stream.indirect_vreg.gather @!p0 [hbm4b:s2+s7], $0x80, v18, vm1, $0xb8;
	[tilespmem:$0x1C300] =	vst v63  }
0x46d: {  	s29 =	simm.s32 @!p0 $0xB00;
	v16 =	vperm.xlane @!p0 v17, v16  }
0x46e: {  	[tilespmem:s29], [sflag:$0x4] =	stream.indirect_vreg.gather @!p0 [hbm4b:s8+s7], $0x80, v18, vm1, $0xb8;
	[tilespmem:$0x1C300] =	vst v63  }
0x46f: {  	v16 =	vadd.s32 @!p0 v20, v16;
	s29 =	simm.s32 @!p0 $0x1300  }
0x470: {  	[tilespmem:s29], [sflag:$0x4] =	stream.indirect_vreg.gather @!p0 [hbm4b:s9+s7], $0x80, v18, vm1, $0xb8;
	[tilespmem:$0x1C300] =	vst v63  }
0x471: {  	s29 =	simm.s32 @!p0 $0x1B00  }
0x472: {  	[tilespmem:s29], [sflag:$0x4] =	stream.indirect_vreg.gather @!p0 [hbm4b:s10+s7], $0x80, v18, vm1, $0xb8;
	[tilespmem:$0x1C300] =	vst v63  }
0x473: {  	s29 =	simm.s32 @!p0 $0x2300  }
0x474: {  	[tilespmem:s29], [sflag:$0x4] =	stream.indirect_vreg.gather @!p0 [hbm4b:s2+s7], $0x80, v16, vm1, $0xb8;
	[tilespmem:$0x1C300] =	vst v63  }
0x475: {  	s29 =	simm.s32 @!p0 $0x2B00  }
0x476: {  	[tilespmem:s29], [sflag:$0x4] =	stream.indirect_vreg.gather @!p0 [hbm4b:s8+s7], $0x80, v16, vm1, $0xb8;
	[tilespmem:$0x1C300] =	vst v63  }
0x477: {  	s29 =	simm.s32 @!p0 $0x3300  }
0x478: {  	[tilespmem:s29], [sflag:$0x4] =	stream.indirect_vreg.gather @!p0 [hbm4b:s9+s7], $0x80, v16, vm1, $0xb8;
	[tilespmem:$0x1C300] =	vst v63  }
0x479: {  	s29 =	simm.s32 @!p0 $0x3B00  }
0x47a: {  	[tilespmem:s29], [sflag:$0x4] =	stream.indirect_vreg.gather @!p0 [hbm4b:s10+s7], $0x80, v16, vm1, $0xb8;
	[tilespmem:$0x1C300] =	vst v63  }
0x47b: {  	s29 =	simm.s32 @!p0 $0x4  }
0x47c: {  	_ =	swait.ge @!p0 [sflag:s29], $0x4000  }
0x47d: {  	[sflag:s29] =	ssyncset.done @!p0 $0x0  }
0x47e: {  	[sflag:s29] =	ssyncadd.s32 @!p0 $0xFFFFC000;
	s29 =	rddreg [dreg:$0x15]  }
0x47f: {  	[hbm4b:s29+s7] =	stream.linear.scatter @!p0 [tilespmem:s28], [sflag:$0x5], $0x4000, $0x38;
	[tilespmem:$0x1C300] =	vst v63  }
0x480: {  	s7 =	simm.s32 @!p0 $0x5  }
0x481: {  	_ =	swait.ge @!p0 [sflag:s7], $0x4000  }
0x482: {  	s29 =	sand.u32 $0x1000000, s6;
	[sflag:s7] =	ssyncset.done @!p0 $0x0  }
0x483: {  	[sflag:s7] =	ssyncadd.s32 @!p0 $0xFFFFC000;
	p0 =	seq.s32 s29, $0x0  }
0x484: {  	v16 =	vld @!p0 [tilespmem:$0x180];
	_ =	sdelay $0x4  }
0x485: {  	vm1 =	veq.s32 @!p0 v16, $0x0  }
0x486: {  	v16 =	vsel @!p0 vm1, $0x0, v0  }
0x487: {  	v17 =	vshll.u32 @!p0 v16, $0x3  }
0x488: {  	v19 =	vlaneseq.u32 @!p0;
	v18 =	vand.u32 @!p0 $0x7, v16;
	v17 =	vand.u32 @!p0 $0xFFFFFFC0, v17  }
0x489: {  	v20 =	vshrl.u32 @!p0 v19, $0x3;
	v17 =	vor.u32 @!p0 v18, v17;
	v18 =	vand.u32 @!p0 $0x7, v19  }
0x48a: {  	v20 =	vmul.u32 @!p0 $0x8, v20;
	v18 =	vperm.xlane @!p0 v17, v18;
	_ =	sdelay $0x1  }
0x48b: {  	v18 =	vadd.s32 @!p0 v20, v18;
	_ =	sdelay $0x3  }
0x48c: {  	s7 =	simm.s32 @!p0 $0x0;
	s28 =	simm.s32 @!p0 $0x300;
	vm1 =	vmmov @!p0 $0xffff;
	[tilespmem:$0x280] =	vst @!p0 v16  }
0x48d: {  	v16 =	vor.u32 @!p0 $0x8, v19;
	[tilespmem:s28], [sflag:$0x4] =	stream.indirect_vreg.gather @!p0 [hbm4b:s2+s7], $0x80, v18, vm1, $0xb8;
	[tilespmem:$0x1C300] =	vst v63  }
0x48e: {  	s29 =	simm.s32 @!p0 $0xB00;
	v16 =	vperm.xlane @!p0 v17, v16  }
0x48f: {  	[tilespmem:s29], [sflag:$0x4] =	stream.indirect_vreg.gather @!p0 [hbm4b:s8+s7], $0x80, v18, vm1, $0xb8;
	[tilespmem:$0x1C300] =	vst v63  }
0x490: {  	v16 =	vadd.s32 @!p0 v20, v16;
	s29 =	simm.s32 @!p0 $0x1300  }
0x491: {  	[tilespmem:s29], [sflag:$0x4] =	stream.indirect_vreg.gather @!p0 [hbm4b:s9+s7], $0x80, v18, vm1, $0xb8;
	[tilespmem:$0x1C300] =	vst v63  }
0x492: {  	s29 =	simm.s32 @!p0 $0x1B00  }
0x493: {  	[tilespmem:s29], [sflag:$0x4] =	stream.indirect_vreg.gather @!p0 [hbm4b:s10+s7], $0x80, v18, vm1, $0xb8;
	[tilespmem:$0x1C300] =	vst v63  }
0x494: {  	s29 =	simm.s32 @!p0 $0x2300  }
0x495: {  	[tilespmem:s29], [sflag:$0x4] =	stream.indirect_vreg.gather @!p0 [hbm4b:s2+s7], $0x80, v16, vm1, $0xb8;
	[tilespmem:$0x1C300] =	vst v63  }
0x496: {  	s29 =	simm.s32 @!p0 $0x2B00  }
0x497: {  	[tilespmem:s29], [sflag:$0x4] =	stream.indirect_vreg.gather @!p0 [hbm4b:s8+s7], $0x80, v16, vm1, $0xb8;
	[tilespmem:$0x1C300] =	vst v63  }
0x498: {  	s29 =	simm.s32 @!p0 $0x3300  }
0x499: {  	[tilespmem:s29], [sflag:$0x4] =	stream.indirect_vreg.gather @!p0 [hbm4b:s9+s7], $0x80, v16, vm1, $0xb8;
	[tilespmem:$0x1C300] =	vst v63  }
0x49a: {  	s29 =	simm.s32 @!p0 $0x3B00  }
0x49b: {  	[tilespmem:s29], [sflag:$0x4] =	stream.indirect_vreg.gather @!p0 [hbm4b:s10+s7], $0x80, v16, vm1, $0xb8;
	[tilespmem:$0x1C300] =	vst v63  }
0x49c: {  	s29 =	simm.s32 @!p0 $0x4  }
0x49d: {  	_ =	swait.ge @!p0 [sflag:s29], $0x4000  }
0x49e: {  	[sflag:s29] =	ssyncset.done @!p0 $0x0  }
0x49f: {  	s0 =	rddreg [dreg:$0x1e];
	[sflag:s29] =	ssyncadd.s32 @!p0 $0xFFFFC000  }
0x4a0: {  	[hbm4b:s0+s7] =	stream.linear.scatter @!p0 [tilespmem:s28], [sflag:$0x5], $0x4000, $0x38;
	[tilespmem:$0x1C300] =	vst v63  }
0x4a1: {  	s7 =	simm.s32 @!p0 $0x5  }
0x4a2: {  	_ =	swait.ge @!p0 [sflag:s7], $0x4000  }
0x4a3: {  	s0 =	sand.u32 $0x2000000, s6;
	[sflag:s7] =	ssyncset.done @!p0 $0x0  }
0x4a4: {  	[sflag:s7] =	ssyncadd.s32 @!p0 $0xFFFFC000;
	p0 =	seq.s32 s0, $0x0  }
0x4a5: {  	v16 =	vld @!p0 [tilespmem:$0x190];
	_ =	sdelay $0x4  }
0x4a6: {  	vm1 =	veq.s32 @!p0 v16, $0x0  }
0x4a7: {  	v16 =	vsel @!p0 vm1, $0x0, v1  }
0x4a8: {  	v17 =	vshll.u32 @!p0 v16, $0x3  }
0x4a9: {  	v19 =	vlaneseq.u32 @!p0;
	v18 =	vand.u32 @!p0 $0x7, v16;
	v17 =	vand.u32 @!p0 $0xFFFFFFC0, v17  }
0x4aa: {  	v20 =	vshrl.u32 @!p0 v19, $0x3;
	v17 =	vor.u32 @!p0 v18, v17;
	v18 =	vand.u32 @!p0 $0x7, v19  }
0x4ab: {  	v20 =	vmul.u32 @!p0 $0x8, v20;
	v18 =	vperm.xlane @!p0 v17, v18;
	_ =	sdelay $0x1  }
0x4ac: {  	v18 =	vadd.s32 @!p0 v20, v18;
	_ =	sdelay $0x3  }
0x4ad: {  	s7 =	simm.s32 @!p0 $0x0;
	s28 =	simm.s32 @!p0 $0x300;
	vm1 =	vmmov @!p0 $0xffff;
	[tilespmem:$0x280] =	vst @!p0 v16  }
0x4ae: {  	v16 =	vor.u32 @!p0 $0x8, v19;
	[tilespmem:s28], [sflag:$0x4] =	stream.indirect_vreg.gather @!p0 [hbm4b:s2+s7], $0x80, v18, vm1, $0xb8;
	[tilespmem:$0x1C300] =	vst v63  }
0x4af: {  	s29 =	simm.s32 @!p0 $0xB00;
	v16 =	vperm.xlane @!p0 v17, v16  }
0x4b0: {  	[tilespmem:s29], [sflag:$0x4] =	stream.indirect_vreg.gather @!p0 [hbm4b:s8+s7], $0x80, v18, vm1, $0xb8;
	[tilespmem:$0x1C300] =	vst v63  }
0x4b1: {  	v16 =	vadd.s32 @!p0 v20, v16;
	s29 =	simm.s32 @!p0 $0x1300  }
0x4b2: {  	[tilespmem:s29], [sflag:$0x4] =	stream.indirect_vreg.gather @!p0 [hbm4b:s9+s7], $0x80, v18, vm1, $0xb8;
	[tilespmem:$0x1C300] =	vst v63  }
0x4b3: {  	s29 =	simm.s32 @!p0 $0x1B00  }
0x4b4: {  	[tilespmem:s29], [sflag:$0x4] =	stream.indirect_vreg.gather @!p0 [hbm4b:s10+s7], $0x80, v18, vm1, $0xb8;
	[tilespmem:$0x1C300] =	vst v63  }
0x4b5: {  	s29 =	simm.s32 @!p0 $0x2300  }
0x4b6: {  	[tilespmem:s29], [sflag:$0x4] =	stream.indirect_vreg.gather @!p0 [hbm4b:s2+s7], $0x80, v16, vm1, $0xb8;
	[tilespmem:$0x1C300] =	vst v63  }
0x4b7: {  	s29 =	simm.s32 @!p0 $0x2B00  }
0x4b8: {  	[tilespmem:s29], [sflag:$0x4] =	stream.indirect_vreg.gather @!p0 [hbm4b:s8+s7], $0x80, v16, vm1, $0xb8;
	[tilespmem:$0x1C300] =	vst v63  }
0x4b9: {  	s29 =	simm.s32 @!p0 $0x3300  }
0x4ba: {  	[tilespmem:s29], [sflag:$0x4] =	stream.indirect_vreg.gather @!p0 [hbm4b:s9+s7], $0x80, v16, vm1, $0xb8;
	[tilespmem:$0x1C300] =	vst v63  }
0x4bb: {  	s29 =	simm.s32 @!p0 $0x3B00  }
0x4bc: {  	[tilespmem:s29], [sflag:$0x4] =	stream.indirect_vreg.gather @!p0 [hbm4b:s10+s7], $0x80, v16, vm1, $0xb8;
	[tilespmem:$0x1C300] =	vst v63  }
0x4bd: {  	s29 =	simm.s32 @!p0 $0x4  }
0x4be: {  	_ =	swait.ge @!p0 [sflag:s29], $0x4000  }
0x4bf: {  	[sflag:s29] =	ssyncset.done @!p0 $0x0  }
0x4c0: {  	[sflag:s29] =	ssyncadd.s32 @!p0 $0xFFFFC000;
	s29 =	rddreg [dreg:$0x16]  }
0x4c1: {  	[hbm4b:s29+s7] =	stream.linear.scatter @!p0 [tilespmem:s28], [sflag:$0x5], $0x4000, $0x38;
	[tilespmem:$0x1C300] =	vst v63  }
0x4c2: {  	s7 =	simm.s32 @!p0 $0x5  }
0x4c3: {  	_ =	swait.ge @!p0 [sflag:s7], $0x4000  }
0x4c4: {  	s11 =	sand.u32 $0x4000000, s6;
	[sflag:s7] =	ssyncset.done @!p0 $0x0  }
0x4c5: {  	[sflag:s7] =	ssyncadd.s32 @!p0 $0xFFFFC000;
	p0 =	seq.s32 s11, $0x0  }
0x4c6: {  	v16 =	vld @!p0 [tilespmem:$0x1A0];
	_ =	sdelay $0x4  }
0x4c7: {  	vm1 =	veq.s32 @!p0 v16, $0x0  }
0x4c8: {  	v16 =	vsel @!p0 vm1, $0x0, v2  }
0x4c9: {  	v17 =	vshll.u32 @!p0 v16, $0x3  }
0x4ca: {  	v19 =	vlaneseq.u32 @!p0;
	v18 =	vand.u32 @!p0 $0x7, v16;
	v17 =	vand.u32 @!p0 $0xFFFFFFC0, v17  }
0x4cb: {  	v20 =	vshrl.u32 @!p0 v19, $0x3;
	v17 =	vor.u32 @!p0 v18, v17;
	v18 =	vand.u32 @!p0 $0x7, v19  }
0x4cc: {  	v20 =	vmul.u32 @!p0 $0x8, v20;
	v18 =	vperm.xlane @!p0 v17, v18;
	_ =	sdelay $0x1  }
0x4cd: {  	v18 =	vadd.s32 @!p0 v20, v18;
	_ =	sdelay $0x3  }
0x4ce: {  	s7 =	simm.s32 @!p0 $0x0;
	s28 =	simm.s32 @!p0 $0x300;
	vm1 =	vmmov @!p0 $0xffff;
	[tilespmem:$0x280] =	vst @!p0 v16  }
0x4cf: {  	v16 =	vor.u32 @!p0 $0x8, v19;
	[tilespmem:s28], [sflag:$0x4] =	stream.indirect_vreg.gather @!p0 [hbm4b:s2+s7], $0x80, v18, vm1, $0xb8;
	[tilespmem:$0x1C300] =	vst v63  }
0x4d0: {  	s29 =	simm.s32 @!p0 $0xB00;
	v16 =	vperm.xlane @!p0 v17, v16  }
0x4d1: {  	[tilespmem:s29], [sflag:$0x4] =	stream.indirect_vreg.gather @!p0 [hbm4b:s8+s7], $0x80, v18, vm1, $0xb8;
	[tilespmem:$0x1C300] =	vst v63  }
0x4d2: {  	v16 =	vadd.s32 @!p0 v20, v16;
	s29 =	simm.s32 @!p0 $0x1300  }
0x4d3: {  	[tilespmem:s29], [sflag:$0x4] =	stream.indirect_vreg.gather @!p0 [hbm4b:s9+s7], $0x80, v18, vm1, $0xb8;
	[tilespmem:$0x1C300] =	vst v63  }
0x4d4: {  	s29 =	simm.s32 @!p0 $0x1B00  }
0x4d5: {  	[tilespmem:s29], [sflag:$0x4] =	stream.indirect_vreg.gather @!p0 [hbm4b:s10+s7], $0x80, v18, vm1, $0xb8;
	[tilespmem:$0x1C300] =	vst v63  }
0x4d6: {  	s29 =	simm.s32 @!p0 $0x2300  }
0x4d7: {  	[tilespmem:s29], [sflag:$0x4] =	stream.indirect_vreg.gather @!p0 [hbm4b:s2+s7], $0x80, v16, vm1, $0xb8;
	[tilespmem:$0x1C300] =	vst v63  }
0x4d8: {  	s29 =	simm.s32 @!p0 $0x2B00  }
0x4d9: {  	[tilespmem:s29], [sflag:$0x4] =	stream.indirect_vreg.gather @!p0 [hbm4b:s8+s7], $0x80, v16, vm1, $0xb8;
	[tilespmem:$0x1C300] =	vst v63  }
0x4da: {  	s29 =	simm.s32 @!p0 $0x3300  }
0x4db: {  	[tilespmem:s29], [sflag:$0x4] =	stream.indirect_vreg.gather @!p0 [hbm4b:s9+s7], $0x80, v16, vm1, $0xb8;
	[tilespmem:$0x1C300] =	vst v63  }
0x4dc: {  	s29 =	simm.s32 @!p0 $0x3B00  }
0x4dd: {  	[tilespmem:s29], [sflag:$0x4] =	stream.indirect_vreg.gather @!p0 [hbm4b:s10+s7], $0x80, v16, vm1, $0xb8;
	[tilespmem:$0x1C300] =	vst v63  }
0x4de: {  	s29 =	simm.s32 @!p0 $0x4  }
0x4df: {  	_ =	swait.ge @!p0 [sflag:s29], $0x4000  }
0x4e0: {  	[sflag:s29] =	ssyncset.done @!p0 $0x0  }
0x4e1: {  	[sflag:s29] =	ssyncadd.s32 @!p0 $0xFFFFC000;
	s29 =	rddreg [dreg:$0x17]  }
0x4e2: {  	[hbm4b:s29+s7] =	stream.linear.scatter @!p0 [tilespmem:s28], [sflag:$0x5], $0x4000, $0x38;
	[tilespmem:$0x1C300] =	vst v63  }
0x4e3: {  	s7 =	simm.s32 @!p0 $0x5  }
0x4e4: {  	_ =	swait.ge @!p0 [sflag:s7], $0x4000  }
0x4e5: {  	s13 =	sand.u32 $0x8000000, s6;
	[sflag:s7] =	ssyncset.done @!p0 $0x0  }
0x4e6: {  	[sflag:s7] =	ssyncadd.s32 @!p0 $0xFFFFC000;
	p0 =	seq.s32 s13, $0x0  }
0x4e7: {  	v16 =	vld @!p0 [tilespmem:$0x1B0];
	_ =	sdelay $0x4  }
0x4e8: {  	vm1 =	veq.s32 @!p0 v16, $0x0  }
0x4e9: {  	v16 =	vsel @!p0 vm1, $0x0, v3  }
0x4ea: {  	v17 =	vshll.u32 @!p0 v16, $0x3  }
0x4eb: {  	v19 =	vlaneseq.u32 @!p0;
	v18 =	vand.u32 @!p0 $0x7, v16;
	v17 =	vand.u32 @!p0 $0xFFFFFFC0, v17  }
0x4ec: {  	v20 =	vshrl.u32 @!p0 v19, $0x3;
	v17 =	vor.u32 @!p0 v18, v17;
	v18 =	vand.u32 @!p0 $0x7, v19  }
0x4ed: {  	v20 =	vmul.u32 @!p0 $0x8, v20;
	v18 =	vperm.xlane @!p0 v17, v18;
	_ =	sdelay $0x1  }
0x4ee: {  	v18 =	vadd.s32 @!p0 v20, v18;
	_ =	sdelay $0x3  }
0x4ef: {  	s7 =	simm.s32 @!p0 $0x0;
	s28 =	simm.s32 @!p0 $0x300;
	vm1 =	vmmov @!p0 $0xffff;
	[tilespmem:$0x280] =	vst @!p0 v16  }
0x4f0: {  	v16 =	vor.u32 @!p0 $0x8, v19;
	[tilespmem:s28], [sflag:$0x4] =	stream.indirect_vreg.gather @!p0 [hbm4b:s2+s7], $0x80, v18, vm1, $0xb8;
	[tilespmem:$0x1C300] =	vst v63  }
0x4f1: {  	s29 =	simm.s32 @!p0 $0xB00;
	v16 =	vperm.xlane @!p0 v17, v16  }
0x4f2: {  	[tilespmem:s29], [sflag:$0x4] =	stream.indirect_vreg.gather @!p0 [hbm4b:s8+s7], $0x80, v18, vm1, $0xb8;
	[tilespmem:$0x1C300] =	vst v63  }
0x4f3: {  	v16 =	vadd.s32 @!p0 v20, v16;
	s29 =	simm.s32 @!p0 $0x1300  }
0x4f4: {  	[tilespmem:s29], [sflag:$0x4] =	stream.indirect_vreg.gather @!p0 [hbm4b:s9+s7], $0x80, v18, vm1, $0xb8;
	[tilespmem:$0x1C300] =	vst v63  }
0x4f5: {  	s29 =	simm.s32 @!p0 $0x1B00  }
0x4f6: {  	[tilespmem:s29], [sflag:$0x4] =	stream.indirect_vreg.gather @!p0 [hbm4b:s10+s7], $0x80, v18, vm1, $0xb8;
	[tilespmem:$0x1C300] =	vst v63  }
0x4f7: {  	s29 =	simm.s32 @!p0 $0x2300  }
0x4f8: {  	[tilespmem:s29], [sflag:$0x4] =	stream.indirect_vreg.gather @!p0 [hbm4b:s2+s7], $0x80, v16, vm1, $0xb8;
	[tilespmem:$0x1C300] =	vst v63  }
0x4f9: {  	s29 =	simm.s32 @!p0 $0x2B00  }
0x4fa: {  	[tilespmem:s29], [sflag:$0x4] =	stream.indirect_vreg.gather @!p0 [hbm4b:s8+s7], $0x80, v16, vm1, $0xb8;
	[tilespmem:$0x1C300] =	vst v63  }
0x4fb: {  	s29 =	simm.s32 @!p0 $0x3300  }
0x4fc: {  	[tilespmem:s29], [sflag:$0x4] =	stream.indirect_vreg.gather @!p0 [hbm4b:s9+s7], $0x80, v16, vm1, $0xb8;
	[tilespmem:$0x1C300] =	vst v63  }
0x4fd: {  	s29 =	simm.s32 @!p0 $0x3B00  }
0x4fe: {  	[tilespmem:s29], [sflag:$0x4] =	stream.indirect_vreg.gather @!p0 [hbm4b:s10+s7], $0x80, v16, vm1, $0xb8;
	[tilespmem:$0x1C300] =	vst v63  }
0x4ff: {  	s29 =	simm.s32 @!p0 $0x4  }
0x500: {  	_ =	swait.ge @!p0 [sflag:s29], $0x4000  }
0x501: {  	[sflag:s29] =	ssyncset.done @!p0 $0x0  }
0x502: {  	[sflag:s29] =	ssyncadd.s32 @!p0 $0xFFFFC000  }
0x503: {  	[hbm4b:s18+s7] =	stream.linear.scatter @!p0 [tilespmem:s28], [sflag:$0x5], $0x4000, $0x38;
	[tilespmem:$0x1C300] =	vst v63  }
0x504: {  	s7 =	simm.s32 @!p0 $0x5  }
0x505: {  	_ =	swait.ge @!p0 [sflag:s7], $0x4000  }
0x506: {  	s21 =	sand.u32 $0x10000000, s6;
	[sflag:s7] =	ssyncset.done @!p0 $0x0  }
0x507: {  	[sflag:s7] =	ssyncadd.s32 @!p0 $0xFFFFC000;
	p0 =	seq.s32 s21, $0x0  }
0x508: {  	v16 =	vld @!p0 [tilespmem:$0x1C0];
	_ =	sdelay $0x4  }
0x509: {  	vm1 =	veq.s32 @!p0 v16, $0x0  }
0x50a: {  	v16 =	vsel @!p0 vm1, $0x0, v4  }
0x50b: {  	v17 =	vshll.u32 @!p0 v16, $0x3  }
0x50c: {  	v19 =	vlaneseq.u32 @!p0;
	v18 =	vand.u32 @!p0 $0x7, v16;
	v17 =	vand.u32 @!p0 $0xFFFFFFC0, v17  }
0x50d: {  	v20 =	vshrl.u32 @!p0 v19, $0x3;
	v17 =	vor.u32 @!p0 v18, v17;
	v18 =	vand.u32 @!p0 $0x7, v19  }
0x50e: {  	v20 =	vmul.u32 @!p0 $0x8, v20;
	v18 =	vperm.xlane @!p0 v17, v18;
	_ =	sdelay $0x1  }
0x50f: {  	v18 =	vadd.s32 @!p0 v20, v18;
	_ =	sdelay $0x3  }
0x510: {  	s7 =	simm.s32 @!p0 $0x0;
	s28 =	simm.s32 @!p0 $0x300;
	vm1 =	vmmov @!p0 $0xffff;
	[tilespmem:$0x280] =	vst @!p0 v16  }
0x511: {  	v16 =	vor.u32 @!p0 $0x8, v19;
	[tilespmem:s28], [sflag:$0x4] =	stream.indirect_vreg.gather @!p0 [hbm4b:s2+s7], $0x80, v18, vm1, $0xb8;
	[tilespmem:$0x1C300] =	vst v63  }
0x512: {  	s29 =	simm.s32 @!p0 $0xB00;
	v16 =	vperm.xlane @!p0 v17, v16  }
0x513: {  	[tilespmem:s29], [sflag:$0x4] =	stream.indirect_vreg.gather @!p0 [hbm4b:s8+s7], $0x80, v18, vm1, $0xb8;
	[tilespmem:$0x1C300] =	vst v63  }
0x514: {  	v16 =	vadd.s32 @!p0 v20, v16;
	s29 =	simm.s32 @!p0 $0x1300  }
0x515: {  	[tilespmem:s29], [sflag:$0x4] =	stream.indirect_vreg.gather @!p0 [hbm4b:s9+s7], $0x80, v18, vm1, $0xb8;
	[tilespmem:$0x1C300] =	vst v63  }
0x516: {  	s29 =	simm.s32 @!p0 $0x1B00  }
0x517: {  	[tilespmem:s29], [sflag:$0x4] =	stream.indirect_vreg.gather @!p0 [hbm4b:s10+s7], $0x80, v18, vm1, $0xb8;
	[tilespmem:$0x1C300] =	vst v63  }
0x518: {  	s29 =	simm.s32 @!p0 $0x2300  }
0x519: {  	[tilespmem:s29], [sflag:$0x4] =	stream.indirect_vreg.gather @!p0 [hbm4b:s2+s7], $0x80, v16, vm1, $0xb8;
	[tilespmem:$0x1C300] =	vst v63  }
0x51a: {  	s29 =	simm.s32 @!p0 $0x2B00  }
0x51b: {  	[tilespmem:s29], [sflag:$0x4] =	stream.indirect_vreg.gather @!p0 [hbm4b:s8+s7], $0x80, v16, vm1, $0xb8;
	[tilespmem:$0x1C300] =	vst v63  }
0x51c: {  	s29 =	simm.s32 @!p0 $0x3300  }
0x51d: {  	[tilespmem:s29], [sflag:$0x4] =	stream.indirect_vreg.gather @!p0 [hbm4b:s9+s7], $0x80, v16, vm1, $0xb8;
	[tilespmem:$0x1C300] =	vst v63  }
0x51e: {  	s29 =	simm.s32 @!p0 $0x3B00  }
0x51f: {  	[tilespmem:s29], [sflag:$0x4] =	stream.indirect_vreg.gather @!p0 [hbm4b:s10+s7], $0x80, v16, vm1, $0xb8;
	[tilespmem:$0x1C300] =	vst v63  }
0x520: {  	s29 =	simm.s32 @!p0 $0x4  }
0x521: {  	_ =	swait.ge @!p0 [sflag:s29], $0x4000  }
0x522: {  	[sflag:s29] =	ssyncset.done @!p0 $0x0  }
0x523: {  	[sflag:s29] =	ssyncadd.s32 @!p0 $0xFFFFC000;
	s29 =	rddreg [dreg:$0x18]  }
0x524: {  	[hbm4b:s29+s7] =	stream.linear.scatter @!p0 [tilespmem:s28], [sflag:$0x5], $0x4000, $0x38;
	[tilespmem:$0x1C300] =	vst v63  }
0x525: {  	s7 =	simm.s32 @!p0 $0x5  }
0x526: {  	_ =	swait.ge @!p0 [sflag:s7], $0x4000  }
0x527: {  	s24 =	sand.u32 $0x20000000, s6;
	[sflag:s7] =	ssyncset.done @!p0 $0x0  }
0x528: {  	[sflag:s7] =	ssyncadd.s32 @!p0 $0xFFFFC000;
	p0 =	seq.s32 s24, $0x0  }
0x529: {  	v16 =	vld @!p0 [tilespmem:$0x1D0];
	_ =	sdelay $0x4  }
0x52a: {  	vm1 =	veq.s32 @!p0 v16, $0x0  }
0x52b: {  	v16 =	vsel @!p0 vm1, $0x0, v5  }
0x52c: {  	v17 =	vshll.u32 @!p0 v16, $0x3  }
0x52d: {  	v19 =	vlaneseq.u32 @!p0;
	v18 =	vand.u32 @!p0 $0x7, v16;
	v17 =	vand.u32 @!p0 $0xFFFFFFC0, v17  }
0x52e: {  	v20 =	vshrl.u32 @!p0 v19, $0x3;
	v17 =	vor.u32 @!p0 v18, v17;
	v18 =	vand.u32 @!p0 $0x7, v19  }
0x52f: {  	v20 =	vmul.u32 @!p0 $0x8, v20;
	v18 =	vperm.xlane @!p0 v17, v18;
	_ =	sdelay $0x1  }
0x530: {  	v18 =	vadd.s32 @!p0 v20, v18;
	_ =	sdelay $0x3  }
0x531: {  	s7 =	simm.s32 @!p0 $0x0;
	s28 =	simm.s32 @!p0 $0x300;
	vm1 =	vmmov @!p0 $0xffff;
	[tilespmem:$0x280] =	vst @!p0 v16  }
0x532: {  	v16 =	vor.u32 @!p0 $0x8, v19;
	[tilespmem:s28], [sflag:$0x4] =	stream.indirect_vreg.gather @!p0 [hbm4b:s2+s7], $0x80, v18, vm1, $0xb8;
	[tilespmem:$0x1C300] =	vst v63  }
0x533: {  	s29 =	simm.s32 @!p0 $0xB00;
	v16 =	vperm.xlane @!p0 v17, v16  }
0x534: {  	[tilespmem:s29], [sflag:$0x4] =	stream.indirect_vreg.gather @!p0 [hbm4b:s8+s7], $0x80, v18, vm1, $0xb8;
	[tilespmem:$0x1C300] =	vst v63  }
0x535: {  	v16 =	vadd.s32 @!p0 v20, v16;
	s29 =	simm.s32 @!p0 $0x1300  }
0x536: {  	[tilespmem:s29], [sflag:$0x4] =	stream.indirect_vreg.gather @!p0 [hbm4b:s9+s7], $0x80, v18, vm1, $0xb8;
	[tilespmem:$0x1C300] =	vst v63  }
0x537: {  	s29 =	simm.s32 @!p0 $0x1B00  }
0x538: {  	[tilespmem:s29], [sflag:$0x4] =	stream.indirect_vreg.gather @!p0 [hbm4b:s10+s7], $0x80, v18, vm1, $0xb8;
	[tilespmem:$0x1C300] =	vst v63  }
0x539: {  	s29 =	simm.s32 @!p0 $0x2300  }
0x53a: {  	[tilespmem:s29], [sflag:$0x4] =	stream.indirect_vreg.gather @!p0 [hbm4b:s2+s7], $0x80, v16, vm1, $0xb8;
	[tilespmem:$0x1C300] =	vst v63  }
0x53b: {  	s29 =	simm.s32 @!p0 $0x2B00  }
0x53c: {  	[tilespmem:s29], [sflag:$0x4] =	stream.indirect_vreg.gather @!p0 [hbm4b:s8+s7], $0x80, v16, vm1, $0xb8;
	[tilespmem:$0x1C300] =	vst v63  }
0x53d: {  	s29 =	simm.s32 @!p0 $0x3300  }
0x53e: {  	[tilespmem:s29], [sflag:$0x4] =	stream.indirect_vreg.gather @!p0 [hbm4b:s9+s7], $0x80, v16, vm1, $0xb8;
	[tilespmem:$0x1C300] =	vst v63  }
0x53f: {  	s29 =	simm.s32 @!p0 $0x3B00  }
0x540: {  	[tilespmem:s29], [sflag:$0x4] =	stream.indirect_vreg.gather @!p0 [hbm4b:s10+s7], $0x80, v16, vm1, $0xb8;
	[tilespmem:$0x1C300] =	vst v63  }
0x541: {  	s29 =	simm.s32 @!p0 $0x4  }
0x542: {  	_ =	swait.ge @!p0 [sflag:s29], $0x4000  }
0x543: {  	[sflag:s29] =	ssyncset.done @!p0 $0x0  }
0x544: {  	[sflag:s29] =	ssyncadd.s32 @!p0 $0xFFFFC000;
	s29 =	rddreg [dreg:$0x19]  }
0x545: {  	[hbm4b:s29+s7] =	stream.linear.scatter @!p0 [tilespmem:s28], [sflag:$0x5], $0x4000, $0x38;
	[tilespmem:$0x1C300] =	vst v63  }
0x546: {  	s7 =	simm.s32 @!p0 $0x5  }
0x547: {  	_ =	swait.ge @!p0 [sflag:s7], $0x4000  }
0x548: {  	s29 =	sand.u32 $0x40000000, s6;
	[sflag:s7] =	ssyncset.done @!p0 $0x0  }
0x549: {  	[sflag:s7] =	ssyncadd.s32 @!p0 $0xFFFFC000;
	p0 =	seq.s32 s29, $0x0  }
0x54a: {  	v16 =	vld @!p0 [tilespmem:$0x1E0];
	_ =	sdelay $0x4  }
0x54b: {  	vm1 =	veq.s32 @!p0 v16, $0x0  }
0x54c: {  	v16 =	vsel @!p0 vm1, $0x0, v6  }
0x54d: {  	v17 =	vshll.u32 @!p0 v16, $0x3  }
0x54e: {  	v19 =	vlaneseq.u32 @!p0;
	v18 =	vand.u32 @!p0 $0x7, v16;
	v17 =	vand.u32 @!p0 $0xFFFFFFC0, v17  }
0x54f: {  	v20 =	vshrl.u32 @!p0 v19, $0x3;
	v17 =	vor.u32 @!p0 v18, v17;
	v18 =	vand.u32 @!p0 $0x7, v19  }
0x550: {  	v20 =	vmul.u32 @!p0 $0x8, v20;
	v18 =	vperm.xlane @!p0 v17, v18;
	_ =	sdelay $0x1  }
0x551: {  	v18 =	vadd.s32 @!p0 v20, v18;
	_ =	sdelay $0x3  }
0x552: {  	s7 =	simm.s32 @!p0 $0x0;
	s28 =	simm.s32 @!p0 $0x300;
	vm1 =	vmmov @!p0 $0xffff;
	[tilespmem:$0x280] =	vst @!p0 v16  }
0x553: {  	v16 =	vor.u32 @!p0 $0x8, v19;
	[tilespmem:s28], [sflag:$0x4] =	stream.indirect_vreg.gather @!p0 [hbm4b:s2+s7], $0x80, v18, vm1, $0xb8;
	[tilespmem:$0x1C300] =	vst v63  }
0x554: {  	s29 =	simm.s32 @!p0 $0xB00;
	v16 =	vperm.xlane @!p0 v17, v16  }
0x555: {  	[tilespmem:s29], [sflag:$0x4] =	stream.indirect_vreg.gather @!p0 [hbm4b:s8+s7], $0x80, v18, vm1, $0xb8;
	[tilespmem:$0x1C300] =	vst v63  }
0x556: {  	v16 =	vadd.s32 @!p0 v20, v16;
	s29 =	simm.s32 @!p0 $0x1300  }
0x557: {  	[tilespmem:s29], [sflag:$0x4] =	stream.indirect_vreg.gather @!p0 [hbm4b:s9+s7], $0x80, v18, vm1, $0xb8;
	[tilespmem:$0x1C300] =	vst v63  }
0x558: {  	s29 =	simm.s32 @!p0 $0x1B00  }
0x559: {  	[tilespmem:s29], [sflag:$0x4] =	stream.indirect_vreg.gather @!p0 [hbm4b:s10+s7], $0x80, v18, vm1, $0xb8;
	[tilespmem:$0x1C300] =	vst v63  }
0x55a: {  	s29 =	simm.s32 @!p0 $0x2300  }
0x55b: {  	[tilespmem:s29], [sflag:$0x4] =	stream.indirect_vreg.gather @!p0 [hbm4b:s2+s7], $0x80, v16, vm1, $0xb8;
	[tilespmem:$0x1C300] =	vst v63  }
0x55c: {  	s29 =	simm.s32 @!p0 $0x2B00  }
0x55d: {  	[tilespmem:s29], [sflag:$0x4] =	stream.indirect_vreg.gather @!p0 [hbm4b:s8+s7], $0x80, v16, vm1, $0xb8;
	[tilespmem:$0x1C300] =	vst v63  }
0x55e: {  	s29 =	simm.s32 @!p0 $0x3300  }
0x55f: {  	[tilespmem:s29], [sflag:$0x4] =	stream.indirect_vreg.gather @!p0 [hbm4b:s9+s7], $0x80, v16, vm1, $0xb8;
	[tilespmem:$0x1C300] =	vst v63  }
0x560: {  	s29 =	simm.s32 @!p0 $0x3B00  }
0x561: {  	[tilespmem:s29], [sflag:$0x4] =	stream.indirect_vreg.gather @!p0 [hbm4b:s10+s7], $0x80, v16, vm1, $0xb8;
	[tilespmem:$0x1C300] =	vst v63  }
0x562: {  	s29 =	simm.s32 @!p0 $0x4  }
0x563: {  	_ =	swait.ge @!p0 [sflag:s29], $0x4000  }
0x564: {  	[sflag:s29] =	ssyncset.done @!p0 $0x0  }
0x565: {  	[sflag:s29] =	ssyncadd.s32 @!p0 $0xFFFFC000  }
0x566: {  	[hbm4b:s22+s7] =	stream.linear.scatter @!p0 [tilespmem:s28], [sflag:$0x5], $0x4000, $0x38;
	[tilespmem:$0x1C300] =	vst v63  }
0x567: {  	s7 =	simm.s32 @!p0 $0x5  }
0x568: {  	_ =	swait.ge @!p0 [sflag:s7], $0x4000  }
0x569: {  	[sflag:s7] =	ssyncset.done @!p0 $0x0  }
0x56a: {  	[sflag:s7] =	ssyncadd.s32 @!p0 $0xFFFFC000;
	p0 =	sgt.s32 s6, $0xFFFFFFFF  }
0x56b: {  	v16 =	vld @!p0 [tilespmem:$0x1F0];
	_ =	sdelay $0x4  }
0x56c: {  	vm1 =	veq.s32 @!p0 v16, $0x0  }
0x56d: {  	v16 =	vsel @!p0 vm1, $0x0, v7  }
0x56e: {  	v17 =	vshll.u32 @!p0 v16, $0x3  }
0x56f: {  	v19 =	vlaneseq.u32 @!p0;
	v18 =	vand.u32 @!p0 $0x7, v16;
	v17 =	vand.u32 @!p0 $0xFFFFFFC0, v17  }
0x570: {  	v20 =	vshrl.u32 @!p0 v19, $0x3;
	v17 =	vor.u32 @!p0 v18, v17;
	v18 =	vand.u32 @!p0 $0x7, v19  }
0x571: {  	v20 =	vmul.u32 @!p0 $0x8, v20;
	v18 =	vperm.xlane @!p0 v17, v18;
	_ =	sdelay $0x1  }
0x572: {  	v18 =	vadd.s32 @!p0 v20, v18;
	_ =	sdelay $0x3  }
0x573: {  	s6 =	simm.s32 @!p0 $0x0;
	s7 =	simm.s32 @!p0 $0x300;
	vm1 =	vmmov @!p0 $0xffff;
	[tilespmem:$0x280] =	vst @!p0 v16  }
0x574: {  	v16 =	vor.u32 @!p0 $0x8, v19;
	[tilespmem:s7], [sflag:$0x4] =	stream.indirect_vreg.gather @!p0 [hbm4b:s2+s6], $0x80, v18, vm1, $0xb8;
	[tilespmem:$0x1C300] =	vst v63  }
0x575: {  	s28 =	simm.s32 @!p0 $0xB00;
	v16 =	vperm.xlane @!p0 v17, v16  }
0x576: {  	[tilespmem:s28], [sflag:$0x4] =	stream.indirect_vreg.gather @!p0 [hbm4b:s8+s6], $0x80, v18, vm1, $0xb8;
	[tilespmem:$0x1C300] =	vst v63  }
0x577: {  	v16 =	vadd.s32 @!p0 v20, v16;
	s28 =	simm.s32 @!p0 $0x1300  }
0x578: {  	[tilespmem:s28], [sflag:$0x4] =	stream.indirect_vreg.gather @!p0 [hbm4b:s9+s6], $0x80, v18, vm1, $0xb8;
	[tilespmem:$0x1C300] =	vst v63  }
0x579: {  	s28 =	simm.s32 @!p0 $0x1B00  }
0x57a: {  	[tilespmem:s28], [sflag:$0x4] =	stream.indirect_vreg.gather @!p0 [hbm4b:s10+s6], $0x80, v18, vm1, $0xb8;
	[tilespmem:$0x1C300] =	vst v63  }
0x57b: {  	s28 =	simm.s32 @!p0 $0x2300  }
0x57c: {  	[tilespmem:s28], [sflag:$0x4] =	stream.indirect_vreg.gather @!p0 [hbm4b:s2+s6], $0x80, v16, vm1, $0xb8;
	[tilespmem:$0x1C300] =	vst v63  }
0x57d: {  	s28 =	simm.s32 @!p0 $0x2B00  }
0x57e: {  	[tilespmem:s28], [sflag:$0x4] =	stream.indirect_vreg.gather @!p0 [hbm4b:s8+s6], $0x80, v16, vm1, $0xb8;
	[tilespmem:$0x1C300] =	vst v63  }
0x57f: {  	s28 =	simm.s32 @!p0 $0x3300  }
0x580: {  	[tilespmem:s28], [sflag:$0x4] =	stream.indirect_vreg.gather @!p0 [hbm4b:s9+s6], $0x80, v16, vm1, $0xb8;
	[tilespmem:$0x1C300] =	vst v63  }
0x581: {  	s28 =	simm.s32 @!p0 $0x3B00  }
0x582: {  	[tilespmem:s28], [sflag:$0x4] =	stream.indirect_vreg.gather @!p0 [hbm4b:s10+s6], $0x80, v16, vm1, $0xb8;
	[tilespmem:$0x1C300] =	vst v63  }
0x583: {  	s28 =	simm.s32 @!p0 $0x4  }
0x584: {  	_ =	swait.ge @!p0 [sflag:s28], $0x4000  }
0x585: {  	[sflag:s28] =	ssyncset.done @!p0 $0x0  }
0x586: {  	[sflag:s28] =	ssyncadd.s32 @!p0 $0xFFFFC000;
	s28 =	rddreg [dreg:$0x1a]  }
0x587: {  	[hbm4b:s28+s6] =	stream.linear.scatter @!p0 [tilespmem:s7], [sflag:$0x5], $0x4000, $0x38;
	[tilespmem:$0x1C300] =	vst v63  }
.Ltmp3:
0x588: {  	_ = 	snop;
	(pc) =	sbr.rel .LBB2_3-.Ltmp3, $4  }
0x589: {  	s6 =	simm.s32 @!p0 $0x5  }
0x58a: {  	_ =	swait.ge @!p0 [sflag:s6], $0x4000  }
0x58b: {  	[sflag:s6] =	ssyncset.done @!p0 $0x0  }
0x58c: {  	[sflag:s6] =	ssyncadd.s32 @!p0 $0xFFFFC000  }
.LBB2_4:
0x58d: {  	_ =	sfence.sel $0x180000  }
0x58e: {  	[bflag:$0x0] =	sbarrier.arrive $0xFFFF  }
0x58f: {  	_ =	strace $0x90000047  }
0x590: {  	s0 =	stileid.u32;
	[bflag:$0x2] =	sbarrier.arrive $0xFFFF  }
0x591: {  	p0 =	sne.s32 s0, $0x0;
	s0 =	rddreg [dreg:$0x3]  }
0x592: {  	s0 =	sadd.s32 @!p0 $0x100000, s0  }
0x593: {  	[sflag:s0] =	ssyncadd.tile.s32 @!p0 $0x1;
	_ =	shalt  }
.Lfunc_end2:
_tile_overlayer_lowered:
.L_overlay_start_2:
0x594: {  	(tag) =	ssettag $0x2  }
0x595: {  	s0 =	rddreg [dreg:$0x0];
	s2 =	stileid.u32  }
0x596: {  	s1 =	rddreg [dreg:$0x1];
	p0 =	sne.s32 s2, $0x0  }
0x597: {  	s3 =	rddreg [dreg:$0x2];
	[bflag:$0x3] =	sbarrier.arrive $0xFFFF;
	s2 =	simm.s32 @!p0 $0x1C05  }
0x598: {  	[timem:s3], [sflag:s2] =	dma.local @!p0 [hbm:s0], s1  }
0x599: {  	s0 =	simm.s32 @!p0 $0x5  }
0x59a: {  	_ =	swait.ge @!p0 [sflag:s0], s1  }
0x59b: {  	s1 =	ssub.s32 @!p0 $0x0, s1;
	[sflag:s0] =	ssyncset.done @!p0 $0x0  }
0x59c: {  	[sflag:s0] =	ssyncadd.s32 @!p0 s1  }
0x59d: {  	[bflag:$0x3] =	sbarrier.arrive $0xFFFF  }
0x59e: {  	_ =	shalt  }

</sc_bundles>
